<compile_context>
chip_gen: v7x
topology: tpu7x:2x2x1
jax: 0.10.2.dev20260603
libtpu: 0.0.44.dev20260713+nightly
codegen_flags: <defaults>
</compile_context>

<pallas_src>
import jax
import jax.numpy as jnp
from jax import lax
from jax.experimental import pallas as pl
from jax.experimental.pallas import tpu as pltpu
from jax.experimental.pallas import tpu_sc as plsc

X, Y, Z, B, C = 200, 200, 8, 2, 64
P = 540672

NC, NS = 2, 16
W = 5
NREG = X // W
RPC = NREG // NC
CPR = Y * B * Z
NR = W * CPR
DUMMY = NR
ACC_ROWS = NR + 8
RSH = 14
LRMASK = (1 << RSH) - 1
PPT = P // NS
FIRE = 64
STG = 256
GPB = 4
NB = PPT // (16 * GPB)
YC = 20
RBROWS = YC * Z


def _pack_body(gx, gy, gz, gb, out):
    xv = gx[...]
    reg = xv // W
    lrow = (xv % W) * CPR + gb[...] * (Y * Z) + gy[...] * Z + gz[...]
    out[...] = (reg << RSH) | lrow


def _pack_ranks(gx, gy, gz, gb):
    rows = P // 128
    blk = rows // 8
    grid_spec = pl.GridSpec(
        grid=(8,),
        in_specs=[pl.BlockSpec((blk, 128), lambda i: (i, 0))] * 4,
        out_specs=pl.BlockSpec((blk, 128), lambda i: (i, 0)),
    )
    f = pl.pallas_call(
        _pack_body,
        grid_spec=grid_spec,
        out_shape=jax.ShapeDtypeStruct((rows, 128), jnp.int32),
    )
    r2 = lambda a: a.reshape(rows, 128)
    return f(r2(gx), r2(gy), r2(gz), r2(gb)).reshape(P)


def _body(feats, packed, out,
          acc, rkall, rvstg, pidstg, lrf0, pidf0, lrf1, pidf1, fb0, fb1,
          rbuf, obuf, sem0, gsem0, gsem1):
    c = lax.axis_index("c")
    s = lax.axis_index("s")
    iota = lax.iota(jnp.int32, 16)
    pbase = s * PPT

    pltpu.async_copy(packed.at[pl.ds(pbase, PPT)], rkall, sem0).wait()

    def complete_fire(lrf, pidf, fbx, gsx):
        pltpu.make_async_copy(feats.at[pidf], fbx, gsx).wait()
        pltpu.sync_copy(fbx, acc.at[lrf], add=True)

    def stage_and_issue(lrf, pidf, fbx, gsx):
        for k in range(FIRE // 16):
            sl = pl.ds(k * 16, 16)
            lrf[sl] = rvstg[sl] & LRMASK
            pidf[sl] = pidstg[sl]
        pltpu.async_copy(feats.at[pidf], fbx, gsx)

    def fire_batch(pending, p):
        @pl.when(jnp.logical_and(pending == 2, p == 0))
        def _():
            complete_fire(lrf0, pidf0, fb0, gsem0)

        @pl.when(jnp.logical_and(pending == 2, p == 1))
        def _():
            complete_fire(lrf1, pidf1, fb1, gsem1)

        @pl.when(p == 0)
        def _():
            stage_and_issue(lrf0, pidf0, fb0, gsem0)

        @pl.when(p == 1)
        def _():
            stage_and_issue(lrf1, pidf1, fb1, gsem1)

    def region_body(r, _):
        target = c * RPC + r
        x0 = target * W

        def zb_body(i, _):
            for k in range(C // 16):
                rbuf[i, pl.ds(k * 16, 16)] = jnp.zeros((16,), jnp.float32)
            return 0
        lax.fori_loop(0, RBROWS, zb_body, 0)

        for k in range(NR // NS // RBROWS):
            pltpu.sync_copy(rbuf,
                            acc.at[pl.ds(s * (NR // NS) + k * RBROWS,
                                         RBROWS)])
        rem = (NR // NS) % RBROWS
        if rem:
            pltpu.sync_copy(
                rbuf.at[pl.ds(0, rem)],
                acc.at[pl.ds(s * (NR // NS)
                             + (NR // NS // RBROWS) * RBROWS, rem)])
        plsc.subcore_barrier()

        def batch_body(bb_, carry):
            cur, pending, p = carry
            for g in range(GPB):
                sl = pl.ds(bb_ * (16 * GPB) + g * 16, 16)
                rv = rkall[sl]
                inr = (rv >> RSH) == target
                pid = pbase + bb_ * (16 * GPB) + g * 16 + iota
                plsc.store_compressed(rvstg.at[pl.ds(cur, 16)], rv,
                                      mask=inr)
                plsc.store_compressed(pidstg.at[pl.ds(cur, 16)], pid,
                                      mask=inr)
                pcnt = plsc.all_reduce_population_count(inr)
                cur = cur + pcnt[0]

            @pl.when(cur >= FIRE)
            def _fire():
                fire_batch(pending, p)
                for k in range(FIRE // 16):
                    dsl = pl.ds(k * 16, 16)
                    ssl = pl.ds(FIRE + k * 16, 16)
                    rvstg[dsl] = rvstg[ssl]
                    pidstg[dsl] = pidstg[ssl]
            fired = cur >= FIRE
            return (jnp.where(fired, cur - FIRE, cur),
                    jnp.where(fired, jnp.minimum(pending + 1, 2), pending),
                    jnp.where(fired, 1 - p, p))

        cur, pending, p = lax.fori_loop(0, NB, batch_body, (0, 0, 0))

        dummyv = jnp.full((16,), DUMMY, jnp.int32)
        zerov = jnp.zeros((16,), jnp.int32)
        for k in range(FIRE // 16):
            rvstg[pl.ds(cur + k * 16, 16)] = dummyv
            pidstg[pl.ds(cur + k * 16, 16)] = zerov
        fire_batch(pending, p)
        pend2 = jnp.minimum(pending + 1, 2)

        @pl.when(jnp.logical_and(pend2 == 2, p == 0))
        def _():
            complete_fire(lrf1, pidf1, fb1, gsem1)

        @pl.when(jnp.logical_and(pend2 == 2, p == 1))
        def _():
            complete_fire(lrf0, pidf0, fb0, gsem0)

        @pl.when(p == 0)
        def _():
            complete_fire(lrf0, pidf0, fb0, gsem0)

        @pl.when(p == 1)
        def _():
            complete_fire(lrf1, pidf1, fb1, gsem1)
        plsc.subcore_barrier()

        def do_item(m):
            xx = m // B
            bbv = m % B
            xo = (X - 1) - (x0 + xx)
            base = xx * CPR + bbv * (Y * Z)
            for yc in range(Y // YC):
                y0 = yc * YC
                pltpu.sync_copy(acc.at[pl.ds(base + y0 * Z, RBROWS)], rbuf)

                def cell_body(j, _):
                    yo_l = (Y - 1) - y0 - j
                    yos = jnp.full((16,), yo_l, jnp.int32)
                    rbase = j * Z
                    for c16 in range(C // 16):
                        cs = pl.ds(c16 * 16, 16)
                        v = rbuf[rbase, cs]
                        for zz in range(1, Z):
                            v = jnp.maximum(v, rbuf[rbase + zz, cs])
                        cidx = c16 * 16 + iota
                        plsc.store_scatter(obuf, [cidx, yos], v)
                    return 0
                lax.fori_loop(0, YC, cell_body, 0)
            pltpu.sync_copy(obuf, out.at[bbv, :, xo, :])

        @pl.when(s < W * B)
        def _item():
            do_item(s)

        plsc.subcore_barrier()
        return 0

    lax.fori_loop(0, RPC, region_body, 0)


def kernel(feats, gx, gy, gz, gb):
    packed = _pack_ranks(gx, gy, gz, gb)
    mesh = plsc.VectorSubcoreMesh(core_axis_name="c", subcore_axis_name="s")
    run = pl.kernel(
        _body,
        out_type=jax.ShapeDtypeStruct((B, C, X, Y), jnp.float32),
        mesh=mesh,
        scratch_types=[
            pltpu.VMEM_SHARED((ACC_ROWS, C), jnp.float32),
            pltpu.VMEM((PPT,), jnp.int32),
            pltpu.VMEM((STG,), jnp.int32),
            pltpu.VMEM((STG,), jnp.int32),
            pltpu.VMEM((FIRE,), jnp.int32),
            pltpu.VMEM((FIRE,), jnp.int32),
            pltpu.VMEM((FIRE,), jnp.int32),
            pltpu.VMEM((FIRE,), jnp.int32),
            pltpu.VMEM((FIRE, C), jnp.float32),
            pltpu.VMEM((FIRE, C), jnp.float32),
            pltpu.VMEM((RBROWS, C), jnp.float32),
            pltpu.VMEM((C, Y), jnp.float32),
            pltpu.SemaphoreType.DMA,
            pltpu.SemaphoreType.DMA,
            pltpu.SemaphoreType.DMA,
        ],
        compiler_params=pltpu.CompilerParams(use_tc_tiling_on_sc=False,
                                             needs_layout_passes=False),
        name="bev_lift_scatter",
    )
    comb = run(feats, packed)
    return comb.reshape(1, B * C, X, Y)

# --- scband reference (transcript-rebuilt; emitter-appended) ---
"""Pipeline reference for scband-bevlift-net-26929444946026 (READ-ONLY COPY).

The authoritative reference and input builder live on the scoring server;
editing this copy changes nothing except your own understanding.
"""

import jax, jax.numpy as jnp
import numpy as np

# BEV lift-splat pooling core of BEVLiftNet.forward.
# Grid / batch constants (match init_kwargs: grid_size=[200,200,8], img_feat_size=64, batch B=2).
X, Y, Z, B, C = 200, 200, 8, 2, 64
P = 540672  # B * N_cams * H * W = 2 * 6 * 128 * 352 valid lifted points


def setup_inputs(seed: int = 0) -> dict:
    key = jax.random.key(seed)
    k1, k2, k3, k4, k5 = jax.random.split(key, 5)
    feats = jax.random.normal(k1, (P, C), dtype=jnp.float32)
    gx = jax.random.randint(k2, (P,), 0, X, dtype=jnp.int32)
    gy = jax.random.randint(k3, (P,), 0, Y, dtype=jnp.int32)
    gz = jax.random.randint(k4, (P,), 0, Z, dtype=jnp.int32)
    gb = jax.random.randint(k5, (P,), 0, B, dtype=jnp.int32)
    return {"feats": feats, "gx": gx, "gy": gy, "gz": gz, "gb": gb}


def reference(feats, gx, gy, gz, gb):
    # rank encodes (x, y, z, batch) voxel identity, as in the torch code
    ranks = gx * (Y * Z * B) + gy * (Z * B) + gz * B + gb
    sorts = jnp.argsort(ranks)
    feats_s = feats[sorts]
    gx_s = gx[sorts]
    gy_s = gy[sorts]
    gz_s = gz[sorts]
    gb_s = gb[sorts]
    # QuickCumsum (cumsum + dedup-by-rank + diff) followed by scatter-set is
    # mathematically identical to a scatter-add of the raw features into the
    # voxel grid: each voxel receives the sum of the features mapped to it.
    comb = jnp.zeros((B, C, Z, X, Y), dtype=jnp.float32)
    comb = comb.at[gb_s, :, gz_s, gx_s, gy_s].add(feats_s)
    # marginalize_height == 'max'
    comb = jnp.max(comb, axis=2)  # (B, C, X, Y); Z collapses to 1
    comb = jnp.flip(comb, axis=(2, 3))
    comb = comb.reshape((1, B * 1 * C, X, Y))
    return comb

if __name__ == "__main__":
    import jax
    _d = setup_inputs()
    print(jax.jit(kernel)(*tuple(_d.values())))

</pallas_src>

<mosaic_0001>
#map = affine_map<(d0, d1) -> (0, 0)>
#map1 = affine_map<(d0, d1) -> (0)>
#map2 = affine_map<(d0, d1) -> (0, 0, 0, 0)>
module attributes {stable_mosaic.version = 14 : i64} {
  func.func @bev_lift_scatter(%arg0: i32, %arg1: i32, %arg2: memref<540672x64xf32, #tpu.memory_space<hbm>>, %arg3: memref<540672xi32, #tpu.memory_space<hbm>>, %arg4: memref<2x64x200x200xf32, #tpu.memory_space<hbm>>, %arg5: memref<16008x64xf32, #tpu.memory_space<vmem_shared>>, %arg6: memref<33792xi32, #tpu.memory_space<vmem>>, %arg7: memref<256xi32, #tpu.memory_space<vmem>>, %arg8: memref<256xi32, #tpu.memory_space<vmem>>, %arg9: memref<64xi32, #tpu.memory_space<vmem>>, %arg10: memref<64xi32, #tpu.memory_space<vmem>>, %arg11: memref<64xi32, #tpu.memory_space<vmem>>, %arg12: memref<64xi32, #tpu.memory_space<vmem>>, %arg13: memref<64x64xf32, #tpu.memory_space<vmem>>, %arg14: memref<64x64xf32, #tpu.memory_space<vmem>>, %arg15: memref<160x64xf32, #tpu.memory_space<vmem>>, %arg16: memref<64x200xf32, #tpu.memory_space<vmem>>, %arg17: memref<!tpu.dma_semaphore, #tpu.memory_space<semaphore_mem>>, %arg18: memref<!tpu.dma_semaphore, #tpu.memory_space<semaphore_mem>>, %arg19: memref<!tpu.dma_semaphore, #tpu.memory_space<semaphore_mem>>) attributes {dimension_semantics = [#tpu.dimension_semantics<core_parallel>, #tpu.dimension_semantics<subcore_parallel>], iteration_bounds = array<i64: 2, 16>, scalar_prefetch = 0 : i64, scratch_operands = 15 : i64, tpu.core_type = #tpu.core_type<sc_vector_subcore>, window_params = [{transform_indices = #map}, {transform_indices = #map1}, {transform_indices = #map2}]} {
    %iota3A = tpu.iota {dimensions = array<i32: 0>} : vector<16xi32>
    %mul3A = arith.constant 33792 : i32
    %mul3A_0 = arith.muli %arg1, %mul3A : i32
    %dma_start3A = tpu.memref_slice %arg3[%mul3A_0] : memref<540672xi32, #tpu.memory_space<hbm>> -> memref<33792xi32, #tpu.memory_space<hbm>>
    %dma_start3A_1 = tpu.memref_slice %arg3[%mul3A_0] : memref<540672xi32, #tpu.memory_space<hbm>> -> memref<33792xi32, #tpu.memory_space<hbm>>
    tpu.enqueue_dma source(%dma_start3A_1 : memref<33792xi32, #tpu.memory_space<hbm>>) target(%arg6 : memref<33792xi32, #tpu.memory_space<vmem>>) target_semaphore(%arg17 : memref<!tpu.dma_semaphore, #tpu.memory_space<semaphore_mem>>)
    %dma_wait3A = tpu.memref_slice %arg3[%mul3A_0] : memref<540672xi32, #tpu.memory_space<hbm>> -> memref<33792xi32, #tpu.memory_space<hbm>>
    %dma_wait3A_2 = tpu.memref_slice %arg3[%mul3A_0] : memref<540672xi32, #tpu.memory_space<hbm>> -> memref<33792xi32, #tpu.memory_space<hbm>>
    tpu.wait_dma2 semaphore(%arg17 : memref<!tpu.dma_semaphore, #tpu.memory_space<semaphore_mem>>) src(%dma_wait3A_2 : memref<33792xi32, #tpu.memory_space<hbm>>) dst(%arg6 : memref<33792xi32, #tpu.memory_space<vmem>>)
    %scan3A = arith.constant 0 : i32
    %scan3A_3 = arith.constant 0 : i32
    %scan3A_4 = arith.constant 20 : i32
    %scan3A_5 = arith.addi %scan3A_3, %scan3A_4 : i32
    %scan3A_6 = arith.constant 1 : i32
    %scan3A_7 = scf.for %scan3A_9 = %scan3A_3 to %scan3A_5 step %scan3A_6 iter_args(%scan3A_10 = %scan3A) -> (i32)  : i32 {
      %mul3A_11 = arith.constant 20 : i32
      %mul3A_12 = arith.muli %arg0, %mul3A_11 : i32
      %add3A = arith.addi %mul3A_12, %scan3A_9 : i32
      %mul3A_13 = arith.constant 5 : i32
      %mul3A_14 = arith.muli %add3A, %mul3A_13 : i32
      %scan3A_15 = arith.constant 0 : i32
      %scan3A_16 = arith.constant 0 : i32
      %scan3A_17 = arith.constant 160 : i32
      %scan3A_18 = arith.addi %scan3A_16, %scan3A_17 : i32
      %scan3A_19 = arith.constant 1 : i32
      %scan3A_20 = scf.for %scan3A_151 = %scan3A_16 to %scan3A_18 step %scan3A_19 iter_args(%scan3A_152 = %scan3A_15) -> (i32)  : i32 {
        %broadcast_in_dim3A_153 = arith.constant 0.000000e+00 : f32
        %broadcast_in_dim3A_154 = vector.broadcast %broadcast_in_dim3A_153 : f32 to vector<16xf32>
        %swap3A_155 = arith.index_cast %scan3A_151 : i32 to index
        %swap3A_156 = arith.constant 0 : index
        %swap3A_157 = tpu.vector_load %arg15[%swap3A_155, %swap3A_156] {strides = array<i32>} : memref<160x64xf32, #tpu.memory_space<vmem>>, vector<16xf32>,
        tpu.vector_store %arg15[%swap3A_155, %swap3A_156], %broadcast_in_dim3A_154 {strides = array<i32>} : memref<160x64xf32, #tpu.memory_space<vmem>>, vector<16xf32>,
        %broadcast_in_dim3A_158 = arith.constant 0.000000e+00 : f32
        %broadcast_in_dim3A_159 = vector.broadcast %broadcast_in_dim3A_158 : f32 to vector<16xf32>
        %swap3A_160 = arith.index_cast %scan3A_151 : i32 to index
        %swap3A_161 = arith.constant 16 : index
        %swap3A_162 = tpu.vector_load %arg15[%swap3A_160, %swap3A_161] {strides = array<i32>} : memref<160x64xf32, #tpu.memory_space<vmem>>, vector<16xf32>,
        tpu.vector_store %arg15[%swap3A_160, %swap3A_161], %broadcast_in_dim3A_159 {strides = array<i32>} : memref<160x64xf32, #tpu.memory_space<vmem>>, vector<16xf32>,
        %broadcast_in_dim3A_163 = arith.constant 0.000000e+00 : f32
        %broadcast_in_dim3A_164 = vector.broadcast %broadcast_in_dim3A_163 : f32 to vector<16xf32>
        %swap3A_165 = arith.index_cast %scan3A_151 : i32 to index
        %swap3A_166 = arith.constant 32 : index
        %swap3A_167 = tpu.vector_load %arg15[%swap3A_165, %swap3A_166] {strides = array<i32>} : memref<160x64xf32, #tpu.memory_space<vmem>>, vector<16xf32>,
        tpu.vector_store %arg15[%swap3A_165, %swap3A_166], %broadcast_in_dim3A_164 {strides = array<i32>} : memref<160x64xf32, #tpu.memory_space<vmem>>, vector<16xf32>,
        %broadcast_in_dim3A_168 = arith.constant 0.000000e+00 : f32
        %broadcast_in_dim3A_169 = vector.broadcast %broadcast_in_dim3A_168 : f32 to vector<16xf32>
        %swap3A_170 = arith.index_cast %scan3A_151 : i32 to index
        %swap3A_171 = arith.constant 48 : index
        %swap3A_172 = tpu.vector_load %arg15[%swap3A_170, %swap3A_171] {strides = array<i32>} : memref<160x64xf32, #tpu.memory_space<vmem>>, vector<16xf32>,
        tpu.vector_store %arg15[%swap3A_170, %swap3A_171], %broadcast_in_dim3A_169 {strides = array<i32>} : memref<160x64xf32, #tpu.memory_space<vmem>>, vector<16xf32>,
        %scan3A_173 = arith.constant 0 : i32
        scf.yield %scan3A_173 : i32
      }
      %scan3A_21 = arith.constant 160 : i32
      %mul3A_22 = arith.constant 1000 : i32
      %mul3A_23 = arith.muli %arg1, %mul3A_22 : i32
      %add3A_24 = arith.constant 0 : i32
      %add3A_25 = arith.addi %mul3A_23, %add3A_24 : i32
      "tpu.region"() ({
        %run_scoped3A = tpu.sem_alloc : memref<!tpu.dma_semaphore, #tpu.memory_space<semaphore_mem>>
        %dma_start3A_151 = arith.constant 0 : i32
        %dma_start3A_152 = tpu.memref_slice %arg5[%add3A_25, %dma_start3A_151] : memref<16008x64xf32, #tpu.memory_space<vmem_shared>> -> memref<160x64xf32, #tpu.memory_space<vmem_shared>>
        %dma_start3A_153 = arith.constant 0 : i32
        %dma_start3A_154 = tpu.memref_slice %arg5[%add3A_25, %dma_start3A_153] : memref<16008x64xf32, #tpu.memory_space<vmem_shared>> -> memref<160x64xf32, #tpu.memory_space<vmem_shared>>
        tpu.enqueue_dma source(%arg15 : memref<160x64xf32, #tpu.memory_space<vmem>>) target(%dma_start3A_154 : memref<160x64xf32, #tpu.memory_space<vmem_shared>>) target_semaphore(%run_scoped3A : memref<!tpu.dma_semaphore, #tpu.memory_space<semaphore_mem>>)
        %dma_wait3A_155 = arith.constant 0 : i32
        %dma_wait3A_156 = tpu.memref_slice %arg5[%add3A_25, %dma_wait3A_155] : memref<16008x64xf32, #tpu.memory_space<vmem_shared>> -> memref<160x64xf32, #tpu.memory_space<vmem_shared>>
        %dma_wait3A_157 = arith.constant 0 : i32
        %dma_wait3A_158 = tpu.memref_slice %arg5[%add3A_25, %dma_wait3A_157] : memref<16008x64xf32, #tpu.memory_space<vmem_shared>> -> memref<160x64xf32, #tpu.memory_space<vmem_shared>>
        tpu.wait_dma2 semaphore(%run_scoped3A : memref<!tpu.dma_semaphore, #tpu.memory_space<semaphore_mem>>) src(%arg15 : memref<160x64xf32, #tpu.memory_space<vmem>>) dst(%dma_wait3A_158 : memref<160x64xf32, #tpu.memory_space<vmem_shared>>)
        tpu.yield
      }) : () -> ()
      %mul3A_26 = arith.constant 1000 : i32
      %mul3A_27 = arith.muli %arg1, %mul3A_26 : i32
      %add3A_28 = arith.constant 160 : i32
      %add3A_29 = arith.addi %mul3A_27, %add3A_28 : i32
      "tpu.region"() ({
        %run_scoped3A = tpu.sem_alloc : memref<!tpu.dma_semaphore, #tpu.memory_space<semaphore_mem>>
        %dma_start3A_151 = arith.constant 0 : i32
        %dma_start3A_152 = tpu.memref_slice %arg5[%add3A_29, %dma_start3A_151] : memref<16008x64xf32, #tpu.memory_space<vmem_shared>> -> memref<160x64xf32, #tpu.memory_space<vmem_shared>>
        %dma_start3A_153 = arith.constant 0 : i32
        %dma_start3A_154 = tpu.memref_slice %arg5[%add3A_29, %dma_start3A_153] : memref<16008x64xf32, #tpu.memory_space<vmem_shared>> -> memref<160x64xf32, #tpu.memory_space<vmem_shared>>
        tpu.enqueue_dma source(%arg15 : memref<160x64xf32, #tpu.memory_space<vmem>>) target(%dma_start3A_154 : memref<160x64xf32, #tpu.memory_space<vmem_shared>>) target_semaphore(%run_scoped3A : memref<!tpu.dma_semaphore, #tpu.memory_space<semaphore_mem>>)
        %dma_wait3A_155 = arith.constant 0 : i32
        %dma_wait3A_156 = tpu.memref_slice %arg5[%add3A_29, %dma_wait3A_155] : memref<16008x64xf32, #tpu.memory_space<vmem_shared>> -> memref<160x64xf32, #tpu.memory_space<vmem_shared>>
        %dma_wait3A_157 = arith.constant 0 : i32
        %dma_wait3A_158 = tpu.memref_slice %arg5[%add3A_29, %dma_wait3A_157] : memref<16008x64xf32, #tpu.memory_space<vmem_shared>> -> memref<160x64xf32, #tpu.memory_space<vmem_shared>>
        tpu.wait_dma2 semaphore(%run_scoped3A : memref<!tpu.dma_semaphore, #tpu.memory_space<semaphore_mem>>) src(%arg15 : memref<160x64xf32, #tpu.memory_space<vmem>>) dst(%dma_wait3A_158 : memref<160x64xf32, #tpu.memory_space<vmem_shared>>)
        tpu.yield
      }) : () -> ()
      %mul3A_30 = arith.constant 1000 : i32
      %mul3A_31 = arith.muli %arg1, %mul3A_30 : i32
      %add3A_32 = arith.constant 320 : i32
      %add3A_33 = arith.addi %mul3A_31, %add3A_32 : i32
      "tpu.region"() ({
        %run_scoped3A = tpu.sem_alloc : memref<!tpu.dma_semaphore, #tpu.memory_space<semaphore_mem>>
        %dma_start3A_151 = arith.constant 0 : i32
        %dma_start3A_152 = tpu.memref_slice %arg5[%add3A_33, %dma_start3A_151] : memref<16008x64xf32, #tpu.memory_space<vmem_shared>> -> memref<160x64xf32, #tpu.memory_space<vmem_shared>>
        %dma_start3A_153 = arith.constant 0 : i32
        %dma_start3A_154 = tpu.memref_slice %arg5[%add3A_33, %dma_start3A_153] : memref<16008x64xf32, #tpu.memory_space<vmem_shared>> -> memref<160x64xf32, #tpu.memory_space<vmem_shared>>
        tpu.enqueue_dma source(%arg15 : memref<160x64xf32, #tpu.memory_space<vmem>>) target(%dma_start3A_154 : memref<160x64xf32, #tpu.memory_space<vmem_shared>>) target_semaphore(%run_scoped3A : memref<!tpu.dma_semaphore, #tpu.memory_space<semaphore_mem>>)
        %dma_wait3A_155 = arith.constant 0 : i32
        %dma_wait3A_156 = tpu.memref_slice %arg5[%add3A_33, %dma_wait3A_155] : memref<16008x64xf32, #tpu.memory_space<vmem_shared>> -> memref<160x64xf32, #tpu.memory_space<vmem_shared>>
        %dma_wait3A_157 = arith.constant 0 : i32
        %dma_wait3A_158 = tpu.memref_slice %arg5[%add3A_33, %dma_wait3A_157] : memref<16008x64xf32, #tpu.memory_space<vmem_shared>> -> memref<160x64xf32, #tpu.memory_space<vmem_shared>>
        tpu.wait_dma2 semaphore(%run_scoped3A : memref<!tpu.dma_semaphore, #tpu.memory_space<semaphore_mem>>) src(%arg15 : memref<160x64xf32, #tpu.memory_space<vmem>>) dst(%dma_wait3A_158 : memref<160x64xf32, #tpu.memory_space<vmem_shared>>)
        tpu.yield
      }) : () -> ()
      %mul3A_34 = arith.constant 1000 : i32
      %mul3A_35 = arith.muli %arg1, %mul3A_34 : i32
      %add3A_36 = arith.constant 480 : i32
      %add3A_37 = arith.addi %mul3A_35, %add3A_36 : i32
      "tpu.region"() ({
        %run_scoped3A = tpu.sem_alloc : memref<!tpu.dma_semaphore, #tpu.memory_space<semaphore_mem>>
        %dma_start3A_151 = arith.constant 0 : i32
        %dma_start3A_152 = tpu.memref_slice %arg5[%add3A_37, %dma_start3A_151] : memref<16008x64xf32, #tpu.memory_space<vmem_shared>> -> memref<160x64xf32, #tpu.memory_space<vmem_shared>>
        %dma_start3A_153 = arith.constant 0 : i32
        %dma_start3A_154 = tpu.memref_slice %arg5[%add3A_37, %dma_start3A_153] : memref<16008x64xf32, #tpu.memory_space<vmem_shared>> -> memref<160x64xf32, #tpu.memory_space<vmem_shared>>
        tpu.enqueue_dma source(%arg15 : memref<160x64xf32, #tpu.memory_space<vmem>>) target(%dma_start3A_154 : memref<160x64xf32, #tpu.memory_space<vmem_shared>>) target_semaphore(%run_scoped3A : memref<!tpu.dma_semaphore, #tpu.memory_space<semaphore_mem>>)
        %dma_wait3A_155 = arith.constant 0 : i32
        %dma_wait3A_156 = tpu.memref_slice %arg5[%add3A_37, %dma_wait3A_155] : memref<16008x64xf32, #tpu.memory_space<vmem_shared>> -> memref<160x64xf32, #tpu.memory_space<vmem_shared>>
        %dma_wait3A_157 = arith.constant 0 : i32
        %dma_wait3A_158 = tpu.memref_slice %arg5[%add3A_37, %dma_wait3A_157] : memref<16008x64xf32, #tpu.memory_space<vmem_shared>> -> memref<160x64xf32, #tpu.memory_space<vmem_shared>>
        tpu.wait_dma2 semaphore(%run_scoped3A : memref<!tpu.dma_semaphore, #tpu.memory_space<semaphore_mem>>) src(%arg15 : memref<160x64xf32, #tpu.memory_space<vmem>>) dst(%dma_wait3A_158 : memref<160x64xf32, #tpu.memory_space<vmem_shared>>)
        tpu.yield
      }) : () -> ()
      %mul3A_38 = arith.constant 1000 : i32
      %mul3A_39 = arith.muli %arg1, %mul3A_38 : i32
      %add3A_40 = arith.constant 640 : i32
      %add3A_41 = arith.addi %mul3A_39, %add3A_40 : i32
      "tpu.region"() ({
        %run_scoped3A = tpu.sem_alloc : memref<!tpu.dma_semaphore, #tpu.memory_space<semaphore_mem>>
        %dma_start3A_151 = arith.constant 0 : i32
        %dma_start3A_152 = tpu.memref_slice %arg5[%add3A_41, %dma_start3A_151] : memref<16008x64xf32, #tpu.memory_space<vmem_shared>> -> memref<160x64xf32, #tpu.memory_space<vmem_shared>>
        %dma_start3A_153 = arith.constant 0 : i32
        %dma_start3A_154 = tpu.memref_slice %arg5[%add3A_41, %dma_start3A_153] : memref<16008x64xf32, #tpu.memory_space<vmem_shared>> -> memref<160x64xf32, #tpu.memory_space<vmem_shared>>
        tpu.enqueue_dma source(%arg15 : memref<160x64xf32, #tpu.memory_space<vmem>>) target(%dma_start3A_154 : memref<160x64xf32, #tpu.memory_space<vmem_shared>>) target_semaphore(%run_scoped3A : memref<!tpu.dma_semaphore, #tpu.memory_space<semaphore_mem>>)
        %dma_wait3A_155 = arith.constant 0 : i32
        %dma_wait3A_156 = tpu.memref_slice %arg5[%add3A_41, %dma_wait3A_155] : memref<16008x64xf32, #tpu.memory_space<vmem_shared>> -> memref<160x64xf32, #tpu.memory_space<vmem_shared>>
        %dma_wait3A_157 = arith.constant 0 : i32
        %dma_wait3A_158 = tpu.memref_slice %arg5[%add3A_41, %dma_wait3A_157] : memref<16008x64xf32, #tpu.memory_space<vmem_shared>> -> memref<160x64xf32, #tpu.memory_space<vmem_shared>>
        tpu.wait_dma2 semaphore(%run_scoped3A : memref<!tpu.dma_semaphore, #tpu.memory_space<semaphore_mem>>) src(%arg15 : memref<160x64xf32, #tpu.memory_space<vmem>>) dst(%dma_wait3A_158 : memref<160x64xf32, #tpu.memory_space<vmem_shared>>)
        tpu.yield
      }) : () -> ()
      %mul3A_42 = arith.constant 1000 : i32
      %mul3A_43 = arith.muli %arg1, %mul3A_42 : i32
      %add3A_44 = arith.constant 800 : i32
      %add3A_45 = arith.addi %mul3A_43, %add3A_44 : i32
      "tpu.region"() ({
        %run_scoped3A = tpu.sem_alloc : memref<!tpu.dma_semaphore, #tpu.memory_space<semaphore_mem>>
        %dma_start3A_151 = arith.constant 0 : i32
        %dma_start3A_152 = tpu.memref_slice %arg5[%add3A_45, %dma_start3A_151] : memref<16008x64xf32, #tpu.memory_space<vmem_shared>> -> memref<160x64xf32, #tpu.memory_space<vmem_shared>>
        %dma_start3A_153 = arith.constant 0 : i32
        %dma_start3A_154 = tpu.memref_slice %arg5[%add3A_45, %dma_start3A_153] : memref<16008x64xf32, #tpu.memory_space<vmem_shared>> -> memref<160x64xf32, #tpu.memory_space<vmem_shared>>
        tpu.enqueue_dma source(%arg15 : memref<160x64xf32, #tpu.memory_space<vmem>>) target(%dma_start3A_154 : memref<160x64xf32, #tpu.memory_space<vmem_shared>>) target_semaphore(%run_scoped3A : memref<!tpu.dma_semaphore, #tpu.memory_space<semaphore_mem>>)
        %dma_wait3A_155 = arith.constant 0 : i32
        %dma_wait3A_156 = tpu.memref_slice %arg5[%add3A_45, %dma_wait3A_155] : memref<16008x64xf32, #tpu.memory_space<vmem_shared>> -> memref<160x64xf32, #tpu.memory_space<vmem_shared>>
        %dma_wait3A_157 = arith.constant 0 : i32
        %dma_wait3A_158 = tpu.memref_slice %arg5[%add3A_45, %dma_wait3A_157] : memref<16008x64xf32, #tpu.memory_space<vmem_shared>> -> memref<160x64xf32, #tpu.memory_space<vmem_shared>>
        tpu.wait_dma2 semaphore(%run_scoped3A : memref<!tpu.dma_semaphore, #tpu.memory_space<semaphore_mem>>) src(%arg15 : memref<160x64xf32, #tpu.memory_space<vmem>>) dst(%dma_wait3A_158 : memref<160x64xf32, #tpu.memory_space<vmem_shared>>)
        tpu.yield
      }) : () -> ()
      %mul3A_46 = arith.constant 1000 : i32
      %mul3A_47 = arith.muli %arg1, %mul3A_46 : i32
      %add3A_48 = arith.constant 960 : i32
      %add3A_49 = arith.addi %mul3A_47, %add3A_48 : i32
      "tpu.region"() ({
        %run_scoped3A = tpu.sem_alloc : memref<!tpu.dma_semaphore, #tpu.memory_space<semaphore_mem>>
        %dma_start3A_151 = arith.constant 0 : i32
        %dma_start3A_152 = arith.constant 0 : i32
        %dma_start3A_153 = tpu.memref_slice %arg15[%dma_start3A_151, %dma_start3A_152] : memref<160x64xf32, #tpu.memory_space<vmem>> -> memref<40x64xf32, #tpu.memory_space<vmem>>
        %dma_start3A_154 = arith.constant 0 : i32
        %dma_start3A_155 = tpu.memref_slice %arg5[%add3A_49, %dma_start3A_154] : memref<16008x64xf32, #tpu.memory_space<vmem_shared>> -> memref<40x64xf32, #tpu.memory_space<vmem_shared>>
        %dma_start3A_156 = arith.constant 0 : i32
        %dma_start3A_157 = tpu.memref_slice %arg5[%add3A_49, %dma_start3A_156] : memref<16008x64xf32, #tpu.memory_space<vmem_shared>> -> memref<40x64xf32, #tpu.memory_space<vmem_shared>>
        %dma_start3A_158 = arith.constant 0 : i32
        %dma_start3A_159 = arith.constant 0 : i32
        %dma_start3A_160 = tpu.memref_slice %arg15[%dma_start3A_158, %dma_start3A_159] : memref<160x64xf32, #tpu.memory_space<vmem>> -> memref<40x64xf32, #tpu.memory_space<vmem>>
        tpu.enqueue_dma source(%dma_start3A_160 : memref<40x64xf32, #tpu.memory_space<vmem>>) target(%dma_start3A_157 : memref<40x64xf32, #tpu.memory_space<vmem_shared>>) target_semaphore(%run_scoped3A : memref<!tpu.dma_semaphore, #tpu.memory_space<semaphore_mem>>)
        %dma_wait3A_161 = arith.constant 0 : i32
        %dma_wait3A_162 = arith.constant 0 : i32
        %dma_wait3A_163 = tpu.memref_slice %arg15[%dma_wait3A_161, %dma_wait3A_162] : memref<160x64xf32, #tpu.memory_space<vmem>> -> memref<40x64xf32, #tpu.memory_space<vmem>>
        %dma_wait3A_164 = arith.constant 0 : i32
        %dma_wait3A_165 = tpu.memref_slice %arg5[%add3A_49, %dma_wait3A_164] : memref<16008x64xf32, #tpu.memory_space<vmem_shared>> -> memref<40x64xf32, #tpu.memory_space<vmem_shared>>
        %dma_wait3A_166 = arith.constant 0 : i32
        %dma_wait3A_167 = tpu.memref_slice %arg5[%add3A_49, %dma_wait3A_166] : memref<16008x64xf32, #tpu.memory_space<vmem_shared>> -> memref<40x64xf32, #tpu.memory_space<vmem_shared>>
        %dma_wait3A_168 = arith.constant 0 : i32
        %dma_wait3A_169 = arith.constant 0 : i32
        %dma_wait3A_170 = tpu.memref_slice %arg15[%dma_wait3A_168, %dma_wait3A_169] : memref<160x64xf32, #tpu.memory_space<vmem>> -> memref<40x64xf32, #tpu.memory_space<vmem>>
        tpu.wait_dma2 semaphore(%run_scoped3A : memref<!tpu.dma_semaphore, #tpu.memory_space<semaphore_mem>>) src(%dma_wait3A_170 : memref<40x64xf32, #tpu.memory_space<vmem>>) dst(%dma_wait3A_167 : memref<40x64xf32, #tpu.memory_space<vmem_shared>>)
        tpu.yield
      }) : () -> ()
      %barrier3A = arith.constant 0 : index
      tpu.barrier barrier_id(%barrier3A)
      %scan3A_50 = arith.constant 0 : i32
      %scan3A_51 = arith.constant 0 : i32
      %scan3A_52 = arith.constant 0 : i32
      %scan3A_53 = arith.constant 0 : i32
      %scan3A_54 = arith.constant 528 : i32
      %scan3A_55 = arith.addi %scan3A_53, %scan3A_54 : i32
      %scan3A_56 = arith.constant 1 : i32
      %scan3A_57:3 = scf.for %scan3A_151 = %scan3A_53 to %scan3A_55 step %scan3A_56 iter_args(%scan3A_152 = %scan3A_50, %scan3A_153 = %scan3A_51, %scan3A_154 = %scan3A_52) -> (i32, i32, i32)  : i32 {
        %mul3A_155 = arith.constant 64 : i32
        %mul3A_156 = arith.muli %scan3A_151, %mul3A_155 : i32
        %add3A_157 = arith.constant 0 : i32
        %add3A_158 = arith.addi %mul3A_156, %add3A_157 : i32
        %get3A = arith.index_cast %add3A_158 : i32 to index
        %get3A_159 = tpu.vector_load %arg6[%get3A] {strides = array<i32>} : memref<33792xi32, #tpu.memory_space<vmem>>, vector<16xi32>,
        %shift_right_arithmetic3A = arith.constant 14 : i32
        %shift_right_arithmetic3A_160 = vector.broadcast %shift_right_arithmetic3A : i32 to vector<16xi32>
        %shift_right_arithmetic3A_161 = arith.shrsi %get3A_159, %shift_right_arithmetic3A_160 : vector<16xi32>
        %eq3A_162 = vector.broadcast %add3A : i32 to vector<16xi32>
        %eq3A_163 = arith.cmpi eq, %shift_right_arithmetic3A_161, %eq3A_162 : vector<16xi32>
        %mul3A_164 = arith.constant 64 : i32
        %mul3A_165 = arith.muli %scan3A_151, %mul3A_164 : i32
        %add3A_166 = arith.addi %mul3A_0, %mul3A_165 : i32
        %add3A_167 = arith.constant 0 : i32
        %add3A_168 = arith.addi %add3A_166, %add3A_167 : i32
        %add3A_169 = vector.broadcast %add3A_168 : i32 to vector<16xi32>
        %add3A_170 = arith.addi %add3A_169, %iota3A : vector<16xi32>
        %swap3A_171 = arith.index_cast %scan3A_152 : i32 to index
        %swap3A_172 = tpu.vector_load %arg7[%swap3A_171] masked %eq3A_163 {strides = array<i32>} : memref<256xi32, #tpu.memory_space<vmem>>, vector<16xi32>, vector<16xi1>
        tpu.vector_store %arg7[%swap3A_171], %get3A_159 masked %eq3A_163 {strides = array<i32>} : memref<256xi32, #tpu.memory_space<vmem>>, vector<16xi32>, vector<16xi1>
        %swap3A_173 = arith.index_cast %scan3A_152 : i32 to index
        %swap3A_174 = tpu.vector_load %arg8[%swap3A_173] masked %eq3A_163 {strides = array<i32>} : memref<256xi32, #tpu.memory_space<vmem>>, vector<16xi32>, vector<16xi1>
        tpu.vector_store %arg8[%swap3A_173], %add3A_170 masked %eq3A_163 {strides = array<i32>} : memref<256xi32, #tpu.memory_space<vmem>>, vector<16xi32>, vector<16xi1>
        %all_reduce_population_count3A = tpu.all_reduce %eq3A_163 {dim = 0 : i64, kind = #tpu.reduction_kind<sum>} : vector<16xi1> -> vector<16xi32>
        %slice3A = vector.extract_strided_slice %all_reduce_population_count3A {offsets = [0], sizes = [1], strides = [1]} : vector<16xi32> to vector<1xi32>
        %squeeze3A = vector.extract %slice3A[0] : i32 from vector<1xi32>
        %add3A_175 = arith.addi %scan3A_152, %squeeze3A : i32
        %mul3A_176 = arith.constant 64 : i32
        %mul3A_177 = arith.muli %scan3A_151, %mul3A_176 : i32
        %add3A_178 = arith.constant 16 : i32
        %add3A_179 = arith.addi %mul3A_177, %add3A_178 : i32
        %get3A_180 = arith.index_cast %add3A_179 : i32 to index
        %get3A_181 = tpu.vector_load %arg6[%get3A_180] {strides = array<i32>} : memref<33792xi32, #tpu.memory_space<vmem>>, vector<16xi32>,
        %shift_right_arithmetic3A_182 = arith.constant 14 : i32
        %shift_right_arithmetic3A_183 = vector.broadcast %shift_right_arithmetic3A_182 : i32 to vector<16xi32>
        %shift_right_arithmetic3A_184 = arith.shrsi %get3A_181, %shift_right_arithmetic3A_183 : vector<16xi32>
        %eq3A_185 = vector.broadcast %add3A : i32 to vector<16xi32>
        %eq3A_186 = arith.cmpi eq, %shift_right_arithmetic3A_184, %eq3A_185 : vector<16xi32>
        %mul3A_187 = arith.constant 64 : i32
        %mul3A_188 = arith.muli %scan3A_151, %mul3A_187 : i32
        %add3A_189 = arith.addi %mul3A_0, %mul3A_188 : i32
        %add3A_190 = arith.constant 16 : i32
        %add3A_191 = arith.addi %add3A_189, %add3A_190 : i32
        %add3A_192 = vector.broadcast %add3A_191 : i32 to vector<16xi32>
        %add3A_193 = arith.addi %add3A_192, %iota3A : vector<16xi32>
        %swap3A_194 = arith.index_cast %add3A_175 : i32 to index
        %swap3A_195 = tpu.vector_load %arg7[%swap3A_194] masked %eq3A_186 {strides = array<i32>} : memref<256xi32, #tpu.memory_space<vmem>>, vector<16xi32>, vector<16xi1>
        tpu.vector_store %arg7[%swap3A_194], %get3A_181 masked %eq3A_186 {strides = array<i32>} : memref<256xi32, #tpu.memory_space<vmem>>, vector<16xi32>, vector<16xi1>
        %swap3A_196 = arith.index_cast %add3A_175 : i32 to index
        %swap3A_197 = tpu.vector_load %arg8[%swap3A_196] masked %eq3A_186 {strides = array<i32>} : memref<256xi32, #tpu.memory_space<vmem>>, vector<16xi32>, vector<16xi1>
        tpu.vector_store %arg8[%swap3A_196], %add3A_193 masked %eq3A_186 {strides = array<i32>} : memref<256xi32, #tpu.memory_space<vmem>>, vector<16xi32>, vector<16xi1>
        %all_reduce_population_count3A_198 = tpu.all_reduce %eq3A_186 {dim = 0 : i64, kind = #tpu.reduction_kind<sum>} : vector<16xi1> -> vector<16xi32>
        %slice3A_199 = vector.extract_strided_slice %all_reduce_population_count3A_198 {offsets = [0], sizes = [1], strides = [1]} : vector<16xi32> to vector<1xi32>
        %squeeze3A_200 = vector.extract %slice3A_199[0] : i32 from vector<1xi32>
        %add3A_201 = arith.addi %add3A_175, %squeeze3A_200 : i32
        %mul3A_202 = arith.constant 64 : i32
        %mul3A_203 = arith.muli %scan3A_151, %mul3A_202 : i32
        %add3A_204 = arith.constant 32 : i32
        %add3A_205 = arith.addi %mul3A_203, %add3A_204 : i32
        %get3A_206 = arith.index_cast %add3A_205 : i32 to index
        %get3A_207 = tpu.vector_load %arg6[%get3A_206] {strides = array<i32>} : memref<33792xi32, #tpu.memory_space<vmem>>, vector<16xi32>,
        %shift_right_arithmetic3A_208 = arith.constant 14 : i32
        %shift_right_arithmetic3A_209 = vector.broadcast %shift_right_arithmetic3A_208 : i32 to vector<16xi32>
        %shift_right_arithmetic3A_210 = arith.shrsi %get3A_207, %shift_right_arithmetic3A_209 : vector<16xi32>
        %eq3A_211 = vector.broadcast %add3A : i32 to vector<16xi32>
        %eq3A_212 = arith.cmpi eq, %shift_right_arithmetic3A_210, %eq3A_211 : vector<16xi32>
        %mul3A_213 = arith.constant 64 : i32
        %mul3A_214 = arith.muli %scan3A_151, %mul3A_213 : i32
        %add3A_215 = arith.addi %mul3A_0, %mul3A_214 : i32
        %add3A_216 = arith.constant 32 : i32
        %add3A_217 = arith.addi %add3A_215, %add3A_216 : i32
        %add3A_218 = vector.broadcast %add3A_217 : i32 to vector<16xi32>
        %add3A_219 = arith.addi %add3A_218, %iota3A : vector<16xi32>
        %swap3A_220 = arith.index_cast %add3A_201 : i32 to index
        %swap3A_221 = tpu.vector_load %arg7[%swap3A_220] masked %eq3A_212 {strides = array<i32>} : memref<256xi32, #tpu.memory_space<vmem>>, vector<16xi32>, vector<16xi1>
        tpu.vector_store %arg7[%swap3A_220], %get3A_207 masked %eq3A_212 {strides = array<i32>} : memref<256xi32, #tpu.memory_space<vmem>>, vector<16xi32>, vector<16xi1>
        %swap3A_222 = arith.index_cast %add3A_201 : i32 to index
        %swap3A_223 = tpu.vector_load %arg8[%swap3A_222] masked %eq3A_212 {strides = array<i32>} : memref<256xi32, #tpu.memory_space<vmem>>, vector<16xi32>, vector<16xi1>
        tpu.vector_store %arg8[%swap3A_222], %add3A_219 masked %eq3A_212 {strides = array<i32>} : memref<256xi32, #tpu.memory_space<vmem>>, vector<16xi32>, vector<16xi1>
        %all_reduce_population_count3A_224 = tpu.all_reduce %eq3A_212 {dim = 0 : i64, kind = #tpu.reduction_kind<sum>} : vector<16xi1> -> vector<16xi32>
        %slice3A_225 = vector.extract_strided_slice %all_reduce_population_count3A_224 {offsets = [0], sizes = [1], strides = [1]} : vector<16xi32> to vector<1xi32>
        %squeeze3A_226 = vector.extract %slice3A_225[0] : i32 from vector<1xi32>
        %add3A_227 = arith.addi %add3A_201, %squeeze3A_226 : i32
        %mul3A_228 = arith.constant 64 : i32
        %mul3A_229 = arith.muli %scan3A_151, %mul3A_228 : i32
        %add3A_230 = arith.constant 48 : i32
        %add3A_231 = arith.addi %mul3A_229, %add3A_230 : i32
        %get3A_232 = arith.index_cast %add3A_231 : i32 to index
        %get3A_233 = tpu.vector_load %arg6[%get3A_232] {strides = array<i32>} : memref<33792xi32, #tpu.memory_space<vmem>>, vector<16xi32>,
        %shift_right_arithmetic3A_234 = arith.constant 14 : i32
        %shift_right_arithmetic3A_235 = vector.broadcast %shift_right_arithmetic3A_234 : i32 to vector<16xi32>
        %shift_right_arithmetic3A_236 = arith.shrsi %get3A_233, %shift_right_arithmetic3A_235 : vector<16xi32>
        %eq3A_237 = vector.broadcast %add3A : i32 to vector<16xi32>
        %eq3A_238 = arith.cmpi eq, %shift_right_arithmetic3A_236, %eq3A_237 : vector<16xi32>
        %mul3A_239 = arith.constant 64 : i32
        %mul3A_240 = arith.muli %scan3A_151, %mul3A_239 : i32
        %add3A_241 = arith.addi %mul3A_0, %mul3A_240 : i32
        %add3A_242 = arith.constant 48 : i32
        %add3A_243 = arith.addi %add3A_241, %add3A_242 : i32
        %add3A_244 = vector.broadcast %add3A_243 : i32 to vector<16xi32>
        %add3A_245 = arith.addi %add3A_244, %iota3A : vector<16xi32>
        %swap3A_246 = arith.index_cast %add3A_227 : i32 to index
        %swap3A_247 = tpu.vector_load %arg7[%swap3A_246] masked %eq3A_238 {strides = array<i32>} : memref<256xi32, #tpu.memory_space<vmem>>, vector<16xi32>, vector<16xi1>
        tpu.vector_store %arg7[%swap3A_246], %get3A_233 masked %eq3A_238 {strides = array<i32>} : memref<256xi32, #tpu.memory_space<vmem>>, vector<16xi32>, vector<16xi1>
        %swap3A_248 = arith.index_cast %add3A_227 : i32 to index
        %swap3A_249 = tpu.vector_load %arg8[%swap3A_248] masked %eq3A_238 {strides = array<i32>} : memref<256xi32, #tpu.memory_space<vmem>>, vector<16xi32>, vector<16xi1>
        tpu.vector_store %arg8[%swap3A_248], %add3A_245 masked %eq3A_238 {strides = array<i32>} : memref<256xi32, #tpu.memory_space<vmem>>, vector<16xi32>, vector<16xi1>
        %all_reduce_population_count3A_250 = tpu.all_reduce %eq3A_238 {dim = 0 : i64, kind = #tpu.reduction_kind<sum>} : vector<16xi1> -> vector<16xi32>
        %slice3A_251 = vector.extract_strided_slice %all_reduce_population_count3A_250 {offsets = [0], sizes = [1], strides = [1]} : vector<16xi32> to vector<1xi32>
        %squeeze3A_252 = vector.extract %slice3A_251[0] : i32 from vector<1xi32>
        %add3A_253 = arith.addi %add3A_227, %squeeze3A_252 : i32
        %ge3A = arith.constant 64 : i32
        %ge3A_254 = arith.cmpi sge, %add3A_253, %ge3A : i32
        %convert_element_type3A_255 = arith.extui %ge3A_254 : i1 to i32
        %cond3A_256 = arith.constant 0 : i32
        %cond3A_257 = arith.cmpi ne, %convert_element_type3A_255, %cond3A_256 : i32
        scf.if %cond3A_257 {
          %eq3A_269 = arith.constant 2 : i32
          %eq3A_270 = arith.cmpi eq, %scan3A_153, %eq3A_269 : i32
          %eq3A_271 = arith.constant 0 : i32
          %eq3A_272 = arith.cmpi eq, %scan3A_154, %eq3A_271 : i32
          %and3A_273 = arith.andi %eq3A_270, %eq3A_272 : i1
          %convert_element_type3A_274 = arith.extui %and3A_273 : i1 to i32
          %cond3A_275 = arith.constant 0 : i32
          %cond3A_276 = arith.cmpi ne, %convert_element_type3A_274, %cond3A_275 : i32
          scf.if %cond3A_276 {
            %dma_wait3A_327 = arith.constant 0 : i32
            %dma_wait3A_328 = arith.constant 0 : i32
            %dma_wait3A_329 = tpu.memref_slice %arg2[%dma_wait3A_327, %dma_wait3A_328] : memref<540672x64xf32, #tpu.memory_space<hbm>> -> memref<540672x64xf32, #tpu.memory_space<hbm>>
            tpu.wait_indirect_dma semaphore(%arg18 : memref<!tpu.dma_semaphore, #tpu.memory_space<semaphore_mem>>) src(%dma_wait3A_329 : memref<540672x64xf32, #tpu.memory_space<hbm>>) dst(%arg13 : memref<64x64xf32, #tpu.memory_space<vmem>>)
            "tpu.region"() ({
              %run_scoped3A = tpu.sem_alloc : memref<!tpu.dma_semaphore, #tpu.memory_space<semaphore_mem>>
              %dma_start3A_330 = arith.constant 0 : i32
              %dma_start3A_331 = arith.constant 0 : i32
              %dma_start3A_332 = tpu.memref_slice %arg5[%dma_start3A_330, %dma_start3A_331] : memref<16008x64xf32, #tpu.memory_space<vmem_shared>> -> memref<16008x64xf32, #tpu.memory_space<vmem_shared>>
              tpu.enqueue_indirect_dma source(%arg13 : memref<64x64xf32, #tpu.memory_space<vmem>>) target(%dma_start3A_332 : memref<16008x64xf32, #tpu.memory_space<vmem_shared>>) offsets(%arg9 : memref<64xi32, #tpu.memory_space<vmem>>) semaphore(%run_scoped3A : memref<!tpu.dma_semaphore, #tpu.memory_space<semaphore_mem>>) {add = true}
              %dma_wait3A_333 = arith.constant 0 : i32
              %dma_wait3A_334 = arith.constant 0 : i32
              %dma_wait3A_335 = tpu.memref_slice %arg5[%dma_wait3A_333, %dma_wait3A_334] : memref<16008x64xf32, #tpu.memory_space<vmem_shared>> -> memref<16008x64xf32, #tpu.memory_space<vmem_shared>>
              tpu.wait_indirect_dma semaphore(%run_scoped3A : memref<!tpu.dma_semaphore, #tpu.memory_space<semaphore_mem>>) src(%arg13 : memref<64x64xf32, #tpu.memory_space<vmem>>) dst(%dma_wait3A_335 : memref<16008x64xf32, #tpu.memory_space<vmem_shared>>)
              tpu.yield
            }) : () -> ()
          } else {
          }
          %eq3A_277 = arith.constant 2 : i32
          %eq3A_278 = arith.cmpi eq, %scan3A_153, %eq3A_277 : i32
          %eq3A_279 = arith.constant 1 : i32
          %eq3A_280 = arith.cmpi eq, %scan3A_154, %eq3A_279 : i32
          %and3A_281 = arith.andi %eq3A_278, %eq3A_280 : i1
          %convert_element_type3A_282 = arith.extui %and3A_281 : i1 to i32
          %cond3A_283 = arith.constant 0 : i32
          %cond3A_284 = arith.cmpi ne, %convert_element_type3A_282, %cond3A_283 : i32
          scf.if %cond3A_284 {
            %dma_wait3A_327 = arith.constant 0 : i32
            %dma_wait3A_328 = arith.constant 0 : i32
            %dma_wait3A_329 = tpu.memref_slice %arg2[%dma_wait3A_327, %dma_wait3A_328] : memref<540672x64xf32, #tpu.memory_space<hbm>> -> memref<540672x64xf32, #tpu.memory_space<hbm>>
            tpu.wait_indirect_dma semaphore(%arg19 : memref<!tpu.dma_semaphore, #tpu.memory_space<semaphore_mem>>) src(%dma_wait3A_329 : memref<540672x64xf32, #tpu.memory_space<hbm>>) dst(%arg14 : memref<64x64xf32, #tpu.memory_space<vmem>>)
            "tpu.region"() ({
              %run_scoped3A = tpu.sem_alloc : memref<!tpu.dma_semaphore, #tpu.memory_space<semaphore_mem>>
              %dma_start3A_330 = arith.constant 0 : i32
              %dma_start3A_331 = arith.constant 0 : i32
              %dma_start3A_332 = tpu.memref_slice %arg5[%dma_start3A_330, %dma_start3A_331] : memref<16008x64xf32, #tpu.memory_space<vmem_shared>> -> memref<16008x64xf32, #tpu.memory_space<vmem_shared>>
              tpu.enqueue_indirect_dma source(%arg14 : memref<64x64xf32, #tpu.memory_space<vmem>>) target(%dma_start3A_332 : memref<16008x64xf32, #tpu.memory_space<vmem_shared>>) offsets(%arg11 : memref<64xi32, #tpu.memory_space<vmem>>) semaphore(%run_scoped3A : memref<!tpu.dma_semaphore, #tpu.memory_space<semaphore_mem>>) {add = true}
              %dma_wait3A_333 = arith.constant 0 : i32
              %dma_wait3A_334 = arith.constant 0 : i32
              %dma_wait3A_335 = tpu.memref_slice %arg5[%dma_wait3A_333, %dma_wait3A_334] : memref<16008x64xf32, #tpu.memory_space<vmem_shared>> -> memref<16008x64xf32, #tpu.memory_space<vmem_shared>>
              tpu.wait_indirect_dma semaphore(%run_scoped3A : memref<!tpu.dma_semaphore, #tpu.memory_space<semaphore_mem>>) src(%arg14 : memref<64x64xf32, #tpu.memory_space<vmem>>) dst(%dma_wait3A_335 : memref<16008x64xf32, #tpu.memory_space<vmem_shared>>)
              tpu.yield
            }) : () -> ()
          } else {
          }
          %eq3A_285 = arith.constant 0 : i32
          %eq3A_286 = arith.cmpi eq, %scan3A_154, %eq3A_285 : i32
          %convert_element_type3A_287 = arith.extui %eq3A_286 : i1 to i32
          %cond3A_288 = arith.constant 0 : i32
          %cond3A_289 = arith.cmpi ne, %convert_element_type3A_287, %cond3A_288 : i32
          scf.if %cond3A_289 {
            %get3A_327 = arith.constant 0 : index
            %get3A_328 = tpu.vector_load %arg7[%get3A_327] {strides = array<i32>} : memref<256xi32, #tpu.memory_space<vmem>>, vector<16xi32>,
            %and3A_329 = arith.constant 16383 : i32
            %and3A_330 = vector.broadcast %and3A_329 : i32 to vector<16xi32>
            %and3A_331 = arith.andi %get3A_328, %and3A_330 : vector<16xi32>
            %swap3A_332 = arith.constant 0 : index
            %swap3A_333 = tpu.vector_load %arg9[%swap3A_332] {strides = array<i32>} : memref<64xi32, #tpu.memory_space<vmem>>, vector<16xi32>,
            tpu.vector_store %arg9[%swap3A_332], %and3A_331 {strides = array<i32>} : memref<64xi32, #tpu.memory_space<vmem>>, vector<16xi32>,
            %get3A_334 = arith.constant 0 : index
            %get3A_335 = tpu.vector_load %arg8[%get3A_334] {strides = array<i32>} : memref<256xi32, #tpu.memory_space<vmem>>, vector<16xi32>,
            %swap3A_336 = arith.constant 0 : index
            %swap3A_337 = tpu.vector_load %arg10[%swap3A_336] {strides = array<i32>} : memref<64xi32, #tpu.memory_space<vmem>>, vector<16xi32>,
            tpu.vector_store %arg10[%swap3A_336], %get3A_335 {strides = array<i32>} : memref<64xi32, #tpu.memory_space<vmem>>, vector<16xi32>,
            %get3A_338 = arith.constant 16 : index
            %get3A_339 = tpu.vector_load %arg7[%get3A_338] {strides = array<i32>} : memref<256xi32, #tpu.memory_space<vmem>>, vector<16xi32>,
            %and3A_340 = arith.constant 16383 : i32
            %and3A_341 = vector.broadcast %and3A_340 : i32 to vector<16xi32>
            %and3A_342 = arith.andi %get3A_339, %and3A_341 : vector<16xi32>
            %swap3A_343 = arith.constant 16 : index
            %swap3A_344 = tpu.vector_load %arg9[%swap3A_343] {strides = array<i32>} : memref<64xi32, #tpu.memory_space<vmem>>, vector<16xi32>,
            tpu.vector_store %arg9[%swap3A_343], %and3A_342 {strides = array<i32>} : memref<64xi32, #tpu.memory_space<vmem>>, vector<16xi32>,
            %get3A_345 = arith.constant 16 : index
            %get3A_346 = tpu.vector_load %arg8[%get3A_345] {strides = array<i32>} : memref<256xi32, #tpu.memory_space<vmem>>, vector<16xi32>,
            %swap3A_347 = arith.constant 16 : index
            %swap3A_348 = tpu.vector_load %arg10[%swap3A_347] {strides = array<i32>} : memref<64xi32, #tpu.memory_space<vmem>>, vector<16xi32>,
            tpu.vector_store %arg10[%swap3A_347], %get3A_346 {strides = array<i32>} : memref<64xi32, #tpu.memory_space<vmem>>, vector<16xi32>,
            %get3A_349 = arith.constant 32 : index
            %get3A_350 = tpu.vector_load %arg7[%get3A_349] {strides = array<i32>} : memref<256xi32, #tpu.memory_space<vmem>>, vector<16xi32>,
            %and3A_351 = arith.constant 16383 : i32
            %and3A_352 = vector.broadcast %and3A_351 : i32 to vector<16xi32>
            %and3A_353 = arith.andi %get3A_350, %and3A_352 : vector<16xi32>
            %swap3A_354 = arith.constant 32 : index
            %swap3A_355 = tpu.vector_load %arg9[%swap3A_354] {strides = array<i32>} : memref<64xi32, #tpu.memory_space<vmem>>, vector<16xi32>,
            tpu.vector_store %arg9[%swap3A_354], %and3A_353 {strides = array<i32>} : memref<64xi32, #tpu.memory_space<vmem>>, vector<16xi32>,
            %get3A_356 = arith.constant 32 : index
            %get3A_357 = tpu.vector_load %arg8[%get3A_356] {strides = array<i32>} : memref<256xi32, #tpu.memory_space<vmem>>, vector<16xi32>,
            %swap3A_358 = arith.constant 32 : index
            %swap3A_359 = tpu.vector_load %arg10[%swap3A_358] {strides = array<i32>} : memref<64xi32, #tpu.memory_space<vmem>>, vector<16xi32>,
            tpu.vector_store %arg10[%swap3A_358], %get3A_357 {strides = array<i32>} : memref<64xi32, #tpu.memory_space<vmem>>, vector<16xi32>,
            %get3A_360 = arith.constant 48 : index
            %get3A_361 = tpu.vector_load %arg7[%get3A_360] {strides = array<i32>} : memref<256xi32, #tpu.memory_space<vmem>>, vector<16xi32>,
            %and3A_362 = arith.constant 16383 : i32
            %and3A_363 = vector.broadcast %and3A_362 : i32 to vector<16xi32>
            %and3A_364 = arith.andi %get3A_361, %and3A_363 : vector<16xi32>
            %swap3A_365 = arith.constant 48 : index
            %swap3A_366 = tpu.vector_load %arg9[%swap3A_365] {strides = array<i32>} : memref<64xi32, #tpu.memory_space<vmem>>, vector<16xi32>,
            tpu.vector_store %arg9[%swap3A_365], %and3A_364 {strides = array<i32>} : memref<64xi32, #tpu.memory_space<vmem>>, vector<16xi32>,
            %get3A_367 = arith.constant 48 : index
            %get3A_368 = tpu.vector_load %arg8[%get3A_367] {strides = array<i32>} : memref<256xi32, #tpu.memory_space<vmem>>, vector<16xi32>,
            %swap3A_369 = arith.constant 48 : index
            %swap3A_370 = tpu.vector_load %arg10[%swap3A_369] {strides = array<i32>} : memref<64xi32, #tpu.memory_space<vmem>>, vector<16xi32>,
            tpu.vector_store %arg10[%swap3A_369], %get3A_368 {strides = array<i32>} : memref<64xi32, #tpu.memory_space<vmem>>, vector<16xi32>,
            %dma_start3A_371 = arith.constant 0 : i32
            %dma_start3A_372 = arith.constant 0 : i32
            %dma_start3A_373 = tpu.memref_slice %arg2[%dma_start3A_371, %dma_start3A_372] : memref<540672x64xf32, #tpu.memory_space<hbm>> -> memref<540672x64xf32, #tpu.memory_space<hbm>>
            tpu.enqueue_indirect_dma source(%dma_start3A_373 : memref<540672x64xf32, #tpu.memory_space<hbm>>) target(%arg13 : memref<64x64xf32, #tpu.memory_space<vmem>>) offsets(%arg10 : memref<64xi32, #tpu.memory_space<vmem>>) semaphore(%arg18 : memref<!tpu.dma_semaphore, #tpu.memory_space<semaphore_mem>>)
          } else {
          }
          %eq3A_290 = arith.constant 1 : i32
          %eq3A_291 = arith.cmpi eq, %scan3A_154, %eq3A_290 : i32
          %convert_element_type3A_292 = arith.extui %eq3A_291 : i1 to i32
          %cond3A_293 = arith.constant 0 : i32
          %cond3A_294 = arith.cmpi ne, %convert_element_type3A_292, %cond3A_293 : i32
          scf.if %cond3A_294 {
            %get3A_327 = arith.constant 0 : index
            %get3A_328 = tpu.vector_load %arg7[%get3A_327] {strides = array<i32>} : memref<256xi32, #tpu.memory_space<vmem>>, vector<16xi32>,
            %and3A_329 = arith.constant 16383 : i32
            %and3A_330 = vector.broadcast %and3A_329 : i32 to vector<16xi32>
            %and3A_331 = arith.andi %get3A_328, %and3A_330 : vector<16xi32>
            %swap3A_332 = arith.constant 0 : index
            %swap3A_333 = tpu.vector_load %arg11[%swap3A_332] {strides = array<i32>} : memref<64xi32, #tpu.memory_space<vmem>>, vector<16xi32>,
            tpu.vector_store %arg11[%swap3A_332], %and3A_331 {strides = array<i32>} : memref<64xi32, #tpu.memory_space<vmem>>, vector<16xi32>,
            %get3A_334 = arith.constant 0 : index
            %get3A_335 = tpu.vector_load %arg8[%get3A_334] {strides = array<i32>} : memref<256xi32, #tpu.memory_space<vmem>>, vector<16xi32>,
            %swap3A_336 = arith.constant 0 : index
            %swap3A_337 = tpu.vector_load %arg12[%swap3A_336] {strides = array<i32>} : memref<64xi32, #tpu.memory_space<vmem>>, vector<16xi32>,
            tpu.vector_store %arg12[%swap3A_336], %get3A_335 {strides = array<i32>} : memref<64xi32, #tpu.memory_space<vmem>>, vector<16xi32>,
            %get3A_338 = arith.constant 16 : index
            %get3A_339 = tpu.vector_load %arg7[%get3A_338] {strides = array<i32>} : memref<256xi32, #tpu.memory_space<vmem>>, vector<16xi32>,
            %and3A_340 = arith.constant 16383 : i32
            %and3A_341 = vector.broadcast %and3A_340 : i32 to vector<16xi32>
            %and3A_342 = arith.andi %get3A_339, %and3A_341 : vector<16xi32>
            %swap3A_343 = arith.constant 16 : index
            %swap3A_344 = tpu.vector_load %arg11[%swap3A_343] {strides = array<i32>} : memref<64xi32, #tpu.memory_space<vmem>>, vector<16xi32>,
            tpu.vector_store %arg11[%swap3A_343], %and3A_342 {strides = array<i32>} : memref<64xi32, #tpu.memory_space<vmem>>, vector<16xi32>,
            %get3A_345 = arith.constant 16 : index
            %get3A_346 = tpu.vector_load %arg8[%get3A_345] {strides = array<i32>} : memref<256xi32, #tpu.memory_space<vmem>>, vector<16xi32>,
            %swap3A_347 = arith.constant 16 : index
            %swap3A_348 = tpu.vector_load %arg12[%swap3A_347] {strides = array<i32>} : memref<64xi32, #tpu.memory_space<vmem>>, vector<16xi32>,
            tpu.vector_store %arg12[%swap3A_347], %get3A_346 {strides = array<i32>} : memref<64xi32, #tpu.memory_space<vmem>>, vector<16xi32>,
            %get3A_349 = arith.constant 32 : index
            %get3A_350 = tpu.vector_load %arg7[%get3A_349] {strides = array<i32>} : memref<256xi32, #tpu.memory_space<vmem>>, vector<16xi32>,
            %and3A_351 = arith.constant 16383 : i32
            %and3A_352 = vector.broadcast %and3A_351 : i32 to vector<16xi32>
            %and3A_353 = arith.andi %get3A_350, %and3A_352 : vector<16xi32>
            %swap3A_354 = arith.constant 32 : index
            %swap3A_355 = tpu.vector_load %arg11[%swap3A_354] {strides = array<i32>} : memref<64xi32, #tpu.memory_space<vmem>>, vector<16xi32>,
            tpu.vector_store %arg11[%swap3A_354], %and3A_353 {strides = array<i32>} : memref<64xi32, #tpu.memory_space<vmem>>, vector<16xi32>,
            %get3A_356 = arith.constant 32 : index
            %get3A_357 = tpu.vector_load %arg8[%get3A_356] {strides = array<i32>} : memref<256xi32, #tpu.memory_space<vmem>>, vector<16xi32>,
            %swap3A_358 = arith.constant 32 : index
            %swap3A_359 = tpu.vector_load %arg12[%swap3A_358] {strides = array<i32>} : memref<64xi32, #tpu.memory_space<vmem>>, vector<16xi32>,
            tpu.vector_store %arg12[%swap3A_358], %get3A_357 {strides = array<i32>} : memref<64xi32, #tpu.memory_space<vmem>>, vector<16xi32>,
            %get3A_360 = arith.constant 48 : index
            %get3A_361 = tpu.vector_load %arg7[%get3A_360] {strides = array<i32>} : memref<256xi32, #tpu.memory_space<vmem>>, vector<16xi32>,
            %and3A_362 = arith.constant 16383 : i32
            %and3A_363 = vector.broadcast %and3A_362 : i32 to vector<16xi32>
            %and3A_364 = arith.andi %get3A_361, %and3A_363 : vector<16xi32>
            %swap3A_365 = arith.constant 48 : index
            %swap3A_366 = tpu.vector_load %arg11[%swap3A_365] {strides = array<i32>} : memref<64xi32, #tpu.memory_space<vmem>>, vector<16xi32>,
            tpu.vector_store %arg11[%swap3A_365], %and3A_364 {strides = array<i32>} : memref<64xi32, #tpu.memory_space<vmem>>, vector<16xi32>,
            %get3A_367 = arith.constant 48 : index
            %get3A_368 = tpu.vector_load %arg8[%get3A_367] {strides = array<i32>} : memref<256xi32, #tpu.memory_space<vmem>>, vector<16xi32>,
            %swap3A_369 = arith.constant 48 : index
            %swap3A_370 = tpu.vector_load %arg12[%swap3A_369] {strides = array<i32>} : memref<64xi32, #tpu.memory_space<vmem>>, vector<16xi32>,
            tpu.vector_store %arg12[%swap3A_369], %get3A_368 {strides = array<i32>} : memref<64xi32, #tpu.memory_space<vmem>>, vector<16xi32>,
            %dma_start3A_371 = arith.constant 0 : i32
            %dma_start3A_372 = arith.constant 0 : i32
            %dma_start3A_373 = tpu.memref_slice %arg2[%dma_start3A_371, %dma_start3A_372] : memref<540672x64xf32, #tpu.memory_space<hbm>> -> memref<540672x64xf32, #tpu.memory_space<hbm>>
            tpu.enqueue_indirect_dma source(%dma_start3A_373 : memref<540672x64xf32, #tpu.memory_space<hbm>>) target(%arg14 : memref<64x64xf32, #tpu.memory_space<vmem>>) offsets(%arg12 : memref<64xi32, #tpu.memory_space<vmem>>) semaphore(%arg19 : memref<!tpu.dma_semaphore, #tpu.memory_space<semaphore_mem>>)
          } else {
          }
          %get3A_295 = arith.constant 64 : index
          %get3A_296 = tpu.vector_load %arg7[%get3A_295] {strides = array<i32>} : memref<256xi32, #tpu.memory_space<vmem>>, vector<16xi32>,
          %swap3A_297 = arith.constant 0 : index
          %swap3A_298 = tpu.vector_load %arg7[%swap3A_297] {strides = array<i32>} : memref<256xi32, #tpu.memory_space<vmem>>, vector<16xi32>,
          tpu.vector_store %arg7[%swap3A_297], %get3A_296 {strides = array<i32>} : memref<256xi32, #tpu.memory_space<vmem>>, vector<16xi32>,
          %get3A_299 = arith.constant 64 : index
          %get3A_300 = tpu.vector_load %arg8[%get3A_299] {strides = array<i32>} : memref<256xi32, #tpu.memory_space<vmem>>, vector<16xi32>,
          %swap3A_301 = arith.constant 0 : index
          %swap3A_302 = tpu.vector_load %arg8[%swap3A_301] {strides = array<i32>} : memref<256xi32, #tpu.memory_space<vmem>>, vector<16xi32>,
          tpu.vector_store %arg8[%swap3A_301], %get3A_300 {strides = array<i32>} : memref<256xi32, #tpu.memory_space<vmem>>, vector<16xi32>,
          %get3A_303 = arith.constant 80 : index
          %get3A_304 = tpu.vector_load %arg7[%get3A_303] {strides = array<i32>} : memref<256xi32, #tpu.memory_space<vmem>>, vector<16xi32>,
          %swap3A_305 = arith.constant 16 : index
          %swap3A_306 = tpu.vector_load %arg7[%swap3A_305] {strides = array<i32>} : memref<256xi32, #tpu.memory_space<vmem>>, vector<16xi32>,
          tpu.vector_store %arg7[%swap3A_305], %get3A_304 {strides = array<i32>} : memref<256xi32, #tpu.memory_space<vmem>>, vector<16xi32>,
          %get3A_307 = arith.constant 80 : index
          %get3A_308 = tpu.vector_load %arg8[%get3A_307] {strides = array<i32>} : memref<256xi32, #tpu.memory_space<vmem>>, vector<16xi32>,
          %swap3A_309 = arith.constant 16 : index
          %swap3A_310 = tpu.vector_load %arg8[%swap3A_309] {strides = array<i32>} : memref<256xi32, #tpu.memory_space<vmem>>, vector<16xi32>,
          tpu.vector_store %arg8[%swap3A_309], %get3A_308 {strides = array<i32>} : memref<256xi32, #tpu.memory_space<vmem>>, vector<16xi32>,
          %get3A_311 = arith.constant 96 : index
          %get3A_312 = tpu.vector_load %arg7[%get3A_311] {strides = array<i32>} : memref<256xi32, #tpu.memory_space<vmem>>, vector<16xi32>,
          %swap3A_313 = arith.constant 32 : index
          %swap3A_314 = tpu.vector_load %arg7[%swap3A_313] {strides = array<i32>} : memref<256xi32, #tpu.memory_space<vmem>>, vector<16xi32>,
          tpu.vector_store %arg7[%swap3A_313], %get3A_312 {strides = array<i32>} : memref<256xi32, #tpu.memory_space<vmem>>, vector<16xi32>,
          %get3A_315 = arith.constant 96 : index
          %get3A_316 = tpu.vector_load %arg8[%get3A_315] {strides = array<i32>} : memref<256xi32, #tpu.memory_space<vmem>>, vector<16xi32>,
          %swap3A_317 = arith.constant 32 : index
          %swap3A_318 = tpu.vector_load %arg8[%swap3A_317] {strides = array<i32>} : memref<256xi32, #tpu.memory_space<vmem>>, vector<16xi32>,
          tpu.vector_store %arg8[%swap3A_317], %get3A_316 {strides = array<i32>} : memref<256xi32, #tpu.memory_space<vmem>>, vector<16xi32>,
          %get3A_319 = arith.constant 112 : index
          %get3A_320 = tpu.vector_load %arg7[%get3A_319] {strides = array<i32>} : memref<256xi32, #tpu.memory_space<vmem>>, vector<16xi32>,
          %swap3A_321 = arith.constant 48 : index
          %swap3A_322 = tpu.vector_load %arg7[%swap3A_321] {strides = array<i32>} : memref<256xi32, #tpu.memory_space<vmem>>, vector<16xi32>,
          tpu.vector_store %arg7[%swap3A_321], %get3A_320 {strides = array<i32>} : memref<256xi32, #tpu.memory_space<vmem>>, vector<16xi32>,
          %get3A_323 = arith.constant 112 : index
          %get3A_324 = tpu.vector_load %arg8[%get3A_323] {strides = array<i32>} : memref<256xi32, #tpu.memory_space<vmem>>, vector<16xi32>,
          %swap3A_325 = arith.constant 48 : index
          %swap3A_326 = tpu.vector_load %arg8[%swap3A_325] {strides = array<i32>} : memref<256xi32, #tpu.memory_space<vmem>>, vector<16xi32>,
          tpu.vector_store %arg8[%swap3A_325], %get3A_324 {strides = array<i32>} : memref<256xi32, #tpu.memory_space<vmem>>, vector<16xi32>,
        } else {
        }
        %ge3A_258 = arith.constant 64 : i32
        %ge3A_259 = arith.cmpi sge, %add3A_253, %ge3A_258 : i32
        %sub3A = arith.constant 64 : i32
        %sub3A_260 = arith.subi %add3A_253, %sub3A : i32
        %select_n3A = arith.select %ge3A_259, %sub3A_260, %add3A_253 : i32
        %add3A_261 = arith.constant 1 : i32
        %add3A_262 = arith.addi %scan3A_153, %add3A_261 : i32
        %min3A_263 = arith.constant 2 : i32
        %min3A_264 = arith.minsi %add3A_262, %min3A_263 : i32
        %select_n3A_265 = arith.select %ge3A_259, %min3A_264, %scan3A_153 : i32
        %sub3A_266 = arith.constant 1 : i32
        %sub3A_267 = arith.subi %sub3A_266, %scan3A_154 : i32
        %select_n3A_268 = arith.select %ge3A_259, %sub3A_267, %scan3A_154 : i32
        scf.yield %select_n3A, %select_n3A_265, %select_n3A_268 : i32, i32, i32
      }
      %scan3A_58 = arith.constant 528 : i32
      %broadcast_in_dim3A = arith.constant 16000 : i32
      %broadcast_in_dim3A_59 = vector.broadcast %broadcast_in_dim3A : i32 to vector<16xi32>
      %broadcast_in_dim3A_60 = arith.constant 0 : i32
      %broadcast_in_dim3A_61 = vector.broadcast %broadcast_in_dim3A_60 : i32 to vector<16xi32>
      %add3A_62 = arith.constant 0 : i32
      %add3A_63 = arith.addi %scan3A_57#0, %add3A_62 : i32
      %swap3A = arith.index_cast %add3A_63 : i32 to index
      %swap3A_64 = tpu.vector_load %arg7[%swap3A] {strides = array<i32>} : memref<256xi32, #tpu.memory_space<vmem>>, vector<16xi32>,
      tpu.vector_store %arg7[%swap3A], %broadcast_in_dim3A_59 {strides = array<i32>} : memref<256xi32, #tpu.memory_space<vmem>>, vector<16xi32>,
      %add3A_65 = arith.constant 0 : i32
      %add3A_66 = arith.addi %scan3A_57#0, %add3A_65 : i32
      %swap3A_67 = arith.index_cast %add3A_66 : i32 to index
      %swap3A_68 = tpu.vector_load %arg8[%swap3A_67] {strides = array<i32>} : memref<256xi32, #tpu.memory_space<vmem>>, vector<16xi32>,
      tpu.vector_store %arg8[%swap3A_67], %broadcast_in_dim3A_61 {strides = array<i32>} : memref<256xi32, #tpu.memory_space<vmem>>, vector<16xi32>,
      %add3A_69 = arith.constant 16 : i32
      %add3A_70 = arith.addi %scan3A_57#0, %add3A_69 : i32
      %swap3A_71 = arith.index_cast %add3A_70 : i32 to index
      %swap3A_72 = tpu.vector_load %arg7[%swap3A_71] {strides = array<i32>} : memref<256xi32, #tpu.memory_space<vmem>>, vector<16xi32>,
      tpu.vector_store %arg7[%swap3A_71], %broadcast_in_dim3A_59 {strides = array<i32>} : memref<256xi32, #tpu.memory_space<vmem>>, vector<16xi32>,
      %add3A_73 = arith.constant 16 : i32
      %add3A_74 = arith.addi %scan3A_57#0, %add3A_73 : i32
      %swap3A_75 = arith.index_cast %add3A_74 : i32 to index
      %swap3A_76 = tpu.vector_load %arg8[%swap3A_75] {strides = array<i32>} : memref<256xi32, #tpu.memory_space<vmem>>, vector<16xi32>,
      tpu.vector_store %arg8[%swap3A_75], %broadcast_in_dim3A_61 {strides = array<i32>} : memref<256xi32, #tpu.memory_space<vmem>>, vector<16xi32>,
      %add3A_77 = arith.constant 32 : i32
      %add3A_78 = arith.addi %scan3A_57#0, %add3A_77 : i32
      %swap3A_79 = arith.index_cast %add3A_78 : i32 to index
      %swap3A_80 = tpu.vector_load %arg7[%swap3A_79] {strides = array<i32>} : memref<256xi32, #tpu.memory_space<vmem>>, vector<16xi32>,
      tpu.vector_store %arg7[%swap3A_79], %broadcast_in_dim3A_59 {strides = array<i32>} : memref<256xi32, #tpu.memory_space<vmem>>, vector<16xi32>,
      %add3A_81 = arith.constant 32 : i32
      %add3A_82 = arith.addi %scan3A_57#0, %add3A_81 : i32
      %swap3A_83 = arith.index_cast %add3A_82 : i32 to index
      %swap3A_84 = tpu.vector_load %arg8[%swap3A_83] {strides = array<i32>} : memref<256xi32, #tpu.memory_space<vmem>>, vector<16xi32>,
      tpu.vector_store %arg8[%swap3A_83], %broadcast_in_dim3A_61 {strides = array<i32>} : memref<256xi32, #tpu.memory_space<vmem>>, vector<16xi32>,
      %add3A_85 = arith.constant 48 : i32
      %add3A_86 = arith.addi %scan3A_57#0, %add3A_85 : i32
      %swap3A_87 = arith.index_cast %add3A_86 : i32 to index
      %swap3A_88 = tpu.vector_load %arg7[%swap3A_87] {strides = array<i32>} : memref<256xi32, #tpu.memory_space<vmem>>, vector<16xi32>,
      tpu.vector_store %arg7[%swap3A_87], %broadcast_in_dim3A_59 {strides = array<i32>} : memref<256xi32, #tpu.memory_space<vmem>>, vector<16xi32>,
      %add3A_89 = arith.constant 48 : i32
      %add3A_90 = arith.addi %scan3A_57#0, %add3A_89 : i32
      %swap3A_91 = arith.index_cast %add3A_90 : i32 to index
      %swap3A_92 = tpu.vector_load %arg8[%swap3A_91] {strides = array<i32>} : memref<256xi32, #tpu.memory_space<vmem>>, vector<16xi32>,
      tpu.vector_store %arg8[%swap3A_91], %broadcast_in_dim3A_61 {strides = array<i32>} : memref<256xi32, #tpu.memory_space<vmem>>, vector<16xi32>,
      %eq3A = arith.constant 2 : i32
      %eq3A_93 = arith.cmpi eq, %scan3A_57#1, %eq3A : i32
      %eq3A_94 = arith.constant 0 : i32
      %eq3A_95 = arith.cmpi eq, %scan3A_57#2, %eq3A_94 : i32
      %and3A = arith.andi %eq3A_93, %eq3A_95 : i1
      %convert_element_type3A = arith.extui %and3A : i1 to i32
      %cond3A = arith.constant 0 : i32
      %cond3A_96 = arith.cmpi ne, %convert_element_type3A, %cond3A : i32
      scf.if %cond3A_96 {
        %dma_wait3A_151 = arith.constant 0 : i32
        %dma_wait3A_152 = arith.constant 0 : i32
        %dma_wait3A_153 = tpu.memref_slice %arg2[%dma_wait3A_151, %dma_wait3A_152] : memref<540672x64xf32, #tpu.memory_space<hbm>> -> memref<540672x64xf32, #tpu.memory_space<hbm>>
        tpu.wait_indirect_dma semaphore(%arg18 : memref<!tpu.dma_semaphore, #tpu.memory_space<semaphore_mem>>) src(%dma_wait3A_153 : memref<540672x64xf32, #tpu.memory_space<hbm>>) dst(%arg13 : memref<64x64xf32, #tpu.memory_space<vmem>>)
        "tpu.region"() ({
          %run_scoped3A = tpu.sem_alloc : memref<!tpu.dma_semaphore, #tpu.memory_space<semaphore_mem>>
          %dma_start3A_154 = arith.constant 0 : i32
          %dma_start3A_155 = arith.constant 0 : i32
          %dma_start3A_156 = tpu.memref_slice %arg5[%dma_start3A_154, %dma_start3A_155] : memref<16008x64xf32, #tpu.memory_space<vmem_shared>> -> memref<16008x64xf32, #tpu.memory_space<vmem_shared>>
          tpu.enqueue_indirect_dma source(%arg13 : memref<64x64xf32, #tpu.memory_space<vmem>>) target(%dma_start3A_156 : memref<16008x64xf32, #tpu.memory_space<vmem_shared>>) offsets(%arg9 : memref<64xi32, #tpu.memory_space<vmem>>) semaphore(%run_scoped3A : memref<!tpu.dma_semaphore, #tpu.memory_space<semaphore_mem>>) {add = true}
          %dma_wait3A_157 = arith.constant 0 : i32
          %dma_wait3A_158 = arith.constant 0 : i32
          %dma_wait3A_159 = tpu.memref_slice %arg5[%dma_wait3A_157, %dma_wait3A_158] : memref<16008x64xf32, #tpu.memory_space<vmem_shared>> -> memref<16008x64xf32, #tpu.memory_space<vmem_shared>>
          tpu.wait_indirect_dma semaphore(%run_scoped3A : memref<!tpu.dma_semaphore, #tpu.memory_space<semaphore_mem>>) src(%arg13 : memref<64x64xf32, #tpu.memory_space<vmem>>) dst(%dma_wait3A_159 : memref<16008x64xf32, #tpu.memory_space<vmem_shared>>)
          tpu.yield
        }) : () -> ()
      } else {
      }
      %eq3A_97 = arith.constant 2 : i32
      %eq3A_98 = arith.cmpi eq, %scan3A_57#1, %eq3A_97 : i32
      %eq3A_99 = arith.constant 1 : i32
      %eq3A_100 = arith.cmpi eq, %scan3A_57#2, %eq3A_99 : i32
      %and3A_101 = arith.andi %eq3A_98, %eq3A_100 : i1
      %convert_element_type3A_102 = arith.extui %and3A_101 : i1 to i32
      %cond3A_103 = arith.constant 0 : i32
      %cond3A_104 = arith.cmpi ne, %convert_element_type3A_102, %cond3A_103 : i32
      scf.if %cond3A_104 {
        %dma_wait3A_151 = arith.constant 0 : i32
        %dma_wait3A_152 = arith.constant 0 : i32
        %dma_wait3A_153 = tpu.memref_slice %arg2[%dma_wait3A_151, %dma_wait3A_152] : memref<540672x64xf32, #tpu.memory_space<hbm>> -> memref<540672x64xf32, #tpu.memory_space<hbm>>
        tpu.wait_indirect_dma semaphore(%arg19 : memref<!tpu.dma_semaphore, #tpu.memory_space<semaphore_mem>>) src(%dma_wait3A_153 : memref<540672x64xf32, #tpu.memory_space<hbm>>) dst(%arg14 : memref<64x64xf32, #tpu.memory_space<vmem>>)
        "tpu.region"() ({
          %run_scoped3A = tpu.sem_alloc : memref<!tpu.dma_semaphore, #tpu.memory_space<semaphore_mem>>
          %dma_start3A_154 = arith.constant 0 : i32
          %dma_start3A_155 = arith.constant 0 : i32
          %dma_start3A_156 = tpu.memref_slice %arg5[%dma_start3A_154, %dma_start3A_155] : memref<16008x64xf32, #tpu.memory_space<vmem_shared>> -> memref<16008x64xf32, #tpu.memory_space<vmem_shared>>
          tpu.enqueue_indirect_dma source(%arg14 : memref<64x64xf32, #tpu.memory_space<vmem>>) target(%dma_start3A_156 : memref<16008x64xf32, #tpu.memory_space<vmem_shared>>) offsets(%arg11 : memref<64xi32, #tpu.memory_space<vmem>>) semaphore(%run_scoped3A : memref<!tpu.dma_semaphore, #tpu.memory_space<semaphore_mem>>) {add = true}
          %dma_wait3A_157 = arith.constant 0 : i32
          %dma_wait3A_158 = arith.constant 0 : i32
          %dma_wait3A_159 = tpu.memref_slice %arg5[%dma_wait3A_157, %dma_wait3A_158] : memref<16008x64xf32, #tpu.memory_space<vmem_shared>> -> memref<16008x64xf32, #tpu.memory_space<vmem_shared>>
          tpu.wait_indirect_dma semaphore(%run_scoped3A : memref<!tpu.dma_semaphore, #tpu.memory_space<semaphore_mem>>) src(%arg14 : memref<64x64xf32, #tpu.memory_space<vmem>>) dst(%dma_wait3A_159 : memref<16008x64xf32, #tpu.memory_space<vmem_shared>>)
          tpu.yield
        }) : () -> ()
      } else {
      }
      %eq3A_105 = arith.constant 0 : i32
      %eq3A_106 = arith.cmpi eq, %scan3A_57#2, %eq3A_105 : i32
      %convert_element_type3A_107 = arith.extui %eq3A_106 : i1 to i32
      %cond3A_108 = arith.constant 0 : i32
      %cond3A_109 = arith.cmpi ne, %convert_element_type3A_107, %cond3A_108 : i32
      scf.if %cond3A_109 {
        %get3A = arith.constant 0 : index
        %get3A_151 = tpu.vector_load %arg7[%get3A] {strides = array<i32>} : memref<256xi32, #tpu.memory_space<vmem>>, vector<16xi32>,
        %and3A_152 = arith.constant 16383 : i32
        %and3A_153 = vector.broadcast %and3A_152 : i32 to vector<16xi32>
        %and3A_154 = arith.andi %get3A_151, %and3A_153 : vector<16xi32>
        %swap3A_155 = arith.constant 0 : index
        %swap3A_156 = tpu.vector_load %arg9[%swap3A_155] {strides = array<i32>} : memref<64xi32, #tpu.memory_space<vmem>>, vector<16xi32>,
        tpu.vector_store %arg9[%swap3A_155], %and3A_154 {strides = array<i32>} : memref<64xi32, #tpu.memory_space<vmem>>, vector<16xi32>,
        %get3A_157 = arith.constant 0 : index
        %get3A_158 = tpu.vector_load %arg8[%get3A_157] {strides = array<i32>} : memref<256xi32, #tpu.memory_space<vmem>>, vector<16xi32>,
        %swap3A_159 = arith.constant 0 : index
        %swap3A_160 = tpu.vector_load %arg10[%swap3A_159] {strides = array<i32>} : memref<64xi32, #tpu.memory_space<vmem>>, vector<16xi32>,
        tpu.vector_store %arg10[%swap3A_159], %get3A_158 {strides = array<i32>} : memref<64xi32, #tpu.memory_space<vmem>>, vector<16xi32>,
        %get3A_161 = arith.constant 16 : index
        %get3A_162 = tpu.vector_load %arg7[%get3A_161] {strides = array<i32>} : memref<256xi32, #tpu.memory_space<vmem>>, vector<16xi32>,
        %and3A_163 = arith.constant 16383 : i32
        %and3A_164 = vector.broadcast %and3A_163 : i32 to vector<16xi32>
        %and3A_165 = arith.andi %get3A_162, %and3A_164 : vector<16xi32>
        %swap3A_166 = arith.constant 16 : index
        %swap3A_167 = tpu.vector_load %arg9[%swap3A_166] {strides = array<i32>} : memref<64xi32, #tpu.memory_space<vmem>>, vector<16xi32>,
        tpu.vector_store %arg9[%swap3A_166], %and3A_165 {strides = array<i32>} : memref<64xi32, #tpu.memory_space<vmem>>, vector<16xi32>,
        %get3A_168 = arith.constant 16 : index
        %get3A_169 = tpu.vector_load %arg8[%get3A_168] {strides = array<i32>} : memref<256xi32, #tpu.memory_space<vmem>>, vector<16xi32>,
        %swap3A_170 = arith.constant 16 : index
        %swap3A_171 = tpu.vector_load %arg10[%swap3A_170] {strides = array<i32>} : memref<64xi32, #tpu.memory_space<vmem>>, vector<16xi32>,
        tpu.vector_store %arg10[%swap3A_170], %get3A_169 {strides = array<i32>} : memref<64xi32, #tpu.memory_space<vmem>>, vector<16xi32>,
        %get3A_172 = arith.constant 32 : index
        %get3A_173 = tpu.vector_load %arg7[%get3A_172] {strides = array<i32>} : memref<256xi32, #tpu.memory_space<vmem>>, vector<16xi32>,
        %and3A_174 = arith.constant 16383 : i32
        %and3A_175 = vector.broadcast %and3A_174 : i32 to vector<16xi32>
        %and3A_176 = arith.andi %get3A_173, %and3A_175 : vector<16xi32>
        %swap3A_177 = arith.constant 32 : index
        %swap3A_178 = tpu.vector_load %arg9[%swap3A_177] {strides = array<i32>} : memref<64xi32, #tpu.memory_space<vmem>>, vector<16xi32>,
        tpu.vector_store %arg9[%swap3A_177], %and3A_176 {strides = array<i32>} : memref<64xi32, #tpu.memory_space<vmem>>, vector<16xi32>,
        %get3A_179 = arith.constant 32 : index
        %get3A_180 = tpu.vector_load %arg8[%get3A_179] {strides = array<i32>} : memref<256xi32, #tpu.memory_space<vmem>>, vector<16xi32>,
        %swap3A_181 = arith.constant 32 : index
        %swap3A_182 = tpu.vector_load %arg10[%swap3A_181] {strides = array<i32>} : memref<64xi32, #tpu.memory_space<vmem>>, vector<16xi32>,
        tpu.vector_store %arg10[%swap3A_181], %get3A_180 {strides = array<i32>} : memref<64xi32, #tpu.memory_space<vmem>>, vector<16xi32>,
        %get3A_183 = arith.constant 48 : index
        %get3A_184 = tpu.vector_load %arg7[%get3A_183] {strides = array<i32>} : memref<256xi32, #tpu.memory_space<vmem>>, vector<16xi32>,
        %and3A_185 = arith.constant 16383 : i32
        %and3A_186 = vector.broadcast %and3A_185 : i32 to vector<16xi32>
        %and3A_187 = arith.andi %get3A_184, %and3A_186 : vector<16xi32>
        %swap3A_188 = arith.constant 48 : index
        %swap3A_189 = tpu.vector_load %arg9[%swap3A_188] {strides = array<i32>} : memref<64xi32, #tpu.memory_space<vmem>>, vector<16xi32>,
        tpu.vector_store %arg9[%swap3A_188], %and3A_187 {strides = array<i32>} : memref<64xi32, #tpu.memory_space<vmem>>, vector<16xi32>,
        %get3A_190 = arith.constant 48 : index
        %get3A_191 = tpu.vector_load %arg8[%get3A_190] {strides = array<i32>} : memref<256xi32, #tpu.memory_space<vmem>>, vector<16xi32>,
        %swap3A_192 = arith.constant 48 : index
        %swap3A_193 = tpu.vector_load %arg10[%swap3A_192] {strides = array<i32>} : memref<64xi32, #tpu.memory_space<vmem>>, vector<16xi32>,
        tpu.vector_store %arg10[%swap3A_192], %get3A_191 {strides = array<i32>} : memref<64xi32, #tpu.memory_space<vmem>>, vector<16xi32>,
        %dma_start3A_194 = arith.constant 0 : i32
        %dma_start3A_195 = arith.constant 0 : i32
        %dma_start3A_196 = tpu.memref_slice %arg2[%dma_start3A_194, %dma_start3A_195] : memref<540672x64xf32, #tpu.memory_space<hbm>> -> memref<540672x64xf32, #tpu.memory_space<hbm>>
        tpu.enqueue_indirect_dma source(%dma_start3A_196 : memref<540672x64xf32, #tpu.memory_space<hbm>>) target(%arg13 : memref<64x64xf32, #tpu.memory_space<vmem>>) offsets(%arg10 : memref<64xi32, #tpu.memory_space<vmem>>) semaphore(%arg18 : memref<!tpu.dma_semaphore, #tpu.memory_space<semaphore_mem>>)
      } else {
      }
      %eq3A_110 = arith.constant 1 : i32
      %eq3A_111 = arith.cmpi eq, %scan3A_57#2, %eq3A_110 : i32
      %convert_element_type3A_112 = arith.extui %eq3A_111 : i1 to i32
      %cond3A_113 = arith.constant 0 : i32
      %cond3A_114 = arith.cmpi ne, %convert_element_type3A_112, %cond3A_113 : i32
      scf.if %cond3A_114 {
        %get3A = arith.constant 0 : index
        %get3A_151 = tpu.vector_load %arg7[%get3A] {strides = array<i32>} : memref<256xi32, #tpu.memory_space<vmem>>, vector<16xi32>,
        %and3A_152 = arith.constant 16383 : i32
        %and3A_153 = vector.broadcast %and3A_152 : i32 to vector<16xi32>
        %and3A_154 = arith.andi %get3A_151, %and3A_153 : vector<16xi32>
        %swap3A_155 = arith.constant 0 : index
        %swap3A_156 = tpu.vector_load %arg11[%swap3A_155] {strides = array<i32>} : memref<64xi32, #tpu.memory_space<vmem>>, vector<16xi32>,
        tpu.vector_store %arg11[%swap3A_155], %and3A_154 {strides = array<i32>} : memref<64xi32, #tpu.memory_space<vmem>>, vector<16xi32>,
        %get3A_157 = arith.constant 0 : index
        %get3A_158 = tpu.vector_load %arg8[%get3A_157] {strides = array<i32>} : memref<256xi32, #tpu.memory_space<vmem>>, vector<16xi32>,
        %swap3A_159 = arith.constant 0 : index
        %swap3A_160 = tpu.vector_load %arg12[%swap3A_159] {strides = array<i32>} : memref<64xi32, #tpu.memory_space<vmem>>, vector<16xi32>,
        tpu.vector_store %arg12[%swap3A_159], %get3A_158 {strides = array<i32>} : memref<64xi32, #tpu.memory_space<vmem>>, vector<16xi32>,
        %get3A_161 = arith.constant 16 : index
        %get3A_162 = tpu.vector_load %arg7[%get3A_161] {strides = array<i32>} : memref<256xi32, #tpu.memory_space<vmem>>, vector<16xi32>,
        %and3A_163 = arith.constant 16383 : i32
        %and3A_164 = vector.broadcast %and3A_163 : i32 to vector<16xi32>
        %and3A_165 = arith.andi %get3A_162, %and3A_164 : vector<16xi32>
        %swap3A_166 = arith.constant 16 : index
        %swap3A_167 = tpu.vector_load %arg11[%swap3A_166] {strides = array<i32>} : memref<64xi32, #tpu.memory_space<vmem>>, vector<16xi32>,
        tpu.vector_store %arg11[%swap3A_166], %and3A_165 {strides = array<i32>} : memref<64xi32, #tpu.memory_space<vmem>>, vector<16xi32>,
        %get3A_168 = arith.constant 16 : index
        %get3A_169 = tpu.vector_load %arg8[%get3A_168] {strides = array<i32>} : memref<256xi32, #tpu.memory_space<vmem>>, vector<16xi32>,
        %swap3A_170 = arith.constant 16 : index
        %swap3A_171 = tpu.vector_load %arg12[%swap3A_170] {strides = array<i32>} : memref<64xi32, #tpu.memory_space<vmem>>, vector<16xi32>,
        tpu.vector_store %arg12[%swap3A_170], %get3A_169 {strides = array<i32>} : memref<64xi32, #tpu.memory_space<vmem>>, vector<16xi32>,
        %get3A_172 = arith.constant 32 : index
        %get3A_173 = tpu.vector_load %arg7[%get3A_172] {strides = array<i32>} : memref<256xi32, #tpu.memory_space<vmem>>, vector<16xi32>,
        %and3A_174 = arith.constant 16383 : i32
        %and3A_175 = vector.broadcast %and3A_174 : i32 to vector<16xi32>
        %and3A_176 = arith.andi %get3A_173, %and3A_175 : vector<16xi32>
        %swap3A_177 = arith.constant 32 : index
        %swap3A_178 = tpu.vector_load %arg11[%swap3A_177] {strides = array<i32>} : memref<64xi32, #tpu.memory_space<vmem>>, vector<16xi32>,
        tpu.vector_store %arg11[%swap3A_177], %and3A_176 {strides = array<i32>} : memref<64xi32, #tpu.memory_space<vmem>>, vector<16xi32>,
        %get3A_179 = arith.constant 32 : index
        %get3A_180 = tpu.vector_load %arg8[%get3A_179] {strides = array<i32>} : memref<256xi32, #tpu.memory_space<vmem>>, vector<16xi32>,
        %swap3A_181 = arith.constant 32 : index
        %swap3A_182 = tpu.vector_load %arg12[%swap3A_181] {strides = array<i32>} : memref<64xi32, #tpu.memory_space<vmem>>, vector<16xi32>,
        tpu.vector_store %arg12[%swap3A_181], %get3A_180 {strides = array<i32>} : memref<64xi32, #tpu.memory_space<vmem>>, vector<16xi32>,
        %get3A_183 = arith.constant 48 : index
        %get3A_184 = tpu.vector_load %arg7[%get3A_183] {strides = array<i32>} : memref<256xi32, #tpu.memory_space<vmem>>, vector<16xi32>,
        %and3A_185 = arith.constant 16383 : i32
        %and3A_186 = vector.broadcast %and3A_185 : i32 to vector<16xi32>
        %and3A_187 = arith.andi %get3A_184, %and3A_186 : vector<16xi32>
        %swap3A_188 = arith.constant 48 : index
        %swap3A_189 = tpu.vector_load %arg11[%swap3A_188] {strides = array<i32>} : memref<64xi32, #tpu.memory_space<vmem>>, vector<16xi32>,
        tpu.vector_store %arg11[%swap3A_188], %and3A_187 {strides = array<i32>} : memref<64xi32, #tpu.memory_space<vmem>>, vector<16xi32>,
        %get3A_190 = arith.constant 48 : index
        %get3A_191 = tpu.vector_load %arg8[%get3A_190] {strides = array<i32>} : memref<256xi32, #tpu.memory_space<vmem>>, vector<16xi32>,
        %swap3A_192 = arith.constant 48 : index
        %swap3A_193 = tpu.vector_load %arg12[%swap3A_192] {strides = array<i32>} : memref<64xi32, #tpu.memory_space<vmem>>, vector<16xi32>,
        tpu.vector_store %arg12[%swap3A_192], %get3A_191 {strides = array<i32>} : memref<64xi32, #tpu.memory_space<vmem>>, vector<16xi32>,
        %dma_start3A_194 = arith.constant 0 : i32
        %dma_start3A_195 = arith.constant 0 : i32
        %dma_start3A_196 = tpu.memref_slice %arg2[%dma_start3A_194, %dma_start3A_195] : memref<540672x64xf32, #tpu.memory_space<hbm>> -> memref<540672x64xf32, #tpu.memory_space<hbm>>
        tpu.enqueue_indirect_dma source(%dma_start3A_196 : memref<540672x64xf32, #tpu.memory_space<hbm>>) target(%arg14 : memref<64x64xf32, #tpu.memory_space<vmem>>) offsets(%arg12 : memref<64xi32, #tpu.memory_space<vmem>>) semaphore(%arg19 : memref<!tpu.dma_semaphore, #tpu.memory_space<semaphore_mem>>)
      } else {
      }
      %add3A_115 = arith.constant 1 : i32
      %add3A_116 = arith.addi %scan3A_57#1, %add3A_115 : i32
      %min3A = arith.constant 2 : i32
      %min3A_117 = arith.minsi %add3A_116, %min3A : i32
      %eq3A_118 = arith.constant 2 : i32
      %eq3A_119 = arith.cmpi eq, %min3A_117, %eq3A_118 : i32
      %eq3A_120 = arith.constant 0 : i32
      %eq3A_121 = arith.cmpi eq, %scan3A_57#2, %eq3A_120 : i32
      %and3A_122 = arith.andi %eq3A_119, %eq3A_121 : i1
      %convert_element_type3A_123 = arith.extui %and3A_122 : i1 to i32
      %cond3A_124 = arith.constant 0 : i32
      %cond3A_125 = arith.cmpi ne, %convert_element_type3A_123, %cond3A_124 : i32
      scf.if %cond3A_125 {
        %dma_wait3A_151 = arith.constant 0 : i32
        %dma_wait3A_152 = arith.constant 0 : i32
        %dma_wait3A_153 = tpu.memref_slice %arg2[%dma_wait3A_151, %dma_wait3A_152] : memref<540672x64xf32, #tpu.memory_space<hbm>> -> memref<540672x64xf32, #tpu.memory_space<hbm>>
        tpu.wait_indirect_dma semaphore(%arg19 : memref<!tpu.dma_semaphore, #tpu.memory_space<semaphore_mem>>) src(%dma_wait3A_153 : memref<540672x64xf32, #tpu.memory_space<hbm>>) dst(%arg14 : memref<64x64xf32, #tpu.memory_space<vmem>>)
        "tpu.region"() ({
          %run_scoped3A = tpu.sem_alloc : memref<!tpu.dma_semaphore, #tpu.memory_space<semaphore_mem>>
          %dma_start3A_154 = arith.constant 0 : i32
          %dma_start3A_155 = arith.constant 0 : i32
          %dma_start3A_156 = tpu.memref_slice %arg5[%dma_start3A_154, %dma_start3A_155] : memref<16008x64xf32, #tpu.memory_space<vmem_shared>> -> memref<16008x64xf32, #tpu.memory_space<vmem_shared>>
          tpu.enqueue_indirect_dma source(%arg14 : memref<64x64xf32, #tpu.memory_space<vmem>>) target(%dma_start3A_156 : memref<16008x64xf32, #tpu.memory_space<vmem_shared>>) offsets(%arg11 : memref<64xi32, #tpu.memory_space<vmem>>) semaphore(%run_scoped3A : memref<!tpu.dma_semaphore, #tpu.memory_space<semaphore_mem>>) {add = true}
          %dma_wait3A_157 = arith.constant 0 : i32
          %dma_wait3A_158 = arith.constant 0 : i32
          %dma_wait3A_159 = tpu.memref_slice %arg5[%dma_wait3A_157, %dma_wait3A_158] : memref<16008x64xf32, #tpu.memory_space<vmem_shared>> -> memref<16008x64xf32, #tpu.memory_space<vmem_shared>>
          tpu.wait_indirect_dma semaphore(%run_scoped3A : memref<!tpu.dma_semaphore, #tpu.memory_space<semaphore_mem>>) src(%arg14 : memref<64x64xf32, #tpu.memory_space<vmem>>) dst(%dma_wait3A_159 : memref<16008x64xf32, #tpu.memory_space<vmem_shared>>)
          tpu.yield
        }) : () -> ()
      } else {
      }
      %eq3A_126 = arith.constant 2 : i32
      %eq3A_127 = arith.cmpi eq, %min3A_117, %eq3A_126 : i32
      %eq3A_128 = arith.constant 1 : i32
      %eq3A_129 = arith.cmpi eq, %scan3A_57#2, %eq3A_128 : i32
      %and3A_130 = arith.andi %eq3A_127, %eq3A_129 : i1
      %convert_element_type3A_131 = arith.extui %and3A_130 : i1 to i32
      %cond3A_132 = arith.constant 0 : i32
      %cond3A_133 = arith.cmpi ne, %convert_element_type3A_131, %cond3A_132 : i32
      scf.if %cond3A_133 {
        %dma_wait3A_151 = arith.constant 0 : i32
        %dma_wait3A_152 = arith.constant 0 : i32
        %dma_wait3A_153 = tpu.memref_slice %arg2[%dma_wait3A_151, %dma_wait3A_152] : memref<540672x64xf32, #tpu.memory_space<hbm>> -> memref<540672x64xf32, #tpu.memory_space<hbm>>
        tpu.wait_indirect_dma semaphore(%arg18 : memref<!tpu.dma_semaphore, #tpu.memory_space<semaphore_mem>>) src(%dma_wait3A_153 : memref<540672x64xf32, #tpu.memory_space<hbm>>) dst(%arg13 : memref<64x64xf32, #tpu.memory_space<vmem>>)
        "tpu.region"() ({
          %run_scoped3A = tpu.sem_alloc : memref<!tpu.dma_semaphore, #tpu.memory_space<semaphore_mem>>
          %dma_start3A_154 = arith.constant 0 : i32
          %dma_start3A_155 = arith.constant 0 : i32
          %dma_start3A_156 = tpu.memref_slice %arg5[%dma_start3A_154, %dma_start3A_155] : memref<16008x64xf32, #tpu.memory_space<vmem_shared>> -> memref<16008x64xf32, #tpu.memory_space<vmem_shared>>
          tpu.enqueue_indirect_dma source(%arg13 : memref<64x64xf32, #tpu.memory_space<vmem>>) target(%dma_start3A_156 : memref<16008x64xf32, #tpu.memory_space<vmem_shared>>) offsets(%arg9 : memref<64xi32, #tpu.memory_space<vmem>>) semaphore(%run_scoped3A : memref<!tpu.dma_semaphore, #tpu.memory_space<semaphore_mem>>) {add = true}
          %dma_wait3A_157 = arith.constant 0 : i32
          %dma_wait3A_158 = arith.constant 0 : i32
          %dma_wait3A_159 = tpu.memref_slice %arg5[%dma_wait3A_157, %dma_wait3A_158] : memref<16008x64xf32, #tpu.memory_space<vmem_shared>> -> memref<16008x64xf32, #tpu.memory_space<vmem_shared>>
          tpu.wait_indirect_dma semaphore(%run_scoped3A : memref<!tpu.dma_semaphore, #tpu.memory_space<semaphore_mem>>) src(%arg13 : memref<64x64xf32, #tpu.memory_space<vmem>>) dst(%dma_wait3A_159 : memref<16008x64xf32, #tpu.memory_space<vmem_shared>>)
          tpu.yield
        }) : () -> ()
      } else {
      }
      %eq3A_134 = arith.constant 0 : i32
      %eq3A_135 = arith.cmpi eq, %scan3A_57#2, %eq3A_134 : i32
      %convert_element_type3A_136 = arith.extui %eq3A_135 : i1 to i32
      %cond3A_137 = arith.constant 0 : i32
      %cond3A_138 = arith.cmpi ne, %convert_element_type3A_136, %cond3A_137 : i32
      scf.if %cond3A_138 {
        %dma_wait3A_151 = arith.constant 0 : i32
        %dma_wait3A_152 = arith.constant 0 : i32
        %dma_wait3A_153 = tpu.memref_slice %arg2[%dma_wait3A_151, %dma_wait3A_152] : memref<540672x64xf32, #tpu.memory_space<hbm>> -> memref<540672x64xf32, #tpu.memory_space<hbm>>
        tpu.wait_indirect_dma semaphore(%arg18 : memref<!tpu.dma_semaphore, #tpu.memory_space<semaphore_mem>>) src(%dma_wait3A_153 : memref<540672x64xf32, #tpu.memory_space<hbm>>) dst(%arg13 : memref<64x64xf32, #tpu.memory_space<vmem>>)
        "tpu.region"() ({
          %run_scoped3A = tpu.sem_alloc : memref<!tpu.dma_semaphore, #tpu.memory_space<semaphore_mem>>
          %dma_start3A_154 = arith.constant 0 : i32
          %dma_start3A_155 = arith.constant 0 : i32
          %dma_start3A_156 = tpu.memref_slice %arg5[%dma_start3A_154, %dma_start3A_155] : memref<16008x64xf32, #tpu.memory_space<vmem_shared>> -> memref<16008x64xf32, #tpu.memory_space<vmem_shared>>
          tpu.enqueue_indirect_dma source(%arg13 : memref<64x64xf32, #tpu.memory_space<vmem>>) target(%dma_start3A_156 : memref<16008x64xf32, #tpu.memory_space<vmem_shared>>) offsets(%arg9 : memref<64xi32, #tpu.memory_space<vmem>>) semaphore(%run_scoped3A : memref<!tpu.dma_semaphore, #tpu.memory_space<semaphore_mem>>) {add = true}
          %dma_wait3A_157 = arith.constant 0 : i32
          %dma_wait3A_158 = arith.constant 0 : i32
          %dma_wait3A_159 = tpu.memref_slice %arg5[%dma_wait3A_157, %dma_wait3A_158] : memref<16008x64xf32, #tpu.memory_space<vmem_shared>> -> memref<16008x64xf32, #tpu.memory_space<vmem_shared>>
          tpu.wait_indirect_dma semaphore(%run_scoped3A : memref<!tpu.dma_semaphore, #tpu.memory_space<semaphore_mem>>) src(%arg13 : memref<64x64xf32, #tpu.memory_space<vmem>>) dst(%dma_wait3A_159 : memref<16008x64xf32, #tpu.memory_space<vmem_shared>>)
          tpu.yield
        }) : () -> ()
      } else {
      }
      %eq3A_139 = arith.constant 1 : i32
      %eq3A_140 = arith.cmpi eq, %scan3A_57#2, %eq3A_139 : i32
      %convert_element_type3A_141 = arith.extui %eq3A_140 : i1 to i32
      %cond3A_142 = arith.constant 0 : i32
      %cond3A_143 = arith.cmpi ne, %convert_element_type3A_141, %cond3A_142 : i32
      scf.if %cond3A_143 {
        %dma_wait3A_151 = arith.constant 0 : i32
        %dma_wait3A_152 = arith.constant 0 : i32
        %dma_wait3A_153 = tpu.memref_slice %arg2[%dma_wait3A_151, %dma_wait3A_152] : memref<540672x64xf32, #tpu.memory_space<hbm>> -> memref<540672x64xf32, #tpu.memory_space<hbm>>
        tpu.wait_indirect_dma semaphore(%arg19 : memref<!tpu.dma_semaphore, #tpu.memory_space<semaphore_mem>>) src(%dma_wait3A_153 : memref<540672x64xf32, #tpu.memory_space<hbm>>) dst(%arg14 : memref<64x64xf32, #tpu.memory_space<vmem>>)
        "tpu.region"() ({
          %run_scoped3A = tpu.sem_alloc : memref<!tpu.dma_semaphore, #tpu.memory_space<semaphore_mem>>
          %dma_start3A_154 = arith.constant 0 : i32
          %dma_start3A_155 = arith.constant 0 : i32
          %dma_start3A_156 = tpu.memref_slice %arg5[%dma_start3A_154, %dma_start3A_155] : memref<16008x64xf32, #tpu.memory_space<vmem_shared>> -> memref<16008x64xf32, #tpu.memory_space<vmem_shared>>
          tpu.enqueue_indirect_dma source(%arg14 : memref<64x64xf32, #tpu.memory_space<vmem>>) target(%dma_start3A_156 : memref<16008x64xf32, #tpu.memory_space<vmem_shared>>) offsets(%arg11 : memref<64xi32, #tpu.memory_space<vmem>>) semaphore(%run_scoped3A : memref<!tpu.dma_semaphore, #tpu.memory_space<semaphore_mem>>) {add = true}
          %dma_wait3A_157 = arith.constant 0 : i32
          %dma_wait3A_158 = arith.constant 0 : i32
          %dma_wait3A_159 = tpu.memref_slice %arg5[%dma_wait3A_157, %dma_wait3A_158] : memref<16008x64xf32, #tpu.memory_space<vmem_shared>> -> memref<16008x64xf32, #tpu.memory_space<vmem_shared>>
          tpu.wait_indirect_dma semaphore(%run_scoped3A : memref<!tpu.dma_semaphore, #tpu.memory_space<semaphore_mem>>) src(%arg14 : memref<64x64xf32, #tpu.memory_space<vmem>>) dst(%dma_wait3A_159 : memref<16008x64xf32, #tpu.memory_space<vmem_shared>>)
          tpu.yield
        }) : () -> ()
      } else {
      }
      %barrier3A_144 = arith.constant 0 : index
      tpu.barrier barrier_id(%barrier3A_144)
      %lt3A = arith.constant 10 : i32
      %lt3A_145 = arith.cmpi slt, %arg1, %lt3A : i32
      %convert_element_type3A_146 = arith.extui %lt3A_145 : i1 to i32
      %cond3A_147 = arith.constant 0 : i32
      %cond3A_148 = arith.cmpi ne, %convert_element_type3A_146, %cond3A_147 : i32
      scf.if %cond3A_148 {
        %jit3A = arith.constant 2 : i32
        %div3A = arith.divsi %arg1, %jit3A : i32
        %sign3A = arith.constant 0 : i32
        %sign3A_151 = arith.cmpi sgt, %arg1, %sign3A : i32
        %sign3A_152 = arith.extui %sign3A_151 : i1 to i32
        %sign3A_153 = arith.constant 0 : i32
        %sign3A_154 = arith.cmpi slt, %arg1, %sign3A_153 : i32
        %sign3A_155 = arith.extui %sign3A_154 : i1 to i32
        %sign3A_156 = arith.subi %sign3A_152, %sign3A_155 : i32
        %sign3A_157 = arith.constant 0 : i32
        %sign3A_158 = arith.cmpi sgt, %jit3A, %sign3A_157 : i32
        %sign3A_159 = arith.extui %sign3A_158 : i1 to i32
        %sign3A_160 = arith.constant 0 : i32
        %sign3A_161 = arith.cmpi slt, %jit3A, %sign3A_160 : i32
        %sign3A_162 = arith.extui %sign3A_161 : i1 to i32
        %sign3A_163 = arith.subi %sign3A_159, %sign3A_162 : i32
        %ne3A = arith.cmpi ne, %sign3A_156, %sign3A_163 : i32
        %rem3A = arith.remsi %arg1, %jit3A : i32
        %ne3A_164 = arith.constant 0 : i32
        %ne3A_165 = arith.cmpi ne, %rem3A, %ne3A_164 : i32
        %and3A_166 = arith.andi %ne3A, %ne3A_165 : i1
        %sub3A = arith.constant 1 : i32
        %sub3A_167 = arith.subi %div3A, %sub3A : i32
        %select_n3A = arith.select %and3A_166, %sub3A_167, %div3A : i32
        %jit3A_168 = arith.constant 2 : i32
        %eq3A_169 = arith.constant 0 : i32
        %eq3A_170 = arith.cmpi eq, %jit3A_168, %eq3A_169 : i32
        %jit3A_171 = arith.constant 1 : i32
        %select_n3A_172 = arith.select %eq3A_170, %jit3A_171, %jit3A_168 : i32
        %rem3A_173 = arith.remsi %arg1, %select_n3A_172 : i32
        %ne3A_174 = arith.constant 0 : i32
        %ne3A_175 = arith.cmpi ne, %rem3A_173, %ne3A_174 : i32
        %lt3A_176 = arith.constant 0 : i32
        %lt3A_177 = arith.cmpi slt, %rem3A_173, %lt3A_176 : i32
        %lt3A_178 = arith.constant 0 : i32
        %lt3A_179 = arith.cmpi slt, %select_n3A_172, %lt3A_178 : i32
        %ne3A_180 = arith.xori %lt3A_177, %lt3A_179 : i1
        %and3A_181 = arith.andi %ne3A_180, %ne3A_175 : i1
        %add3A_182 = arith.addi %rem3A_173, %select_n3A_172 : i32
        %select_n3A_183 = arith.select %and3A_181, %add3A_182, %rem3A_173 : i32
        %add3A_184 = arith.addi %mul3A_14, %select_n3A : i32
        %sub3A_185 = arith.constant 199 : i32
        %sub3A_186 = arith.subi %sub3A_185, %add3A_184 : i32
        %mul3A_187 = arith.constant 3200 : i32
        %mul3A_188 = arith.muli %select_n3A, %mul3A_187 : i32
        %mul3A_189 = arith.constant 1600 : i32
        %mul3A_190 = arith.muli %select_n3A_183, %mul3A_189 : i32
        %add3A_191 = arith.addi %mul3A_188, %mul3A_190 : i32
        %add3A_192 = arith.constant 0 : i32
        %add3A_193 = arith.addi %add3A_191, %add3A_192 : i32
        "tpu.region"() ({
          %run_scoped3A = tpu.sem_alloc : memref<!tpu.dma_semaphore, #tpu.memory_space<semaphore_mem>>
          %dma_start3A_282 = arith.constant 0 : i32
          %dma_start3A_283 = tpu.memref_slice %arg5[%add3A_193, %dma_start3A_282] : memref<16008x64xf32, #tpu.memory_space<vmem_shared>> -> memref<160x64xf32, #tpu.memory_space<vmem_shared>>
          %dma_start3A_284 = arith.constant 0 : i32
          %dma_start3A_285 = tpu.memref_slice %arg5[%add3A_193, %dma_start3A_284] : memref<16008x64xf32, #tpu.memory_space<vmem_shared>> -> memref<160x64xf32, #tpu.memory_space<vmem_shared>>
          tpu.enqueue_dma source(%dma_start3A_285 : memref<160x64xf32, #tpu.memory_space<vmem_shared>>) target(%arg15 : memref<160x64xf32, #tpu.memory_space<vmem>>) target_semaphore(%run_scoped3A : memref<!tpu.dma_semaphore, #tpu.memory_space<semaphore_mem>>)
          %dma_wait3A_286 = arith.constant 0 : i32
          %dma_wait3A_287 = tpu.memref_slice %arg5[%add3A_193, %dma_wait3A_286] : memref<16008x64xf32, #tpu.memory_space<vmem_shared>> -> memref<160x64xf32, #tpu.memory_space<vmem_shared>>
          %dma_wait3A_288 = arith.constant 0 : i32
          %dma_wait3A_289 = tpu.memref_slice %arg5[%add3A_193, %dma_wait3A_288] : memref<16008x64xf32, #tpu.memory_space<vmem_shared>> -> memref<160x64xf32, #tpu.memory_space<vmem_shared>>
          tpu.wait_dma2 semaphore(%run_scoped3A : memref<!tpu.dma_semaphore, #tpu.memory_space<semaphore_mem>>) src(%dma_wait3A_289 : memref<160x64xf32, #tpu.memory_space<vmem_shared>>) dst(%arg15 : memref<160x64xf32, #tpu.memory_space<vmem>>)
          tpu.yield
        }) : () -> ()
        %scan3A_194 = arith.constant 0 : i32
        %scan3A_195 = arith.constant 0 : i32
        %scan3A_196 = arith.constant 20 : i32
        %scan3A_197 = arith.addi %scan3A_195, %scan3A_196 : i32
        %scan3A_198 = arith.constant 1 : i32
        %scan3A_199 = scf.for %scan3A_282 = %scan3A_195 to %scan3A_197 step %scan3A_198 iter_args(%scan3A_283 = %scan3A_194) -> (i32)  : i32 {
          %sub3A_284 = arith.constant 199 : i32
          %sub3A_285 = arith.subi %sub3A_284, %scan3A_282 : i32
          %broadcast_in_dim3A_286 = vector.broadcast %sub3A_285 : i32 to vector<16xi32>
          %mul3A_287 = arith.constant 8 : i32
          %mul3A_288 = arith.muli %scan3A_282, %mul3A_287 : i32
          %get3A = arith.index_cast %mul3A_288 : i32 to index
          %get3A_289 = arith.constant 0 : index
          %get3A_290 = tpu.vector_load %arg15[%get3A, %get3A_289] {strides = array<i32>} : memref<160x64xf32, #tpu.memory_space<vmem>>, vector<16xf32>,
          %add3A_291 = arith.constant 1 : i32
          %add3A_292 = arith.addi %mul3A_288, %add3A_291 : i32
          %get3A_293 = arith.index_cast %add3A_292 : i32 to index
          %get3A_294 = arith.constant 0 : index
          %get3A_295 = tpu.vector_load %arg15[%get3A_293, %get3A_294] {strides = array<i32>} : memref<160x64xf32, #tpu.memory_space<vmem>>, vector<16xf32>,
          %max3A = arith.maximumf %get3A_290, %get3A_295 : vector<16xf32>
          %add3A_296 = arith.constant 2 : i32
          %add3A_297 = arith.addi %mul3A_288, %add3A_296 : i32
          %get3A_298 = arith.index_cast %add3A_297 : i32 to index
          %get3A_299 = arith.constant 0 : index
          %get3A_300 = tpu.vector_load %arg15[%get3A_298, %get3A_299] {strides = array<i32>} : memref<160x64xf32, #tpu.memory_space<vmem>>, vector<16xf32>,
          %max3A_301 = arith.maximumf %max3A, %get3A_300 : vector<16xf32>
          %add3A_302 = arith.constant 3 : i32
          %add3A_303 = arith.addi %mul3A_288, %add3A_302 : i32
          %get3A_304 = arith.index_cast %add3A_303 : i32 to index
          %get3A_305 = arith.constant 0 : index
          %get3A_306 = tpu.vector_load %arg15[%get3A_304, %get3A_305] {strides = array<i32>} : memref<160x64xf32, #tpu.memory_space<vmem>>, vector<16xf32>,
          %max3A_307 = arith.maximumf %max3A_301, %get3A_306 : vector<16xf32>
          %add3A_308 = arith.constant 4 : i32
          %add3A_309 = arith.addi %mul3A_288, %add3A_308 : i32
          %get3A_310 = arith.index_cast %add3A_309 : i32 to index
          %get3A_311 = arith.constant 0 : index
          %get3A_312 = tpu.vector_load %arg15[%get3A_310, %get3A_311] {strides = array<i32>} : memref<160x64xf32, #tpu.memory_space<vmem>>, vector<16xf32>,
          %max3A_313 = arith.maximumf %max3A_307, %get3A_312 : vector<16xf32>
          %add3A_314 = arith.constant 5 : i32
          %add3A_315 = arith.addi %mul3A_288, %add3A_314 : i32
          %get3A_316 = arith.index_cast %add3A_315 : i32 to index
          %get3A_317 = arith.constant 0 : index
          %get3A_318 = tpu.vector_load %arg15[%get3A_316, %get3A_317] {strides = array<i32>} : memref<160x64xf32, #tpu.memory_space<vmem>>, vector<16xf32>,
          %max3A_319 = arith.maximumf %max3A_313, %get3A_318 : vector<16xf32>
          %add3A_320 = arith.constant 6 : i32
          %add3A_321 = arith.addi %mul3A_288, %add3A_320 : i32
          %get3A_322 = arith.index_cast %add3A_321 : i32 to index
          %get3A_323 = arith.constant 0 : index
          %get3A_324 = tpu.vector_load %arg15[%get3A_322, %get3A_323] {strides = array<i32>} : memref<160x64xf32, #tpu.memory_space<vmem>>, vector<16xf32>,
          %max3A_325 = arith.maximumf %max3A_319, %get3A_324 : vector<16xf32>
          %add3A_326 = arith.constant 7 : i32
          %add3A_327 = arith.addi %mul3A_288, %add3A_326 : i32
          %get3A_328 = arith.index_cast %add3A_327 : i32 to index
          %get3A_329 = arith.constant 0 : index
          %get3A_330 = tpu.vector_load %arg15[%get3A_328, %get3A_329] {strides = array<i32>} : memref<160x64xf32, #tpu.memory_space<vmem>>, vector<16xf32>,
          %max3A_331 = arith.maximumf %max3A_325, %get3A_330 : vector<16xf32>
          %add3A_332 = arith.constant 0 : i32
          %add3A_333 = vector.broadcast %add3A_332 : i32 to vector<16xi32>
          %add3A_334 = arith.addi %add3A_333, %iota3A : vector<16xi32>
          tpu.vector_store_idx %arg16[%add3A_334, %broadcast_in_dim3A_286], %max3A_331 : memref<64x200xf32, #tpu.memory_space<vmem>>[vector<16xi32>, vector<16xi32>], vector<16xf32>,
          %get3A_335 = arith.index_cast %mul3A_288 : i32 to index
          %get3A_336 = arith.constant 16 : index
          %get3A_337 = tpu.vector_load %arg15[%get3A_335, %get3A_336] {strides = array<i32>} : memref<160x64xf32, #tpu.memory_space<vmem>>, vector<16xf32>,
          %add3A_338 = arith.constant 1 : i32
          %add3A_339 = arith.addi %mul3A_288, %add3A_338 : i32
          %get3A_340 = arith.index_cast %add3A_339 : i32 to index
          %get3A_341 = arith.constant 16 : index
          %get3A_342 = tpu.vector_load %arg15[%get3A_340, %get3A_341] {strides = array<i32>} : memref<160x64xf32, #tpu.memory_space<vmem>>, vector<16xf32>,
          %max3A_343 = arith.maximumf %get3A_337, %get3A_342 : vector<16xf32>
          %add3A_344 = arith.constant 2 : i32
          %add3A_345 = arith.addi %mul3A_288, %add3A_344 : i32
          %get3A_346 = arith.index_cast %add3A_345 : i32 to index
          %get3A_347 = arith.constant 16 : index
          %get3A_348 = tpu.vector_load %arg15[%get3A_346, %get3A_347] {strides = array<i32>} : memref<160x64xf32, #tpu.memory_space<vmem>>, vector<16xf32>,
          %max3A_349 = arith.maximumf %max3A_343, %get3A_348 : vector<16xf32>
          %add3A_350 = arith.constant 3 : i32
          %add3A_351 = arith.addi %mul3A_288, %add3A_350 : i32
          %get3A_352 = arith.index_cast %add3A_351 : i32 to index
          %get3A_353 = arith.constant 16 : index
          %get3A_354 = tpu.vector_load %arg15[%get3A_352, %get3A_353] {strides = array<i32>} : memref<160x64xf32, #tpu.memory_space<vmem>>, vector<16xf32>,
          %max3A_355 = arith.maximumf %max3A_349, %get3A_354 : vector<16xf32>
          %add3A_356 = arith.constant 4 : i32
          %add3A_357 = arith.addi %mul3A_288, %add3A_356 : i32
          %get3A_358 = arith.index_cast %add3A_357 : i32 to index
          %get3A_359 = arith.constant 16 : index
          %get3A_360 = tpu.vector_load %arg15[%get3A_358, %get3A_359] {strides = array<i32>} : memref<160x64xf32, #tpu.memory_space<vmem>>, vector<16xf32>,
          %max3A_361 = arith.maximumf %max3A_355, %get3A_360 : vector<16xf32>
          %add3A_362 = arith.constant 5 : i32
          %add3A_363 = arith.addi %mul3A_288, %add3A_362 : i32
          %get3A_364 = arith.index_cast %add3A_363 : i32 to index
          %get3A_365 = arith.constant 16 : index
          %get3A_366 = tpu.vector_load %arg15[%get3A_364, %get3A_365] {strides = array<i32>} : memref<160x64xf32, #tpu.memory_space<vmem>>, vector<16xf32>,
          %max3A_367 = arith.maximumf %max3A_361, %get3A_366 : vector<16xf32>
          %add3A_368 = arith.constant 6 : i32
          %add3A_369 = arith.addi %mul3A_288, %add3A_368 : i32
          %get3A_370 = arith.index_cast %add3A_369 : i32 to index
          %get3A_371 = arith.constant 16 : index
          %get3A_372 = tpu.vector_load %arg15[%get3A_370, %get3A_371] {strides = array<i32>} : memref<160x64xf32, #tpu.memory_space<vmem>>, vector<16xf32>,
          %max3A_373 = arith.maximumf %max3A_367, %get3A_372 : vector<16xf32>
          %add3A_374 = arith.constant 7 : i32
          %add3A_375 = arith.addi %mul3A_288, %add3A_374 : i32
          %get3A_376 = arith.index_cast %add3A_375 : i32 to index
          %get3A_377 = arith.constant 16 : index
          %get3A_378 = tpu.vector_load %arg15[%get3A_376, %get3A_377] {strides = array<i32>} : memref<160x64xf32, #tpu.memory_space<vmem>>, vector<16xf32>,
          %max3A_379 = arith.maximumf %max3A_373, %get3A_378 : vector<16xf32>
          %add3A_380 = arith.constant 16 : i32
          %add3A_381 = vector.broadcast %add3A_380 : i32 to vector<16xi32>
          %add3A_382 = arith.addi %add3A_381, %iota3A : vector<16xi32>
          tpu.vector_store_idx %arg16[%add3A_382, %broadcast_in_dim3A_286], %max3A_379 : memref<64x200xf32, #tpu.memory_space<vmem>>[vector<16xi32>, vector<16xi32>], vector<16xf32>,
          %get3A_383 = arith.index_cast %mul3A_288 : i32 to index
          %get3A_384 = arith.constant 32 : index
          %get3A_385 = tpu.vector_load %arg15[%get3A_383, %get3A_384] {strides = array<i32>} : memref<160x64xf32, #tpu.memory_space<vmem>>, vector<16xf32>,
          %add3A_386 = arith.constant 1 : i32
          %add3A_387 = arith.addi %mul3A_288, %add3A_386 : i32
          %get3A_388 = arith.index_cast %add3A_387 : i32 to index
          %get3A_389 = arith.constant 32 : index
          %get3A_390 = tpu.vector_load %arg15[%get3A_388, %get3A_389] {strides = array<i32>} : memref<160x64xf32, #tpu.memory_space<vmem>>, vector<16xf32>,
          %max3A_391 = arith.maximumf %get3A_385, %get3A_390 : vector<16xf32>
          %add3A_392 = arith.constant 2 : i32
          %add3A_393 = arith.addi %mul3A_288, %add3A_392 : i32
          %get3A_394 = arith.index_cast %add3A_393 : i32 to index
          %get3A_395 = arith.constant 32 : index
          %get3A_396 = tpu.vector_load %arg15[%get3A_394, %get3A_395] {strides = array<i32>} : memref<160x64xf32, #tpu.memory_space<vmem>>, vector<16xf32>,
          %max3A_397 = arith.maximumf %max3A_391, %get3A_396 : vector<16xf32>
          %add3A_398 = arith.constant 3 : i32
          %add3A_399 = arith.addi %mul3A_288, %add3A_398 : i32
          %get3A_400 = arith.index_cast %add3A_399 : i32 to index
          %get3A_401 = arith.constant 32 : index
          %get3A_402 = tpu.vector_load %arg15[%get3A_400, %get3A_401] {strides = array<i32>} : memref<160x64xf32, #tpu.memory_space<vmem>>, vector<16xf32>,
          %max3A_403 = arith.maximumf %max3A_397, %get3A_402 : vector<16xf32>
          %add3A_404 = arith.constant 4 : i32
          %add3A_405 = arith.addi %mul3A_288, %add3A_404 : i32
          %get3A_406 = arith.index_cast %add3A_405 : i32 to index
          %get3A_407 = arith.constant 32 : index
          %get3A_408 = tpu.vector_load %arg15[%get3A_406, %get3A_407] {strides = array<i32>} : memref<160x64xf32, #tpu.memory_space<vmem>>, vector<16xf32>,
          %max3A_409 = arith.maximumf %max3A_403, %get3A_408 : vector<16xf32>
          %add3A_410 = arith.constant 5 : i32
          %add3A_411 = arith.addi %mul3A_288, %add3A_410 : i32
          %get3A_412 = arith.index_cast %add3A_411 : i32 to index
          %get3A_413 = arith.constant 32 : index
          %get3A_414 = tpu.vector_load %arg15[%get3A_412, %get3A_413] {strides = array<i32>} : memref<160x64xf32, #tpu.memory_space<vmem>>, vector<16xf32>,
          %max3A_415 = arith.maximumf %max3A_409, %get3A_414 : vector<16xf32>
          %add3A_416 = arith.constant 6 : i32
          %add3A_417 = arith.addi %mul3A_288, %add3A_416 : i32
          %get3A_418 = arith.index_cast %add3A_417 : i32 to index
          %get3A_419 = arith.constant 32 : index
          %get3A_420 = tpu.vector_load %arg15[%get3A_418, %get3A_419] {strides = array<i32>} : memref<160x64xf32, #tpu.memory_space<vmem>>, vector<16xf32>,
          %max3A_421 = arith.maximumf %max3A_415, %get3A_420 : vector<16xf32>
          %add3A_422 = arith.constant 7 : i32
          %add3A_423 = arith.addi %mul3A_288, %add3A_422 : i32
          %get3A_424 = arith.index_cast %add3A_423 : i32 to index
          %get3A_425 = arith.constant 32 : index
          %get3A_426 = tpu.vector_load %arg15[%get3A_424, %get3A_425] {strides = array<i32>} : memref<160x64xf32, #tpu.memory_space<vmem>>, vector<16xf32>,
          %max3A_427 = arith.maximumf %max3A_421, %get3A_426 : vector<16xf32>
          %add3A_428 = arith.constant 32 : i32
          %add3A_429 = vector.broadcast %add3A_428 : i32 to vector<16xi32>
          %add3A_430 = arith.addi %add3A_429, %iota3A : vector<16xi32>
          tpu.vector_store_idx %arg16[%add3A_430, %broadcast_in_dim3A_286], %max3A_427 : memref<64x200xf32, #tpu.memory_space<vmem>>[vector<16xi32>, vector<16xi32>], vector<16xf32>,
          %get3A_431 = arith.index_cast %mul3A_288 : i32 to index
          %get3A_432 = arith.constant 48 : index
          %get3A_433 = tpu.vector_load %arg15[%get3A_431, %get3A_432] {strides = array<i32>} : memref<160x64xf32, #tpu.memory_space<vmem>>, vector<16xf32>,
          %add3A_434 = arith.constant 1 : i32
          %add3A_435 = arith.addi %mul3A_288, %add3A_434 : i32
          %get3A_436 = arith.index_cast %add3A_435 : i32 to index
          %get3A_437 = arith.constant 48 : index
          %get3A_438 = tpu.vector_load %arg15[%get3A_436, %get3A_437] {strides = array<i32>} : memref<160x64xf32, #tpu.memory_space<vmem>>, vector<16xf32>,
          %max3A_439 = arith.maximumf %get3A_433, %get3A_438 : vector<16xf32>
          %add3A_440 = arith.constant 2 : i32
          %add3A_441 = arith.addi %mul3A_288, %add3A_440 : i32
          %get3A_442 = arith.index_cast %add3A_441 : i32 to index
          %get3A_443 = arith.constant 48 : index
          %get3A_444 = tpu.vector_load %arg15[%get3A_442, %get3A_443] {strides = array<i32>} : memref<160x64xf32, #tpu.memory_space<vmem>>, vector<16xf32>,
          %max3A_445 = arith.maximumf %max3A_439, %get3A_444 : vector<16xf32>
          %add3A_446 = arith.constant 3 : i32
          %add3A_447 = arith.addi %mul3A_288, %add3A_446 : i32
          %get3A_448 = arith.index_cast %add3A_447 : i32 to index
          %get3A_449 = arith.constant 48 : index
          %get3A_450 = tpu.vector_load %arg15[%get3A_448, %get3A_449] {strides = array<i32>} : memref<160x64xf32, #tpu.memory_space<vmem>>, vector<16xf32>,
          %max3A_451 = arith.maximumf %max3A_445, %get3A_450 : vector<16xf32>
          %add3A_452 = arith.constant 4 : i32
          %add3A_453 = arith.addi %mul3A_288, %add3A_452 : i32
          %get3A_454 = arith.index_cast %add3A_453 : i32 to index
          %get3A_455 = arith.constant 48 : index
          %get3A_456 = tpu.vector_load %arg15[%get3A_454, %get3A_455] {strides = array<i32>} : memref<160x64xf32, #tpu.memory_space<vmem>>, vector<16xf32>,
          %max3A_457 = arith.maximumf %max3A_451, %get3A_456 : vector<16xf32>
          %add3A_458 = arith.constant 5 : i32
          %add3A_459 = arith.addi %mul3A_288, %add3A_458 : i32
          %get3A_460 = arith.index_cast %add3A_459 : i32 to index
          %get3A_461 = arith.constant 48 : index
          %get3A_462 = tpu.vector_load %arg15[%get3A_460, %get3A_461] {strides = array<i32>} : memref<160x64xf32, #tpu.memory_space<vmem>>, vector<16xf32>,
          %max3A_463 = arith.maximumf %max3A_457, %get3A_462 : vector<16xf32>
          %add3A_464 = arith.constant 6 : i32
          %add3A_465 = arith.addi %mul3A_288, %add3A_464 : i32
          %get3A_466 = arith.index_cast %add3A_465 : i32 to index
          %get3A_467 = arith.constant 48 : index
          %get3A_468 = tpu.vector_load %arg15[%get3A_466, %get3A_467] {strides = array<i32>} : memref<160x64xf32, #tpu.memory_space<vmem>>, vector<16xf32>,
          %max3A_469 = arith.maximumf %max3A_463, %get3A_468 : vector<16xf32>
          %add3A_470 = arith.constant 7 : i32
          %add3A_471 = arith.addi %mul3A_288, %add3A_470 : i32
          %get3A_472 = arith.index_cast %add3A_471 : i32 to index
          %get3A_473 = arith.constant 48 : index
          %get3A_474 = tpu.vector_load %arg15[%get3A_472, %get3A_473] {strides = array<i32>} : memref<160x64xf32, #tpu.memory_space<vmem>>, vector<16xf32>,
          %max3A_475 = arith.maximumf %max3A_469, %get3A_474 : vector<16xf32>
          %add3A_476 = arith.constant 48 : i32
          %add3A_477 = vector.broadcast %add3A_476 : i32 to vector<16xi32>
          %add3A_478 = arith.addi %add3A_477, %iota3A : vector<16xi32>
          tpu.vector_store_idx %arg16[%add3A_478, %broadcast_in_dim3A_286], %max3A_475 : memref<64x200xf32, #tpu.memory_space<vmem>>[vector<16xi32>, vector<16xi32>], vector<16xf32>,
          %scan3A_479 = arith.constant 0 : i32
          scf.yield %scan3A_479 : i32
        }
        %scan3A_200 = arith.constant 20 : i32
        %add3A_201 = arith.constant 160 : i32
        %add3A_202 = arith.addi %add3A_191, %add3A_201 : i32
        "tpu.region"() ({
          %run_scoped3A = tpu.sem_alloc : memref<!tpu.dma_semaphore, #tpu.memory_space<semaphore_mem>>
          %dma_start3A_282 = arith.constant 0 : i32
          %dma_start3A_283 = tpu.memref_slice %arg5[%add3A_202, %dma_start3A_282] : memref<16008x64xf32, #tpu.memory_space<vmem_shared>> -> memref<160x64xf32, #tpu.memory_space<vmem_shared>>
          %dma_start3A_284 = arith.constant 0 : i32
          %dma_start3A_285 = tpu.memref_slice %arg5[%add3A_202, %dma_start3A_284] : memref<16008x64xf32, #tpu.memory_space<vmem_shared>> -> memref<160x64xf32, #tpu.memory_space<vmem_shared>>
          tpu.enqueue_dma source(%dma_start3A_285 : memref<160x64xf32, #tpu.memory_space<vmem_shared>>) target(%arg15 : memref<160x64xf32, #tpu.memory_space<vmem>>) target_semaphore(%run_scoped3A : memref<!tpu.dma_semaphore, #tpu.memory_space<semaphore_mem>>)
          %dma_wait3A_286 = arith.constant 0 : i32
          %dma_wait3A_287 = tpu.memref_slice %arg5[%add3A_202, %dma_wait3A_286] : memref<16008x64xf32, #tpu.memory_space<vmem_shared>> -> memref<160x64xf32, #tpu.memory_space<vmem_shared>>
          %dma_wait3A_288 = arith.constant 0 : i32
          %dma_wait3A_289 = tpu.memref_slice %arg5[%add3A_202, %dma_wait3A_288] : memref<16008x64xf32, #tpu.memory_space<vmem_shared>> -> memref<160x64xf32, #tpu.memory_space<vmem_shared>>
          tpu.wait_dma2 semaphore(%run_scoped3A : memref<!tpu.dma_semaphore, #tpu.memory_space<semaphore_mem>>) src(%dma_wait3A_289 : memref<160x64xf32, #tpu.memory_space<vmem_shared>>) dst(%arg15 : memref<160x64xf32, #tpu.memory_space<vmem>>)
          tpu.yield
        }) : () -> ()
        %scan3A_203 = arith.constant 0 : i32
        %scan3A_204 = arith.constant 0 : i32
        %scan3A_205 = arith.constant 20 : i32
        %scan3A_206 = arith.addi %scan3A_204, %scan3A_205 : i32
        %scan3A_207 = arith.constant 1 : i32
        %scan3A_208 = scf.for %scan3A_282 = %scan3A_204 to %scan3A_206 step %scan3A_207 iter_args(%scan3A_283 = %scan3A_203) -> (i32)  : i32 {
          %sub3A_284 = arith.constant 179 : i32
          %sub3A_285 = arith.subi %sub3A_284, %scan3A_282 : i32
          %broadcast_in_dim3A_286 = vector.broadcast %sub3A_285 : i32 to vector<16xi32>
          %mul3A_287 = arith.constant 8 : i32
          %mul3A_288 = arith.muli %scan3A_282, %mul3A_287 : i32
          %get3A = arith.index_cast %mul3A_288 : i32 to index
          %get3A_289 = arith.constant 0 : index
          %get3A_290 = tpu.vector_load %arg15[%get3A, %get3A_289] {strides = array<i32>} : memref<160x64xf32, #tpu.memory_space<vmem>>, vector<16xf32>,
          %add3A_291 = arith.constant 1 : i32
          %add3A_292 = arith.addi %mul3A_288, %add3A_291 : i32
          %get3A_293 = arith.index_cast %add3A_292 : i32 to index
          %get3A_294 = arith.constant 0 : index
          %get3A_295 = tpu.vector_load %arg15[%get3A_293, %get3A_294] {strides = array<i32>} : memref<160x64xf32, #tpu.memory_space<vmem>>, vector<16xf32>,
          %max3A = arith.maximumf %get3A_290, %get3A_295 : vector<16xf32>
          %add3A_296 = arith.constant 2 : i32
          %add3A_297 = arith.addi %mul3A_288, %add3A_296 : i32
          %get3A_298 = arith.index_cast %add3A_297 : i32 to index
          %get3A_299 = arith.constant 0 : index
          %get3A_300 = tpu.vector_load %arg15[%get3A_298, %get3A_299] {strides = array<i32>} : memref<160x64xf32, #tpu.memory_space<vmem>>, vector<16xf32>,
          %max3A_301 = arith.maximumf %max3A, %get3A_300 : vector<16xf32>
          %add3A_302 = arith.constant 3 : i32
          %add3A_303 = arith.addi %mul3A_288, %add3A_302 : i32
          %get3A_304 = arith.index_cast %add3A_303 : i32 to index
          %get3A_305 = arith.constant 0 : index
          %get3A_306 = tpu.vector_load %arg15[%get3A_304, %get3A_305] {strides = array<i32>} : memref<160x64xf32, #tpu.memory_space<vmem>>, vector<16xf32>,
          %max3A_307 = arith.maximumf %max3A_301, %get3A_306 : vector<16xf32>
          %add3A_308 = arith.constant 4 : i32
          %add3A_309 = arith.addi %mul3A_288, %add3A_308 : i32
          %get3A_310 = arith.index_cast %add3A_309 : i32 to index
          %get3A_311 = arith.constant 0 : index
          %get3A_312 = tpu.vector_load %arg15[%get3A_310, %get3A_311] {strides = array<i32>} : memref<160x64xf32, #tpu.memory_space<vmem>>, vector<16xf32>,
          %max3A_313 = arith.maximumf %max3A_307, %get3A_312 : vector<16xf32>
          %add3A_314 = arith.constant 5 : i32
          %add3A_315 = arith.addi %mul3A_288, %add3A_314 : i32
          %get3A_316 = arith.index_cast %add3A_315 : i32 to index
          %get3A_317 = arith.constant 0 : index
          %get3A_318 = tpu.vector_load %arg15[%get3A_316, %get3A_317] {strides = array<i32>} : memref<160x64xf32, #tpu.memory_space<vmem>>, vector<16xf32>,
          %max3A_319 = arith.maximumf %max3A_313, %get3A_318 : vector<16xf32>
          %add3A_320 = arith.constant 6 : i32
          %add3A_321 = arith.addi %mul3A_288, %add3A_320 : i32
          %get3A_322 = arith.index_cast %add3A_321 : i32 to index
          %get3A_323 = arith.constant 0 : index
          %get3A_324 = tpu.vector_load %arg15[%get3A_322, %get3A_323] {strides = array<i32>} : memref<160x64xf32, #tpu.memory_space<vmem>>, vector<16xf32>,
          %max3A_325 = arith.maximumf %max3A_319, %get3A_324 : vector<16xf32>
          %add3A_326 = arith.constant 7 : i32
          %add3A_327 = arith.addi %mul3A_288, %add3A_326 : i32
          %get3A_328 = arith.index_cast %add3A_327 : i32 to index
          %get3A_329 = arith.constant 0 : index
          %get3A_330 = tpu.vector_load %arg15[%get3A_328, %get3A_329] {strides = array<i32>} : memref<160x64xf32, #tpu.memory_space<vmem>>, vector<16xf32>,
          %max3A_331 = arith.maximumf %max3A_325, %get3A_330 : vector<16xf32>
          %add3A_332 = arith.constant 0 : i32
          %add3A_333 = vector.broadcast %add3A_332 : i32 to vector<16xi32>
          %add3A_334 = arith.addi %add3A_333, %iota3A : vector<16xi32>
          tpu.vector_store_idx %arg16[%add3A_334, %broadcast_in_dim3A_286], %max3A_331 : memref<64x200xf32, #tpu.memory_space<vmem>>[vector<16xi32>, vector<16xi32>], vector<16xf32>,
          %get3A_335 = arith.index_cast %mul3A_288 : i32 to index
          %get3A_336 = arith.constant 16 : index
          %get3A_337 = tpu.vector_load %arg15[%get3A_335, %get3A_336] {strides = array<i32>} : memref<160x64xf32, #tpu.memory_space<vmem>>, vector<16xf32>,
          %add3A_338 = arith.constant 1 : i32
          %add3A_339 = arith.addi %mul3A_288, %add3A_338 : i32
          %get3A_340 = arith.index_cast %add3A_339 : i32 to index
          %get3A_341 = arith.constant 16 : index
          %get3A_342 = tpu.vector_load %arg15[%get3A_340, %get3A_341] {strides = array<i32>} : memref<160x64xf32, #tpu.memory_space<vmem>>, vector<16xf32>,
          %max3A_343 = arith.maximumf %get3A_337, %get3A_342 : vector<16xf32>
          %add3A_344 = arith.constant 2 : i32
          %add3A_345 = arith.addi %mul3A_288, %add3A_344 : i32
          %get3A_346 = arith.index_cast %add3A_345 : i32 to index
          %get3A_347 = arith.constant 16 : index
          %get3A_348 = tpu.vector_load %arg15[%get3A_346, %get3A_347] {strides = array<i32>} : memref<160x64xf32, #tpu.memory_space<vmem>>, vector<16xf32>,
          %max3A_349 = arith.maximumf %max3A_343, %get3A_348 : vector<16xf32>
          %add3A_350 = arith.constant 3 : i32
          %add3A_351 = arith.addi %mul3A_288, %add3A_350 : i32
          %get3A_352 = arith.index_cast %add3A_351 : i32 to index
          %get3A_353 = arith.constant 16 : index
          %get3A_354 = tpu.vector_load %arg15[%get3A_352, %get3A_353] {strides = array<i32>} : memref<160x64xf32, #tpu.memory_space<vmem>>, vector<16xf32>,
          %max3A_355 = arith.maximumf %max3A_349, %get3A_354 : vector<16xf32>
          %add3A_356 = arith.constant 4 : i32
          %add3A_357 = arith.addi %mul3A_288, %add3A_356 : i32
          %get3A_358 = arith.index_cast %add3A_357 : i32 to index
          %get3A_359 = arith.constant 16 : index
          %get3A_360 = tpu.vector_load %arg15[%get3A_358, %get3A_359] {strides = array<i32>} : memref<160x64xf32, #tpu.memory_space<vmem>>, vector<16xf32>,
          %max3A_361 = arith.maximumf %max3A_355, %get3A_360 : vector<16xf32>
          %add3A_362 = arith.constant 5 : i32
          %add3A_363 = arith.addi %mul3A_288, %add3A_362 : i32
          %get3A_364 = arith.index_cast %add3A_363 : i32 to index
          %get3A_365 = arith.constant 16 : index
          %get3A_366 = tpu.vector_load %arg15[%get3A_364, %get3A_365] {strides = array<i32>} : memref<160x64xf32, #tpu.memory_space<vmem>>, vector<16xf32>,
          %max3A_367 = arith.maximumf %max3A_361, %get3A_366 : vector<16xf32>
          %add3A_368 = arith.constant 6 : i32
          %add3A_369 = arith.addi %mul3A_288, %add3A_368 : i32
          %get3A_370 = arith.index_cast %add3A_369 : i32 to index
          %get3A_371 = arith.constant 16 : index
          %get3A_372 = tpu.vector_load %arg15[%get3A_370, %get3A_371] {strides = array<i32>} : memref<160x64xf32, #tpu.memory_space<vmem>>, vector<16xf32>,
          %max3A_373 = arith.maximumf %max3A_367, %get3A_372 : vector<16xf32>
          %add3A_374 = arith.constant 7 : i32
          %add3A_375 = arith.addi %mul3A_288, %add3A_374 : i32
          %get3A_376 = arith.index_cast %add3A_375 : i32 to index
          %get3A_377 = arith.constant 16 : index
          %get3A_378 = tpu.vector_load %arg15[%get3A_376, %get3A_377] {strides = array<i32>} : memref<160x64xf32, #tpu.memory_space<vmem>>, vector<16xf32>,
          %max3A_379 = arith.maximumf %max3A_373, %get3A_378 : vector<16xf32>
          %add3A_380 = arith.constant 16 : i32
          %add3A_381 = vector.broadcast %add3A_380 : i32 to vector<16xi32>
          %add3A_382 = arith.addi %add3A_381, %iota3A : vector<16xi32>
          tpu.vector_store_idx %arg16[%add3A_382, %broadcast_in_dim3A_286], %max3A_379 : memref<64x200xf32, #tpu.memory_space<vmem>>[vector<16xi32>, vector<16xi32>], vector<16xf32>,
          %get3A_383 = arith.index_cast %mul3A_288 : i32 to index
          %get3A_384 = arith.constant 32 : index
          %get3A_385 = tpu.vector_load %arg15[%get3A_383, %get3A_384] {strides = array<i32>} : memref<160x64xf32, #tpu.memory_space<vmem>>, vector<16xf32>,
          %add3A_386 = arith.constant 1 : i32
          %add3A_387 = arith.addi %mul3A_288, %add3A_386 : i32
          %get3A_388 = arith.index_cast %add3A_387 : i32 to index
          %get3A_389 = arith.constant 32 : index
          %get3A_390 = tpu.vector_load %arg15[%get3A_388, %get3A_389] {strides = array<i32>} : memref<160x64xf32, #tpu.memory_space<vmem>>, vector<16xf32>,
          %max3A_391 = arith.maximumf %get3A_385, %get3A_390 : vector<16xf32>
          %add3A_392 = arith.constant 2 : i32
          %add3A_393 = arith.addi %mul3A_288, %add3A_392 : i32
          %get3A_394 = arith.index_cast %add3A_393 : i32 to index
          %get3A_395 = arith.constant 32 : index
          %get3A_396 = tpu.vector_load %arg15[%get3A_394, %get3A_395] {strides = array<i32>} : memref<160x64xf32, #tpu.memory_space<vmem>>, vector<16xf32>,
          %max3A_397 = arith.maximumf %max3A_391, %get3A_396 : vector<16xf32>
          %add3A_398 = arith.constant 3 : i32
          %add3A_399 = arith.addi %mul3A_288, %add3A_398 : i32
          %get3A_400 = arith.index_cast %add3A_399 : i32 to index
          %get3A_401 = arith.constant 32 : index
          %get3A_402 = tpu.vector_load %arg15[%get3A_400, %get3A_401] {strides = array<i32>} : memref<160x64xf32, #tpu.memory_space<vmem>>, vector<16xf32>,
          %max3A_403 = arith.maximumf %max3A_397, %get3A_402 : vector<16xf32>
          %add3A_404 = arith.constant 4 : i32
          %add3A_405 = arith.addi %mul3A_288, %add3A_404 : i32
          %get3A_406 = arith.index_cast %add3A_405 : i32 to index
          %get3A_407 = arith.constant 32 : index
          %get3A_408 = tpu.vector_load %arg15[%get3A_406, %get3A_407] {strides = array<i32>} : memref<160x64xf32, #tpu.memory_space<vmem>>, vector<16xf32>,
          %max3A_409 = arith.maximumf %max3A_403, %get3A_408 : vector<16xf32>
          %add3A_410 = arith.constant 5 : i32
          %add3A_411 = arith.addi %mul3A_288, %add3A_410 : i32
          %get3A_412 = arith.index_cast %add3A_411 : i32 to index
          %get3A_413 = arith.constant 32 : index
          %get3A_414 = tpu.vector_load %arg15[%get3A_412, %get3A_413] {strides = array<i32>} : memref<160x64xf32, #tpu.memory_space<vmem>>, vector<16xf32>,
          %max3A_415 = arith.maximumf %max3A_409, %get3A_414 : vector<16xf32>
          %add3A_416 = arith.constant 6 : i32
          %add3A_417 = arith.addi %mul3A_288, %add3A_416 : i32
          %get3A_418 = arith.index_cast %add3A_417 : i32 to index
          %get3A_419 = arith.constant 32 : index
          %get3A_420 = tpu.vector_load %arg15[%get3A_418, %get3A_419] {strides = array<i32>} : memref<160x64xf32, #tpu.memory_space<vmem>>, vector<16xf32>,
          %max3A_421 = arith.maximumf %max3A_415, %get3A_420 : vector<16xf32>
          %add3A_422 = arith.constant 7 : i32
          %add3A_423 = arith.addi %mul3A_288, %add3A_422 : i32
          %get3A_424 = arith.index_cast %add3A_423 : i32 to index
          %get3A_425 = arith.constant 32 : index
          %get3A_426 = tpu.vector_load %arg15[%get3A_424, %get3A_425] {strides = array<i32>} : memref<160x64xf32, #tpu.memory_space<vmem>>, vector<16xf32>,
          %max3A_427 = arith.maximumf %max3A_421, %get3A_426 : vector<16xf32>
          %add3A_428 = arith.constant 32 : i32
          %add3A_429 = vector.broadcast %add3A_428 : i32 to vector<16xi32>
          %add3A_430 = arith.addi %add3A_429, %iota3A : vector<16xi32>
          tpu.vector_store_idx %arg16[%add3A_430, %broadcast_in_dim3A_286], %max3A_427 : memref<64x200xf32, #tpu.memory_space<vmem>>[vector<16xi32>, vector<16xi32>], vector<16xf32>,
          %get3A_431 = arith.index_cast %mul3A_288 : i32 to index
          %get3A_432 = arith.constant 48 : index
          %get3A_433 = tpu.vector_load %arg15[%get3A_431, %get3A_432] {strides = array<i32>} : memref<160x64xf32, #tpu.memory_space<vmem>>, vector<16xf32>,
          %add3A_434 = arith.constant 1 : i32
          %add3A_435 = arith.addi %mul3A_288, %add3A_434 : i32
          %get3A_436 = arith.index_cast %add3A_435 : i32 to index
          %get3A_437 = arith.constant 48 : index
          %get3A_438 = tpu.vector_load %arg15[%get3A_436, %get3A_437] {strides = array<i32>} : memref<160x64xf32, #tpu.memory_space<vmem>>, vector<16xf32>,
          %max3A_439 = arith.maximumf %get3A_433, %get3A_438 : vector<16xf32>
          %add3A_440 = arith.constant 2 : i32
          %add3A_441 = arith.addi %mul3A_288, %add3A_440 : i32
          %get3A_442 = arith.index_cast %add3A_441 : i32 to index
          %get3A_443 = arith.constant 48 : index
          %get3A_444 = tpu.vector_load %arg15[%get3A_442, %get3A_443] {strides = array<i32>} : memref<160x64xf32, #tpu.memory_space<vmem>>, vector<16xf32>,
          %max3A_445 = arith.maximumf %max3A_439, %get3A_444 : vector<16xf32>
          %add3A_446 = arith.constant 3 : i32
          %add3A_447 = arith.addi %mul3A_288, %add3A_446 : i32
          %get3A_448 = arith.index_cast %add3A_447 : i32 to index
          %get3A_449 = arith.constant 48 : index
          %get3A_450 = tpu.vector_load %arg15[%get3A_448, %get3A_449] {strides = array<i32>} : memref<160x64xf32, #tpu.memory_space<vmem>>, vector<16xf32>,
          %max3A_451 = arith.maximumf %max3A_445, %get3A_450 : vector<16xf32>
          %add3A_452 = arith.constant 4 : i32
          %add3A_453 = arith.addi %mul3A_288, %add3A_452 : i32
          %get3A_454 = arith.index_cast %add3A_453 : i32 to index
          %get3A_455 = arith.constant 48 : index
          %get3A_456 = tpu.vector_load %arg15[%get3A_454, %get3A_455] {strides = array<i32>} : memref<160x64xf32, #tpu.memory_space<vmem>>, vector<16xf32>,
          %max3A_457 = arith.maximumf %max3A_451, %get3A_456 : vector<16xf32>
          %add3A_458 = arith.constant 5 : i32
          %add3A_459 = arith.addi %mul3A_288, %add3A_458 : i32
          %get3A_460 = arith.index_cast %add3A_459 : i32 to index
          %get3A_461 = arith.constant 48 : index
          %get3A_462 = tpu.vector_load %arg15[%get3A_460, %get3A_461] {strides = array<i32>} : memref<160x64xf32, #tpu.memory_space<vmem>>, vector<16xf32>,
          %max3A_463 = arith.maximumf %max3A_457, %get3A_462 : vector<16xf32>
          %add3A_464 = arith.constant 6 : i32
          %add3A_465 = arith.addi %mul3A_288, %add3A_464 : i32
          %get3A_466 = arith.index_cast %add3A_465 : i32 to index
          %get3A_467 = arith.constant 48 : index
          %get3A_468 = tpu.vector_load %arg15[%get3A_466, %get3A_467] {strides = array<i32>} : memref<160x64xf32, #tpu.memory_space<vmem>>, vector<16xf32>,
          %max3A_469 = arith.maximumf %max3A_463, %get3A_468 : vector<16xf32>
          %add3A_470 = arith.constant 7 : i32
          %add3A_471 = arith.addi %mul3A_288, %add3A_470 : i32
          %get3A_472 = arith.index_cast %add3A_471 : i32 to index
          %get3A_473 = arith.constant 48 : index
          %get3A_474 = tpu.vector_load %arg15[%get3A_472, %get3A_473] {strides = array<i32>} : memref<160x64xf32, #tpu.memory_space<vmem>>, vector<16xf32>,
          %max3A_475 = arith.maximumf %max3A_469, %get3A_474 : vector<16xf32>
          %add3A_476 = arith.constant 48 : i32
          %add3A_477 = vector.broadcast %add3A_476 : i32 to vector<16xi32>
          %add3A_478 = arith.addi %add3A_477, %iota3A : vector<16xi32>
          tpu.vector_store_idx %arg16[%add3A_478, %broadcast_in_dim3A_286], %max3A_475 : memref<64x200xf32, #tpu.memory_space<vmem>>[vector<16xi32>, vector<16xi32>], vector<16xf32>,
          %scan3A_479 = arith.constant 0 : i32
          scf.yield %scan3A_479 : i32
        }
        %scan3A_209 = arith.constant 20 : i32
        %add3A_210 = arith.constant 320 : i32
        %add3A_211 = arith.addi %add3A_191, %add3A_210 : i32
        "tpu.region"() ({
          %run_scoped3A = tpu.sem_alloc : memref<!tpu.dma_semaphore, #tpu.memory_space<semaphore_mem>>
          %dma_start3A_282 = arith.constant 0 : i32
          %dma_start3A_283 = tpu.memref_slice %arg5[%add3A_211, %dma_start3A_282] : memref<16008x64xf32, #tpu.memory_space<vmem_shared>> -> memref<160x64xf32, #tpu.memory_space<vmem_shared>>
          %dma_start3A_284 = arith.constant 0 : i32
          %dma_start3A_285 = tpu.memref_slice %arg5[%add3A_211, %dma_start3A_284] : memref<16008x64xf32, #tpu.memory_space<vmem_shared>> -> memref<160x64xf32, #tpu.memory_space<vmem_shared>>
          tpu.enqueue_dma source(%dma_start3A_285 : memref<160x64xf32, #tpu.memory_space<vmem_shared>>) target(%arg15 : memref<160x64xf32, #tpu.memory_space<vmem>>) target_semaphore(%run_scoped3A : memref<!tpu.dma_semaphore, #tpu.memory_space<semaphore_mem>>)
          %dma_wait3A_286 = arith.constant 0 : i32
          %dma_wait3A_287 = tpu.memref_slice %arg5[%add3A_211, %dma_wait3A_286] : memref<16008x64xf32, #tpu.memory_space<vmem_shared>> -> memref<160x64xf32, #tpu.memory_space<vmem_shared>>
          %dma_wait3A_288 = arith.constant 0 : i32
          %dma_wait3A_289 = tpu.memref_slice %arg5[%add3A_211, %dma_wait3A_288] : memref<16008x64xf32, #tpu.memory_space<vmem_shared>> -> memref<160x64xf32, #tpu.memory_space<vmem_shared>>
          tpu.wait_dma2 semaphore(%run_scoped3A : memref<!tpu.dma_semaphore, #tpu.memory_space<semaphore_mem>>) src(%dma_wait3A_289 : memref<160x64xf32, #tpu.memory_space<vmem_shared>>) dst(%arg15 : memref<160x64xf32, #tpu.memory_space<vmem>>)
          tpu.yield
        }) : () -> ()
        %scan3A_212 = arith.constant 0 : i32
        %scan3A_213 = arith.constant 0 : i32
        %scan3A_214 = arith.constant 20 : i32
        %scan3A_215 = arith.addi %scan3A_213, %scan3A_214 : i32
        %scan3A_216 = arith.constant 1 : i32
        %scan3A_217 = scf.for %scan3A_282 = %scan3A_213 to %scan3A_215 step %scan3A_216 iter_args(%scan3A_283 = %scan3A_212) -> (i32)  : i32 {
          %sub3A_284 = arith.constant 159 : i32
          %sub3A_285 = arith.subi %sub3A_284, %scan3A_282 : i32
          %broadcast_in_dim3A_286 = vector.broadcast %sub3A_285 : i32 to vector<16xi32>
          %mul3A_287 = arith.constant 8 : i32
          %mul3A_288 = arith.muli %scan3A_282, %mul3A_287 : i32
          %get3A = arith.index_cast %mul3A_288 : i32 to index
          %get3A_289 = arith.constant 0 : index
          %get3A_290 = tpu.vector_load %arg15[%get3A, %get3A_289] {strides = array<i32>} : memref<160x64xf32, #tpu.memory_space<vmem>>, vector<16xf32>,
          %add3A_291 = arith.constant 1 : i32
          %add3A_292 = arith.addi %mul3A_288, %add3A_291 : i32
          %get3A_293 = arith.index_cast %add3A_292 : i32 to index
          %get3A_294 = arith.constant 0 : index
          %get3A_295 = tpu.vector_load %arg15[%get3A_293, %get3A_294] {strides = array<i32>} : memref<160x64xf32, #tpu.memory_space<vmem>>, vector<16xf32>,
          %max3A = arith.maximumf %get3A_290, %get3A_295 : vector<16xf32>
          %add3A_296 = arith.constant 2 : i32
          %add3A_297 = arith.addi %mul3A_288, %add3A_296 : i32
          %get3A_298 = arith.index_cast %add3A_297 : i32 to index
          %get3A_299 = arith.constant 0 : index
          %get3A_300 = tpu.vector_load %arg15[%get3A_298, %get3A_299] {strides = array<i32>} : memref<160x64xf32, #tpu.memory_space<vmem>>, vector<16xf32>,
          %max3A_301 = arith.maximumf %max3A, %get3A_300 : vector<16xf32>
          %add3A_302 = arith.constant 3 : i32
          %add3A_303 = arith.addi %mul3A_288, %add3A_302 : i32
          %get3A_304 = arith.index_cast %add3A_303 : i32 to index
          %get3A_305 = arith.constant 0 : index
          %get3A_306 = tpu.vector_load %arg15[%get3A_304, %get3A_305] {strides = array<i32>} : memref<160x64xf32, #tpu.memory_space<vmem>>, vector<16xf32>,
          %max3A_307 = arith.maximumf %max3A_301, %get3A_306 : vector<16xf32>
          %add3A_308 = arith.constant 4 : i32
          %add3A_309 = arith.addi %mul3A_288, %add3A_308 : i32
          %get3A_310 = arith.index_cast %add3A_309 : i32 to index
          %get3A_311 = arith.constant 0 : index
          %get3A_312 = tpu.vector_load %arg15[%get3A_310, %get3A_311] {strides = array<i32>} : memref<160x64xf32, #tpu.memory_space<vmem>>, vector<16xf32>,
          %max3A_313 = arith.maximumf %max3A_307, %get3A_312 : vector<16xf32>
          %add3A_314 = arith.constant 5 : i32
          %add3A_315 = arith.addi %mul3A_288, %add3A_314 : i32
          %get3A_316 = arith.index_cast %add3A_315 : i32 to index
          %get3A_317 = arith.constant 0 : index
          %get3A_318 = tpu.vector_load %arg15[%get3A_316, %get3A_317] {strides = array<i32>} : memref<160x64xf32, #tpu.memory_space<vmem>>, vector<16xf32>,
          %max3A_319 = arith.maximumf %max3A_313, %get3A_318 : vector<16xf32>
          %add3A_320 = arith.constant 6 : i32
          %add3A_321 = arith.addi %mul3A_288, %add3A_320 : i32
          %get3A_322 = arith.index_cast %add3A_321 : i32 to index
          %get3A_323 = arith.constant 0 : index
          %get3A_324 = tpu.vector_load %arg15[%get3A_322, %get3A_323] {strides = array<i32>} : memref<160x64xf32, #tpu.memory_space<vmem>>, vector<16xf32>,
          %max3A_325 = arith.maximumf %max3A_319, %get3A_324 : vector<16xf32>
          %add3A_326 = arith.constant 7 : i32
          %add3A_327 = arith.addi %mul3A_288, %add3A_326 : i32
          %get3A_328 = arith.index_cast %add3A_327 : i32 to index
          %get3A_329 = arith.constant 0 : index
          %get3A_330 = tpu.vector_load %arg15[%get3A_328, %get3A_329] {strides = array<i32>} : memref<160x64xf32, #tpu.memory_space<vmem>>, vector<16xf32>,
          %max3A_331 = arith.maximumf %max3A_325, %get3A_330 : vector<16xf32>
          %add3A_332 = arith.constant 0 : i32
          %add3A_333 = vector.broadcast %add3A_332 : i32 to vector<16xi32>
          %add3A_334 = arith.addi %add3A_333, %iota3A : vector<16xi32>
          tpu.vector_store_idx %arg16[%add3A_334, %broadcast_in_dim3A_286], %max3A_331 : memref<64x200xf32, #tpu.memory_space<vmem>>[vector<16xi32>, vector<16xi32>], vector<16xf32>,
          %get3A_335 = arith.index_cast %mul3A_288 : i32 to index
          %get3A_336 = arith.constant 16 : index
          %get3A_337 = tpu.vector_load %arg15[%get3A_335, %get3A_336] {strides = array<i32>} : memref<160x64xf32, #tpu.memory_space<vmem>>, vector<16xf32>,
          %add3A_338 = arith.constant 1 : i32
          %add3A_339 = arith.addi %mul3A_288, %add3A_338 : i32
          %get3A_340 = arith.index_cast %add3A_339 : i32 to index
          %get3A_341 = arith.constant 16 : index
          %get3A_342 = tpu.vector_load %arg15[%get3A_340, %get3A_341] {strides = array<i32>} : memref<160x64xf32, #tpu.memory_space<vmem>>, vector<16xf32>,
          %max3A_343 = arith.maximumf %get3A_337, %get3A_342 : vector<16xf32>
          %add3A_344 = arith.constant 2 : i32
          %add3A_345 = arith.addi %mul3A_288, %add3A_344 : i32
          %get3A_346 = arith.index_cast %add3A_345 : i32 to index
          %get3A_347 = arith.constant 16 : index
          %get3A_348 = tpu.vector_load %arg15[%get3A_346, %get3A_347] {strides = array<i32>} : memref<160x64xf32, #tpu.memory_space<vmem>>, vector<16xf32>,
          %max3A_349 = arith.maximumf %max3A_343, %get3A_348 : vector<16xf32>
          %add3A_350 = arith.constant 3 : i32
          %add3A_351 = arith.addi %mul3A_288, %add3A_350 : i32
          %get3A_352 = arith.index_cast %add3A_351 : i32 to index
          %get3A_353 = arith.constant 16 : index
          %get3A_354 = tpu.vector_load %arg15[%get3A_352, %get3A_353] {strides = array<i32>} : memref<160x64xf32, #tpu.memory_space<vmem>>, vector<16xf32>,
          %max3A_355 = arith.maximumf %max3A_349, %get3A_354 : vector<16xf32>
          %add3A_356 = arith.constant 4 : i32
          %add3A_357 = arith.addi %mul3A_288, %add3A_356 : i32
          %get3A_358 = arith.index_cast %add3A_357 : i32 to index
          %get3A_359 = arith.constant 16 : index
          %get3A_360 = tpu.vector_load %arg15[%get3A_358, %get3A_359] {strides = array<i32>} : memref<160x64xf32, #tpu.memory_space<vmem>>, vector<16xf32>,
          %max3A_361 = arith.maximumf %max3A_355, %get3A_360 : vector<16xf32>
          %add3A_362 = arith.constant 5 : i32
          %add3A_363 = arith.addi %mul3A_288, %add3A_362 : i32
          %get3A_364 = arith.index_cast %add3A_363 : i32 to index
          %get3A_365 = arith.constant 16 : index
          %get3A_366 = tpu.vector_load %arg15[%get3A_364, %get3A_365] {strides = array<i32>} : memref<160x64xf32, #tpu.memory_space<vmem>>, vector<16xf32>,
          %max3A_367 = arith.maximumf %max3A_361, %get3A_366 : vector<16xf32>
          %add3A_368 = arith.constant 6 : i32
          %add3A_369 = arith.addi %mul3A_288, %add3A_368 : i32
          %get3A_370 = arith.index_cast %add3A_369 : i32 to index
          %get3A_371 = arith.constant 16 : index
          %get3A_372 = tpu.vector_load %arg15[%get3A_370, %get3A_371] {strides = array<i32>} : memref<160x64xf32, #tpu.memory_space<vmem>>, vector<16xf32>,
          %max3A_373 = arith.maximumf %max3A_367, %get3A_372 : vector<16xf32>
          %add3A_374 = arith.constant 7 : i32
          %add3A_375 = arith.addi %mul3A_288, %add3A_374 : i32
          %get3A_376 = arith.index_cast %add3A_375 : i32 to index
          %get3A_377 = arith.constant 16 : index
          %get3A_378 = tpu.vector_load %arg15[%get3A_376, %get3A_377] {strides = array<i32>} : memref<160x64xf32, #tpu.memory_space<vmem>>, vector<16xf32>,
          %max3A_379 = arith.maximumf %max3A_373, %get3A_378 : vector<16xf32>
          %add3A_380 = arith.constant 16 : i32
          %add3A_381 = vector.broadcast %add3A_380 : i32 to vector<16xi32>
          %add3A_382 = arith.addi %add3A_381, %iota3A : vector<16xi32>
          tpu.vector_store_idx %arg16[%add3A_382, %broadcast_in_dim3A_286], %max3A_379 : memref<64x200xf32, #tpu.memory_space<vmem>>[vector<16xi32>, vector<16xi32>], vector<16xf32>,
          %get3A_383 = arith.index_cast %mul3A_288 : i32 to index
          %get3A_384 = arith.constant 32 : index
          %get3A_385 = tpu.vector_load %arg15[%get3A_383, %get3A_384] {strides = array<i32>} : memref<160x64xf32, #tpu.memory_space<vmem>>, vector<16xf32>,
          %add3A_386 = arith.constant 1 : i32
          %add3A_387 = arith.addi %mul3A_288, %add3A_386 : i32
          %get3A_388 = arith.index_cast %add3A_387 : i32 to index
          %get3A_389 = arith.constant 32 : index
          %get3A_390 = tpu.vector_load %arg15[%get3A_388, %get3A_389] {strides = array<i32>} : memref<160x64xf32, #tpu.memory_space<vmem>>, vector<16xf32>,
          %max3A_391 = arith.maximumf %get3A_385, %get3A_390 : vector<16xf32>
          %add3A_392 = arith.constant 2 : i32
          %add3A_393 = arith.addi %mul3A_288, %add3A_392 : i32
          %get3A_394 = arith.index_cast %add3A_393 : i32 to index
          %get3A_395 = arith.constant 32 : index
          %get3A_396 = tpu.vector_load %arg15[%get3A_394, %get3A_395] {strides = array<i32>} : memref<160x64xf32, #tpu.memory_space<vmem>>, vector<16xf32>,
          %max3A_397 = arith.maximumf %max3A_391, %get3A_396 : vector<16xf32>
          %add3A_398 = arith.constant 3 : i32
          %add3A_399 = arith.addi %mul3A_288, %add3A_398 : i32
          %get3A_400 = arith.index_cast %add3A_399 : i32 to index
          %get3A_401 = arith.constant 32 : index
          %get3A_402 = tpu.vector_load %arg15[%get3A_400, %get3A_401] {strides = array<i32>} : memref<160x64xf32, #tpu.memory_space<vmem>>, vector<16xf32>,
          %max3A_403 = arith.maximumf %max3A_397, %get3A_402 : vector<16xf32>
          %add3A_404 = arith.constant 4 : i32
          %add3A_405 = arith.addi %mul3A_288, %add3A_404 : i32
          %get3A_406 = arith.index_cast %add3A_405 : i32 to index
          %get3A_407 = arith.constant 32 : index
          %get3A_408 = tpu.vector_load %arg15[%get3A_406, %get3A_407] {strides = array<i32>} : memref<160x64xf32, #tpu.memory_space<vmem>>, vector<16xf32>,
          %max3A_409 = arith.maximumf %max3A_403, %get3A_408 : vector<16xf32>
          %add3A_410 = arith.constant 5 : i32
          %add3A_411 = arith.addi %mul3A_288, %add3A_410 : i32
          %get3A_412 = arith.index_cast %add3A_411 : i32 to index
          %get3A_413 = arith.constant 32 : index
          %get3A_414 = tpu.vector_load %arg15[%get3A_412, %get3A_413] {strides = array<i32>} : memref<160x64xf32, #tpu.memory_space<vmem>>, vector<16xf32>,
          %max3A_415 = arith.maximumf %max3A_409, %get3A_414 : vector<16xf32>
          %add3A_416 = arith.constant 6 : i32
          %add3A_417 = arith.addi %mul3A_288, %add3A_416 : i32
          %get3A_418 = arith.index_cast %add3A_417 : i32 to index
          %get3A_419 = arith.constant 32 : index
          %get3A_420 = tpu.vector_load %arg15[%get3A_418, %get3A_419] {strides = array<i32>} : memref<160x64xf32, #tpu.memory_space<vmem>>, vector<16xf32>,
          %max3A_421 = arith.maximumf %max3A_415, %get3A_420 : vector<16xf32>
          %add3A_422 = arith.constant 7 : i32
          %add3A_423 = arith.addi %mul3A_288, %add3A_422 : i32
          %get3A_424 = arith.index_cast %add3A_423 : i32 to index
          %get3A_425 = arith.constant 32 : index
          %get3A_426 = tpu.vector_load %arg15[%get3A_424, %get3A_425] {strides = array<i32>} : memref<160x64xf32, #tpu.memory_space<vmem>>, vector<16xf32>,
          %max3A_427 = arith.maximumf %max3A_421, %get3A_426 : vector<16xf32>
          %add3A_428 = arith.constant 32 : i32
          %add3A_429 = vector.broadcast %add3A_428 : i32 to vector<16xi32>
          %add3A_430 = arith.addi %add3A_429, %iota3A : vector<16xi32>
          tpu.vector_store_idx %arg16[%add3A_430, %broadcast_in_dim3A_286], %max3A_427 : memref<64x200xf32, #tpu.memory_space<vmem>>[vector<16xi32>, vector<16xi32>], vector<16xf32>,
          %get3A_431 = arith.index_cast %mul3A_288 : i32 to index
          %get3A_432 = arith.constant 48 : index
          %get3A_433 = tpu.vector_load %arg15[%get3A_431, %get3A_432] {strides = array<i32>} : memref<160x64xf32, #tpu.memory_space<vmem>>, vector<16xf32>,
          %add3A_434 = arith.constant 1 : i32
          %add3A_435 = arith.addi %mul3A_288, %add3A_434 : i32
          %get3A_436 = arith.index_cast %add3A_435 : i32 to index
          %get3A_437 = arith.constant 48 : index
          %get3A_438 = tpu.vector_load %arg15[%get3A_436, %get3A_437] {strides = array<i32>} : memref<160x64xf32, #tpu.memory_space<vmem>>, vector<16xf32>,
          %max3A_439 = arith.maximumf %get3A_433, %get3A_438 : vector<16xf32>
          %add3A_440 = arith.constant 2 : i32
          %add3A_441 = arith.addi %mul3A_288, %add3A_440 : i32
          %get3A_442 = arith.index_cast %add3A_441 : i32 to index
          %get3A_443 = arith.constant 48 : index
          %get3A_444 = tpu.vector_load %arg15[%get3A_442, %get3A_443] {strides = array<i32>} : memref<160x64xf32, #tpu.memory_space<vmem>>, vector<16xf32>,
          %max3A_445 = arith.maximumf %max3A_439, %get3A_444 : vector<16xf32>
          %add3A_446 = arith.constant 3 : i32
          %add3A_447 = arith.addi %mul3A_288, %add3A_446 : i32
          %get3A_448 = arith.index_cast %add3A_447 : i32 to index
          %get3A_449 = arith.constant 48 : index
          %get3A_450 = tpu.vector_load %arg15[%get3A_448, %get3A_449] {strides = array<i32>} : memref<160x64xf32, #tpu.memory_space<vmem>>, vector<16xf32>,
          %max3A_451 = arith.maximumf %max3A_445, %get3A_450 : vector<16xf32>
          %add3A_452 = arith.constant 4 : i32
          %add3A_453 = arith.addi %mul3A_288, %add3A_452 : i32
          %get3A_454 = arith.index_cast %add3A_453 : i32 to index
          %get3A_455 = arith.constant 48 : index
          %get3A_456 = tpu.vector_load %arg15[%get3A_454, %get3A_455] {strides = array<i32>} : memref<160x64xf32, #tpu.memory_space<vmem>>, vector<16xf32>,
          %max3A_457 = arith.maximumf %max3A_451, %get3A_456 : vector<16xf32>
          %add3A_458 = arith.constant 5 : i32
          %add3A_459 = arith.addi %mul3A_288, %add3A_458 : i32
          %get3A_460 = arith.index_cast %add3A_459 : i32 to index
          %get3A_461 = arith.constant 48 : index
          %get3A_462 = tpu.vector_load %arg15[%get3A_460, %get3A_461] {strides = array<i32>} : memref<160x64xf32, #tpu.memory_space<vmem>>, vector<16xf32>,
          %max3A_463 = arith.maximumf %max3A_457, %get3A_462 : vector<16xf32>
          %add3A_464 = arith.constant 6 : i32
          %add3A_465 = arith.addi %mul3A_288, %add3A_464 : i32
          %get3A_466 = arith.index_cast %add3A_465 : i32 to index
          %get3A_467 = arith.constant 48 : index
          %get3A_468 = tpu.vector_load %arg15[%get3A_466, %get3A_467] {strides = array<i32>} : memref<160x64xf32, #tpu.memory_space<vmem>>, vector<16xf32>,
          %max3A_469 = arith.maximumf %max3A_463, %get3A_468 : vector<16xf32>
          %add3A_470 = arith.constant 7 : i32
          %add3A_471 = arith.addi %mul3A_288, %add3A_470 : i32
          %get3A_472 = arith.index_cast %add3A_471 : i32 to index
          %get3A_473 = arith.constant 48 : index
          %get3A_474 = tpu.vector_load %arg15[%get3A_472, %get3A_473] {strides = array<i32>} : memref<160x64xf32, #tpu.memory_space<vmem>>, vector<16xf32>,
          %max3A_475 = arith.maximumf %max3A_469, %get3A_474 : vector<16xf32>
          %add3A_476 = arith.constant 48 : i32
          %add3A_477 = vector.broadcast %add3A_476 : i32 to vector<16xi32>
          %add3A_478 = arith.addi %add3A_477, %iota3A : vector<16xi32>
          tpu.vector_store_idx %arg16[%add3A_478, %broadcast_in_dim3A_286], %max3A_475 : memref<64x200xf32, #tpu.memory_space<vmem>>[vector<16xi32>, vector<16xi32>], vector<16xf32>,
          %scan3A_479 = arith.constant 0 : i32
          scf.yield %scan3A_479 : i32
        }
        %scan3A_218 = arith.constant 20 : i32
        %add3A_219 = arith.constant 480 : i32
        %add3A_220 = arith.addi %add3A_191, %add3A_219 : i32
        "tpu.region"() ({
          %run_scoped3A = tpu.sem_alloc : memref<!tpu.dma_semaphore, #tpu.memory_space<semaphore_mem>>
          %dma_start3A_282 = arith.constant 0 : i32
          %dma_start3A_283 = tpu.memref_slice %arg5[%add3A_220, %dma_start3A_282] : memref<16008x64xf32, #tpu.memory_space<vmem_shared>> -> memref<160x64xf32, #tpu.memory_space<vmem_shared>>
          %dma_start3A_284 = arith.constant 0 : i32
          %dma_start3A_285 = tpu.memref_slice %arg5[%add3A_220, %dma_start3A_284] : memref<16008x64xf32, #tpu.memory_space<vmem_shared>> -> memref<160x64xf32, #tpu.memory_space<vmem_shared>>
          tpu.enqueue_dma source(%dma_start3A_285 : memref<160x64xf32, #tpu.memory_space<vmem_shared>>) target(%arg15 : memref<160x64xf32, #tpu.memory_space<vmem>>) target_semaphore(%run_scoped3A : memref<!tpu.dma_semaphore, #tpu.memory_space<semaphore_mem>>)
          %dma_wait3A_286 = arith.constant 0 : i32
          %dma_wait3A_287 = tpu.memref_slice %arg5[%add3A_220, %dma_wait3A_286] : memref<16008x64xf32, #tpu.memory_space<vmem_shared>> -> memref<160x64xf32, #tpu.memory_space<vmem_shared>>
          %dma_wait3A_288 = arith.constant 0 : i32
          %dma_wait3A_289 = tpu.memref_slice %arg5[%add3A_220, %dma_wait3A_288] : memref<16008x64xf32, #tpu.memory_space<vmem_shared>> -> memref<160x64xf32, #tpu.memory_space<vmem_shared>>
          tpu.wait_dma2 semaphore(%run_scoped3A : memref<!tpu.dma_semaphore, #tpu.memory_space<semaphore_mem>>) src(%dma_wait3A_289 : memref<160x64xf32, #tpu.memory_space<vmem_shared>>) dst(%arg15 : memref<160x64xf32, #tpu.memory_space<vmem>>)
          tpu.yield
        }) : () -> ()
        %scan3A_221 = arith.constant 0 : i32
        %scan3A_222 = arith.constant 0 : i32
        %scan3A_223 = arith.constant 20 : i32
        %scan3A_224 = arith.addi %scan3A_222, %scan3A_223 : i32
        %scan3A_225 = arith.constant 1 : i32
        %scan3A_226 = scf.for %scan3A_282 = %scan3A_222 to %scan3A_224 step %scan3A_225 iter_args(%scan3A_283 = %scan3A_221) -> (i32)  : i32 {
          %sub3A_284 = arith.constant 139 : i32
          %sub3A_285 = arith.subi %sub3A_284, %scan3A_282 : i32
          %broadcast_in_dim3A_286 = vector.broadcast %sub3A_285 : i32 to vector<16xi32>
          %mul3A_287 = arith.constant 8 : i32
          %mul3A_288 = arith.muli %scan3A_282, %mul3A_287 : i32
          %get3A = arith.index_cast %mul3A_288 : i32 to index
          %get3A_289 = arith.constant 0 : index
          %get3A_290 = tpu.vector_load %arg15[%get3A, %get3A_289] {strides = array<i32>} : memref<160x64xf32, #tpu.memory_space<vmem>>, vector<16xf32>,
          %add3A_291 = arith.constant 1 : i32
          %add3A_292 = arith.addi %mul3A_288, %add3A_291 : i32
          %get3A_293 = arith.index_cast %add3A_292 : i32 to index
          %get3A_294 = arith.constant 0 : index
          %get3A_295 = tpu.vector_load %arg15[%get3A_293, %get3A_294] {strides = array<i32>} : memref<160x64xf32, #tpu.memory_space<vmem>>, vector<16xf32>,
          %max3A = arith.maximumf %get3A_290, %get3A_295 : vector<16xf32>
          %add3A_296 = arith.constant 2 : i32
          %add3A_297 = arith.addi %mul3A_288, %add3A_296 : i32
          %get3A_298 = arith.index_cast %add3A_297 : i32 to index
          %get3A_299 = arith.constant 0 : index
          %get3A_300 = tpu.vector_load %arg15[%get3A_298, %get3A_299] {strides = array<i32>} : memref<160x64xf32, #tpu.memory_space<vmem>>, vector<16xf32>,
          %max3A_301 = arith.maximumf %max3A, %get3A_300 : vector<16xf32>
          %add3A_302 = arith.constant 3 : i32
          %add3A_303 = arith.addi %mul3A_288, %add3A_302 : i32
          %get3A_304 = arith.index_cast %add3A_303 : i32 to index
          %get3A_305 = arith.constant 0 : index
          %get3A_306 = tpu.vector_load %arg15[%get3A_304, %get3A_305] {strides = array<i32>} : memref<160x64xf32, #tpu.memory_space<vmem>>, vector<16xf32>,
          %max3A_307 = arith.maximumf %max3A_301, %get3A_306 : vector<16xf32>
          %add3A_308 = arith.constant 4 : i32
          %add3A_309 = arith.addi %mul3A_288, %add3A_308 : i32
          %get3A_310 = arith.index_cast %add3A_309 : i32 to index
          %get3A_311 = arith.constant 0 : index
          %get3A_312 = tpu.vector_load %arg15[%get3A_310, %get3A_311] {strides = array<i32>} : memref<160x64xf32, #tpu.memory_space<vmem>>, vector<16xf32>,
          %max3A_313 = arith.maximumf %max3A_307, %get3A_312 : vector<16xf32>
          %add3A_314 = arith.constant 5 : i32
          %add3A_315 = arith.addi %mul3A_288, %add3A_314 : i32
          %get3A_316 = arith.index_cast %add3A_315 : i32 to index
          %get3A_317 = arith.constant 0 : index
          %get3A_318 = tpu.vector_load %arg15[%get3A_316, %get3A_317] {strides = array<i32>} : memref<160x64xf32, #tpu.memory_space<vmem>>, vector<16xf32>,
          %max3A_319 = arith.maximumf %max3A_313, %get3A_318 : vector<16xf32>
          %add3A_320 = arith.constant 6 : i32
          %add3A_321 = arith.addi %mul3A_288, %add3A_320 : i32
          %get3A_322 = arith.index_cast %add3A_321 : i32 to index
          %get3A_323 = arith.constant 0 : index
          %get3A_324 = tpu.vector_load %arg15[%get3A_322, %get3A_323] {strides = array<i32>} : memref<160x64xf32, #tpu.memory_space<vmem>>, vector<16xf32>,
          %max3A_325 = arith.maximumf %max3A_319, %get3A_324 : vector<16xf32>
          %add3A_326 = arith.constant 7 : i32
          %add3A_327 = arith.addi %mul3A_288, %add3A_326 : i32
          %get3A_328 = arith.index_cast %add3A_327 : i32 to index
          %get3A_329 = arith.constant 0 : index
          %get3A_330 = tpu.vector_load %arg15[%get3A_328, %get3A_329] {strides = array<i32>} : memref<160x64xf32, #tpu.memory_space<vmem>>, vector<16xf32>,
          %max3A_331 = arith.maximumf %max3A_325, %get3A_330 : vector<16xf32>
          %add3A_332 = arith.constant 0 : i32
          %add3A_333 = vector.broadcast %add3A_332 : i32 to vector<16xi32>
          %add3A_334 = arith.addi %add3A_333, %iota3A : vector<16xi32>
          tpu.vector_store_idx %arg16[%add3A_334, %broadcast_in_dim3A_286], %max3A_331 : memref<64x200xf32, #tpu.memory_space<vmem>>[vector<16xi32>, vector<16xi32>], vector<16xf32>,
          %get3A_335 = arith.index_cast %mul3A_288 : i32 to index
          %get3A_336 = arith.constant 16 : index
          %get3A_337 = tpu.vector_load %arg15[%get3A_335, %get3A_336] {strides = array<i32>} : memref<160x64xf32, #tpu.memory_space<vmem>>, vector<16xf32>,
          %add3A_338 = arith.constant 1 : i32
          %add3A_339 = arith.addi %mul3A_288, %add3A_338 : i32
          %get3A_340 = arith.index_cast %add3A_339 : i32 to index
          %get3A_341 = arith.constant 16 : index
          %get3A_342 = tpu.vector_load %arg15[%get3A_340, %get3A_341] {strides = array<i32>} : memref<160x64xf32, #tpu.memory_space<vmem>>, vector<16xf32>,
          %max3A_343 = arith.maximumf %get3A_337, %get3A_342 : vector<16xf32>
          %add3A_344 = arith.constant 2 : i32
          %add3A_345 = arith.addi %mul3A_288, %add3A_344 : i32
          %get3A_346 = arith.index_cast %add3A_345 : i32 to index
          %get3A_347 = arith.constant 16 : index
          %get3A_348 = tpu.vector_load %arg15[%get3A_346, %get3A_347] {strides = array<i32>} : memref<160x64xf32, #tpu.memory_space<vmem>>, vector<16xf32>,
          %max3A_349 = arith.maximumf %max3A_343, %get3A_348 : vector<16xf32>
          %add3A_350 = arith.constant 3 : i32
          %add3A_351 = arith.addi %mul3A_288, %add3A_350 : i32
          %get3A_352 = arith.index_cast %add3A_351 : i32 to index
          %get3A_353 = arith.constant 16 : index
          %get3A_354 = tpu.vector_load %arg15[%get3A_352, %get3A_353] {strides = array<i32>} : memref<160x64xf32, #tpu.memory_space<vmem>>, vector<16xf32>,
          %max3A_355 = arith.maximumf %max3A_349, %get3A_354 : vector<16xf32>
          %add3A_356 = arith.constant 4 : i32
          %add3A_357 = arith.addi %mul3A_288, %add3A_356 : i32
          %get3A_358 = arith.index_cast %add3A_357 : i32 to index
          %get3A_359 = arith.constant 16 : index
          %get3A_360 = tpu.vector_load %arg15[%get3A_358, %get3A_359] {strides = array<i32>} : memref<160x64xf32, #tpu.memory_space<vmem>>, vector<16xf32>,
          %max3A_361 = arith.maximumf %max3A_355, %get3A_360 : vector<16xf32>
          %add3A_362 = arith.constant 5 : i32
          %add3A_363 = arith.addi %mul3A_288, %add3A_362 : i32
          %get3A_364 = arith.index_cast %add3A_363 : i32 to index
          %get3A_365 = arith.constant 16 : index
          %get3A_366 = tpu.vector_load %arg15[%get3A_364, %get3A_365] {strides = array<i32>} : memref<160x64xf32, #tpu.memory_space<vmem>>, vector<16xf32>,
          %max3A_367 = arith.maximumf %max3A_361, %get3A_366 : vector<16xf32>
          %add3A_368 = arith.constant 6 : i32
          %add3A_369 = arith.addi %mul3A_288, %add3A_368 : i32
          %get3A_370 = arith.index_cast %add3A_369 : i32 to index
          %get3A_371 = arith.constant 16 : index
          %get3A_372 = tpu.vector_load %arg15[%get3A_370, %get3A_371] {strides = array<i32>} : memref<160x64xf32, #tpu.memory_space<vmem>>, vector<16xf32>,
          %max3A_373 = arith.maximumf %max3A_367, %get3A_372 : vector<16xf32>
          %add3A_374 = arith.constant 7 : i32
          %add3A_375 = arith.addi %mul3A_288, %add3A_374 : i32
          %get3A_376 = arith.index_cast %add3A_375 : i32 to index
          %get3A_377 = arith.constant 16 : index
          %get3A_378 = tpu.vector_load %arg15[%get3A_376, %get3A_377] {strides = array<i32>} : memref<160x64xf32, #tpu.memory_space<vmem>>, vector<16xf32>,
          %max3A_379 = arith.maximumf %max3A_373, %get3A_378 : vector<16xf32>
          %add3A_380 = arith.constant 16 : i32
          %add3A_381 = vector.broadcast %add3A_380 : i32 to vector<16xi32>
          %add3A_382 = arith.addi %add3A_381, %iota3A : vector<16xi32>
          tpu.vector_store_idx %arg16[%add3A_382, %broadcast_in_dim3A_286], %max3A_379 : memref<64x200xf32, #tpu.memory_space<vmem>>[vector<16xi32>, vector<16xi32>], vector<16xf32>,
          %get3A_383 = arith.index_cast %mul3A_288 : i32 to index
          %get3A_384 = arith.constant 32 : index
          %get3A_385 = tpu.vector_load %arg15[%get3A_383, %get3A_384] {strides = array<i32>} : memref<160x64xf32, #tpu.memory_space<vmem>>, vector<16xf32>,
          %add3A_386 = arith.constant 1 : i32
          %add3A_387 = arith.addi %mul3A_288, %add3A_386 : i32
          %get3A_388 = arith.index_cast %add3A_387 : i32 to index
          %get3A_389 = arith.constant 32 : index
          %get3A_390 = tpu.vector_load %arg15[%get3A_388, %get3A_389] {strides = array<i32>} : memref<160x64xf32, #tpu.memory_space<vmem>>, vector<16xf32>,
          %max3A_391 = arith.maximumf %get3A_385, %get3A_390 : vector<16xf32>
          %add3A_392 = arith.constant 2 : i32
          %add3A_393 = arith.addi %mul3A_288, %add3A_392 : i32
          %get3A_394 = arith.index_cast %add3A_393 : i32 to index
          %get3A_395 = arith.constant 32 : index
          %get3A_396 = tpu.vector_load %arg15[%get3A_394, %get3A_395] {strides = array<i32>} : memref<160x64xf32, #tpu.memory_space<vmem>>, vector<16xf32>,
          %max3A_397 = arith.maximumf %max3A_391, %get3A_396 : vector<16xf32>
          %add3A_398 = arith.constant 3 : i32
          %add3A_399 = arith.addi %mul3A_288, %add3A_398 : i32
          %get3A_400 = arith.index_cast %add3A_399 : i32 to index
          %get3A_401 = arith.constant 32 : index
          %get3A_402 = tpu.vector_load %arg15[%get3A_400, %get3A_401] {strides = array<i32>} : memref<160x64xf32, #tpu.memory_space<vmem>>, vector<16xf32>,
          %max3A_403 = arith.maximumf %max3A_397, %get3A_402 : vector<16xf32>
          %add3A_404 = arith.constant 4 : i32
          %add3A_405 = arith.addi %mul3A_288, %add3A_404 : i32
          %get3A_406 = arith.index_cast %add3A_405 : i32 to index
          %get3A_407 = arith.constant 32 : index
          %get3A_408 = tpu.vector_load %arg15[%get3A_406, %get3A_407] {strides = array<i32>} : memref<160x64xf32, #tpu.memory_space<vmem>>, vector<16xf32>,
          %max3A_409 = arith.maximumf %max3A_403, %get3A_408 : vector<16xf32>
          %add3A_410 = arith.constant 5 : i32
          %add3A_411 = arith.addi %mul3A_288, %add3A_410 : i32
          %get3A_412 = arith.index_cast %add3A_411 : i32 to index
          %get3A_413 = arith.constant 32 : index
          %get3A_414 = tpu.vector_load %arg15[%get3A_412, %get3A_413] {strides = array<i32>} : memref<160x64xf32, #tpu.memory_space<vmem>>, vector<16xf32>,
          %max3A_415 = arith.maximumf %max3A_409, %get3A_414 : vector<16xf32>
          %add3A_416 = arith.constant 6 : i32
          %add3A_417 = arith.addi %mul3A_288, %add3A_416 : i32
          %get3A_418 = arith.index_cast %add3A_417 : i32 to index
          %get3A_419 = arith.constant 32 : index
          %get3A_420 = tpu.vector_load %arg15[%get3A_418, %get3A_419] {strides = array<i32>} : memref<160x64xf32, #tpu.memory_space<vmem>>, vector<16xf32>,
          %max3A_421 = arith.maximumf %max3A_415, %get3A_420 : vector<16xf32>
          %add3A_422 = arith.constant 7 : i32
          %add3A_423 = arith.addi %mul3A_288, %add3A_422 : i32
          %get3A_424 = arith.index_cast %add3A_423 : i32 to index
          %get3A_425 = arith.constant 32 : index
          %get3A_426 = tpu.vector_load %arg15[%get3A_424, %get3A_425] {strides = array<i32>} : memref<160x64xf32, #tpu.memory_space<vmem>>, vector<16xf32>,
          %max3A_427 = arith.maximumf %max3A_421, %get3A_426 : vector<16xf32>
          %add3A_428 = arith.constant 32 : i32
          %add3A_429 = vector.broadcast %add3A_428 : i32 to vector<16xi32>
          %add3A_430 = arith.addi %add3A_429, %iota3A : vector<16xi32>
          tpu.vector_store_idx %arg16[%add3A_430, %broadcast_in_dim3A_286], %max3A_427 : memref<64x200xf32, #tpu.memory_space<vmem>>[vector<16xi32>, vector<16xi32>], vector<16xf32>,
          %get3A_431 = arith.index_cast %mul3A_288 : i32 to index
          %get3A_432 = arith.constant 48 : index
          %get3A_433 = tpu.vector_load %arg15[%get3A_431, %get3A_432] {strides = array<i32>} : memref<160x64xf32, #tpu.memory_space<vmem>>, vector<16xf32>,
          %add3A_434 = arith.constant 1 : i32
          %add3A_435 = arith.addi %mul3A_288, %add3A_434 : i32
          %get3A_436 = arith.index_cast %add3A_435 : i32 to index
          %get3A_437 = arith.constant 48 : index
          %get3A_438 = tpu.vector_load %arg15[%get3A_436, %get3A_437] {strides = array<i32>} : memref<160x64xf32, #tpu.memory_space<vmem>>, vector<16xf32>,
          %max3A_439 = arith.maximumf %get3A_433, %get3A_438 : vector<16xf32>
          %add3A_440 = arith.constant 2 : i32
          %add3A_441 = arith.addi %mul3A_288, %add3A_440 : i32
          %get3A_442 = arith.index_cast %add3A_441 : i32 to index
          %get3A_443 = arith.constant 48 : index
          %get3A_444 = tpu.vector_load %arg15[%get3A_442, %get3A_443] {strides = array<i32>} : memref<160x64xf32, #tpu.memory_space<vmem>>, vector<16xf32>,
          %max3A_445 = arith.maximumf %max3A_439, %get3A_444 : vector<16xf32>
          %add3A_446 = arith.constant 3 : i32
          %add3A_447 = arith.addi %mul3A_288, %add3A_446 : i32
          %get3A_448 = arith.index_cast %add3A_447 : i32 to index
          %get3A_449 = arith.constant 48 : index
          %get3A_450 = tpu.vector_load %arg15[%get3A_448, %get3A_449] {strides = array<i32>} : memref<160x64xf32, #tpu.memory_space<vmem>>, vector<16xf32>,
          %max3A_451 = arith.maximumf %max3A_445, %get3A_450 : vector<16xf32>
          %add3A_452 = arith.constant 4 : i32
          %add3A_453 = arith.addi %mul3A_288, %add3A_452 : i32
          %get3A_454 = arith.index_cast %add3A_453 : i32 to index
          %get3A_455 = arith.constant 48 : index
          %get3A_456 = tpu.vector_load %arg15[%get3A_454, %get3A_455] {strides = array<i32>} : memref<160x64xf32, #tpu.memory_space<vmem>>, vector<16xf32>,
          %max3A_457 = arith.maximumf %max3A_451, %get3A_456 : vector<16xf32>
          %add3A_458 = arith.constant 5 : i32
          %add3A_459 = arith.addi %mul3A_288, %add3A_458 : i32
          %get3A_460 = arith.index_cast %add3A_459 : i32 to index
          %get3A_461 = arith.constant 48 : index
          %get3A_462 = tpu.vector_load %arg15[%get3A_460, %get3A_461] {strides = array<i32>} : memref<160x64xf32, #tpu.memory_space<vmem>>, vector<16xf32>,
          %max3A_463 = arith.maximumf %max3A_457, %get3A_462 : vector<16xf32>
          %add3A_464 = arith.constant 6 : i32
          %add3A_465 = arith.addi %mul3A_288, %add3A_464 : i32
          %get3A_466 = arith.index_cast %add3A_465 : i32 to index
          %get3A_467 = arith.constant 48 : index
          %get3A_468 = tpu.vector_load %arg15[%get3A_466, %get3A_467] {strides = array<i32>} : memref<160x64xf32, #tpu.memory_space<vmem>>, vector<16xf32>,
          %max3A_469 = arith.maximumf %max3A_463, %get3A_468 : vector<16xf32>
          %add3A_470 = arith.constant 7 : i32
          %add3A_471 = arith.addi %mul3A_288, %add3A_470 : i32
          %get3A_472 = arith.index_cast %add3A_471 : i32 to index
          %get3A_473 = arith.constant 48 : index
          %get3A_474 = tpu.vector_load %arg15[%get3A_472, %get3A_473] {strides = array<i32>} : memref<160x64xf32, #tpu.memory_space<vmem>>, vector<16xf32>,
          %max3A_475 = arith.maximumf %max3A_469, %get3A_474 : vector<16xf32>
          %add3A_476 = arith.constant 48 : i32
          %add3A_477 = vector.broadcast %add3A_476 : i32 to vector<16xi32>
          %add3A_478 = arith.addi %add3A_477, %iota3A : vector<16xi32>
          tpu.vector_store_idx %arg16[%add3A_478, %broadcast_in_dim3A_286], %max3A_475 : memref<64x200xf32, #tpu.memory_space<vmem>>[vector<16xi32>, vector<16xi32>], vector<16xf32>,
          %scan3A_479 = arith.constant 0 : i32
          scf.yield %scan3A_479 : i32
        }
        %scan3A_227 = arith.constant 20 : i32
        %add3A_228 = arith.constant 640 : i32
        %add3A_229 = arith.addi %add3A_191, %add3A_228 : i32
        "tpu.region"() ({
          %run_scoped3A = tpu.sem_alloc : memref<!tpu.dma_semaphore, #tpu.memory_space<semaphore_mem>>
          %dma_start3A_282 = arith.constant 0 : i32
          %dma_start3A_283 = tpu.memref_slice %arg5[%add3A_229, %dma_start3A_282] : memref<16008x64xf32, #tpu.memory_space<vmem_shared>> -> memref<160x64xf32, #tpu.memory_space<vmem_shared>>
          %dma_start3A_284 = arith.constant 0 : i32
          %dma_start3A_285 = tpu.memref_slice %arg5[%add3A_229, %dma_start3A_284] : memref<16008x64xf32, #tpu.memory_space<vmem_shared>> -> memref<160x64xf32, #tpu.memory_space<vmem_shared>>
          tpu.enqueue_dma source(%dma_start3A_285 : memref<160x64xf32, #tpu.memory_space<vmem_shared>>) target(%arg15 : memref<160x64xf32, #tpu.memory_space<vmem>>) target_semaphore(%run_scoped3A : memref<!tpu.dma_semaphore, #tpu.memory_space<semaphore_mem>>)
          %dma_wait3A_286 = arith.constant 0 : i32
          %dma_wait3A_287 = tpu.memref_slice %arg5[%add3A_229, %dma_wait3A_286] : memref<16008x64xf32, #tpu.memory_space<vmem_shared>> -> memref<160x64xf32, #tpu.memory_space<vmem_shared>>
          %dma_wait3A_288 = arith.constant 0 : i32
          %dma_wait3A_289 = tpu.memref_slice %arg5[%add3A_229, %dma_wait3A_288] : memref<16008x64xf32, #tpu.memory_space<vmem_shared>> -> memref<160x64xf32, #tpu.memory_space<vmem_shared>>
          tpu.wait_dma2 semaphore(%run_scoped3A : memref<!tpu.dma_semaphore, #tpu.memory_space<semaphore_mem>>) src(%dma_wait3A_289 : memref<160x64xf32, #tpu.memory_space<vmem_shared>>) dst(%arg15 : memref<160x64xf32, #tpu.memory_space<vmem>>)
          tpu.yield
        }) : () -> ()
        %scan3A_230 = arith.constant 0 : i32
        %scan3A_231 = arith.constant 0 : i32
        %scan3A_232 = arith.constant 20 : i32
        %scan3A_233 = arith.addi %scan3A_231, %scan3A_232 : i32
        %scan3A_234 = arith.constant 1 : i32
        %scan3A_235 = scf.for %scan3A_282 = %scan3A_231 to %scan3A_233 step %scan3A_234 iter_args(%scan3A_283 = %scan3A_230) -> (i32)  : i32 {
          %sub3A_284 = arith.constant 119 : i32
          %sub3A_285 = arith.subi %sub3A_284, %scan3A_282 : i32
          %broadcast_in_dim3A_286 = vector.broadcast %sub3A_285 : i32 to vector<16xi32>
          %mul3A_287 = arith.constant 8 : i32
          %mul3A_288 = arith.muli %scan3A_282, %mul3A_287 : i32
          %get3A = arith.index_cast %mul3A_288 : i32 to index
          %get3A_289 = arith.constant 0 : index
          %get3A_290 = tpu.vector_load %arg15[%get3A, %get3A_289] {strides = array<i32>} : memref<160x64xf32, #tpu.memory_space<vmem>>, vector<16xf32>,
          %add3A_291 = arith.constant 1 : i32
          %add3A_292 = arith.addi %mul3A_288, %add3A_291 : i32
          %get3A_293 = arith.index_cast %add3A_292 : i32 to index
          %get3A_294 = arith.constant 0 : index
          %get3A_295 = tpu.vector_load %arg15[%get3A_293, %get3A_294] {strides = array<i32>} : memref<160x64xf32, #tpu.memory_space<vmem>>, vector<16xf32>,
          %max3A = arith.maximumf %get3A_290, %get3A_295 : vector<16xf32>
          %add3A_296 = arith.constant 2 : i32
          %add3A_297 = arith.addi %mul3A_288, %add3A_296 : i32
          %get3A_298 = arith.index_cast %add3A_297 : i32 to index
          %get3A_299 = arith.constant 0 : index
          %get3A_300 = tpu.vector_load %arg15[%get3A_298, %get3A_299] {strides = array<i32>} : memref<160x64xf32, #tpu.memory_space<vmem>>, vector<16xf32>,
          %max3A_301 = arith.maximumf %max3A, %get3A_300 : vector<16xf32>
          %add3A_302 = arith.constant 3 : i32
          %add3A_303 = arith.addi %mul3A_288, %add3A_302 : i32
          %get3A_304 = arith.index_cast %add3A_303 : i32 to index
          %get3A_305 = arith.constant 0 : index
          %get3A_306 = tpu.vector_load %arg15[%get3A_304, %get3A_305] {strides = array<i32>} : memref<160x64xf32, #tpu.memory_space<vmem>>, vector<16xf32>,
          %max3A_307 = arith.maximumf %max3A_301, %get3A_306 : vector<16xf32>
          %add3A_308 = arith.constant 4 : i32
          %add3A_309 = arith.addi %mul3A_288, %add3A_308 : i32
          %get3A_310 = arith.index_cast %add3A_309 : i32 to index
          %get3A_311 = arith.constant 0 : index
          %get3A_312 = tpu.vector_load %arg15[%get3A_310, %get3A_311] {strides = array<i32>} : memref<160x64xf32, #tpu.memory_space<vmem>>, vector<16xf32>,
          %max3A_313 = arith.maximumf %max3A_307, %get3A_312 : vector<16xf32>
          %add3A_314 = arith.constant 5 : i32
          %add3A_315 = arith.addi %mul3A_288, %add3A_314 : i32
          %get3A_316 = arith.index_cast %add3A_315 : i32 to index
          %get3A_317 = arith.constant 0 : index
          %get3A_318 = tpu.vector_load %arg15[%get3A_316, %get3A_317] {strides = array<i32>} : memref<160x64xf32, #tpu.memory_space<vmem>>, vector<16xf32>,
          %max3A_319 = arith.maximumf %max3A_313, %get3A_318 : vector<16xf32>
          %add3A_320 = arith.constant 6 : i32
          %add3A_321 = arith.addi %mul3A_288, %add3A_320 : i32
          %get3A_322 = arith.index_cast %add3A_321 : i32 to index
          %get3A_323 = arith.constant 0 : index
          %get3A_324 = tpu.vector_load %arg15[%get3A_322, %get3A_323] {strides = array<i32>} : memref<160x64xf32, #tpu.memory_space<vmem>>, vector<16xf32>,
          %max3A_325 = arith.maximumf %max3A_319, %get3A_324 : vector<16xf32>
          %add3A_326 = arith.constant 7 : i32
          %add3A_327 = arith.addi %mul3A_288, %add3A_326 : i32
          %get3A_328 = arith.index_cast %add3A_327 : i32 to index
          %get3A_329 = arith.constant 0 : index
          %get3A_330 = tpu.vector_load %arg15[%get3A_328, %get3A_329] {strides = array<i32>} : memref<160x64xf32, #tpu.memory_space<vmem>>, vector<16xf32>,
          %max3A_331 = arith.maximumf %max3A_325, %get3A_330 : vector<16xf32>
          %add3A_332 = arith.constant 0 : i32
          %add3A_333 = vector.broadcast %add3A_332 : i32 to vector<16xi32>
          %add3A_334 = arith.addi %add3A_333, %iota3A : vector<16xi32>
          tpu.vector_store_idx %arg16[%add3A_334, %broadcast_in_dim3A_286], %max3A_331 : memref<64x200xf32, #tpu.memory_space<vmem>>[vector<16xi32>, vector<16xi32>], vector<16xf32>,
          %get3A_335 = arith.index_cast %mul3A_288 : i32 to index
          %get3A_336 = arith.constant 16 : index
          %get3A_337 = tpu.vector_load %arg15[%get3A_335, %get3A_336] {strides = array<i32>} : memref<160x64xf32, #tpu.memory_space<vmem>>, vector<16xf32>,
          %add3A_338 = arith.constant 1 : i32
          %add3A_339 = arith.addi %mul3A_288, %add3A_338 : i32
          %get3A_340 = arith.index_cast %add3A_339 : i32 to index
          %get3A_341 = arith.constant 16 : index
          %get3A_342 = tpu.vector_load %arg15[%get3A_340, %get3A_341] {strides = array<i32>} : memref<160x64xf32, #tpu.memory_space<vmem>>, vector<16xf32>,
          %max3A_343 = arith.maximumf %get3A_337, %get3A_342 : vector<16xf32>
          %add3A_344 = arith.constant 2 : i32
          %add3A_345 = arith.addi %mul3A_288, %add3A_344 : i32
          %get3A_346 = arith.index_cast %add3A_345 : i32 to index
          %get3A_347 = arith.constant 16 : index
          %get3A_348 = tpu.vector_load %arg15[%get3A_346, %get3A_347] {strides = array<i32>} : memref<160x64xf32, #tpu.memory_space<vmem>>, vector<16xf32>,
          %max3A_349 = arith.maximumf %max3A_343, %get3A_348 : vector<16xf32>
          %add3A_350 = arith.constant 3 : i32
          %add3A_351 = arith.addi %mul3A_288, %add3A_350 : i32
          %get3A_352 = arith.index_cast %add3A_351 : i32 to index
          %get3A_353 = arith.constant 16 : index
          %get3A_354 = tpu.vector_load %arg15[%get3A_352, %get3A_353] {strides = array<i32>} : memref<160x64xf32, #tpu.memory_space<vmem>>, vector<16xf32>,
          %max3A_355 = arith.maximumf %max3A_349, %get3A_354 : vector<16xf32>
          %add3A_356 = arith.constant 4 : i32
          %add3A_357 = arith.addi %mul3A_288, %add3A_356 : i32
          %get3A_358 = arith.index_cast %add3A_357 : i32 to index
          %get3A_359 = arith.constant 16 : index
          %get3A_360 = tpu.vector_load %arg15[%get3A_358, %get3A_359] {strides = array<i32>} : memref<160x64xf32, #tpu.memory_space<vmem>>, vector<16xf32>,
          %max3A_361 = arith.maximumf %max3A_355, %get3A_360 : vector<16xf32>
          %add3A_362 = arith.constant 5 : i32
          %add3A_363 = arith.addi %mul3A_288, %add3A_362 : i32
          %get3A_364 = arith.index_cast %add3A_363 : i32 to index
          %get3A_365 = arith.constant 16 : index
          %get3A_366 = tpu.vector_load %arg15[%get3A_364, %get3A_365] {strides = array<i32>} : memref<160x64xf32, #tpu.memory_space<vmem>>, vector<16xf32>,
          %max3A_367 = arith.maximumf %max3A_361, %get3A_366 : vector<16xf32>
          %add3A_368 = arith.constant 6 : i32
          %add3A_369 = arith.addi %mul3A_288, %add3A_368 : i32
          %get3A_370 = arith.index_cast %add3A_369 : i32 to index
          %get3A_371 = arith.constant 16 : index
          %get3A_372 = tpu.vector_load %arg15[%get3A_370, %get3A_371] {strides = array<i32>} : memref<160x64xf32, #tpu.memory_space<vmem>>, vector<16xf32>,
          %max3A_373 = arith.maximumf %max3A_367, %get3A_372 : vector<16xf32>
          %add3A_374 = arith.constant 7 : i32
          %add3A_375 = arith.addi %mul3A_288, %add3A_374 : i32
          %get3A_376 = arith.index_cast %add3A_375 : i32 to index
          %get3A_377 = arith.constant 16 : index
          %get3A_378 = tpu.vector_load %arg15[%get3A_376, %get3A_377] {strides = array<i32>} : memref<160x64xf32, #tpu.memory_space<vmem>>, vector<16xf32>,
          %max3A_379 = arith.maximumf %max3A_373, %get3A_378 : vector<16xf32>
          %add3A_380 = arith.constant 16 : i32
          %add3A_381 = vector.broadcast %add3A_380 : i32 to vector<16xi32>
          %add3A_382 = arith.addi %add3A_381, %iota3A : vector<16xi32>
          tpu.vector_store_idx %arg16[%add3A_382, %broadcast_in_dim3A_286], %max3A_379 : memref<64x200xf32, #tpu.memory_space<vmem>>[vector<16xi32>, vector<16xi32>], vector<16xf32>,
          %get3A_383 = arith.index_cast %mul3A_288 : i32 to index
          %get3A_384 = arith.constant 32 : index
          %get3A_385 = tpu.vector_load %arg15[%get3A_383, %get3A_384] {strides = array<i32>} : memref<160x64xf32, #tpu.memory_space<vmem>>, vector<16xf32>,
          %add3A_386 = arith.constant 1 : i32
          %add3A_387 = arith.addi %mul3A_288, %add3A_386 : i32
          %get3A_388 = arith.index_cast %add3A_387 : i32 to index
          %get3A_389 = arith.constant 32 : index
          %get3A_390 = tpu.vector_load %arg15[%get3A_388, %get3A_389] {strides = array<i32>} : memref<160x64xf32, #tpu.memory_space<vmem>>, vector<16xf32>,
          %max3A_391 = arith.maximumf %get3A_385, %get3A_390 : vector<16xf32>
          %add3A_392 = arith.constant 2 : i32
          %add3A_393 = arith.addi %mul3A_288, %add3A_392 : i32
          %get3A_394 = arith.index_cast %add3A_393 : i32 to index
          %get3A_395 = arith.constant 32 : index
          %get3A_396 = tpu.vector_load %arg15[%get3A_394, %get3A_395] {strides = array<i32>} : memref<160x64xf32, #tpu.memory_space<vmem>>, vector<16xf32>,
          %max3A_397 = arith.maximumf %max3A_391, %get3A_396 : vector<16xf32>
          %add3A_398 = arith.constant 3 : i32
          %add3A_399 = arith.addi %mul3A_288, %add3A_398 : i32
          %get3A_400 = arith.index_cast %add3A_399 : i32 to index
          %get3A_401 = arith.constant 32 : index
          %get3A_402 = tpu.vector_load %arg15[%get3A_400, %get3A_401] {strides = array<i32>} : memref<160x64xf32, #tpu.memory_space<vmem>>, vector<16xf32>,
          %max3A_403 = arith.maximumf %max3A_397, %get3A_402 : vector<16xf32>
          %add3A_404 = arith.constant 4 : i32
          %add3A_405 = arith.addi %mul3A_288, %add3A_404 : i32
          %get3A_406 = arith.index_cast %add3A_405 : i32 to index
          %get3A_407 = arith.constant 32 : index
          %get3A_408 = tpu.vector_load %arg15[%get3A_406, %get3A_407] {strides = array<i32>} : memref<160x64xf32, #tpu.memory_space<vmem>>, vector<16xf32>,
          %max3A_409 = arith.maximumf %max3A_403, %get3A_408 : vector<16xf32>
          %add3A_410 = arith.constant 5 : i32
          %add3A_411 = arith.addi %mul3A_288, %add3A_410 : i32
          %get3A_412 = arith.index_cast %add3A_411 : i32 to index
          %get3A_413 = arith.constant 32 : index
          %get3A_414 = tpu.vector_load %arg15[%get3A_412, %get3A_413] {strides = array<i32>} : memref<160x64xf32, #tpu.memory_space<vmem>>, vector<16xf32>,
          %max3A_415 = arith.maximumf %max3A_409, %get3A_414 : vector<16xf32>
          %add3A_416 = arith.constant 6 : i32
          %add3A_417 = arith.addi %mul3A_288, %add3A_416 : i32
          %get3A_418 = arith.index_cast %add3A_417 : i32 to index
          %get3A_419 = arith.constant 32 : index
          %get3A_420 = tpu.vector_load %arg15[%get3A_418, %get3A_419] {strides = array<i32>} : memref<160x64xf32, #tpu.memory_space<vmem>>, vector<16xf32>,
          %max3A_421 = arith.maximumf %max3A_415, %get3A_420 : vector<16xf32>
          %add3A_422 = arith.constant 7 : i32
          %add3A_423 = arith.addi %mul3A_288, %add3A_422 : i32
          %get3A_424 = arith.index_cast %add3A_423 : i32 to index
          %get3A_425 = arith.constant 32 : index
          %get3A_426 = tpu.vector_load %arg15[%get3A_424, %get3A_425] {strides = array<i32>} : memref<160x64xf32, #tpu.memory_space<vmem>>, vector<16xf32>,
          %max3A_427 = arith.maximumf %max3A_421, %get3A_426 : vector<16xf32>
          %add3A_428 = arith.constant 32 : i32
          %add3A_429 = vector.broadcast %add3A_428 : i32 to vector<16xi32>
          %add3A_430 = arith.addi %add3A_429, %iota3A : vector<16xi32>
          tpu.vector_store_idx %arg16[%add3A_430, %broadcast_in_dim3A_286], %max3A_427 : memref<64x200xf32, #tpu.memory_space<vmem>>[vector<16xi32>, vector<16xi32>], vector<16xf32>,
          %get3A_431 = arith.index_cast %mul3A_288 : i32 to index
          %get3A_432 = arith.constant 48 : index
          %get3A_433 = tpu.vector_load %arg15[%get3A_431, %get3A_432] {strides = array<i32>} : memref<160x64xf32, #tpu.memory_space<vmem>>, vector<16xf32>,
          %add3A_434 = arith.constant 1 : i32
          %add3A_435 = arith.addi %mul3A_288, %add3A_434 : i32
          %get3A_436 = arith.index_cast %add3A_435 : i32 to index
          %get3A_437 = arith.constant 48 : index
          %get3A_438 = tpu.vector_load %arg15[%get3A_436, %get3A_437] {strides = array<i32>} : memref<160x64xf32, #tpu.memory_space<vmem>>, vector<16xf32>,
          %max3A_439 = arith.maximumf %get3A_433, %get3A_438 : vector<16xf32>
          %add3A_440 = arith.constant 2 : i32
          %add3A_441 = arith.addi %mul3A_288, %add3A_440 : i32
          %get3A_442 = arith.index_cast %add3A_441 : i32 to index
          %get3A_443 = arith.constant 48 : index
          %get3A_444 = tpu.vector_load %arg15[%get3A_442, %get3A_443] {strides = array<i32>} : memref<160x64xf32, #tpu.memory_space<vmem>>, vector<16xf32>,
          %max3A_445 = arith.maximumf %max3A_439, %get3A_444 : vector<16xf32>
          %add3A_446 = arith.constant 3 : i32
          %add3A_447 = arith.addi %mul3A_288, %add3A_446 : i32
          %get3A_448 = arith.index_cast %add3A_447 : i32 to index
          %get3A_449 = arith.constant 48 : index
          %get3A_450 = tpu.vector_load %arg15[%get3A_448, %get3A_449] {strides = array<i32>} : memref<160x64xf32, #tpu.memory_space<vmem>>, vector<16xf32>,
          %max3A_451 = arith.maximumf %max3A_445, %get3A_450 : vector<16xf32>
          %add3A_452 = arith.constant 4 : i32
          %add3A_453 = arith.addi %mul3A_288, %add3A_452 : i32
          %get3A_454 = arith.index_cast %add3A_453 : i32 to index
          %get3A_455 = arith.constant 48 : index
          %get3A_456 = tpu.vector_load %arg15[%get3A_454, %get3A_455] {strides = array<i32>} : memref<160x64xf32, #tpu.memory_space<vmem>>, vector<16xf32>,
          %max3A_457 = arith.maximumf %max3A_451, %get3A_456 : vector<16xf32>
          %add3A_458 = arith.constant 5 : i32
          %add3A_459 = arith.addi %mul3A_288, %add3A_458 : i32
          %get3A_460 = arith.index_cast %add3A_459 : i32 to index
          %get3A_461 = arith.constant 48 : index
          %get3A_462 = tpu.vector_load %arg15[%get3A_460, %get3A_461] {strides = array<i32>} : memref<160x64xf32, #tpu.memory_space<vmem>>, vector<16xf32>,
          %max3A_463 = arith.maximumf %max3A_457, %get3A_462 : vector<16xf32>
          %add3A_464 = arith.constant 6 : i32
          %add3A_465 = arith.addi %mul3A_288, %add3A_464 : i32
          %get3A_466 = arith.index_cast %add3A_465 : i32 to index
          %get3A_467 = arith.constant 48 : index
          %get3A_468 = tpu.vector_load %arg15[%get3A_466, %get3A_467] {strides = array<i32>} : memref<160x64xf32, #tpu.memory_space<vmem>>, vector<16xf32>,
          %max3A_469 = arith.maximumf %max3A_463, %get3A_468 : vector<16xf32>
          %add3A_470 = arith.constant 7 : i32
          %add3A_471 = arith.addi %mul3A_288, %add3A_470 : i32
          %get3A_472 = arith.index_cast %add3A_471 : i32 to index
          %get3A_473 = arith.constant 48 : index
          %get3A_474 = tpu.vector_load %arg15[%get3A_472, %get3A_473] {strides = array<i32>} : memref<160x64xf32, #tpu.memory_space<vmem>>, vector<16xf32>,
          %max3A_475 = arith.maximumf %max3A_469, %get3A_474 : vector<16xf32>
          %add3A_476 = arith.constant 48 : i32
          %add3A_477 = vector.broadcast %add3A_476 : i32 to vector<16xi32>
          %add3A_478 = arith.addi %add3A_477, %iota3A : vector<16xi32>
          tpu.vector_store_idx %arg16[%add3A_478, %broadcast_in_dim3A_286], %max3A_475 : memref<64x200xf32, #tpu.memory_space<vmem>>[vector<16xi32>, vector<16xi32>], vector<16xf32>,
          %scan3A_479 = arith.constant 0 : i32
          scf.yield %scan3A_479 : i32
        }
        %scan3A_236 = arith.constant 20 : i32
        %add3A_237 = arith.constant 800 : i32
        %add3A_238 = arith.addi %add3A_191, %add3A_237 : i32
        "tpu.region"() ({
          %run_scoped3A = tpu.sem_alloc : memref<!tpu.dma_semaphore, #tpu.memory_space<semaphore_mem>>
          %dma_start3A_282 = arith.constant 0 : i32
          %dma_start3A_283 = tpu.memref_slice %arg5[%add3A_238, %dma_start3A_282] : memref<16008x64xf32, #tpu.memory_space<vmem_shared>> -> memref<160x64xf32, #tpu.memory_space<vmem_shared>>
          %dma_start3A_284 = arith.constant 0 : i32
          %dma_start3A_285 = tpu.memref_slice %arg5[%add3A_238, %dma_start3A_284] : memref<16008x64xf32, #tpu.memory_space<vmem_shared>> -> memref<160x64xf32, #tpu.memory_space<vmem_shared>>
          tpu.enqueue_dma source(%dma_start3A_285 : memref<160x64xf32, #tpu.memory_space<vmem_shared>>) target(%arg15 : memref<160x64xf32, #tpu.memory_space<vmem>>) target_semaphore(%run_scoped3A : memref<!tpu.dma_semaphore, #tpu.memory_space<semaphore_mem>>)
          %dma_wait3A_286 = arith.constant 0 : i32
          %dma_wait3A_287 = tpu.memref_slice %arg5[%add3A_238, %dma_wait3A_286] : memref<16008x64xf32, #tpu.memory_space<vmem_shared>> -> memref<160x64xf32, #tpu.memory_space<vmem_shared>>
          %dma_wait3A_288 = arith.constant 0 : i32
          %dma_wait3A_289 = tpu.memref_slice %arg5[%add3A_238, %dma_wait3A_288] : memref<16008x64xf32, #tpu.memory_space<vmem_shared>> -> memref<160x64xf32, #tpu.memory_space<vmem_shared>>
          tpu.wait_dma2 semaphore(%run_scoped3A : memref<!tpu.dma_semaphore, #tpu.memory_space<semaphore_mem>>) src(%dma_wait3A_289 : memref<160x64xf32, #tpu.memory_space<vmem_shared>>) dst(%arg15 : memref<160x64xf32, #tpu.memory_space<vmem>>)
          tpu.yield
        }) : () -> ()
        %scan3A_239 = arith.constant 0 : i32
        %scan3A_240 = arith.constant 0 : i32
        %scan3A_241 = arith.constant 20 : i32
        %scan3A_242 = arith.addi %scan3A_240, %scan3A_241 : i32
        %scan3A_243 = arith.constant 1 : i32
        %scan3A_244 = scf.for %scan3A_282 = %scan3A_240 to %scan3A_242 step %scan3A_243 iter_args(%scan3A_283 = %scan3A_239) -> (i32)  : i32 {
          %sub3A_284 = arith.constant 99 : i32
          %sub3A_285 = arith.subi %sub3A_284, %scan3A_282 : i32
          %broadcast_in_dim3A_286 = vector.broadcast %sub3A_285 : i32 to vector<16xi32>
          %mul3A_287 = arith.constant 8 : i32
          %mul3A_288 = arith.muli %scan3A_282, %mul3A_287 : i32
          %get3A = arith.index_cast %mul3A_288 : i32 to index
          %get3A_289 = arith.constant 0 : index
          %get3A_290 = tpu.vector_load %arg15[%get3A, %get3A_289] {strides = array<i32>} : memref<160x64xf32, #tpu.memory_space<vmem>>, vector<16xf32>,
          %add3A_291 = arith.constant 1 : i32
          %add3A_292 = arith.addi %mul3A_288, %add3A_291 : i32
          %get3A_293 = arith.index_cast %add3A_292 : i32 to index
          %get3A_294 = arith.constant 0 : index
          %get3A_295 = tpu.vector_load %arg15[%get3A_293, %get3A_294] {strides = array<i32>} : memref<160x64xf32, #tpu.memory_space<vmem>>, vector<16xf32>,
          %max3A = arith.maximumf %get3A_290, %get3A_295 : vector<16xf32>
          %add3A_296 = arith.constant 2 : i32
          %add3A_297 = arith.addi %mul3A_288, %add3A_296 : i32
          %get3A_298 = arith.index_cast %add3A_297 : i32 to index
          %get3A_299 = arith.constant 0 : index
          %get3A_300 = tpu.vector_load %arg15[%get3A_298, %get3A_299] {strides = array<i32>} : memref<160x64xf32, #tpu.memory_space<vmem>>, vector<16xf32>,
          %max3A_301 = arith.maximumf %max3A, %get3A_300 : vector<16xf32>
          %add3A_302 = arith.constant 3 : i32
          %add3A_303 = arith.addi %mul3A_288, %add3A_302 : i32
          %get3A_304 = arith.index_cast %add3A_303 : i32 to index
          %get3A_305 = arith.constant 0 : index
          %get3A_306 = tpu.vector_load %arg15[%get3A_304, %get3A_305] {strides = array<i32>} : memref<160x64xf32, #tpu.memory_space<vmem>>, vector<16xf32>,
          %max3A_307 = arith.maximumf %max3A_301, %get3A_306 : vector<16xf32>
          %add3A_308 = arith.constant 4 : i32
          %add3A_309 = arith.addi %mul3A_288, %add3A_308 : i32
          %get3A_310 = arith.index_cast %add3A_309 : i32 to index
          %get3A_311 = arith.constant 0 : index
          %get3A_312 = tpu.vector_load %arg15[%get3A_310, %get3A_311] {strides = array<i32>} : memref<160x64xf32, #tpu.memory_space<vmem>>, vector<16xf32>,
          %max3A_313 = arith.maximumf %max3A_307, %get3A_312 : vector<16xf32>
          %add3A_314 = arith.constant 5 : i32
          %add3A_315 = arith.addi %mul3A_288, %add3A_314 : i32
          %get3A_316 = arith.index_cast %add3A_315 : i32 to index
          %get3A_317 = arith.constant 0 : index
          %get3A_318 = tpu.vector_load %arg15[%get3A_316, %get3A_317] {strides = array<i32>} : memref<160x64xf32, #tpu.memory_space<vmem>>, vector<16xf32>,
          %max3A_319 = arith.maximumf %max3A_313, %get3A_318 : vector<16xf32>
          %add3A_320 = arith.constant 6 : i32
          %add3A_321 = arith.addi %mul3A_288, %add3A_320 : i32
          %get3A_322 = arith.index_cast %add3A_321 : i32 to index
          %get3A_323 = arith.constant 0 : index
          %get3A_324 = tpu.vector_load %arg15[%get3A_322, %get3A_323] {strides = array<i32>} : memref<160x64xf32, #tpu.memory_space<vmem>>, vector<16xf32>,
          %max3A_325 = arith.maximumf %max3A_319, %get3A_324 : vector<16xf32>
          %add3A_326 = arith.constant 7 : i32
          %add3A_327 = arith.addi %mul3A_288, %add3A_326 : i32
          %get3A_328 = arith.index_cast %add3A_327 : i32 to index
          %get3A_329 = arith.constant 0 : index
          %get3A_330 = tpu.vector_load %arg15[%get3A_328, %get3A_329] {strides = array<i32>} : memref<160x64xf32, #tpu.memory_space<vmem>>, vector<16xf32>,
          %max3A_331 = arith.maximumf %max3A_325, %get3A_330 : vector<16xf32>
          %add3A_332 = arith.constant 0 : i32
          %add3A_333 = vector.broadcast %add3A_332 : i32 to vector<16xi32>
          %add3A_334 = arith.addi %add3A_333, %iota3A : vector<16xi32>
          tpu.vector_store_idx %arg16[%add3A_334, %broadcast_in_dim3A_286], %max3A_331 : memref<64x200xf32, #tpu.memory_space<vmem>>[vector<16xi32>, vector<16xi32>], vector<16xf32>,
          %get3A_335 = arith.index_cast %mul3A_288 : i32 to index
          %get3A_336 = arith.constant 16 : index
          %get3A_337 = tpu.vector_load %arg15[%get3A_335, %get3A_336] {strides = array<i32>} : memref<160x64xf32, #tpu.memory_space<vmem>>, vector<16xf32>,
          %add3A_338 = arith.constant 1 : i32
          %add3A_339 = arith.addi %mul3A_288, %add3A_338 : i32
          %get3A_340 = arith.index_cast %add3A_339 : i32 to index
          %get3A_341 = arith.constant 16 : index
          %get3A_342 = tpu.vector_load %arg15[%get3A_340, %get3A_341] {strides = array<i32>} : memref<160x64xf32, #tpu.memory_space<vmem>>, vector<16xf32>,
          %max3A_343 = arith.maximumf %get3A_337, %get3A_342 : vector<16xf32>
          %add3A_344 = arith.constant 2 : i32
          %add3A_345 = arith.addi %mul3A_288, %add3A_344 : i32
          %get3A_346 = arith.index_cast %add3A_345 : i32 to index
          %get3A_347 = arith.constant 16 : index
          %get3A_348 = tpu.vector_load %arg15[%get3A_346, %get3A_347] {strides = array<i32>} : memref<160x64xf32, #tpu.memory_space<vmem>>, vector<16xf32>,
          %max3A_349 = arith.maximumf %max3A_343, %get3A_348 : vector<16xf32>
          %add3A_350 = arith.constant 3 : i32
          %add3A_351 = arith.addi %mul3A_288, %add3A_350 : i32
          %get3A_352 = arith.index_cast %add3A_351 : i32 to index
          %get3A_353 = arith.constant 16 : index
          %get3A_354 = tpu.vector_load %arg15[%get3A_352, %get3A_353] {strides = array<i32>} : memref<160x64xf32, #tpu.memory_space<vmem>>, vector<16xf32>,
          %max3A_355 = arith.maximumf %max3A_349, %get3A_354 : vector<16xf32>
          %add3A_356 = arith.constant 4 : i32
          %add3A_357 = arith.addi %mul3A_288, %add3A_356 : i32
          %get3A_358 = arith.index_cast %add3A_357 : i32 to index
          %get3A_359 = arith.constant 16 : index
          %get3A_360 = tpu.vector_load %arg15[%get3A_358, %get3A_359] {strides = array<i32>} : memref<160x64xf32, #tpu.memory_space<vmem>>, vector<16xf32>,
          %max3A_361 = arith.maximumf %max3A_355, %get3A_360 : vector<16xf32>
          %add3A_362 = arith.constant 5 : i32
          %add3A_363 = arith.addi %mul3A_288, %add3A_362 : i32
          %get3A_364 = arith.index_cast %add3A_363 : i32 to index
          %get3A_365 = arith.constant 16 : index
          %get3A_366 = tpu.vector_load %arg15[%get3A_364, %get3A_365] {strides = array<i32>} : memref<160x64xf32, #tpu.memory_space<vmem>>, vector<16xf32>,
          %max3A_367 = arith.maximumf %max3A_361, %get3A_366 : vector<16xf32>
          %add3A_368 = arith.constant 6 : i32
          %add3A_369 = arith.addi %mul3A_288, %add3A_368 : i32
          %get3A_370 = arith.index_cast %add3A_369 : i32 to index
          %get3A_371 = arith.constant 16 : index
          %get3A_372 = tpu.vector_load %arg15[%get3A_370, %get3A_371] {strides = array<i32>} : memref<160x64xf32, #tpu.memory_space<vmem>>, vector<16xf32>,
          %max3A_373 = arith.maximumf %max3A_367, %get3A_372 : vector<16xf32>
          %add3A_374 = arith.constant 7 : i32
          %add3A_375 = arith.addi %mul3A_288, %add3A_374 : i32
          %get3A_376 = arith.index_cast %add3A_375 : i32 to index
          %get3A_377 = arith.constant 16 : index
          %get3A_378 = tpu.vector_load %arg15[%get3A_376, %get3A_377] {strides = array<i32>} : memref<160x64xf32, #tpu.memory_space<vmem>>, vector<16xf32>,
          %max3A_379 = arith.maximumf %max3A_373, %get3A_378 : vector<16xf32>
          %add3A_380 = arith.constant 16 : i32
          %add3A_381 = vector.broadcast %add3A_380 : i32 to vector<16xi32>
          %add3A_382 = arith.addi %add3A_381, %iota3A : vector<16xi32>
          tpu.vector_store_idx %arg16[%add3A_382, %broadcast_in_dim3A_286], %max3A_379 : memref<64x200xf32, #tpu.memory_space<vmem>>[vector<16xi32>, vector<16xi32>], vector<16xf32>,
          %get3A_383 = arith.index_cast %mul3A_288 : i32 to index
          %get3A_384 = arith.constant 32 : index
          %get3A_385 = tpu.vector_load %arg15[%get3A_383, %get3A_384] {strides = array<i32>} : memref<160x64xf32, #tpu.memory_space<vmem>>, vector<16xf32>,
          %add3A_386 = arith.constant 1 : i32
          %add3A_387 = arith.addi %mul3A_288, %add3A_386 : i32
          %get3A_388 = arith.index_cast %add3A_387 : i32 to index
          %get3A_389 = arith.constant 32 : index
          %get3A_390 = tpu.vector_load %arg15[%get3A_388, %get3A_389] {strides = array<i32>} : memref<160x64xf32, #tpu.memory_space<vmem>>, vector<16xf32>,
          %max3A_391 = arith.maximumf %get3A_385, %get3A_390 : vector<16xf32>
          %add3A_392 = arith.constant 2 : i32
          %add3A_393 = arith.addi %mul3A_288, %add3A_392 : i32
          %get3A_394 = arith.index_cast %add3A_393 : i32 to index
          %get3A_395 = arith.constant 32 : index
          %get3A_396 = tpu.vector_load %arg15[%get3A_394, %get3A_395] {strides = array<i32>} : memref<160x64xf32, #tpu.memory_space<vmem>>, vector<16xf32>,
          %max3A_397 = arith.maximumf %max3A_391, %get3A_396 : vector<16xf32>
          %add3A_398 = arith.constant 3 : i32
          %add3A_399 = arith.addi %mul3A_288, %add3A_398 : i32
          %get3A_400 = arith.index_cast %add3A_399 : i32 to index
          %get3A_401 = arith.constant 32 : index
          %get3A_402 = tpu.vector_load %arg15[%get3A_400, %get3A_401] {strides = array<i32>} : memref<160x64xf32, #tpu.memory_space<vmem>>, vector<16xf32>,
          %max3A_403 = arith.maximumf %max3A_397, %get3A_402 : vector<16xf32>
          %add3A_404 = arith.constant 4 : i32
          %add3A_405 = arith.addi %mul3A_288, %add3A_404 : i32
          %get3A_406 = arith.index_cast %add3A_405 : i32 to index
          %get3A_407 = arith.constant 32 : index
          %get3A_408 = tpu.vector_load %arg15[%get3A_406, %get3A_407] {strides = array<i32>} : memref<160x64xf32, #tpu.memory_space<vmem>>, vector<16xf32>,
          %max3A_409 = arith.maximumf %max3A_403, %get3A_408 : vector<16xf32>
          %add3A_410 = arith.constant 5 : i32
          %add3A_411 = arith.addi %mul3A_288, %add3A_410 : i32
          %get3A_412 = arith.index_cast %add3A_411 : i32 to index
          %get3A_413 = arith.constant 32 : index
          %get3A_414 = tpu.vector_load %arg15[%get3A_412, %get3A_413] {strides = array<i32>} : memref<160x64xf32, #tpu.memory_space<vmem>>, vector<16xf32>,
          %max3A_415 = arith.maximumf %max3A_409, %get3A_414 : vector<16xf32>
          %add3A_416 = arith.constant 6 : i32
          %add3A_417 = arith.addi %mul3A_288, %add3A_416 : i32
          %get3A_418 = arith.index_cast %add3A_417 : i32 to index
          %get3A_419 = arith.constant 32 : index
          %get3A_420 = tpu.vector_load %arg15[%get3A_418, %get3A_419] {strides = array<i32>} : memref<160x64xf32, #tpu.memory_space<vmem>>, vector<16xf32>,
          %max3A_421 = arith.maximumf %max3A_415, %get3A_420 : vector<16xf32>
          %add3A_422 = arith.constant 7 : i32
          %add3A_423 = arith.addi %mul3A_288, %add3A_422 : i32
          %get3A_424 = arith.index_cast %add3A_423 : i32 to index
          %get3A_425 = arith.constant 32 : index
          %get3A_426 = tpu.vector_load %arg15[%get3A_424, %get3A_425] {strides = array<i32>} : memref<160x64xf32, #tpu.memory_space<vmem>>, vector<16xf32>,
          %max3A_427 = arith.maximumf %max3A_421, %get3A_426 : vector<16xf32>
          %add3A_428 = arith.constant 32 : i32
          %add3A_429 = vector.broadcast %add3A_428 : i32 to vector<16xi32>
          %add3A_430 = arith.addi %add3A_429, %iota3A : vector<16xi32>
          tpu.vector_store_idx %arg16[%add3A_430, %broadcast_in_dim3A_286], %max3A_427 : memref<64x200xf32, #tpu.memory_space<vmem>>[vector<16xi32>, vector<16xi32>], vector<16xf32>,
          %get3A_431 = arith.index_cast %mul3A_288 : i32 to index
          %get3A_432 = arith.constant 48 : index
          %get3A_433 = tpu.vector_load %arg15[%get3A_431, %get3A_432] {strides = array<i32>} : memref<160x64xf32, #tpu.memory_space<vmem>>, vector<16xf32>,
          %add3A_434 = arith.constant 1 : i32
          %add3A_435 = arith.addi %mul3A_288, %add3A_434 : i32
          %get3A_436 = arith.index_cast %add3A_435 : i32 to index
          %get3A_437 = arith.constant 48 : index
          %get3A_438 = tpu.vector_load %arg15[%get3A_436, %get3A_437] {strides = array<i32>} : memref<160x64xf32, #tpu.memory_space<vmem>>, vector<16xf32>,
          %max3A_439 = arith.maximumf %get3A_433, %get3A_438 : vector<16xf32>
          %add3A_440 = arith.constant 2 : i32
          %add3A_441 = arith.addi %mul3A_288, %add3A_440 : i32
          %get3A_442 = arith.index_cast %add3A_441 : i32 to index
          %get3A_443 = arith.constant 48 : index
          %get3A_444 = tpu.vector_load %arg15[%get3A_442, %get3A_443] {strides = array<i32>} : memref<160x64xf32, #tpu.memory_space<vmem>>, vector<16xf32>,
          %max3A_445 = arith.maximumf %max3A_439, %get3A_444 : vector<16xf32>
          %add3A_446 = arith.constant 3 : i32
          %add3A_447 = arith.addi %mul3A_288, %add3A_446 : i32
          %get3A_448 = arith.index_cast %add3A_447 : i32 to index
          %get3A_449 = arith.constant 48 : index
          %get3A_450 = tpu.vector_load %arg15[%get3A_448, %get3A_449] {strides = array<i32>} : memref<160x64xf32, #tpu.memory_space<vmem>>, vector<16xf32>,
          %max3A_451 = arith.maximumf %max3A_445, %get3A_450 : vector<16xf32>
          %add3A_452 = arith.constant 4 : i32
          %add3A_453 = arith.addi %mul3A_288, %add3A_452 : i32
          %get3A_454 = arith.index_cast %add3A_453 : i32 to index
          %get3A_455 = arith.constant 48 : index
          %get3A_456 = tpu.vector_load %arg15[%get3A_454, %get3A_455] {strides = array<i32>} : memref<160x64xf32, #tpu.memory_space<vmem>>, vector<16xf32>,
          %max3A_457 = arith.maximumf %max3A_451, %get3A_456 : vector<16xf32>
          %add3A_458 = arith.constant 5 : i32
          %add3A_459 = arith.addi %mul3A_288, %add3A_458 : i32
          %get3A_460 = arith.index_cast %add3A_459 : i32 to index
          %get3A_461 = arith.constant 48 : index
          %get3A_462 = tpu.vector_load %arg15[%get3A_460, %get3A_461] {strides = array<i32>} : memref<160x64xf32, #tpu.memory_space<vmem>>, vector<16xf32>,
          %max3A_463 = arith.maximumf %max3A_457, %get3A_462 : vector<16xf32>
          %add3A_464 = arith.constant 6 : i32
          %add3A_465 = arith.addi %mul3A_288, %add3A_464 : i32
          %get3A_466 = arith.index_cast %add3A_465 : i32 to index
          %get3A_467 = arith.constant 48 : index
          %get3A_468 = tpu.vector_load %arg15[%get3A_466, %get3A_467] {strides = array<i32>} : memref<160x64xf32, #tpu.memory_space<vmem>>, vector<16xf32>,
          %max3A_469 = arith.maximumf %max3A_463, %get3A_468 : vector<16xf32>
          %add3A_470 = arith.constant 7 : i32
          %add3A_471 = arith.addi %mul3A_288, %add3A_470 : i32
          %get3A_472 = arith.index_cast %add3A_471 : i32 to index
          %get3A_473 = arith.constant 48 : index
          %get3A_474 = tpu.vector_load %arg15[%get3A_472, %get3A_473] {strides = array<i32>} : memref<160x64xf32, #tpu.memory_space<vmem>>, vector<16xf32>,
          %max3A_475 = arith.maximumf %max3A_469, %get3A_474 : vector<16xf32>
          %add3A_476 = arith.constant 48 : i32
          %add3A_477 = vector.broadcast %add3A_476 : i32 to vector<16xi32>
          %add3A_478 = arith.addi %add3A_477, %iota3A : vector<16xi32>
          tpu.vector_store_idx %arg16[%add3A_478, %broadcast_in_dim3A_286], %max3A_475 : memref<64x200xf32, #tpu.memory_space<vmem>>[vector<16xi32>, vector<16xi32>], vector<16xf32>,
          %scan3A_479 = arith.constant 0 : i32
          scf.yield %scan3A_479 : i32
        }
        %scan3A_245 = arith.constant 20 : i32
        %add3A_246 = arith.constant 960 : i32
        %add3A_247 = arith.addi %add3A_191, %add3A_246 : i32
        "tpu.region"() ({
          %run_scoped3A = tpu.sem_alloc : memref<!tpu.dma_semaphore, #tpu.memory_space<semaphore_mem>>
          %dma_start3A_282 = arith.constant 0 : i32
          %dma_start3A_283 = tpu.memref_slice %arg5[%add3A_247, %dma_start3A_282] : memref<16008x64xf32, #tpu.memory_space<vmem_shared>> -> memref<160x64xf32, #tpu.memory_space<vmem_shared>>
          %dma_start3A_284 = arith.constant 0 : i32
          %dma_start3A_285 = tpu.memref_slice %arg5[%add3A_247, %dma_start3A_284] : memref<16008x64xf32, #tpu.memory_space<vmem_shared>> -> memref<160x64xf32, #tpu.memory_space<vmem_shared>>
          tpu.enqueue_dma source(%dma_start3A_285 : memref<160x64xf32, #tpu.memory_space<vmem_shared>>) target(%arg15 : memref<160x64xf32, #tpu.memory_space<vmem>>) target_semaphore(%run_scoped3A : memref<!tpu.dma_semaphore, #tpu.memory_space<semaphore_mem>>)
          %dma_wait3A_286 = arith.constant 0 : i32
          %dma_wait3A_287 = tpu.memref_slice %arg5[%add3A_247, %dma_wait3A_286] : memref<16008x64xf32, #tpu.memory_space<vmem_shared>> -> memref<160x64xf32, #tpu.memory_space<vmem_shared>>
          %dma_wait3A_288 = arith.constant 0 : i32
          %dma_wait3A_289 = tpu.memref_slice %arg5[%add3A_247, %dma_wait3A_288] : memref<16008x64xf32, #tpu.memory_space<vmem_shared>> -> memref<160x64xf32, #tpu.memory_space<vmem_shared>>
          tpu.wait_dma2 semaphore(%run_scoped3A : memref<!tpu.dma_semaphore, #tpu.memory_space<semaphore_mem>>) src(%dma_wait3A_289 : memref<160x64xf32, #tpu.memory_space<vmem_shared>>) dst(%arg15 : memref<160x64xf32, #tpu.memory_space<vmem>>)
          tpu.yield
        }) : () -> ()
        %scan3A_248 = arith.constant 0 : i32
        %scan3A_249 = arith.constant 0 : i32
        %scan3A_250 = arith.constant 20 : i32
        %scan3A_251 = arith.addi %scan3A_249, %scan3A_250 : i32
        %scan3A_252 = arith.constant 1 : i32
        %scan3A_253 = scf.for %scan3A_282 = %scan3A_249 to %scan3A_251 step %scan3A_252 iter_args(%scan3A_283 = %scan3A_248) -> (i32)  : i32 {
          %sub3A_284 = arith.constant 79 : i32
          %sub3A_285 = arith.subi %sub3A_284, %scan3A_282 : i32
          %broadcast_in_dim3A_286 = vector.broadcast %sub3A_285 : i32 to vector<16xi32>
          %mul3A_287 = arith.constant 8 : i32
          %mul3A_288 = arith.muli %scan3A_282, %mul3A_287 : i32
          %get3A = arith.index_cast %mul3A_288 : i32 to index
          %get3A_289 = arith.constant 0 : index
          %get3A_290 = tpu.vector_load %arg15[%get3A, %get3A_289] {strides = array<i32>} : memref<160x64xf32, #tpu.memory_space<vmem>>, vector<16xf32>,
          %add3A_291 = arith.constant 1 : i32
          %add3A_292 = arith.addi %mul3A_288, %add3A_291 : i32
          %get3A_293 = arith.index_cast %add3A_292 : i32 to index
          %get3A_294 = arith.constant 0 : index
          %get3A_295 = tpu.vector_load %arg15[%get3A_293, %get3A_294] {strides = array<i32>} : memref<160x64xf32, #tpu.memory_space<vmem>>, vector<16xf32>,
          %max3A = arith.maximumf %get3A_290, %get3A_295 : vector<16xf32>
          %add3A_296 = arith.constant 2 : i32
          %add3A_297 = arith.addi %mul3A_288, %add3A_296 : i32
          %get3A_298 = arith.index_cast %add3A_297 : i32 to index
          %get3A_299 = arith.constant 0 : index
          %get3A_300 = tpu.vector_load %arg15[%get3A_298, %get3A_299] {strides = array<i32>} : memref<160x64xf32, #tpu.memory_space<vmem>>, vector<16xf32>,
          %max3A_301 = arith.maximumf %max3A, %get3A_300 : vector<16xf32>
          %add3A_302 = arith.constant 3 : i32
          %add3A_303 = arith.addi %mul3A_288, %add3A_302 : i32
          %get3A_304 = arith.index_cast %add3A_303 : i32 to index
          %get3A_305 = arith.constant 0 : index
          %get3A_306 = tpu.vector_load %arg15[%get3A_304, %get3A_305] {strides = array<i32>} : memref<160x64xf32, #tpu.memory_space<vmem>>, vector<16xf32>,
          %max3A_307 = arith.maximumf %max3A_301, %get3A_306 : vector<16xf32>
          %add3A_308 = arith.constant 4 : i32
          %add3A_309 = arith.addi %mul3A_288, %add3A_308 : i32
          %get3A_310 = arith.index_cast %add3A_309 : i32 to index
          %get3A_311 = arith.constant 0 : index
          %get3A_312 = tpu.vector_load %arg15[%get3A_310, %get3A_311] {strides = array<i32>} : memref<160x64xf32, #tpu.memory_space<vmem>>, vector<16xf32>,
          %max3A_313 = arith.maximumf %max3A_307, %get3A_312 : vector<16xf32>
          %add3A_314 = arith.constant 5 : i32
          %add3A_315 = arith.addi %mul3A_288, %add3A_314 : i32
          %get3A_316 = arith.index_cast %add3A_315 : i32 to index
          %get3A_317 = arith.constant 0 : index
          %get3A_318 = tpu.vector_load %arg15[%get3A_316, %get3A_317] {strides = array<i32>} : memref<160x64xf32, #tpu.memory_space<vmem>>, vector<16xf32>,
          %max3A_319 = arith.maximumf %max3A_313, %get3A_318 : vector<16xf32>
          %add3A_320 = arith.constant 6 : i32
          %add3A_321 = arith.addi %mul3A_288, %add3A_320 : i32
          %get3A_322 = arith.index_cast %add3A_321 : i32 to index
          %get3A_323 = arith.constant 0 : index
          %get3A_324 = tpu.vector_load %arg15[%get3A_322, %get3A_323] {strides = array<i32>} : memref<160x64xf32, #tpu.memory_space<vmem>>, vector<16xf32>,
          %max3A_325 = arith.maximumf %max3A_319, %get3A_324 : vector<16xf32>
          %add3A_326 = arith.constant 7 : i32
          %add3A_327 = arith.addi %mul3A_288, %add3A_326 : i32
          %get3A_328 = arith.index_cast %add3A_327 : i32 to index
          %get3A_329 = arith.constant 0 : index
          %get3A_330 = tpu.vector_load %arg15[%get3A_328, %get3A_329] {strides = array<i32>} : memref<160x64xf32, #tpu.memory_space<vmem>>, vector<16xf32>,
          %max3A_331 = arith.maximumf %max3A_325, %get3A_330 : vector<16xf32>
          %add3A_332 = arith.constant 0 : i32
          %add3A_333 = vector.broadcast %add3A_332 : i32 to vector<16xi32>
          %add3A_334 = arith.addi %add3A_333, %iota3A : vector<16xi32>
          tpu.vector_store_idx %arg16[%add3A_334, %broadcast_in_dim3A_286], %max3A_331 : memref<64x200xf32, #tpu.memory_space<vmem>>[vector<16xi32>, vector<16xi32>], vector<16xf32>,
          %get3A_335 = arith.index_cast %mul3A_288 : i32 to index
          %get3A_336 = arith.constant 16 : index
          %get3A_337 = tpu.vector_load %arg15[%get3A_335, %get3A_336] {strides = array<i32>} : memref<160x64xf32, #tpu.memory_space<vmem>>, vector<16xf32>,
          %add3A_338 = arith.constant 1 : i32
          %add3A_339 = arith.addi %mul3A_288, %add3A_338 : i32
          %get3A_340 = arith.index_cast %add3A_339 : i32 to index
          %get3A_341 = arith.constant 16 : index
          %get3A_342 = tpu.vector_load %arg15[%get3A_340, %get3A_341] {strides = array<i32>} : memref<160x64xf32, #tpu.memory_space<vmem>>, vector<16xf32>,
          %max3A_343 = arith.maximumf %get3A_337, %get3A_342 : vector<16xf32>
          %add3A_344 = arith.constant 2 : i32
          %add3A_345 = arith.addi %mul3A_288, %add3A_344 : i32
          %get3A_346 = arith.index_cast %add3A_345 : i32 to index
          %get3A_347 = arith.constant 16 : index
          %get3A_348 = tpu.vector_load %arg15[%get3A_346, %get3A_347] {strides = array<i32>} : memref<160x64xf32, #tpu.memory_space<vmem>>, vector<16xf32>,
          %max3A_349 = arith.maximumf %max3A_343, %get3A_348 : vector<16xf32>
          %add3A_350 = arith.constant 3 : i32
          %add3A_351 = arith.addi %mul3A_288, %add3A_350 : i32
          %get3A_352 = arith.index_cast %add3A_351 : i32 to index
          %get3A_353 = arith.constant 16 : index
          %get3A_354 = tpu.vector_load %arg15[%get3A_352, %get3A_353] {strides = array<i32>} : memref<160x64xf32, #tpu.memory_space<vmem>>, vector<16xf32>,
          %max3A_355 = arith.maximumf %max3A_349, %get3A_354 : vector<16xf32>
          %add3A_356 = arith.constant 4 : i32
          %add3A_357 = arith.addi %mul3A_288, %add3A_356 : i32
          %get3A_358 = arith.index_cast %add3A_357 : i32 to index
          %get3A_359 = arith.constant 16 : index
          %get3A_360 = tpu.vector_load %arg15[%get3A_358, %get3A_359] {strides = array<i32>} : memref<160x64xf32, #tpu.memory_space<vmem>>, vector<16xf32>,
          %max3A_361 = arith.maximumf %max3A_355, %get3A_360 : vector<16xf32>
          %add3A_362 = arith.constant 5 : i32
          %add3A_363 = arith.addi %mul3A_288, %add3A_362 : i32
          %get3A_364 = arith.index_cast %add3A_363 : i32 to index
          %get3A_365 = arith.constant 16 : index
          %get3A_366 = tpu.vector_load %arg15[%get3A_364, %get3A_365] {strides = array<i32>} : memref<160x64xf32, #tpu.memory_space<vmem>>, vector<16xf32>,
          %max3A_367 = arith.maximumf %max3A_361, %get3A_366 : vector<16xf32>
          %add3A_368 = arith.constant 6 : i32
          %add3A_369 = arith.addi %mul3A_288, %add3A_368 : i32
          %get3A_370 = arith.index_cast %add3A_369 : i32 to index
          %get3A_371 = arith.constant 16 : index
          %get3A_372 = tpu.vector_load %arg15[%get3A_370, %get3A_371] {strides = array<i32>} : memref<160x64xf32, #tpu.memory_space<vmem>>, vector<16xf32>,
          %max3A_373 = arith.maximumf %max3A_367, %get3A_372 : vector<16xf32>
          %add3A_374 = arith.constant 7 : i32
          %add3A_375 = arith.addi %mul3A_288, %add3A_374 : i32
          %get3A_376 = arith.index_cast %add3A_375 : i32 to index
          %get3A_377 = arith.constant 16 : index
          %get3A_378 = tpu.vector_load %arg15[%get3A_376, %get3A_377] {strides = array<i32>} : memref<160x64xf32, #tpu.memory_space<vmem>>, vector<16xf32>,
          %max3A_379 = arith.maximumf %max3A_373, %get3A_378 : vector<16xf32>
          %add3A_380 = arith.constant 16 : i32
          %add3A_381 = vector.broadcast %add3A_380 : i32 to vector<16xi32>
          %add3A_382 = arith.addi %add3A_381, %iota3A : vector<16xi32>
          tpu.vector_store_idx %arg16[%add3A_382, %broadcast_in_dim3A_286], %max3A_379 : memref<64x200xf32, #tpu.memory_space<vmem>>[vector<16xi32>, vector<16xi32>], vector<16xf32>,
          %get3A_383 = arith.index_cast %mul3A_288 : i32 to index
          %get3A_384 = arith.constant 32 : index
          %get3A_385 = tpu.vector_load %arg15[%get3A_383, %get3A_384] {strides = array<i32>} : memref<160x64xf32, #tpu.memory_space<vmem>>, vector<16xf32>,
          %add3A_386 = arith.constant 1 : i32
          %add3A_387 = arith.addi %mul3A_288, %add3A_386 : i32
          %get3A_388 = arith.index_cast %add3A_387 : i32 to index
          %get3A_389 = arith.constant 32 : index
          %get3A_390 = tpu.vector_load %arg15[%get3A_388, %get3A_389] {strides = array<i32>} : memref<160x64xf32, #tpu.memory_space<vmem>>, vector<16xf32>,
          %max3A_391 = arith.maximumf %get3A_385, %get3A_390 : vector<16xf32>
          %add3A_392 = arith.constant 2 : i32
          %add3A_393 = arith.addi %mul3A_288, %add3A_392 : i32
          %get3A_394 = arith.index_cast %add3A_393 : i32 to index
          %get3A_395 = arith.constant 32 : index
          %get3A_396 = tpu.vector_load %arg15[%get3A_394, %get3A_395] {strides = array<i32>} : memref<160x64xf32, #tpu.memory_space<vmem>>, vector<16xf32>,
          %max3A_397 = arith.maximumf %max3A_391, %get3A_396 : vector<16xf32>
          %add3A_398 = arith.constant 3 : i32
          %add3A_399 = arith.addi %mul3A_288, %add3A_398 : i32
          %get3A_400 = arith.index_cast %add3A_399 : i32 to index
          %get3A_401 = arith.constant 32 : index
          %get3A_402 = tpu.vector_load %arg15[%get3A_400, %get3A_401] {strides = array<i32>} : memref<160x64xf32, #tpu.memory_space<vmem>>, vector<16xf32>,
          %max3A_403 = arith.maximumf %max3A_397, %get3A_402 : vector<16xf32>
          %add3A_404 = arith.constant 4 : i32
          %add3A_405 = arith.addi %mul3A_288, %add3A_404 : i32
          %get3A_406 = arith.index_cast %add3A_405 : i32 to index
          %get3A_407 = arith.constant 32 : index
          %get3A_408 = tpu.vector_load %arg15[%get3A_406, %get3A_407] {strides = array<i32>} : memref<160x64xf32, #tpu.memory_space<vmem>>, vector<16xf32>,
          %max3A_409 = arith.maximumf %max3A_403, %get3A_408 : vector<16xf32>
          %add3A_410 = arith.constant 5 : i32
          %add3A_411 = arith.addi %mul3A_288, %add3A_410 : i32
          %get3A_412 = arith.index_cast %add3A_411 : i32 to index
          %get3A_413 = arith.constant 32 : index
          %get3A_414 = tpu.vector_load %arg15[%get3A_412, %get3A_413] {strides = array<i32>} : memref<160x64xf32, #tpu.memory_space<vmem>>, vector<16xf32>,
          %max3A_415 = arith.maximumf %max3A_409, %get3A_414 : vector<16xf32>
          %add3A_416 = arith.constant 6 : i32
          %add3A_417 = arith.addi %mul3A_288, %add3A_416 : i32
          %get3A_418 = arith.index_cast %add3A_417 : i32 to index
          %get3A_419 = arith.constant 32 : index
          %get3A_420 = tpu.vector_load %arg15[%get3A_418, %get3A_419] {strides = array<i32>} : memref<160x64xf32, #tpu.memory_space<vmem>>, vector<16xf32>,
          %max3A_421 = arith.maximumf %max3A_415, %get3A_420 : vector<16xf32>
          %add3A_422 = arith.constant 7 : i32
          %add3A_423 = arith.addi %mul3A_288, %add3A_422 : i32
          %get3A_424 = arith.index_cast %add3A_423 : i32 to index
          %get3A_425 = arith.constant 32 : index
          %get3A_426 = tpu.vector_load %arg15[%get3A_424, %get3A_425] {strides = array<i32>} : memref<160x64xf32, #tpu.memory_space<vmem>>, vector<16xf32>,
          %max3A_427 = arith.maximumf %max3A_421, %get3A_426 : vector<16xf32>
          %add3A_428 = arith.constant 32 : i32
          %add3A_429 = vector.broadcast %add3A_428 : i32 to vector<16xi32>
          %add3A_430 = arith.addi %add3A_429, %iota3A : vector<16xi32>
          tpu.vector_store_idx %arg16[%add3A_430, %broadcast_in_dim3A_286], %max3A_427 : memref<64x200xf32, #tpu.memory_space<vmem>>[vector<16xi32>, vector<16xi32>], vector<16xf32>,
          %get3A_431 = arith.index_cast %mul3A_288 : i32 to index
          %get3A_432 = arith.constant 48 : index
          %get3A_433 = tpu.vector_load %arg15[%get3A_431, %get3A_432] {strides = array<i32>} : memref<160x64xf32, #tpu.memory_space<vmem>>, vector<16xf32>,
          %add3A_434 = arith.constant 1 : i32
          %add3A_435 = arith.addi %mul3A_288, %add3A_434 : i32
          %get3A_436 = arith.index_cast %add3A_435 : i32 to index
          %get3A_437 = arith.constant 48 : index
          %get3A_438 = tpu.vector_load %arg15[%get3A_436, %get3A_437] {strides = array<i32>} : memref<160x64xf32, #tpu.memory_space<vmem>>, vector<16xf32>,
          %max3A_439 = arith.maximumf %get3A_433, %get3A_438 : vector<16xf32>
          %add3A_440 = arith.constant 2 : i32
          %add3A_441 = arith.addi %mul3A_288, %add3A_440 : i32
          %get3A_442 = arith.index_cast %add3A_441 : i32 to index
          %get3A_443 = arith.constant 48 : index
          %get3A_444 = tpu.vector_load %arg15[%get3A_442, %get3A_443] {strides = array<i32>} : memref<160x64xf32, #tpu.memory_space<vmem>>, vector<16xf32>,
          %max3A_445 = arith.maximumf %max3A_439, %get3A_444 : vector<16xf32>
          %add3A_446 = arith.constant 3 : i32
          %add3A_447 = arith.addi %mul3A_288, %add3A_446 : i32
          %get3A_448 = arith.index_cast %add3A_447 : i32 to index
          %get3A_449 = arith.constant 48 : index
          %get3A_450 = tpu.vector_load %arg15[%get3A_448, %get3A_449] {strides = array<i32>} : memref<160x64xf32, #tpu.memory_space<vmem>>, vector<16xf32>,
          %max3A_451 = arith.maximumf %max3A_445, %get3A_450 : vector<16xf32>
          %add3A_452 = arith.constant 4 : i32
          %add3A_453 = arith.addi %mul3A_288, %add3A_452 : i32
          %get3A_454 = arith.index_cast %add3A_453 : i32 to index
          %get3A_455 = arith.constant 48 : index
          %get3A_456 = tpu.vector_load %arg15[%get3A_454, %get3A_455] {strides = array<i32>} : memref<160x64xf32, #tpu.memory_space<vmem>>, vector<16xf32>,
          %max3A_457 = arith.maximumf %max3A_451, %get3A_456 : vector<16xf32>
          %add3A_458 = arith.constant 5 : i32
          %add3A_459 = arith.addi %mul3A_288, %add3A_458 : i32
          %get3A_460 = arith.index_cast %add3A_459 : i32 to index
          %get3A_461 = arith.constant 48 : index
          %get3A_462 = tpu.vector_load %arg15[%get3A_460, %get3A_461] {strides = array<i32>} : memref<160x64xf32, #tpu.memory_space<vmem>>, vector<16xf32>,
          %max3A_463 = arith.maximumf %max3A_457, %get3A_462 : vector<16xf32>
          %add3A_464 = arith.constant 6 : i32
          %add3A_465 = arith.addi %mul3A_288, %add3A_464 : i32
          %get3A_466 = arith.index_cast %add3A_465 : i32 to index
          %get3A_467 = arith.constant 48 : index
          %get3A_468 = tpu.vector_load %arg15[%get3A_466, %get3A_467] {strides = array<i32>} : memref<160x64xf32, #tpu.memory_space<vmem>>, vector<16xf32>,
          %max3A_469 = arith.maximumf %max3A_463, %get3A_468 : vector<16xf32>
          %add3A_470 = arith.constant 7 : i32
          %add3A_471 = arith.addi %mul3A_288, %add3A_470 : i32
          %get3A_472 = arith.index_cast %add3A_471 : i32 to index
          %get3A_473 = arith.constant 48 : index
          %get3A_474 = tpu.vector_load %arg15[%get3A_472, %get3A_473] {strides = array<i32>} : memref<160x64xf32, #tpu.memory_space<vmem>>, vector<16xf32>,
          %max3A_475 = arith.maximumf %max3A_469, %get3A_474 : vector<16xf32>
          %add3A_476 = arith.constant 48 : i32
          %add3A_477 = vector.broadcast %add3A_476 : i32 to vector<16xi32>
          %add3A_478 = arith.addi %add3A_477, %iota3A : vector<16xi32>
          tpu.vector_store_idx %arg16[%add3A_478, %broadcast_in_dim3A_286], %max3A_475 : memref<64x200xf32, #tpu.memory_space<vmem>>[vector<16xi32>, vector<16xi32>], vector<16xf32>,
          %scan3A_479 = arith.constant 0 : i32
          scf.yield %scan3A_479 : i32
        }
        %scan3A_254 = arith.constant 20 : i32
        %add3A_255 = arith.constant 1120 : i32
        %add3A_256 = arith.addi %add3A_191, %add3A_255 : i32
        "tpu.region"() ({
          %run_scoped3A = tpu.sem_alloc : memref<!tpu.dma_semaphore, #tpu.memory_space<semaphore_mem>>
          %dma_start3A_282 = arith.constant 0 : i32
          %dma_start3A_283 = tpu.memref_slice %arg5[%add3A_256, %dma_start3A_282] : memref<16008x64xf32, #tpu.memory_space<vmem_shared>> -> memref<160x64xf32, #tpu.memory_space<vmem_shared>>
          %dma_start3A_284 = arith.constant 0 : i32
          %dma_start3A_285 = tpu.memref_slice %arg5[%add3A_256, %dma_start3A_284] : memref<16008x64xf32, #tpu.memory_space<vmem_shared>> -> memref<160x64xf32, #tpu.memory_space<vmem_shared>>
          tpu.enqueue_dma source(%dma_start3A_285 : memref<160x64xf32, #tpu.memory_space<vmem_shared>>) target(%arg15 : memref<160x64xf32, #tpu.memory_space<vmem>>) target_semaphore(%run_scoped3A : memref<!tpu.dma_semaphore, #tpu.memory_space<semaphore_mem>>)
          %dma_wait3A_286 = arith.constant 0 : i32
          %dma_wait3A_287 = tpu.memref_slice %arg5[%add3A_256, %dma_wait3A_286] : memref<16008x64xf32, #tpu.memory_space<vmem_shared>> -> memref<160x64xf32, #tpu.memory_space<vmem_shared>>
          %dma_wait3A_288 = arith.constant 0 : i32
          %dma_wait3A_289 = tpu.memref_slice %arg5[%add3A_256, %dma_wait3A_288] : memref<16008x64xf32, #tpu.memory_space<vmem_shared>> -> memref<160x64xf32, #tpu.memory_space<vmem_shared>>
          tpu.wait_dma2 semaphore(%run_scoped3A : memref<!tpu.dma_semaphore, #tpu.memory_space<semaphore_mem>>) src(%dma_wait3A_289 : memref<160x64xf32, #tpu.memory_space<vmem_shared>>) dst(%arg15 : memref<160x64xf32, #tpu.memory_space<vmem>>)
          tpu.yield
        }) : () -> ()
        %scan3A_257 = arith.constant 0 : i32
        %scan3A_258 = arith.constant 0 : i32
        %scan3A_259 = arith.constant 20 : i32
        %scan3A_260 = arith.addi %scan3A_258, %scan3A_259 : i32
        %scan3A_261 = arith.constant 1 : i32
        %scan3A_262 = scf.for %scan3A_282 = %scan3A_258 to %scan3A_260 step %scan3A_261 iter_args(%scan3A_283 = %scan3A_257) -> (i32)  : i32 {
          %sub3A_284 = arith.constant 59 : i32
          %sub3A_285 = arith.subi %sub3A_284, %scan3A_282 : i32
          %broadcast_in_dim3A_286 = vector.broadcast %sub3A_285 : i32 to vector<16xi32>
          %mul3A_287 = arith.constant 8 : i32
          %mul3A_288 = arith.muli %scan3A_282, %mul3A_287 : i32
          %get3A = arith.index_cast %mul3A_288 : i32 to index
          %get3A_289 = arith.constant 0 : index
          %get3A_290 = tpu.vector_load %arg15[%get3A, %get3A_289] {strides = array<i32>} : memref<160x64xf32, #tpu.memory_space<vmem>>, vector<16xf32>,
          %add3A_291 = arith.constant 1 : i32
          %add3A_292 = arith.addi %mul3A_288, %add3A_291 : i32
          %get3A_293 = arith.index_cast %add3A_292 : i32 to index
          %get3A_294 = arith.constant 0 : index
          %get3A_295 = tpu.vector_load %arg15[%get3A_293, %get3A_294] {strides = array<i32>} : memref<160x64xf32, #tpu.memory_space<vmem>>, vector<16xf32>,
          %max3A = arith.maximumf %get3A_290, %get3A_295 : vector<16xf32>
          %add3A_296 = arith.constant 2 : i32
          %add3A_297 = arith.addi %mul3A_288, %add3A_296 : i32
          %get3A_298 = arith.index_cast %add3A_297 : i32 to index
          %get3A_299 = arith.constant 0 : index
          %get3A_300 = tpu.vector_load %arg15[%get3A_298, %get3A_299] {strides = array<i32>} : memref<160x64xf32, #tpu.memory_space<vmem>>, vector<16xf32>,
          %max3A_301 = arith.maximumf %max3A, %get3A_300 : vector<16xf32>
          %add3A_302 = arith.constant 3 : i32
          %add3A_303 = arith.addi %mul3A_288, %add3A_302 : i32
          %get3A_304 = arith.index_cast %add3A_303 : i32 to index
          %get3A_305 = arith.constant 0 : index
          %get3A_306 = tpu.vector_load %arg15[%get3A_304, %get3A_305] {strides = array<i32>} : memref<160x64xf32, #tpu.memory_space<vmem>>, vector<16xf32>,
          %max3A_307 = arith.maximumf %max3A_301, %get3A_306 : vector<16xf32>
          %add3A_308 = arith.constant 4 : i32
          %add3A_309 = arith.addi %mul3A_288, %add3A_308 : i32
          %get3A_310 = arith.index_cast %add3A_309 : i32 to index
          %get3A_311 = arith.constant 0 : index
          %get3A_312 = tpu.vector_load %arg15[%get3A_310, %get3A_311] {strides = array<i32>} : memref<160x64xf32, #tpu.memory_space<vmem>>, vector<16xf32>,
          %max3A_313 = arith.maximumf %max3A_307, %get3A_312 : vector<16xf32>
          %add3A_314 = arith.constant 5 : i32
          %add3A_315 = arith.addi %mul3A_288, %add3A_314 : i32
          %get3A_316 = arith.index_cast %add3A_315 : i32 to index
          %get3A_317 = arith.constant 0 : index
          %get3A_318 = tpu.vector_load %arg15[%get3A_316, %get3A_317] {strides = array<i32>} : memref<160x64xf32, #tpu.memory_space<vmem>>, vector<16xf32>,
          %max3A_319 = arith.maximumf %max3A_313, %get3A_318 : vector<16xf32>
          %add3A_320 = arith.constant 6 : i32
          %add3A_321 = arith.addi %mul3A_288, %add3A_320 : i32
          %get3A_322 = arith.index_cast %add3A_321 : i32 to index
          %get3A_323 = arith.constant 0 : index
          %get3A_324 = tpu.vector_load %arg15[%get3A_322, %get3A_323] {strides = array<i32>} : memref<160x64xf32, #tpu.memory_space<vmem>>, vector<16xf32>,
          %max3A_325 = arith.maximumf %max3A_319, %get3A_324 : vector<16xf32>
          %add3A_326 = arith.constant 7 : i32
          %add3A_327 = arith.addi %mul3A_288, %add3A_326 : i32
          %get3A_328 = arith.index_cast %add3A_327 : i32 to index
          %get3A_329 = arith.constant 0 : index
          %get3A_330 = tpu.vector_load %arg15[%get3A_328, %get3A_329] {strides = array<i32>} : memref<160x64xf32, #tpu.memory_space<vmem>>, vector<16xf32>,
          %max3A_331 = arith.maximumf %max3A_325, %get3A_330 : vector<16xf32>
          %add3A_332 = arith.constant 0 : i32
          %add3A_333 = vector.broadcast %add3A_332 : i32 to vector<16xi32>
          %add3A_334 = arith.addi %add3A_333, %iota3A : vector<16xi32>
          tpu.vector_store_idx %arg16[%add3A_334, %broadcast_in_dim3A_286], %max3A_331 : memref<64x200xf32, #tpu.memory_space<vmem>>[vector<16xi32>, vector<16xi32>], vector<16xf32>,
          %get3A_335 = arith.index_cast %mul3A_288 : i32 to index
          %get3A_336 = arith.constant 16 : index
          %get3A_337 = tpu.vector_load %arg15[%get3A_335, %get3A_336] {strides = array<i32>} : memref<160x64xf32, #tpu.memory_space<vmem>>, vector<16xf32>,
          %add3A_338 = arith.constant 1 : i32
          %add3A_339 = arith.addi %mul3A_288, %add3A_338 : i32
          %get3A_340 = arith.index_cast %add3A_339 : i32 to index
          %get3A_341 = arith.constant 16 : index
          %get3A_342 = tpu.vector_load %arg15[%get3A_340, %get3A_341] {strides = array<i32>} : memref<160x64xf32, #tpu.memory_space<vmem>>, vector<16xf32>,
          %max3A_343 = arith.maximumf %get3A_337, %get3A_342 : vector<16xf32>
          %add3A_344 = arith.constant 2 : i32
          %add3A_345 = arith.addi %mul3A_288, %add3A_344 : i32
          %get3A_346 = arith.index_cast %add3A_345 : i32 to index
          %get3A_347 = arith.constant 16 : index
          %get3A_348 = tpu.vector_load %arg15[%get3A_346, %get3A_347] {strides = array<i32>} : memref<160x64xf32, #tpu.memory_space<vmem>>, vector<16xf32>,
          %max3A_349 = arith.maximumf %max3A_343, %get3A_348 : vector<16xf32>
          %add3A_350 = arith.constant 3 : i32
          %add3A_351 = arith.addi %mul3A_288, %add3A_350 : i32
          %get3A_352 = arith.index_cast %add3A_351 : i32 to index
          %get3A_353 = arith.constant 16 : index
          %get3A_354 = tpu.vector_load %arg15[%get3A_352, %get3A_353] {strides = array<i32>} : memref<160x64xf32, #tpu.memory_space<vmem>>, vector<16xf32>,
          %max3A_355 = arith.maximumf %max3A_349, %get3A_354 : vector<16xf32>
          %add3A_356 = arith.constant 4 : i32
          %add3A_357 = arith.addi %mul3A_288, %add3A_356 : i32
          %get3A_358 = arith.index_cast %add3A_357 : i32 to index
          %get3A_359 = arith.constant 16 : index
          %get3A_360 = tpu.vector_load %arg15[%get3A_358, %get3A_359] {strides = array<i32>} : memref<160x64xf32, #tpu.memory_space<vmem>>, vector<16xf32>,
          %max3A_361 = arith.maximumf %max3A_355, %get3A_360 : vector<16xf32>
          %add3A_362 = arith.constant 5 : i32
          %add3A_363 = arith.addi %mul3A_288, %add3A_362 : i32
          %get3A_364 = arith.index_cast %add3A_363 : i32 to index
          %get3A_365 = arith.constant 16 : index
          %get3A_366 = tpu.vector_load %arg15[%get3A_364, %get3A_365] {strides = array<i32>} : memref<160x64xf32, #tpu.memory_space<vmem>>, vector<16xf32>,
          %max3A_367 = arith.maximumf %max3A_361, %get3A_366 : vector<16xf32>
          %add3A_368 = arith.constant 6 : i32
          %add3A_369 = arith.addi %mul3A_288, %add3A_368 : i32
          %get3A_370 = arith.index_cast %add3A_369 : i32 to index
          %get3A_371 = arith.constant 16 : index
          %get3A_372 = tpu.vector_load %arg15[%get3A_370, %get3A_371] {strides = array<i32>} : memref<160x64xf32, #tpu.memory_space<vmem>>, vector<16xf32>,
          %max3A_373 = arith.maximumf %max3A_367, %get3A_372 : vector<16xf32>
          %add3A_374 = arith.constant 7 : i32
          %add3A_375 = arith.addi %mul3A_288, %add3A_374 : i32
          %get3A_376 = arith.index_cast %add3A_375 : i32 to index
          %get3A_377 = arith.constant 16 : index
          %get3A_378 = tpu.vector_load %arg15[%get3A_376, %get3A_377] {strides = array<i32>} : memref<160x64xf32, #tpu.memory_space<vmem>>, vector<16xf32>,
          %max3A_379 = arith.maximumf %max3A_373, %get3A_378 : vector<16xf32>
          %add3A_380 = arith.constant 16 : i32
          %add3A_381 = vector.broadcast %add3A_380 : i32 to vector<16xi32>
          %add3A_382 = arith.addi %add3A_381, %iota3A : vector<16xi32>
          tpu.vector_store_idx %arg16[%add3A_382, %broadcast_in_dim3A_286], %max3A_379 : memref<64x200xf32, #tpu.memory_space<vmem>>[vector<16xi32>, vector<16xi32>], vector<16xf32>,
          %get3A_383 = arith.index_cast %mul3A_288 : i32 to index
          %get3A_384 = arith.constant 32 : index
          %get3A_385 = tpu.vector_load %arg15[%get3A_383, %get3A_384] {strides = array<i32>} : memref<160x64xf32, #tpu.memory_space<vmem>>, vector<16xf32>,
          %add3A_386 = arith.constant 1 : i32
          %add3A_387 = arith.addi %mul3A_288, %add3A_386 : i32
          %get3A_388 = arith.index_cast %add3A_387 : i32 to index
          %get3A_389 = arith.constant 32 : index
          %get3A_390 = tpu.vector_load %arg15[%get3A_388, %get3A_389] {strides = array<i32>} : memref<160x64xf32, #tpu.memory_space<vmem>>, vector<16xf32>,
          %max3A_391 = arith.maximumf %get3A_385, %get3A_390 : vector<16xf32>
          %add3A_392 = arith.constant 2 : i32
          %add3A_393 = arith.addi %mul3A_288, %add3A_392 : i32
          %get3A_394 = arith.index_cast %add3A_393 : i32 to index
          %get3A_395 = arith.constant 32 : index
          %get3A_396 = tpu.vector_load %arg15[%get3A_394, %get3A_395] {strides = array<i32>} : memref<160x64xf32, #tpu.memory_space<vmem>>, vector<16xf32>,
          %max3A_397 = arith.maximumf %max3A_391, %get3A_396 : vector<16xf32>
          %add3A_398 = arith.constant 3 : i32
          %add3A_399 = arith.addi %mul3A_288, %add3A_398 : i32
          %get3A_400 = arith.index_cast %add3A_399 : i32 to index
          %get3A_401 = arith.constant 32 : index
          %get3A_402 = tpu.vector_load %arg15[%get3A_400, %get3A_401] {strides = array<i32>} : memref<160x64xf32, #tpu.memory_space<vmem>>, vector<16xf32>,
          %max3A_403 = arith.maximumf %max3A_397, %get3A_402 : vector<16xf32>
          %add3A_404 = arith.constant 4 : i32
          %add3A_405 = arith.addi %mul3A_288, %add3A_404 : i32
          %get3A_406 = arith.index_cast %add3A_405 : i32 to index
          %get3A_407 = arith.constant 32 : index
          %get3A_408 = tpu.vector_load %arg15[%get3A_406, %get3A_407] {strides = array<i32>} : memref<160x64xf32, #tpu.memory_space<vmem>>, vector<16xf32>,
          %max3A_409 = arith.maximumf %max3A_403, %get3A_408 : vector<16xf32>
          %add3A_410 = arith.constant 5 : i32
          %add3A_411 = arith.addi %mul3A_288, %add3A_410 : i32
          %get3A_412 = arith.index_cast %add3A_411 : i32 to index
          %get3A_413 = arith.constant 32 : index
          %get3A_414 = tpu.vector_load %arg15[%get3A_412, %get3A_413] {strides = array<i32>} : memref<160x64xf32, #tpu.memory_space<vmem>>, vector<16xf32>,
          %max3A_415 = arith.maximumf %max3A_409, %get3A_414 : vector<16xf32>
          %add3A_416 = arith.constant 6 : i32
          %add3A_417 = arith.addi %mul3A_288, %add3A_416 : i32
          %get3A_418 = arith.index_cast %add3A_417 : i32 to index
          %get3A_419 = arith.constant 32 : index
          %get3A_420 = tpu.vector_load %arg15[%get3A_418, %get3A_419] {strides = array<i32>} : memref<160x64xf32, #tpu.memory_space<vmem>>, vector<16xf32>,
          %max3A_421 = arith.maximumf %max3A_415, %get3A_420 : vector<16xf32>
          %add3A_422 = arith.constant 7 : i32
          %add3A_423 = arith.addi %mul3A_288, %add3A_422 : i32
          %get3A_424 = arith.index_cast %add3A_423 : i32 to index
          %get3A_425 = arith.constant 32 : index
          %get3A_426 = tpu.vector_load %arg15[%get3A_424, %get3A_425] {strides = array<i32>} : memref<160x64xf32, #tpu.memory_space<vmem>>, vector<16xf32>,
          %max3A_427 = arith.maximumf %max3A_421, %get3A_426 : vector<16xf32>
          %add3A_428 = arith.constant 32 : i32
          %add3A_429 = vector.broadcast %add3A_428 : i32 to vector<16xi32>
          %add3A_430 = arith.addi %add3A_429, %iota3A : vector<16xi32>
          tpu.vector_store_idx %arg16[%add3A_430, %broadcast_in_dim3A_286], %max3A_427 : memref<64x200xf32, #tpu.memory_space<vmem>>[vector<16xi32>, vector<16xi32>], vector<16xf32>,
          %get3A_431 = arith.index_cast %mul3A_288 : i32 to index
          %get3A_432 = arith.constant 48 : index
          %get3A_433 = tpu.vector_load %arg15[%get3A_431, %get3A_432] {strides = array<i32>} : memref<160x64xf32, #tpu.memory_space<vmem>>, vector<16xf32>,
          %add3A_434 = arith.constant 1 : i32
          %add3A_435 = arith.addi %mul3A_288, %add3A_434 : i32
          %get3A_436 = arith.index_cast %add3A_435 : i32 to index
          %get3A_437 = arith.constant 48 : index
          %get3A_438 = tpu.vector_load %arg15[%get3A_436, %get3A_437] {strides = array<i32>} : memref<160x64xf32, #tpu.memory_space<vmem>>, vector<16xf32>,
          %max3A_439 = arith.maximumf %get3A_433, %get3A_438 : vector<16xf32>
          %add3A_440 = arith.constant 2 : i32
          %add3A_441 = arith.addi %mul3A_288, %add3A_440 : i32
          %get3A_442 = arith.index_cast %add3A_441 : i32 to index
          %get3A_443 = arith.constant 48 : index
          %get3A_444 = tpu.vector_load %arg15[%get3A_442, %get3A_443] {strides = array<i32>} : memref<160x64xf32, #tpu.memory_space<vmem>>, vector<16xf32>,
          %max3A_445 = arith.maximumf %max3A_439, %get3A_444 : vector<16xf32>
          %add3A_446 = arith.constant 3 : i32
          %add3A_447 = arith.addi %mul3A_288, %add3A_446 : i32
          %get3A_448 = arith.index_cast %add3A_447 : i32 to index
          %get3A_449 = arith.constant 48 : index
          %get3A_450 = tpu.vector_load %arg15[%get3A_448, %get3A_449] {strides = array<i32>} : memref<160x64xf32, #tpu.memory_space<vmem>>, vector<16xf32>,
          %max3A_451 = arith.maximumf %max3A_445, %get3A_450 : vector<16xf32>
          %add3A_452 = arith.constant 4 : i32
          %add3A_453 = arith.addi %mul3A_288, %add3A_452 : i32
          %get3A_454 = arith.index_cast %add3A_453 : i32 to index
          %get3A_455 = arith.constant 48 : index
          %get3A_456 = tpu.vector_load %arg15[%get3A_454, %get3A_455] {strides = array<i32>} : memref<160x64xf32, #tpu.memory_space<vmem>>, vector<16xf32>,
          %max3A_457 = arith.maximumf %max3A_451, %get3A_456 : vector<16xf32>
          %add3A_458 = arith.constant 5 : i32
          %add3A_459 = arith.addi %mul3A_288, %add3A_458 : i32
          %get3A_460 = arith.index_cast %add3A_459 : i32 to index
          %get3A_461 = arith.constant 48 : index
          %get3A_462 = tpu.vector_load %arg15[%get3A_460, %get3A_461] {strides = array<i32>} : memref<160x64xf32, #tpu.memory_space<vmem>>, vector<16xf32>,
          %max3A_463 = arith.maximumf %max3A_457, %get3A_462 : vector<16xf32>
          %add3A_464 = arith.constant 6 : i32
          %add3A_465 = arith.addi %mul3A_288, %add3A_464 : i32
          %get3A_466 = arith.index_cast %add3A_465 : i32 to index
          %get3A_467 = arith.constant 48 : index
          %get3A_468 = tpu.vector_load %arg15[%get3A_466, %get3A_467] {strides = array<i32>} : memref<160x64xf32, #tpu.memory_space<vmem>>, vector<16xf32>,
          %max3A_469 = arith.maximumf %max3A_463, %get3A_468 : vector<16xf32>
          %add3A_470 = arith.constant 7 : i32
          %add3A_471 = arith.addi %mul3A_288, %add3A_470 : i32
          %get3A_472 = arith.index_cast %add3A_471 : i32 to index
          %get3A_473 = arith.constant 48 : index
          %get3A_474 = tpu.vector_load %arg15[%get3A_472, %get3A_473] {strides = array<i32>} : memref<160x64xf32, #tpu.memory_space<vmem>>, vector<16xf32>,
          %max3A_475 = arith.maximumf %max3A_469, %get3A_474 : vector<16xf32>
          %add3A_476 = arith.constant 48 : i32
          %add3A_477 = vector.broadcast %add3A_476 : i32 to vector<16xi32>
          %add3A_478 = arith.addi %add3A_477, %iota3A : vector<16xi32>
          tpu.vector_store_idx %arg16[%add3A_478, %broadcast_in_dim3A_286], %max3A_475 : memref<64x200xf32, #tpu.memory_space<vmem>>[vector<16xi32>, vector<16xi32>], vector<16xf32>,
          %scan3A_479 = arith.constant 0 : i32
          scf.yield %scan3A_479 : i32
        }
        %scan3A_263 = arith.constant 20 : i32
        %add3A_264 = arith.constant 1280 : i32
        %add3A_265 = arith.addi %add3A_191, %add3A_264 : i32
        "tpu.region"() ({
          %run_scoped3A = tpu.sem_alloc : memref<!tpu.dma_semaphore, #tpu.memory_space<semaphore_mem>>
          %dma_start3A_282 = arith.constant 0 : i32
          %dma_start3A_283 = tpu.memref_slice %arg5[%add3A_265, %dma_start3A_282] : memref<16008x64xf32, #tpu.memory_space<vmem_shared>> -> memref<160x64xf32, #tpu.memory_space<vmem_shared>>
          %dma_start3A_284 = arith.constant 0 : i32
          %dma_start3A_285 = tpu.memref_slice %arg5[%add3A_265, %dma_start3A_284] : memref<16008x64xf32, #tpu.memory_space<vmem_shared>> -> memref<160x64xf32, #tpu.memory_space<vmem_shared>>
          tpu.enqueue_dma source(%dma_start3A_285 : memref<160x64xf32, #tpu.memory_space<vmem_shared>>) target(%arg15 : memref<160x64xf32, #tpu.memory_space<vmem>>) target_semaphore(%run_scoped3A : memref<!tpu.dma_semaphore, #tpu.memory_space<semaphore_mem>>)
          %dma_wait3A_286 = arith.constant 0 : i32
          %dma_wait3A_287 = tpu.memref_slice %arg5[%add3A_265, %dma_wait3A_286] : memref<16008x64xf32, #tpu.memory_space<vmem_shared>> -> memref<160x64xf32, #tpu.memory_space<vmem_shared>>
          %dma_wait3A_288 = arith.constant 0 : i32
          %dma_wait3A_289 = tpu.memref_slice %arg5[%add3A_265, %dma_wait3A_288] : memref<16008x64xf32, #tpu.memory_space<vmem_shared>> -> memref<160x64xf32, #tpu.memory_space<vmem_shared>>
          tpu.wait_dma2 semaphore(%run_scoped3A : memref<!tpu.dma_semaphore, #tpu.memory_space<semaphore_mem>>) src(%dma_wait3A_289 : memref<160x64xf32, #tpu.memory_space<vmem_shared>>) dst(%arg15 : memref<160x64xf32, #tpu.memory_space<vmem>>)
          tpu.yield
        }) : () -> ()
        %scan3A_266 = arith.constant 0 : i32
        %scan3A_267 = arith.constant 0 : i32
        %scan3A_268 = arith.constant 20 : i32
        %scan3A_269 = arith.addi %scan3A_267, %scan3A_268 : i32
        %scan3A_270 = arith.constant 1 : i32
        %scan3A_271 = scf.for %scan3A_282 = %scan3A_267 to %scan3A_269 step %scan3A_270 iter_args(%scan3A_283 = %scan3A_266) -> (i32)  : i32 {
          %sub3A_284 = arith.constant 39 : i32
          %sub3A_285 = arith.subi %sub3A_284, %scan3A_282 : i32
          %broadcast_in_dim3A_286 = vector.broadcast %sub3A_285 : i32 to vector<16xi32>
          %mul3A_287 = arith.constant 8 : i32
          %mul3A_288 = arith.muli %scan3A_282, %mul3A_287 : i32
          %get3A = arith.index_cast %mul3A_288 : i32 to index
          %get3A_289 = arith.constant 0 : index
          %get3A_290 = tpu.vector_load %arg15[%get3A, %get3A_289] {strides = array<i32>} : memref<160x64xf32, #tpu.memory_space<vmem>>, vector<16xf32>,
          %add3A_291 = arith.constant 1 : i32
          %add3A_292 = arith.addi %mul3A_288, %add3A_291 : i32
          %get3A_293 = arith.index_cast %add3A_292 : i32 to index
          %get3A_294 = arith.constant 0 : index
          %get3A_295 = tpu.vector_load %arg15[%get3A_293, %get3A_294] {strides = array<i32>} : memref<160x64xf32, #tpu.memory_space<vmem>>, vector<16xf32>,
          %max3A = arith.maximumf %get3A_290, %get3A_295 : vector<16xf32>
          %add3A_296 = arith.constant 2 : i32
          %add3A_297 = arith.addi %mul3A_288, %add3A_296 : i32
          %get3A_298 = arith.index_cast %add3A_297 : i32 to index
          %get3A_299 = arith.constant 0 : index
          %get3A_300 = tpu.vector_load %arg15[%get3A_298, %get3A_299] {strides = array<i32>} : memref<160x64xf32, #tpu.memory_space<vmem>>, vector<16xf32>,
          %max3A_301 = arith.maximumf %max3A, %get3A_300 : vector<16xf32>
          %add3A_302 = arith.constant 3 : i32
          %add3A_303 = arith.addi %mul3A_288, %add3A_302 : i32
          %get3A_304 = arith.index_cast %add3A_303 : i32 to index
          %get3A_305 = arith.constant 0 : index
          %get3A_306 = tpu.vector_load %arg15[%get3A_304, %get3A_305] {strides = array<i32>} : memref<160x64xf32, #tpu.memory_space<vmem>>, vector<16xf32>,
          %max3A_307 = arith.maximumf %max3A_301, %get3A_306 : vector<16xf32>
          %add3A_308 = arith.constant 4 : i32
          %add3A_309 = arith.addi %mul3A_288, %add3A_308 : i32
          %get3A_310 = arith.index_cast %add3A_309 : i32 to index
          %get3A_311 = arith.constant 0 : index
          %get3A_312 = tpu.vector_load %arg15[%get3A_310, %get3A_311] {strides = array<i32>} : memref<160x64xf32, #tpu.memory_space<vmem>>, vector<16xf32>,
          %max3A_313 = arith.maximumf %max3A_307, %get3A_312 : vector<16xf32>
          %add3A_314 = arith.constant 5 : i32
          %add3A_315 = arith.addi %mul3A_288, %add3A_314 : i32
          %get3A_316 = arith.index_cast %add3A_315 : i32 to index
          %get3A_317 = arith.constant 0 : index
          %get3A_318 = tpu.vector_load %arg15[%get3A_316, %get3A_317] {strides = array<i32>} : memref<160x64xf32, #tpu.memory_space<vmem>>, vector<16xf32>,
          %max3A_319 = arith.maximumf %max3A_313, %get3A_318 : vector<16xf32>
          %add3A_320 = arith.constant 6 : i32
          %add3A_321 = arith.addi %mul3A_288, %add3A_320 : i32
          %get3A_322 = arith.index_cast %add3A_321 : i32 to index
          %get3A_323 = arith.constant 0 : index
          %get3A_324 = tpu.vector_load %arg15[%get3A_322, %get3A_323] {strides = array<i32>} : memref<160x64xf32, #tpu.memory_space<vmem>>, vector<16xf32>,
          %max3A_325 = arith.maximumf %max3A_319, %get3A_324 : vector<16xf32>
          %add3A_326 = arith.constant 7 : i32
          %add3A_327 = arith.addi %mul3A_288, %add3A_326 : i32
          %get3A_328 = arith.index_cast %add3A_327 : i32 to index
          %get3A_329 = arith.constant 0 : index
          %get3A_330 = tpu.vector_load %arg15[%get3A_328, %get3A_329] {strides = array<i32>} : memref<160x64xf32, #tpu.memory_space<vmem>>, vector<16xf32>,
          %max3A_331 = arith.maximumf %max3A_325, %get3A_330 : vector<16xf32>
          %add3A_332 = arith.constant 0 : i32
          %add3A_333 = vector.broadcast %add3A_332 : i32 to vector<16xi32>
          %add3A_334 = arith.addi %add3A_333, %iota3A : vector<16xi32>
          tpu.vector_store_idx %arg16[%add3A_334, %broadcast_in_dim3A_286], %max3A_331 : memref<64x200xf32, #tpu.memory_space<vmem>>[vector<16xi32>, vector<16xi32>], vector<16xf32>,
          %get3A_335 = arith.index_cast %mul3A_288 : i32 to index
          %get3A_336 = arith.constant 16 : index
          %get3A_337 = tpu.vector_load %arg15[%get3A_335, %get3A_336] {strides = array<i32>} : memref<160x64xf32, #tpu.memory_space<vmem>>, vector<16xf32>,
          %add3A_338 = arith.constant 1 : i32
          %add3A_339 = arith.addi %mul3A_288, %add3A_338 : i32
          %get3A_340 = arith.index_cast %add3A_339 : i32 to index
          %get3A_341 = arith.constant 16 : index
          %get3A_342 = tpu.vector_load %arg15[%get3A_340, %get3A_341] {strides = array<i32>} : memref<160x64xf32, #tpu.memory_space<vmem>>, vector<16xf32>,
          %max3A_343 = arith.maximumf %get3A_337, %get3A_342 : vector<16xf32>
          %add3A_344 = arith.constant 2 : i32
          %add3A_345 = arith.addi %mul3A_288, %add3A_344 : i32
          %get3A_346 = arith.index_cast %add3A_345 : i32 to index
          %get3A_347 = arith.constant 16 : index
          %get3A_348 = tpu.vector_load %arg15[%get3A_346, %get3A_347] {strides = array<i32>} : memref<160x64xf32, #tpu.memory_space<vmem>>, vector<16xf32>,
          %max3A_349 = arith.maximumf %max3A_343, %get3A_348 : vector<16xf32>
          %add3A_350 = arith.constant 3 : i32
          %add3A_351 = arith.addi %mul3A_288, %add3A_350 : i32
          %get3A_352 = arith.index_cast %add3A_351 : i32 to index
          %get3A_353 = arith.constant 16 : index
          %get3A_354 = tpu.vector_load %arg15[%get3A_352, %get3A_353] {strides = array<i32>} : memref<160x64xf32, #tpu.memory_space<vmem>>, vector<16xf32>,
          %max3A_355 = arith.maximumf %max3A_349, %get3A_354 : vector<16xf32>
          %add3A_356 = arith.constant 4 : i32
          %add3A_357 = arith.addi %mul3A_288, %add3A_356 : i32
          %get3A_358 = arith.index_cast %add3A_357 : i32 to index
          %get3A_359 = arith.constant 16 : index
          %get3A_360 = tpu.vector_load %arg15[%get3A_358, %get3A_359] {strides = array<i32>} : memref<160x64xf32, #tpu.memory_space<vmem>>, vector<16xf32>,
          %max3A_361 = arith.maximumf %max3A_355, %get3A_360 : vector<16xf32>
          %add3A_362 = arith.constant 5 : i32
          %add3A_363 = arith.addi %mul3A_288, %add3A_362 : i32
          %get3A_364 = arith.index_cast %add3A_363 : i32 to index
          %get3A_365 = arith.constant 16 : index
          %get3A_366 = tpu.vector_load %arg15[%get3A_364, %get3A_365] {strides = array<i32>} : memref<160x64xf32, #tpu.memory_space<vmem>>, vector<16xf32>,
          %max3A_367 = arith.maximumf %max3A_361, %get3A_366 : vector<16xf32>
          %add3A_368 = arith.constant 6 : i32
          %add3A_369 = arith.addi %mul3A_288, %add3A_368 : i32
          %get3A_370 = arith.index_cast %add3A_369 : i32 to index
          %get3A_371 = arith.constant 16 : index
          %get3A_372 = tpu.vector_load %arg15[%get3A_370, %get3A_371] {strides = array<i32>} : memref<160x64xf32, #tpu.memory_space<vmem>>, vector<16xf32>,
          %max3A_373 = arith.maximumf %max3A_367, %get3A_372 : vector<16xf32>
          %add3A_374 = arith.constant 7 : i32
          %add3A_375 = arith.addi %mul3A_288, %add3A_374 : i32
          %get3A_376 = arith.index_cast %add3A_375 : i32 to index
          %get3A_377 = arith.constant 16 : index
          %get3A_378 = tpu.vector_load %arg15[%get3A_376, %get3A_377] {strides = array<i32>} : memref<160x64xf32, #tpu.memory_space<vmem>>, vector<16xf32>,
          %max3A_379 = arith.maximumf %max3A_373, %get3A_378 : vector<16xf32>
          %add3A_380 = arith.constant 16 : i32
          %add3A_381 = vector.broadcast %add3A_380 : i32 to vector<16xi32>
          %add3A_382 = arith.addi %add3A_381, %iota3A : vector<16xi32>
          tpu.vector_store_idx %arg16[%add3A_382, %broadcast_in_dim3A_286], %max3A_379 : memref<64x200xf32, #tpu.memory_space<vmem>>[vector<16xi32>, vector<16xi32>], vector<16xf32>,
          %get3A_383 = arith.index_cast %mul3A_288 : i32 to index
          %get3A_384 = arith.constant 32 : index
          %get3A_385 = tpu.vector_load %arg15[%get3A_383, %get3A_384] {strides = array<i32>} : memref<160x64xf32, #tpu.memory_space<vmem>>, vector<16xf32>,
          %add3A_386 = arith.constant 1 : i32
          %add3A_387 = arith.addi %mul3A_288, %add3A_386 : i32
          %get3A_388 = arith.index_cast %add3A_387 : i32 to index
          %get3A_389 = arith.constant 32 : index
          %get3A_390 = tpu.vector_load %arg15[%get3A_388, %get3A_389] {strides = array<i32>} : memref<160x64xf32, #tpu.memory_space<vmem>>, vector<16xf32>,
          %max3A_391 = arith.maximumf %get3A_385, %get3A_390 : vector<16xf32>
          %add3A_392 = arith.constant 2 : i32
          %add3A_393 = arith.addi %mul3A_288, %add3A_392 : i32
          %get3A_394 = arith.index_cast %add3A_393 : i32 to index
          %get3A_395 = arith.constant 32 : index
          %get3A_396 = tpu.vector_load %arg15[%get3A_394, %get3A_395] {strides = array<i32>} : memref<160x64xf32, #tpu.memory_space<vmem>>, vector<16xf32>,
          %max3A_397 = arith.maximumf %max3A_391, %get3A_396 : vector<16xf32>
          %add3A_398 = arith.constant 3 : i32
          %add3A_399 = arith.addi %mul3A_288, %add3A_398 : i32
          %get3A_400 = arith.index_cast %add3A_399 : i32 to index
          %get3A_401 = arith.constant 32 : index
          %get3A_402 = tpu.vector_load %arg15[%get3A_400, %get3A_401] {strides = array<i32>} : memref<160x64xf32, #tpu.memory_space<vmem>>, vector<16xf32>,
          %max3A_403 = arith.maximumf %max3A_397, %get3A_402 : vector<16xf32>
          %add3A_404 = arith.constant 4 : i32
          %add3A_405 = arith.addi %mul3A_288, %add3A_404 : i32
          %get3A_406 = arith.index_cast %add3A_405 : i32 to index
          %get3A_407 = arith.constant 32 : index
          %get3A_408 = tpu.vector_load %arg15[%get3A_406, %get3A_407] {strides = array<i32>} : memref<160x64xf32, #tpu.memory_space<vmem>>, vector<16xf32>,
          %max3A_409 = arith.maximumf %max3A_403, %get3A_408 : vector<16xf32>
          %add3A_410 = arith.constant 5 : i32
          %add3A_411 = arith.addi %mul3A_288, %add3A_410 : i32
          %get3A_412 = arith.index_cast %add3A_411 : i32 to index
          %get3A_413 = arith.constant 32 : index
          %get3A_414 = tpu.vector_load %arg15[%get3A_412, %get3A_413] {strides = array<i32>} : memref<160x64xf32, #tpu.memory_space<vmem>>, vector<16xf32>,
          %max3A_415 = arith.maximumf %max3A_409, %get3A_414 : vector<16xf32>
          %add3A_416 = arith.constant 6 : i32
          %add3A_417 = arith.addi %mul3A_288, %add3A_416 : i32
          %get3A_418 = arith.index_cast %add3A_417 : i32 to index
          %get3A_419 = arith.constant 32 : index
          %get3A_420 = tpu.vector_load %arg15[%get3A_418, %get3A_419] {strides = array<i32>} : memref<160x64xf32, #tpu.memory_space<vmem>>, vector<16xf32>,
          %max3A_421 = arith.maximumf %max3A_415, %get3A_420 : vector<16xf32>
          %add3A_422 = arith.constant 7 : i32
          %add3A_423 = arith.addi %mul3A_288, %add3A_422 : i32
          %get3A_424 = arith.index_cast %add3A_423 : i32 to index
          %get3A_425 = arith.constant 32 : index
          %get3A_426 = tpu.vector_load %arg15[%get3A_424, %get3A_425] {strides = array<i32>} : memref<160x64xf32, #tpu.memory_space<vmem>>, vector<16xf32>,
          %max3A_427 = arith.maximumf %max3A_421, %get3A_426 : vector<16xf32>
          %add3A_428 = arith.constant 32 : i32
          %add3A_429 = vector.broadcast %add3A_428 : i32 to vector<16xi32>
          %add3A_430 = arith.addi %add3A_429, %iota3A : vector<16xi32>
          tpu.vector_store_idx %arg16[%add3A_430, %broadcast_in_dim3A_286], %max3A_427 : memref<64x200xf32, #tpu.memory_space<vmem>>[vector<16xi32>, vector<16xi32>], vector<16xf32>,
          %get3A_431 = arith.index_cast %mul3A_288 : i32 to index
          %get3A_432 = arith.constant 48 : index
          %get3A_433 = tpu.vector_load %arg15[%get3A_431, %get3A_432] {strides = array<i32>} : memref<160x64xf32, #tpu.memory_space<vmem>>, vector<16xf32>,
          %add3A_434 = arith.constant 1 : i32
          %add3A_435 = arith.addi %mul3A_288, %add3A_434 : i32
          %get3A_436 = arith.index_cast %add3A_435 : i32 to index
          %get3A_437 = arith.constant 48 : index
          %get3A_438 = tpu.vector_load %arg15[%get3A_436, %get3A_437] {strides = array<i32>} : memref<160x64xf32, #tpu.memory_space<vmem>>, vector<16xf32>,
          %max3A_439 = arith.maximumf %get3A_433, %get3A_438 : vector<16xf32>
          %add3A_440 = arith.constant 2 : i32
          %add3A_441 = arith.addi %mul3A_288, %add3A_440 : i32
          %get3A_442 = arith.index_cast %add3A_441 : i32 to index
          %get3A_443 = arith.constant 48 : index
          %get3A_444 = tpu.vector_load %arg15[%get3A_442, %get3A_443] {strides = array<i32>} : memref<160x64xf32, #tpu.memory_space<vmem>>, vector<16xf32>,
          %max3A_445 = arith.maximumf %max3A_439, %get3A_444 : vector<16xf32>
          %add3A_446 = arith.constant 3 : i32
          %add3A_447 = arith.addi %mul3A_288, %add3A_446 : i32
          %get3A_448 = arith.index_cast %add3A_447 : i32 to index
          %get3A_449 = arith.constant 48 : index
          %get3A_450 = tpu.vector_load %arg15[%get3A_448, %get3A_449] {strides = array<i32>} : memref<160x64xf32, #tpu.memory_space<vmem>>, vector<16xf32>,
          %max3A_451 = arith.maximumf %max3A_445, %get3A_450 : vector<16xf32>
          %add3A_452 = arith.constant 4 : i32
          %add3A_453 = arith.addi %mul3A_288, %add3A_452 : i32
          %get3A_454 = arith.index_cast %add3A_453 : i32 to index
          %get3A_455 = arith.constant 48 : index
          %get3A_456 = tpu.vector_load %arg15[%get3A_454, %get3A_455] {strides = array<i32>} : memref<160x64xf32, #tpu.memory_space<vmem>>, vector<16xf32>,
          %max3A_457 = arith.maximumf %max3A_451, %get3A_456 : vector<16xf32>
          %add3A_458 = arith.constant 5 : i32
          %add3A_459 = arith.addi %mul3A_288, %add3A_458 : i32
          %get3A_460 = arith.index_cast %add3A_459 : i32 to index
          %get3A_461 = arith.constant 48 : index
          %get3A_462 = tpu.vector_load %arg15[%get3A_460, %get3A_461] {strides = array<i32>} : memref<160x64xf32, #tpu.memory_space<vmem>>, vector<16xf32>,
          %max3A_463 = arith.maximumf %max3A_457, %get3A_462 : vector<16xf32>
          %add3A_464 = arith.constant 6 : i32
          %add3A_465 = arith.addi %mul3A_288, %add3A_464 : i32
          %get3A_466 = arith.index_cast %add3A_465 : i32 to index
          %get3A_467 = arith.constant 48 : index
          %get3A_468 = tpu.vector_load %arg15[%get3A_466, %get3A_467] {strides = array<i32>} : memref<160x64xf32, #tpu.memory_space<vmem>>, vector<16xf32>,
          %max3A_469 = arith.maximumf %max3A_463, %get3A_468 : vector<16xf32>
          %add3A_470 = arith.constant 7 : i32
          %add3A_471 = arith.addi %mul3A_288, %add3A_470 : i32
          %get3A_472 = arith.index_cast %add3A_471 : i32 to index
          %get3A_473 = arith.constant 48 : index
          %get3A_474 = tpu.vector_load %arg15[%get3A_472, %get3A_473] {strides = array<i32>} : memref<160x64xf32, #tpu.memory_space<vmem>>, vector<16xf32>,
          %max3A_475 = arith.maximumf %max3A_469, %get3A_474 : vector<16xf32>
          %add3A_476 = arith.constant 48 : i32
          %add3A_477 = vector.broadcast %add3A_476 : i32 to vector<16xi32>
          %add3A_478 = arith.addi %add3A_477, %iota3A : vector<16xi32>
          tpu.vector_store_idx %arg16[%add3A_478, %broadcast_in_dim3A_286], %max3A_475 : memref<64x200xf32, #tpu.memory_space<vmem>>[vector<16xi32>, vector<16xi32>], vector<16xf32>,
          %scan3A_479 = arith.constant 0 : i32
          scf.yield %scan3A_479 : i32
        }
        %scan3A_272 = arith.constant 20 : i32
        %add3A_273 = arith.constant 1440 : i32
        %add3A_274 = arith.addi %add3A_191, %add3A_273 : i32
        "tpu.region"() ({
          %run_scoped3A = tpu.sem_alloc : memref<!tpu.dma_semaphore, #tpu.memory_space<semaphore_mem>>
          %dma_start3A_282 = arith.constant 0 : i32
          %dma_start3A_283 = tpu.memref_slice %arg5[%add3A_274, %dma_start3A_282] : memref<16008x64xf32, #tpu.memory_space<vmem_shared>> -> memref<160x64xf32, #tpu.memory_space<vmem_shared>>
          %dma_start3A_284 = arith.constant 0 : i32
          %dma_start3A_285 = tpu.memref_slice %arg5[%add3A_274, %dma_start3A_284] : memref<16008x64xf32, #tpu.memory_space<vmem_shared>> -> memref<160x64xf32, #tpu.memory_space<vmem_shared>>
          tpu.enqueue_dma source(%dma_start3A_285 : memref<160x64xf32, #tpu.memory_space<vmem_shared>>) target(%arg15 : memref<160x64xf32, #tpu.memory_space<vmem>>) target_semaphore(%run_scoped3A : memref<!tpu.dma_semaphore, #tpu.memory_space<semaphore_mem>>)
          %dma_wait3A_286 = arith.constant 0 : i32
          %dma_wait3A_287 = tpu.memref_slice %arg5[%add3A_274, %dma_wait3A_286] : memref<16008x64xf32, #tpu.memory_space<vmem_shared>> -> memref<160x64xf32, #tpu.memory_space<vmem_shared>>
          %dma_wait3A_288 = arith.constant 0 : i32
          %dma_wait3A_289 = tpu.memref_slice %arg5[%add3A_274, %dma_wait3A_288] : memref<16008x64xf32, #tpu.memory_space<vmem_shared>> -> memref<160x64xf32, #tpu.memory_space<vmem_shared>>
          tpu.wait_dma2 semaphore(%run_scoped3A : memref<!tpu.dma_semaphore, #tpu.memory_space<semaphore_mem>>) src(%dma_wait3A_289 : memref<160x64xf32, #tpu.memory_space<vmem_shared>>) dst(%arg15 : memref<160x64xf32, #tpu.memory_space<vmem>>)
          tpu.yield
        }) : () -> ()
        %scan3A_275 = arith.constant 0 : i32
        %scan3A_276 = arith.constant 0 : i32
        %scan3A_277 = arith.constant 20 : i32
        %scan3A_278 = arith.addi %scan3A_276, %scan3A_277 : i32
        %scan3A_279 = arith.constant 1 : i32
        %scan3A_280 = scf.for %scan3A_282 = %scan3A_276 to %scan3A_278 step %scan3A_279 iter_args(%scan3A_283 = %scan3A_275) -> (i32)  : i32 {
          %sub3A_284 = arith.constant 19 : i32
          %sub3A_285 = arith.subi %sub3A_284, %scan3A_282 : i32
          %broadcast_in_dim3A_286 = vector.broadcast %sub3A_285 : i32 to vector<16xi32>
          %mul3A_287 = arith.constant 8 : i32
          %mul3A_288 = arith.muli %scan3A_282, %mul3A_287 : i32
          %get3A = arith.index_cast %mul3A_288 : i32 to index
          %get3A_289 = arith.constant 0 : index
          %get3A_290 = tpu.vector_load %arg15[%get3A, %get3A_289] {strides = array<i32>} : memref<160x64xf32, #tpu.memory_space<vmem>>, vector<16xf32>,
          %add3A_291 = arith.constant 1 : i32
          %add3A_292 = arith.addi %mul3A_288, %add3A_291 : i32
          %get3A_293 = arith.index_cast %add3A_292 : i32 to index
          %get3A_294 = arith.constant 0 : index
          %get3A_295 = tpu.vector_load %arg15[%get3A_293, %get3A_294] {strides = array<i32>} : memref<160x64xf32, #tpu.memory_space<vmem>>, vector<16xf32>,
          %max3A = arith.maximumf %get3A_290, %get3A_295 : vector<16xf32>
          %add3A_296 = arith.constant 2 : i32
          %add3A_297 = arith.addi %mul3A_288, %add3A_296 : i32
          %get3A_298 = arith.index_cast %add3A_297 : i32 to index
          %get3A_299 = arith.constant 0 : index
          %get3A_300 = tpu.vector_load %arg15[%get3A_298, %get3A_299] {strides = array<i32>} : memref<160x64xf32, #tpu.memory_space<vmem>>, vector<16xf32>,
          %max3A_301 = arith.maximumf %max3A, %get3A_300 : vector<16xf32>
          %add3A_302 = arith.constant 3 : i32
          %add3A_303 = arith.addi %mul3A_288, %add3A_302 : i32
          %get3A_304 = arith.index_cast %add3A_303 : i32 to index
          %get3A_305 = arith.constant 0 : index
          %get3A_306 = tpu.vector_load %arg15[%get3A_304, %get3A_305] {strides = array<i32>} : memref<160x64xf32, #tpu.memory_space<vmem>>, vector<16xf32>,
          %max3A_307 = arith.maximumf %max3A_301, %get3A_306 : vector<16xf32>
          %add3A_308 = arith.constant 4 : i32
          %add3A_309 = arith.addi %mul3A_288, %add3A_308 : i32
          %get3A_310 = arith.index_cast %add3A_309 : i32 to index
          %get3A_311 = arith.constant 0 : index
          %get3A_312 = tpu.vector_load %arg15[%get3A_310, %get3A_311] {strides = array<i32>} : memref<160x64xf32, #tpu.memory_space<vmem>>, vector<16xf32>,
          %max3A_313 = arith.maximumf %max3A_307, %get3A_312 : vector<16xf32>
          %add3A_314 = arith.constant 5 : i32
          %add3A_315 = arith.addi %mul3A_288, %add3A_314 : i32
          %get3A_316 = arith.index_cast %add3A_315 : i32 to index
          %get3A_317 = arith.constant 0 : index
          %get3A_318 = tpu.vector_load %arg15[%get3A_316, %get3A_317] {strides = array<i32>} : memref<160x64xf32, #tpu.memory_space<vmem>>, vector<16xf32>,
          %max3A_319 = arith.maximumf %max3A_313, %get3A_318 : vector<16xf32>
          %add3A_320 = arith.constant 6 : i32
          %add3A_321 = arith.addi %mul3A_288, %add3A_320 : i32
          %get3A_322 = arith.index_cast %add3A_321 : i32 to index
          %get3A_323 = arith.constant 0 : index
          %get3A_324 = tpu.vector_load %arg15[%get3A_322, %get3A_323] {strides = array<i32>} : memref<160x64xf32, #tpu.memory_space<vmem>>, vector<16xf32>,
          %max3A_325 = arith.maximumf %max3A_319, %get3A_324 : vector<16xf32>
          %add3A_326 = arith.constant 7 : i32
          %add3A_327 = arith.addi %mul3A_288, %add3A_326 : i32
          %get3A_328 = arith.index_cast %add3A_327 : i32 to index
          %get3A_329 = arith.constant 0 : index
          %get3A_330 = tpu.vector_load %arg15[%get3A_328, %get3A_329] {strides = array<i32>} : memref<160x64xf32, #tpu.memory_space<vmem>>, vector<16xf32>,
          %max3A_331 = arith.maximumf %max3A_325, %get3A_330 : vector<16xf32>
          %add3A_332 = arith.constant 0 : i32
          %add3A_333 = vector.broadcast %add3A_332 : i32 to vector<16xi32>
          %add3A_334 = arith.addi %add3A_333, %iota3A : vector<16xi32>
          tpu.vector_store_idx %arg16[%add3A_334, %broadcast_in_dim3A_286], %max3A_331 : memref<64x200xf32, #tpu.memory_space<vmem>>[vector<16xi32>, vector<16xi32>], vector<16xf32>,
          %get3A_335 = arith.index_cast %mul3A_288 : i32 to index
          %get3A_336 = arith.constant 16 : index
          %get3A_337 = tpu.vector_load %arg15[%get3A_335, %get3A_336] {strides = array<i32>} : memref<160x64xf32, #tpu.memory_space<vmem>>, vector<16xf32>,
          %add3A_338 = arith.constant 1 : i32
          %add3A_339 = arith.addi %mul3A_288, %add3A_338 : i32
          %get3A_340 = arith.index_cast %add3A_339 : i32 to index
          %get3A_341 = arith.constant 16 : index
          %get3A_342 = tpu.vector_load %arg15[%get3A_340, %get3A_341] {strides = array<i32>} : memref<160x64xf32, #tpu.memory_space<vmem>>, vector<16xf32>,
          %max3A_343 = arith.maximumf %get3A_337, %get3A_342 : vector<16xf32>
          %add3A_344 = arith.constant 2 : i32
          %add3A_345 = arith.addi %mul3A_288, %add3A_344 : i32
          %get3A_346 = arith.index_cast %add3A_345 : i32 to index
          %get3A_347 = arith.constant 16 : index
          %get3A_348 = tpu.vector_load %arg15[%get3A_346, %get3A_347] {strides = array<i32>} : memref<160x64xf32, #tpu.memory_space<vmem>>, vector<16xf32>,
          %max3A_349 = arith.maximumf %max3A_343, %get3A_348 : vector<16xf32>
          %add3A_350 = arith.constant 3 : i32
          %add3A_351 = arith.addi %mul3A_288, %add3A_350 : i32
          %get3A_352 = arith.index_cast %add3A_351 : i32 to index
          %get3A_353 = arith.constant 16 : index
          %get3A_354 = tpu.vector_load %arg15[%get3A_352, %get3A_353] {strides = array<i32>} : memref<160x64xf32, #tpu.memory_space<vmem>>, vector<16xf32>,
          %max3A_355 = arith.maximumf %max3A_349, %get3A_354 : vector<16xf32>
          %add3A_356 = arith.constant 4 : i32
          %add3A_357 = arith.addi %mul3A_288, %add3A_356 : i32
          %get3A_358 = arith.index_cast %add3A_357 : i32 to index
          %get3A_359 = arith.constant 16 : index
          %get3A_360 = tpu.vector_load %arg15[%get3A_358, %get3A_359] {strides = array<i32>} : memref<160x64xf32, #tpu.memory_space<vmem>>, vector<16xf32>,
          %max3A_361 = arith.maximumf %max3A_355, %get3A_360 : vector<16xf32>
          %add3A_362 = arith.constant 5 : i32
          %add3A_363 = arith.addi %mul3A_288, %add3A_362 : i32
          %get3A_364 = arith.index_cast %add3A_363 : i32 to index
          %get3A_365 = arith.constant 16 : index
          %get3A_366 = tpu.vector_load %arg15[%get3A_364, %get3A_365] {strides = array<i32>} : memref<160x64xf32, #tpu.memory_space<vmem>>, vector<16xf32>,
          %max3A_367 = arith.maximumf %max3A_361, %get3A_366 : vector<16xf32>
          %add3A_368 = arith.constant 6 : i32
          %add3A_369 = arith.addi %mul3A_288, %add3A_368 : i32
          %get3A_370 = arith.index_cast %add3A_369 : i32 to index
          %get3A_371 = arith.constant 16 : index
          %get3A_372 = tpu.vector_load %arg15[%get3A_370, %get3A_371] {strides = array<i32>} : memref<160x64xf32, #tpu.memory_space<vmem>>, vector<16xf32>,
          %max3A_373 = arith.maximumf %max3A_367, %get3A_372 : vector<16xf32>
          %add3A_374 = arith.constant 7 : i32
          %add3A_375 = arith.addi %mul3A_288, %add3A_374 : i32
          %get3A_376 = arith.index_cast %add3A_375 : i32 to index
          %get3A_377 = arith.constant 16 : index
          %get3A_378 = tpu.vector_load %arg15[%get3A_376, %get3A_377] {strides = array<i32>} : memref<160x64xf32, #tpu.memory_space<vmem>>, vector<16xf32>,
          %max3A_379 = arith.maximumf %max3A_373, %get3A_378 : vector<16xf32>
          %add3A_380 = arith.constant 16 : i32
          %add3A_381 = vector.broadcast %add3A_380 : i32 to vector<16xi32>
          %add3A_382 = arith.addi %add3A_381, %iota3A : vector<16xi32>
          tpu.vector_store_idx %arg16[%add3A_382, %broadcast_in_dim3A_286], %max3A_379 : memref<64x200xf32, #tpu.memory_space<vmem>>[vector<16xi32>, vector<16xi32>], vector<16xf32>,
          %get3A_383 = arith.index_cast %mul3A_288 : i32 to index
          %get3A_384 = arith.constant 32 : index
          %get3A_385 = tpu.vector_load %arg15[%get3A_383, %get3A_384] {strides = array<i32>} : memref<160x64xf32, #tpu.memory_space<vmem>>, vector<16xf32>,
          %add3A_386 = arith.constant 1 : i32
          %add3A_387 = arith.addi %mul3A_288, %add3A_386 : i32
          %get3A_388 = arith.index_cast %add3A_387 : i32 to index
          %get3A_389 = arith.constant 32 : index
          %get3A_390 = tpu.vector_load %arg15[%get3A_388, %get3A_389] {strides = array<i32>} : memref<160x64xf32, #tpu.memory_space<vmem>>, vector<16xf32>,
          %max3A_391 = arith.maximumf %get3A_385, %get3A_390 : vector<16xf32>
          %add3A_392 = arith.constant 2 : i32
          %add3A_393 = arith.addi %mul3A_288, %add3A_392 : i32
          %get3A_394 = arith.index_cast %add3A_393 : i32 to index
          %get3A_395 = arith.constant 32 : index
          %get3A_396 = tpu.vector_load %arg15[%get3A_394, %get3A_395] {strides = array<i32>} : memref<160x64xf32, #tpu.memory_space<vmem>>, vector<16xf32>,
          %max3A_397 = arith.maximumf %max3A_391, %get3A_396 : vector<16xf32>
          %add3A_398 = arith.constant 3 : i32
          %add3A_399 = arith.addi %mul3A_288, %add3A_398 : i32
          %get3A_400 = arith.index_cast %add3A_399 : i32 to index
          %get3A_401 = arith.constant 32 : index
          %get3A_402 = tpu.vector_load %arg15[%get3A_400, %get3A_401] {strides = array<i32>} : memref<160x64xf32, #tpu.memory_space<vmem>>, vector<16xf32>,
          %max3A_403 = arith.maximumf %max3A_397, %get3A_402 : vector<16xf32>
          %add3A_404 = arith.constant 4 : i32
          %add3A_405 = arith.addi %mul3A_288, %add3A_404 : i32
          %get3A_406 = arith.index_cast %add3A_405 : i32 to index
          %get3A_407 = arith.constant 32 : index
          %get3A_408 = tpu.vector_load %arg15[%get3A_406, %get3A_407] {strides = array<i32>} : memref<160x64xf32, #tpu.memory_space<vmem>>, vector<16xf32>,
          %max3A_409 = arith.maximumf %max3A_403, %get3A_408 : vector<16xf32>
          %add3A_410 = arith.constant 5 : i32
          %add3A_411 = arith.addi %mul3A_288, %add3A_410 : i32
          %get3A_412 = arith.index_cast %add3A_411 : i32 to index
          %get3A_413 = arith.constant 32 : index
          %get3A_414 = tpu.vector_load %arg15[%get3A_412, %get3A_413] {strides = array<i32>} : memref<160x64xf32, #tpu.memory_space<vmem>>, vector<16xf32>,
          %max3A_415 = arith.maximumf %max3A_409, %get3A_414 : vector<16xf32>
          %add3A_416 = arith.constant 6 : i32
          %add3A_417 = arith.addi %mul3A_288, %add3A_416 : i32
          %get3A_418 = arith.index_cast %add3A_417 : i32 to index
          %get3A_419 = arith.constant 32 : index
          %get3A_420 = tpu.vector_load %arg15[%get3A_418, %get3A_419] {strides = array<i32>} : memref<160x64xf32, #tpu.memory_space<vmem>>, vector<16xf32>,
          %max3A_421 = arith.maximumf %max3A_415, %get3A_420 : vector<16xf32>
          %add3A_422 = arith.constant 7 : i32
          %add3A_423 = arith.addi %mul3A_288, %add3A_422 : i32
          %get3A_424 = arith.index_cast %add3A_423 : i32 to index
          %get3A_425 = arith.constant 32 : index
          %get3A_426 = tpu.vector_load %arg15[%get3A_424, %get3A_425] {strides = array<i32>} : memref<160x64xf32, #tpu.memory_space<vmem>>, vector<16xf32>,
          %max3A_427 = arith.maximumf %max3A_421, %get3A_426 : vector<16xf32>
          %add3A_428 = arith.constant 32 : i32
          %add3A_429 = vector.broadcast %add3A_428 : i32 to vector<16xi32>
          %add3A_430 = arith.addi %add3A_429, %iota3A : vector<16xi32>
          tpu.vector_store_idx %arg16[%add3A_430, %broadcast_in_dim3A_286], %max3A_427 : memref<64x200xf32, #tpu.memory_space<vmem>>[vector<16xi32>, vector<16xi32>], vector<16xf32>,
          %get3A_431 = arith.index_cast %mul3A_288 : i32 to index
          %get3A_432 = arith.constant 48 : index
          %get3A_433 = tpu.vector_load %arg15[%get3A_431, %get3A_432] {strides = array<i32>} : memref<160x64xf32, #tpu.memory_space<vmem>>, vector<16xf32>,
          %add3A_434 = arith.constant 1 : i32
          %add3A_435 = arith.addi %mul3A_288, %add3A_434 : i32
          %get3A_436 = arith.index_cast %add3A_435 : i32 to index
          %get3A_437 = arith.constant 48 : index
          %get3A_438 = tpu.vector_load %arg15[%get3A_436, %get3A_437] {strides = array<i32>} : memref<160x64xf32, #tpu.memory_space<vmem>>, vector<16xf32>,
          %max3A_439 = arith.maximumf %get3A_433, %get3A_438 : vector<16xf32>
          %add3A_440 = arith.constant 2 : i32
          %add3A_441 = arith.addi %mul3A_288, %add3A_440 : i32
          %get3A_442 = arith.index_cast %add3A_441 : i32 to index
          %get3A_443 = arith.constant 48 : index
          %get3A_444 = tpu.vector_load %arg15[%get3A_442, %get3A_443] {strides = array<i32>} : memref<160x64xf32, #tpu.memory_space<vmem>>, vector<16xf32>,
          %max3A_445 = arith.maximumf %max3A_439, %get3A_444 : vector<16xf32>
          %add3A_446 = arith.constant 3 : i32
          %add3A_447 = arith.addi %mul3A_288, %add3A_446 : i32
          %get3A_448 = arith.index_cast %add3A_447 : i32 to index
          %get3A_449 = arith.constant 48 : index
          %get3A_450 = tpu.vector_load %arg15[%get3A_448, %get3A_449] {strides = array<i32>} : memref<160x64xf32, #tpu.memory_space<vmem>>, vector<16xf32>,
          %max3A_451 = arith.maximumf %max3A_445, %get3A_450 : vector<16xf32>
          %add3A_452 = arith.constant 4 : i32
          %add3A_453 = arith.addi %mul3A_288, %add3A_452 : i32
          %get3A_454 = arith.index_cast %add3A_453 : i32 to index
          %get3A_455 = arith.constant 48 : index
          %get3A_456 = tpu.vector_load %arg15[%get3A_454, %get3A_455] {strides = array<i32>} : memref<160x64xf32, #tpu.memory_space<vmem>>, vector<16xf32>,
          %max3A_457 = arith.maximumf %max3A_451, %get3A_456 : vector<16xf32>
          %add3A_458 = arith.constant 5 : i32
          %add3A_459 = arith.addi %mul3A_288, %add3A_458 : i32
          %get3A_460 = arith.index_cast %add3A_459 : i32 to index
          %get3A_461 = arith.constant 48 : index
          %get3A_462 = tpu.vector_load %arg15[%get3A_460, %get3A_461] {strides = array<i32>} : memref<160x64xf32, #tpu.memory_space<vmem>>, vector<16xf32>,
          %max3A_463 = arith.maximumf %max3A_457, %get3A_462 : vector<16xf32>
          %add3A_464 = arith.constant 6 : i32
          %add3A_465 = arith.addi %mul3A_288, %add3A_464 : i32
          %get3A_466 = arith.index_cast %add3A_465 : i32 to index
          %get3A_467 = arith.constant 48 : index
          %get3A_468 = tpu.vector_load %arg15[%get3A_466, %get3A_467] {strides = array<i32>} : memref<160x64xf32, #tpu.memory_space<vmem>>, vector<16xf32>,
          %max3A_469 = arith.maximumf %max3A_463, %get3A_468 : vector<16xf32>
          %add3A_470 = arith.constant 7 : i32
          %add3A_471 = arith.addi %mul3A_288, %add3A_470 : i32
          %get3A_472 = arith.index_cast %add3A_471 : i32 to index
          %get3A_473 = arith.constant 48 : index
          %get3A_474 = tpu.vector_load %arg15[%get3A_472, %get3A_473] {strides = array<i32>} : memref<160x64xf32, #tpu.memory_space<vmem>>, vector<16xf32>,
          %max3A_475 = arith.maximumf %max3A_469, %get3A_474 : vector<16xf32>
          %add3A_476 = arith.constant 48 : i32
          %add3A_477 = vector.broadcast %add3A_476 : i32 to vector<16xi32>
          %add3A_478 = arith.addi %add3A_477, %iota3A : vector<16xi32>
          tpu.vector_store_idx %arg16[%add3A_478, %broadcast_in_dim3A_286], %max3A_475 : memref<64x200xf32, #tpu.memory_space<vmem>>[vector<16xi32>, vector<16xi32>], vector<16xf32>,
          %scan3A_479 = arith.constant 0 : i32
          scf.yield %scan3A_479 : i32
        }
        %scan3A_281 = arith.constant 20 : i32
        "tpu.region"() ({
          %run_scoped3A = tpu.sem_alloc : memref<!tpu.dma_semaphore, #tpu.memory_space<semaphore_mem>>
          %dma_start3A_282 = arith.constant 0 : i32
          %dma_start3A_283 = arith.constant 0 : i32
          %dma_start3A_284 = tpu.memref_slice %arg4[%select_n3A_183, %dma_start3A_282, %sub3A_186, %dma_start3A_283] : memref<2x64x200x200xf32, #tpu.memory_space<hbm>> -> memref<1x64x1x200xf32, #tpu.memory_space<hbm>>
          %dma_start3A_285 = tpu.memref_squeeze %dma_start3A_284 : memref<1x64x1x200xf32, #tpu.memory_space<hbm>> -> memref<64x200xf32, #tpu.memory_space<hbm>>
          %dma_start3A_286 = arith.constant 0 : i32
          %dma_start3A_287 = arith.constant 0 : i32
          %dma_start3A_288 = tpu.memref_slice %arg4[%select_n3A_183, %dma_start3A_286, %sub3A_186, %dma_start3A_287] : memref<2x64x200x200xf32, #tpu.memory_space<hbm>> -> memref<1x64x1x200xf32, #tpu.memory_space<hbm>>
          %dma_start3A_289 = tpu.memref_squeeze %dma_start3A_288 : memref<1x64x1x200xf32, #tpu.memory_space<hbm>> -> memref<64x200xf32, #tpu.memory_space<hbm>>
          tpu.enqueue_dma source(%arg16 : memref<64x200xf32, #tpu.memory_space<vmem>>) target(%dma_start3A_289 : memref<64x200xf32, #tpu.memory_space<hbm>>) target_semaphore(%run_scoped3A : memref<!tpu.dma_semaphore, #tpu.memory_space<semaphore_mem>>)
          %dma_wait3A_290 = arith.constant 0 : i32
          %dma_wait3A_291 = arith.constant 0 : i32
          %dma_wait3A_292 = tpu.memref_slice %arg4[%select_n3A_183, %dma_wait3A_290, %sub3A_186, %dma_wait3A_291] : memref<2x64x200x200xf32, #tpu.memory_space<hbm>> -> memref<1x64x1x200xf32, #tpu.memory_space<hbm>>
          %dma_wait3A_293 = tpu.memref_squeeze %dma_wait3A_292 : memref<1x64x1x200xf32, #tpu.memory_space<hbm>> -> memref<64x200xf32, #tpu.memory_space<hbm>>
          %dma_wait3A_294 = arith.constant 0 : i32
          %dma_wait3A_295 = arith.constant 0 : i32
          %dma_wait3A_296 = tpu.memref_slice %arg4[%select_n3A_183, %dma_wait3A_294, %sub3A_186, %dma_wait3A_295] : memref<2x64x200x200xf32, #tpu.memory_space<hbm>> -> memref<1x64x1x200xf32, #tpu.memory_space<hbm>>
          %dma_wait3A_297 = tpu.memref_squeeze %dma_wait3A_296 : memref<1x64x1x200xf32, #tpu.memory_space<hbm>> -> memref<64x200xf32, #tpu.memory_space<hbm>>
          tpu.wait_dma2 semaphore(%run_scoped3A : memref<!tpu.dma_semaphore, #tpu.memory_space<semaphore_mem>>) src(%arg16 : memref<64x200xf32, #tpu.memory_space<vmem>>) dst(%dma_wait3A_297 : memref<64x200xf32, #tpu.memory_space<hbm>>)
          tpu.yield
        }) : () -> ()
      } else {
      }
      %barrier3A_149 = arith.constant 0 : index
      tpu.barrier barrier_id(%barrier3A_149)
      %scan3A_150 = arith.constant 0 : i32
      scf.yield %scan3A_150 : i32
    }
    %scan3A_8 = arith.constant 20 : i32
    return
  }
}

module attributes {stable_mosaic.version = 14 : i64} {
  func.func @_pack_body(%arg0: i32, %arg1: memref<528x128xi32, #tpu.memory_space<vmem>>, %arg2: memref<528x128xi32, #tpu.memory_space<vmem>>, %arg3: memref<528x128xi32, #tpu.memory_space<vmem>>, %arg4: memref<528x128xi32, #tpu.memory_space<vmem>>, %arg5: memref<528x128xi32, #tpu.memory_space<vmem>>) attributes {dimension_semantics = [#tpu.dimension_semantics<arbitrary>], iteration_bounds = array<i64: 8>, scalar_prefetch = 0 : i64, scratch_operands = 0 : i64, tpu.core_type = #tpu.core_type<tc>, window_params = [{transform_indices = @transform_0, window_bounds = array<i64: 528, 128>}, {transform_indices = @transform_1, window_bounds = array<i64: 528, 128>}, {transform_indices = @transform_2, window_bounds = array<i64: 528, 128>}, {transform_indices = @transform_3, window_bounds = array<i64: 528, 128>}, {transform_indices = @transform_4, window_bounds = array<i64: 528, 128>}]} {
    %get3A = arith.constant 0 : index
    %get3A_0 = arith.constant 0 : index
    %get3A_1 = vector.load %arg1[%get3A, %get3A_0] : memref<528x128xi32, #tpu.memory_space<vmem>>, vector<528x128xi32>
    %jit3A = arith.constant 5 : i32
    %div3A = vector.broadcast %jit3A : i32 to vector<528x128xi32>
    %div3A_2 = arith.divsi %get3A_1, %div3A : vector<528x128xi32>
    %sign3A = arith.constant 0 : i32
    %sign3A_3 = vector.broadcast %sign3A : i32 to vector<528x128xi32>
    %sign3A_4 = arith.cmpi sgt, %get3A_1, %sign3A_3 : vector<528x128xi32>
    %sign3A_5 = arith.extui %sign3A_4 : vector<528x128xi1> to vector<528x128xi32>
    %sign3A_6 = arith.constant 0 : i32
    %sign3A_7 = vector.broadcast %sign3A_6 : i32 to vector<528x128xi32>
    %sign3A_8 = arith.cmpi slt, %get3A_1, %sign3A_7 : vector<528x128xi32>
    %sign3A_9 = arith.extui %sign3A_8 : vector<528x128xi1> to vector<528x128xi32>
    %sign3A_10 = arith.subi %sign3A_5, %sign3A_9 : vector<528x128xi32>
    %sign3A_11 = arith.constant 0 : i32
    %sign3A_12 = arith.cmpi sgt, %jit3A, %sign3A_11 : i32
    %sign3A_13 = arith.extui %sign3A_12 : i1 to i32
    %sign3A_14 = arith.constant 0 : i32
    %sign3A_15 = arith.cmpi slt, %jit3A, %sign3A_14 : i32
    %sign3A_16 = arith.extui %sign3A_15 : i1 to i32
    %sign3A_17 = arith.subi %sign3A_13, %sign3A_16 : i32
    %ne3A = vector.broadcast %sign3A_17 : i32 to vector<528x128xi32>
    %ne3A_18 = arith.cmpi ne, %sign3A_10, %ne3A : vector<528x128xi32>
    %rem3A = vector.broadcast %jit3A : i32 to vector<528x128xi32>
    %rem3A_19 = arith.remsi %get3A_1, %rem3A : vector<528x128xi32>
    %ne3A_20 = arith.constant 0 : i32
    %ne3A_21 = vector.broadcast %ne3A_20 : i32 to vector<528x128xi32>
    %ne3A_22 = arith.cmpi ne, %rem3A_19, %ne3A_21 : vector<528x128xi32>
    %and3A = arith.andi %ne3A_18, %ne3A_22 : vector<528x128xi1>
    %sub3A = arith.constant 1 : i32
    %sub3A_23 = vector.broadcast %sub3A : i32 to vector<528x128xi32>
    %sub3A_24 = arith.subi %div3A_2, %sub3A_23 : vector<528x128xi32>
    %select_n3A = arith.select %and3A, %sub3A_24, %div3A_2 : vector<528x128xi1>, vector<528x128xi32>
    %jit3A_25 = arith.constant 5 : i32
    %eq3A = arith.constant 0 : i32
    %eq3A_26 = arith.cmpi eq, %jit3A_25, %eq3A : i32
    %jit3A_27 = arith.constant 1 : i32
    %select_n3A_28 = arith.select %eq3A_26, %jit3A_27, %jit3A_25 : i32
    %rem3A_29 = vector.broadcast %select_n3A_28 : i32 to vector<528x128xi32>
    %rem3A_30 = arith.remsi %get3A_1, %rem3A_29 : vector<528x128xi32>
    %ne3A_31 = arith.constant 0 : i32
    %ne3A_32 = vector.broadcast %ne3A_31 : i32 to vector<528x128xi32>
    %ne3A_33 = arith.cmpi ne, %rem3A_30, %ne3A_32 : vector<528x128xi32>
    %lt3A = arith.constant 0 : i32
    %lt3A_34 = vector.broadcast %lt3A : i32 to vector<528x128xi32>
    %lt3A_35 = arith.cmpi slt, %rem3A_30, %lt3A_34 : vector<528x128xi32>
    %lt3A_36 = arith.constant 0 : i32
    %lt3A_37 = arith.cmpi slt, %select_n3A_28, %lt3A_36 : i32
    %ne3A_38 = vector.broadcast %lt3A_37 : i1 to vector<528x128xi1>
    %ne3A_39 = vector.broadcast %ne3A_38 : vector<528x128xi1> to vector<528x128xi1>
    %ne3A_40 = arith.xori %lt3A_35, %ne3A_39 : vector<528x128xi1>
    %and3A_41 = arith.andi %ne3A_40, %ne3A_33 : vector<528x128xi1>
    %add3A = vector.broadcast %select_n3A_28 : i32 to vector<528x128xi32>
    %add3A_42 = arith.addi %rem3A_30, %add3A : vector<528x128xi32>
    %select_n3A_43 = arith.select %and3A_41, %add3A_42, %rem3A_30 : vector<528x128xi1>, vector<528x128xi32>
    %mul3A = arith.constant 3200 : i32
    %mul3A_44 = vector.broadcast %mul3A : i32 to vector<528x128xi32>
    %mul3A_45 = arith.muli %select_n3A_43, %mul3A_44 : vector<528x128xi32>
    %get3A_46 = arith.constant 0 : index
    %get3A_47 = arith.constant 0 : index
    %get3A_48 = vector.load %arg4[%get3A_46, %get3A_47] : memref<528x128xi32, #tpu.memory_space<vmem>>, vector<528x128xi32>
    %mul3A_49 = arith.constant 1600 : i32
    %mul3A_50 = vector.broadcast %mul3A_49 : i32 to vector<528x128xi32>
    %mul3A_51 = arith.muli %get3A_48, %mul3A_50 : vector<528x128xi32>
    %add3A_52 = arith.addi %mul3A_45, %mul3A_51 : vector<528x128xi32>
    %get3A_53 = arith.constant 0 : index
    %get3A_54 = arith.constant 0 : index
    %get3A_55 = vector.load %arg2[%get3A_53, %get3A_54] : memref<528x128xi32, #tpu.memory_space<vmem>>, vector<528x128xi32>
    %mul3A_56 = arith.constant 8 : i32
    %mul3A_57 = vector.broadcast %mul3A_56 : i32 to vector<528x128xi32>
    %mul3A_58 = arith.muli %get3A_55, %mul3A_57 : vector<528x128xi32>
    %add3A_59 = arith.addi %add3A_52, %mul3A_58 : vector<528x128xi32>
    %get3A_60 = arith.constant 0 : index
    %get3A_61 = arith.constant 0 : index
    %get3A_62 = vector.load %arg3[%get3A_60, %get3A_61] : memref<528x128xi32, #tpu.memory_space<vmem>>, vector<528x128xi32>
    %add3A_63 = arith.addi %add3A_59, %get3A_62 : vector<528x128xi32>
    %shift_left3A = arith.constant 14 : i32
    %shift_left3A_64 = vector.broadcast %shift_left3A : i32 to vector<528x128xi32>
    %shift_left3A_65 = arith.shli %select_n3A, %shift_left3A_64 : vector<528x128xi32>
    %or3A = arith.ori %shift_left3A_65, %add3A_63 : vector<528x128xi32>
    %swap3A = arith.constant 0 : index
    %swap3A_66 = arith.constant 0 : index
    %swap3A_67 = vector.load %arg5[%swap3A, %swap3A_66] : memref<528x128xi32, #tpu.memory_space<vmem>>, vector<528x128xi32>
    tpu.vector_store %arg5[%swap3A, %swap3A_66], %or3A {strides = array<i32>} : memref<528x128xi32, #tpu.memory_space<vmem>>, vector<528x128xi32>,
    return
  }
  func.func @transform_0(%arg0: i32) -> (i32, i32) {
    %c0_i32 = arith.constant 0 : i32
    %c0_i32_0 = arith.constant 0 : i32
    return %arg0, %c0_i32 : i32, i32
  }
  func.func @transform_1(%arg0: i32) -> (i32, i32) {
    %c0_i32 = arith.constant 0 : i32
    %c0_i32_0 = arith.constant 0 : i32
    return %arg0, %c0_i32 : i32, i32
  }
  func.func @transform_2(%arg0: i32) -> (i32, i32) {
    %c0_i32 = arith.constant 0 : i32
    %c0_i32_0 = arith.constant 0 : i32
    return %arg0, %c0_i32 : i32, i32
  }
  func.func @transform_3(%arg0: i32) -> (i32, i32) {
    %c0_i32 = arith.constant 0 : i32
    %c0_i32_0 = arith.constant 0 : i32
    return %arg0, %c0_i32 : i32, i32
  }
  func.func @transform_4(%arg0: i32) -> (i32, i32) {
    %c0_i32 = arith.constant 0 : i32
    %c0_i32_0 = arith.constant 0 : i32
    return %arg0, %c0_i32 : i32, i32
  }
}

</mosaic_0001>

<sc_bundles>
// kernel: bev_lift_scatter.3.cloned.1.call-start
scs
__scs_entry_jumppad:
0x0: {  	(pc) =	sbr.rel $0x88, $3  }
0x1: {  	(tag) =	ssettag $0x0;
	lr =	simm.s32 $0x1  }
0x2: {  	[smem:$0x3F9C] =	sst lr;
	_ =	strace $0xD0000000  }
0x3: {  	_ = 	snop  }
0x4: {  	_ = 	snop  }
0x5: {  	_ = 	snop  }
0x6: {  	_ = 	snop  }
0x7: {  	_ = 	snop  }
__scs_overlays_trampoline_lowered:
0x8: {  	[smem:$0x3FAB] =	sst s0  }
0x9: {  	[smem:$0x3FAC] =	sst s1  }
0xa: {  	[smem:$0x3FAD] =	sst s2  }
0xb: {  	[smem:$0x3FAE] =	sst s3  }
0xc: {  	[smem:$0x3FAF] =	sst s4  }
0xd: {  	[smem:$0x3FB0] =	sst s5  }
0xe: {  	[smem:$0x3FB1] =	sst s6  }
0xf: {  	[smem:$0x3FB2] =	sst s7  }
0x10: {  	[smem:$0x3FB3] =	sst s8  }
0x11: {  	[smem:$0x3FB4] =	sst s9;
	s0 =	simm.s32 @!p0 $0x0  }
0x12: {  	s1 =	sld [smem:$0x3F9A];
	s0 =	simm.s32 @p0 $0x1  }
0x13: {  	[smem:$0x3FB5] =	sst s0;
	s0 =	simm.s32 @!p1 $0x0  }
0x14: {  	s2 =	sld [smem:$0x3F99];
	s0 =	simm.s32 @p1 $0x1  }
0x15: {  	[smem:$0x3FB6] =	sst s0;
	s0 =	simm.s32 @!p2 $0x0  }
0x16: {  	s3 =	sld [smem:$0x3FDB];
	s0 =	simm.s32 @p2 $0x1  }
0x17: {  	s4 =	simm.s32 $0x1BF5;
	[smem:$0x3FB8] =	sst s0  }
0x18: {  	s0 =	sld [smem:$0x3F9B];
	_ =	swait.ge [sflag:s4], $0x0  }
0x19: {  	s7 =	sld [smem:$0x3F9C]  }
0x1a: {  	s8 =	sadd.s32 $0xFFFFE003, lr  }
0x1b: {  	s9 =	sadd.s32 $0xFFFFFEF7, lr;
	s5 =	simm.s32 $0xFFFFFFFF;
	p2 =	slt.u32 s8, $0xFFFFF086  }
0x1c: {  	p1 =	slt.u32 s9, $0xF7A;
	s5 =	simm.s32 @!p2 $0x0  }
0x1d: {  	s5 =	simm.s32 @p1 $0x1;
	p0 =	seq.s32 s7, s2  }
0x1e: {  	s7 =	smul.u32 @!p0 $0xF7A, s2;
	p2 =	seq.s32 @!p0 s5, $0x0  }
0x1f: {  	s9 =	smul.u32 $0xF7A, s1;
	s8 =	simm.s32 @!p0 $0x1BF5;
	p2 =	por !p2, p0  }
0x20: {  	[sflag:s8] =	ssyncset.s32 @!p0 $0xFFFFF086;
	s6 =	sadd.s32 @!p0 s3, s7;
	s7 =	simm.s32 @!p0 $0x108  }
0x21: {  	s3 =	sadd.s32 s3, s9;
	s6 =	sadd.s32 @!p0 $0x88, s6;
	s7 =	simm.s32 @p2 $0x1082  }
0x22: {  	[simem:s7], [sflag:s8] =	dma.local @!p0 [hbm:s6], $0xF7A  }
0x23: {  	s9 =	sor.u32 $0xD0000000, s2;
	s6 =	simm.s32 $0x108;
	_ =	swait.ge @!p0 [sflag:s8], $0x0  }
0x24: {  	s3 =	sadd.s32 $0x88, s3;
	s6 =	simm.s32 @!p1 $0x1082;
	[sflag:s4] =	ssyncset.s32 $0xFFFFF086  }
0x25: {  	[simem:s6], [sflag:s4] =	dma.local [hbm:s3], $0xF7A  }
0x26: {  	[smem:$0x3F9C] =	sst s1;
	(tag) =	ssettag s2;
	_ =	strace s9  }
0x27: {  	s1 =	sld [smem:$0x3FAC]  }
0x28: {  	s2 =	sld [smem:$0x3FAD]  }
0x29: {  	s4 =	sld [smem:$0x3FAF]  }
0x2a: {  	p0 =	seq.s32 s5, $0x0;
	s5 =	sld [smem:$0x3FB0]  }
0x2b: {  	s6 =	sld [smem:$0x3FB1]  }
0x2c: {  	s7 =	sld [smem:$0x3FB2]  }
0x2d: {  	s3 =	simm.s32 $0x108;
	s8 =	sld [smem:$0x3FB3]  }
0x2e: {  	s3 =	simm.s32 @!p0 $0x1082;
	s9 =	sld [smem:$0x3FB4]  }
0x2f: {  	lr =	sadd.s32 s0, s3;
	s0 =	sld [smem:$0x3FAB]  }
0x30: {  	s3 =	sld [smem:$0x3FAE]  }
0x31: {  	[smem:$0x3FB7] =	sst s10  }
0x32: {  	s10 =	sld [smem:$0x3FB5];
	_ =	sdelay $0x3  }
0x33: {  	p0 =	seq.s32 s10, $0x1;
	s10 =	sld [smem:$0x3FB7];
	_ =	sdelay $0x3  }
0x34: {  	[smem:$0x3FB7] =	sst s10  }
0x35: {  	s10 =	sld [smem:$0x3FB6];
	_ =	sdelay $0x3  }
0x36: {  	p1 =	seq.s32 s10, $0x1;
	s10 =	sld [smem:$0x3FB7];
	_ =	sdelay $0x3  }
0x37: {  	[smem:$0x3FB7] =	sst s10  }
0x38: {  	s10 =	sld [smem:$0x3FB8]  }
0x39: {  	_ = 	snop;
	(pc) =	sbr.ind lr, $3  }
0x3a: {  	_ = 	snop  }
0x3b: {  	_ = 	snop  }
0x3c: {  	p2 =	seq.s32 s10, $0x1;
	s10 =	sld [smem:$0x3FB7]  }
0x3d: {  	_ =	shalt  }
0x3e: {  	_ =	shalt  }
0x3f: {  	_ =	shalt  }
0x40: {  	_ =	shalt  }
0x41: {  	_ =	shalt  }
0x42: {  	_ =	shalt  }
0x43: {  	_ =	shalt  }
0x44: {  	_ =	shalt  }
0x45: {  	_ =	shalt  }
0x46: {  	_ =	shalt  }
0x47: {  	_ =	shalt  }
0x48: {  	_ =	shalt  }
0x49: {  	_ =	shalt  }
0x4a: {  	_ =	shalt  }
0x4b: {  	_ =	shalt  }
0x4c: {  	_ =	shalt  }
0x4d: {  	_ =	shalt  }
0x4e: {  	_ =	shalt  }
0x4f: {  	_ =	shalt  }
0x50: {  	_ =	shalt  }
0x51: {  	_ =	shalt  }
0x52: {  	_ =	shalt  }
0x53: {  	_ =	shalt  }
0x54: {  	_ =	shalt  }
0x55: {  	_ =	shalt  }
0x56: {  	_ =	shalt  }
0x57: {  	_ =	shalt  }
0x58: {  	_ =	shalt  }
0x59: {  	_ =	shalt  }
0x5a: {  	_ =	shalt  }
0x5b: {  	_ =	shalt  }
0x5c: {  	_ =	shalt  }
0x5d: {  	_ =	shalt  }
0x5e: {  	_ =	shalt  }
0x5f: {  	_ =	shalt  }
0x60: {  	_ =	shalt  }
0x61: {  	_ =	shalt  }
0x62: {  	_ =	shalt  }
0x63: {  	_ =	shalt  }
0x64: {  	_ =	shalt  }
0x65: {  	_ =	shalt  }
0x66: {  	_ =	shalt  }
0x67: {  	_ =	shalt  }
0x68: {  	_ =	shalt  }
0x69: {  	_ =	shalt  }
0x6a: {  	_ =	shalt  }
0x6b: {  	_ =	shalt  }
0x6c: {  	_ =	shalt  }
0x6d: {  	_ =	shalt  }
0x6e: {  	_ =	shalt  }
0x6f: {  	_ =	shalt  }
0x70: {  	_ =	shalt  }
0x71: {  	_ =	shalt  }
0x72: {  	_ =	shalt  }
0x73: {  	_ =	shalt  }
0x74: {  	_ =	shalt  }
0x75: {  	_ =	shalt  }
0x76: {  	_ =	shalt  }
0x77: {  	_ =	shalt  }
0x78: {  	_ =	shalt  }
0x79: {  	_ =	shalt  }
0x7a: {  	_ =	shalt  }
0x7b: {  	_ =	shalt  }
0x7c: {  	_ =	shalt  }
0x7d: {  	_ =	shalt  }
0x7e: {  	_ =	shalt  }
0x7f: {  	_ =	shalt  }
0x80: {  	_ =	shalt  }
0x81: {  	_ =	shalt  }
0x82: {  	_ =	shalt  }
0x83: {  	_ =	shalt  }
0x84: {  	_ =	shalt  }
0x85: {  	_ =	shalt  }
0x86: {  	_ =	shalt  }
0x87: {  	_ =	shalt  }
.Lfunc_end0:
.L_simem_size_0:
called_computation_lowered:
.L_overlay_start_0:
0x88: {  	s2 =	sld [smem:$0x3FD9]  }
0x89: {  	s3 =	sld [smem:$0x3FFE];
	_ =	sdelay $0x1  }
0x8a: {  	s1 =	srdreg.scid  }
0x8b: {  	s0 =	sand.u32 $0x1, s1  }
0x8c: {  	s17 =	sshll.u32 s0, $0xA;
	s2 =	sadd.s32 s3, s2  }
0x8d: {  	s2 =	sadd.s32 s2, s17  }
0x8e: {  	[smem:$0x3FC3] =	sst s2  }
0x8f: {  	_ = 	snop  }
0x90: {  	s2 =	sld [smem:$0x3FD0];
	(tm) =	ssettm $0x1  }
0x91: {  	s18 =	sld [smem:$0x3FFB];
	_ =	sdelay $0x3  }
0x92: {  	_ =	strace s18  }
0x93: {  	s3 =	sld [smem:$0x3FFC];
	_ =	sdelay $0x3  }
0x94: {  	_ =	strace s3  }
0x95: {  	s3 =	sld [smem:$0x3FFD];
	_ =	sdelay $0x3  }
0x96: {  	_ =	strace s3  }
0x97: {  	_ =	strace $0x8FFFFFFF  }
0x98: {  	s19 =	sld [smem:$0x3FDB];
	_ =	sdelay $0x1  }
0x99: {  	s4 =	simm.s32 $_scs_section_size  }
0x9a: {  	s5 =	simm.s32 $_size__tile_overlayer_lowered;
	s6 =	simm.s32 $_tile_overlayer_lowered  }
0x9b: {  	s22 =	simm.s32 $0x1BFF;
	s21 =	sshll.u32 s6, $0x1;
	s3 =	sadd.s32 s4, s19  }
0x9c: {  	s7 =	simm.s32 $0x0;
	s20 =	sshll.u32 s5, $0x1;
	s5 =	sadd.s32 s21, s3  }
0x9d: {  	[timem:s7], [sflag:s22] =	dma.local [hbm:s5], s20  }
0x9e: {  	_ =	swait.ge [sflag:s22], s20  }
0x9f: {  	s4 =	ssub.s32 $0x0, s20;
	[sflag:s22] =	ssyncset.done $0x0  }
0xa0: {  	[sflag:s22] =	ssyncadd.s32 s4;
	_ =	sdelay $0x1  }
0xa1: {  	s23 =	simm.s32 $0x1B8B  }
0xa2: {  	_ =	swait.ge [sflag:s23], $0x1  }
0xa3: {  	[sflag:s23] =	ssyncset.done $0x0  }
0xa4: {  	s25 =	simm.s32 $0x1B8E;
	s24 =	sld [smem:$0x3FFE];
	[sflag:s23] =	ssyncadd.s32 $0xFFFFFFFF  }
0xa5: {  	s26 =	simm.s32 $execute0_lowered;
	[smem:$0x3FD2] =	sst s25  }
0xa6: {  	s5 =	sshll.u32 s26, $0x1;
	_ =	strace $0x80000046;
	[dreg:$0x1] =	wrdreg $0xFFFFFFFF  }
0xa7: {  	s28 =	simm.s32 $_size_execute0_lowered;
	s3 =	sadd.s32 s3, s5;
	[dreg:$0x0] =	wrdreg $0x0  }
0xa8: {  	s5 =	sshll.u32 s28, $0x1;
	[dreg:$0x2] =	wrdreg s3  }
0xa9: {  	[dreg:$0x3] =	wrdreg s5  }
0xaa: {  	[dreg:$0x4] =	wrdreg $0xC0  }
0xab: {  	_ =	task [dreg:s7], $0x5FFFF  }
0xac: {  	[dreg:$0x1] =	wrdreg $0xFFFFFFFF  }
0xad: {  	[dreg:$0x0] =	wrdreg $0x60  }
0xae: {  	[dreg:$0x2] =	wrdreg s24  }
0xaf: {  	[dreg:$0x3] =	wrdreg s2  }
0xb0: {  	[dreg:$0x4] =	wrdreg $0x0  }
0xb1: {  	[dreg:$0x5] =	wrdreg $0x9  }
0xb2: {  	_ =	task.clear_ibuf [dreg:s7], $0x6FFFF;
	_ =	strace $0x90000046  }
0xb3: {  	s29 =	simm.s32 $0x9;
	_ =	strace $0x80000048  }
0xb4: {  	_ =	swait.ge [sflag:s29], $0x1  }
0xb5: {  	[sflag:s29] =	ssyncadd.s32 $0xFFFFFFFF  }
0xb6: {  	_ =	strace $0x90000048  }
0xb7: {  	_ =	sfence  }
0xb8: {  	s30 =	sld [smem:$0x0];
	_ =	sdelay $0x2  }
0xb9: {  	s31 =	sshll.u32 s1, $0xD;
	s1 =	sshrl.u32 s1, $0x2  }
0xba: {  	s3 =	sand.u32 $0x4000, s31;
	s1 =	sadd.s32 s1, s30  }
0xbb: {  	s0 =	sor.u32 s3, s0;
	s1 =	sshll.u32 s1, $0x11  }
0xbc: {  	s0 =	sor.u32 s1, s0  }
0xbd: {  	s0 =	sadd.s32 $0x8F2B, s0  }
0xbe: {  	[sflag:s0] =	ssyncadd.remote.s32 $0x1  }
0xbf: {  	_ =	sfence.sel $0xFFFF  }
0xc0: {  	[dreg:$0x0] =	wrdreg $0xFFFFFFFF;
	(pc) =	sbr.abs _section_cstart, $3  }
0xc1: {  	[dreg:$0x1] =	wrdreg $0xFFFFFFFF  }
0xc2: {  	_ =	task.clear_ibuf [dreg:s7], $0x2FFFF;
	_ =	strace $0x9FFFFFFF  }
0xc3: {  	(tm) =	ssettm $0x7FFFFFFF  }
tec
execute0_lowered:
.L_overlay_start_1:
0x0: {  	(tag) =	ssettag $0x1  }
0x1: {  	s0 =	rddreg [dreg:$0x0]  }
0x2: {  	s3 =	rddreg [dreg:$0x2];
	s17 =	stileid.u32  }
0x3: {  	s1 =	simm.s32 $0x0;
	s2 =	srdreg.scid;
	s30 =	simm.s32 $0x2  }
0x4: {  	s31 =	simm.s32 $0x18060;
	s5 =	smul.u32 $0x8400, s17;
	[smem:$0x7FF] =	sst s1  }
0x5: {  	s4 =	smul.u32 $0x3E800, s17;
	s9 =	sshrl.u32 s17, $0x1;
	s8 =	sand.u32 $0x1, s17  }
0x6: {  	_ =	strace $0x80000047;
	[dreg:$0x4] =	wrdreg s9;
	s9 =	smul.u32 $0xC80, s9  }
0x7: {  	s6 =	sadd.s32 $0x840E00, s0;
	s14 =	sand.u32 $0x1, s2;
	s15 =	smul.u32 $0x640, s8  }
0x8: {  	p0 =	sgt.u32 s17, $0x9;
	s1 =	simm.s32 $0x4;
	s16 =	smul.u32 $0x14, s14  }
0x9: {  	s17 =	simm.s32 $0x0;
	s2 =	ssub.s32 $0x2, s14;
	s21 =	smul.u32 $0x271000, s8  }
0xa: {  	s8 =	simm.s32 $0x18020;
	s13 =	sshrl.u32 s5, $0x3;
	s7 =	sshrl.u32 s2, $0x1  }
0xb: {  	s4 =	sshrl.u32 s4, $0x2;
	s0 =	sadd.s32 s13, s0;
	s2 =	ssub.s32 s2, s7  }
0xc: {  	[dreg:$0x6] =	wrdreg s16;
	s10 =	sadd.s32 s4, s3;
	s18 =	sadd.s32 s15, s9  }
0xd: {  	s4 =	simm.s32 $0x40;
	s7 =	simm.s32 $0x180A0;
	s0 =	sadd.s32 $0xE00, s0  }
0xe: {  	s2 =	smax.u32 s2, $0x1;
	[dreg:$0x5] =	wrdreg s0;
	s0 =	sshll.u32 s18, $0x6  }
0xf: {  	s11 =	sadd.s32 $0x2800, s10;
	[dreg:$0xe] =	wrdreg s2;
	s19 =	sadd.s32 s0, s3  }
0x10: {  	s12 =	sadd.s32 $0x5000, s10;
	s0 =	sadd.s32 $0x2800, s19;
	[dreg:$0x7] =	wrdreg s19  }
0x11: {  	s13 =	sadd.s32 $0x7800, s10;
	s20 =	sadd.s32 $0x5000, s19;
	[dreg:$0x8] =	wrdreg s0  }
0x12: {  	s14 =	sadd.s32 $0xA000, s10;
	s22 =	sadd.s32 $0x7800, s19;
	[dreg:$0x9] =	wrdreg s20  }
0x13: {  	s15 =	sadd.s32 $0xC800, s10;
	s23 =	sadd.s32 $0xA000, s19;
	[dreg:$0xa] =	wrdreg s22  }
0x14: {  	s16 =	sadd.s32 $0xF000, s10;
	s24 =	sadd.s32 $0xC800, s19;
	[dreg:$0xb] =	wrdreg s23  }
0x15: {  	s2 =	simm.s32 $0x3;
	s25 =	sadd.s32 $0xF000, s19;
	[dreg:$0xc] =	wrdreg s24  }
.Ltmp0:
0x16: {  	s26 =	sadd.s32 $0x11800, s19;
	[dreg:$0xd] =	wrdreg s25;
	(pc) =	sbr.rel .LBB2_1-.Ltmp0, $4  }
0x17: {  	v0 =	vlaneseq.u32;
	s18 =	simm.s32 $0x19120;
	s28 =	sadd.s32 $0x14000, s19;
	[dreg:$0x10] =	wrdreg s26  }
0x18: {  	v1 =	vmul.u32 $0xC8, v0;
	s29 =	sadd.s32 $0x16800, s19;
	s19 =	simm.s32 $0x180E0;
	[dreg:$0x11] =	wrdreg s28  }
0x19: {  	v2 =	vimm.f32 $0.0e+00;
	v3 =	vimm.s32 $0x3E80;
	v4 =	vimm.s32 $0x0;
	s0 =	sadd.s32 $0x9B78, s21;
	[dreg:$0x12] =	wrdreg s29;
	s24 =	simm.s32 $0x18120  }
0x1a: {  	v5 =	vadd.s32 $0xC80, v1;
	v6 =	vadd.s32 $0x1900, v1;
	v7 =	vadd.s32 $0x2580, v1;
	s20 =	simm.s32 $0x1C920;
	[dreg:$0xf] =	wrdreg s0;
	s0 =	simm.s32 $0x1A120  }
.LBB2_49:
0x1b: {  	s17 =	rddreg [dreg:$0x13]  }
0x1c: {  	s9 =	rddreg [dreg:$0xe];
	s17 =	sadd.s32 $0x1, s17  }
0x1d: {  	p1 =	sne.s32 s17, s9  }
.Ltmp1:
0x1e: {  	_ = 	snop;
	(pc) =	sbr.rel @!p1 .LBB2_50-.Ltmp1, $1  }
0x1f: {  	_ =	sdelay $0x3  }
.LBB2_1:
0x20: {  	[dreg:$0x13] =	wrdreg s17  }
0x21: {  	s9 =	simm.s32 $0x0;
	s28 =	rddreg [dreg:$0x5]  }
.Ltmp2:
0x22: {  	s21 =	simm.s32 $0xFA20;
	s29 =	simm.s32 $0x1;
	(pc) =	sbr.rel .LBB2_2-.Ltmp2, $4  }
0x23: {  	[tilespmem:s21], [sflag:$0x1] =	stream.linear.gather [hbm4b:s28+s9], $0x8400, $0x38;
	[tilespmem:$0x1FB20] =	vst v63  }
0x24: {  	_ =	swait.ge [sflag:s29], $0x8400  }
0x25: {  	[sflag:s29] =	ssyncset.done $0x0  }
0x26: {  	s21 =	simm.s32 $0x0;
	[sflag:s29] =	ssyncadd.s32 $0xFFFF7C00  }
.LBB2_48:
0x27: {  	s21 =	sadd.s32 $0x1, s21  }
0x28: {  	p1 =	sne.s32 s21, $0x14  }
.Ltmp3:
0x29: {  	_ = 	snop;
	(pc) =	sbr.rel @!p1 .LBB2_49-.Ltmp3, $2  }
0x2a: {  	_ =	sdelay $0x1  }
0x2b: {  	[bflag:$0x0] =	sbarrier.arrive $0xFFFF;
	_ =	sdelay $0x1  }
.LBB2_2:
0x2c: {  	s17 =	simm.s32 $0x100;
	s9 =	simm.s32 $0x0  }
.LBB2_3:
0x2d: {  	p1 =	sne.s32 s17, $0x9F00;
	[tilespmem:s9+$0x1A150] =	vst v2;
	s22 =	smov.u32 s17;
	s17 =	sadd.s32 $0x100, s17  }
.Ltmp4:
0x2e: {  	[tilespmem:s9+$0x1A140] =	vst v2;
	(pc) =	sbr.rel @p1 .LBB2_3-.Ltmp4, $3  }
0x2f: {  	[tilespmem:s9+$0x1A120] =	vst v2  }
0x30: {  	[tilespmem:s9+$0x1A130] =	vst v2;
	_ =	sdelay $0x1  }
0x31: {  	s9 =	sshra.s32 s22, $0x2  }
0x32: {  	[tilespmem:s9+$0x1A150] =	vst v2  }
0x33: {  	[tilespmem:s9+$0x1A140] =	vst v2  }
0x34: {  	[tilespmem:s9+$0x1A120] =	vst v2  }
0x35: {  	[tilespmem:s9+$0x1A130] =	vst v2  }
0x36: {  	[spmem:s10] =	stream.linear.scatter [tilespmem:s0], [sflag:$0x4], $0x2800, $0x38;
	[tilespmem:$0x1FB20] =	vst v63  }
0x37: {  	_ =	swait.ge [sflag:s1], $0x2800  }
0x38: {  	[sflag:s1] =	ssyncset.done $0x0  }
0x39: {  	[sflag:s1] =	ssyncadd.s32 $0xFFFFD800  }
0x3a: {  	[spmem:s11] =	stream.linear.scatter [tilespmem:s0], [sflag:$0x4], $0x2800, $0x38;
	[tilespmem:$0x1FB20] =	vst v63  }
0x3b: {  	_ =	swait.ge [sflag:s1], $0x2800  }
0x3c: {  	[sflag:s1] =	ssyncset.done $0x0  }
0x3d: {  	[sflag:s1] =	ssyncadd.s32 $0xFFFFD800  }
0x3e: {  	[spmem:s12] =	stream.linear.scatter [tilespmem:s0], [sflag:$0x4], $0x2800, $0x38;
	[tilespmem:$0x1FB20] =	vst v63  }
0x3f: {  	_ =	swait.ge [sflag:s1], $0x2800  }
0x40: {  	[sflag:s1] =	ssyncset.done $0x0  }
0x41: {  	[sflag:s1] =	ssyncadd.s32 $0xFFFFD800  }
0x42: {  	[spmem:s13] =	stream.linear.scatter [tilespmem:s0], [sflag:$0x4], $0x2800, $0x38;
	[tilespmem:$0x1FB20] =	vst v63  }
0x43: {  	_ =	swait.ge [sflag:s1], $0x2800  }
0x44: {  	[sflag:s1] =	ssyncset.done $0x0  }
0x45: {  	[sflag:s1] =	ssyncadd.s32 $0xFFFFD800  }
0x46: {  	[spmem:s14] =	stream.linear.scatter [tilespmem:s0], [sflag:$0x4], $0x2800, $0x38;
	[tilespmem:$0x1FB20] =	vst v63  }
0x47: {  	_ =	swait.ge [sflag:s1], $0x2800  }
0x48: {  	[sflag:s1] =	ssyncset.done $0x0  }
0x49: {  	[sflag:s1] =	ssyncadd.s32 $0xFFFFD800  }
0x4a: {  	[spmem:s15] =	stream.linear.scatter [tilespmem:s0], [sflag:$0x4], $0x2800, $0x38;
	[tilespmem:$0x1FB20] =	vst v63  }
0x4b: {  	_ =	swait.ge [sflag:s1], $0x2800  }
0x4c: {  	[sflag:s1] =	ssyncset.done $0x0  }
0x4d: {  	[sflag:s1] =	ssyncadd.s32 $0xFFFFD800  }
0x4e: {  	[spmem:s16] =	stream.linear.scatter [tilespmem:s0], [sflag:$0x4], $0xA00, $0x38;
	[tilespmem:$0x1FB20] =	vst v63  }
.Ltmp5:
0x4f: {  	_ =	swait.ge [sflag:s1], $0xA00;
	(pc) =	sbr.rel .LBB2_5-.Ltmp5, $4  }
0x50: {  	[sflag:s1] =	ssyncset.done $0x0  }
0x51: {  	s25 =	simm.s32 $0x0;
	s26 =	rddreg [dreg:$0x6];
	[sflag:s1] =	ssyncadd.s32 $0xFFFFF600  }
0x52: {  	s28 =	simm.s32 $0x0;
	s22 =	sadd.s32 s26, s21;
	[bflag:$0x0] =	sbarrier.arrive $0xFFFF  }
0x53: {  	s23 =	simm.s32 $0x0;
	s29 =	simm.s32 $0x0;
	s26 =	simm.s32 $0xFA40;
	v8 =	vmov s22  }
.LBB2_8:
0x54: {  	p2 =	seq.s32 @!p1 s9, $0x0  }
0x55: {  	p1 =	por p1, p2  }
.Ltmp6:
0x56: {  	_ = 	snop;
	(pc) =	sbr.rel @p1 .LBB2_11-.Ltmp6, $1  }
0x57: {  	_ =	sdelay $0x3  }
0x58: {  	_ =	swait.ge [sflag:s2], $0x1000  }
0x59: {  	[sflag:s2] =	ssyncset.done $0x0  }
0x5a: {  	[sflag:s2] =	ssyncadd.s32 $0xFFFFF000  }
0x5b: {  	[spmem:s3] =	stream.indirect.scatter.add.f32 [tilespmem:s18], [sflag:$0x4], $0x40, s7, s4, $0xb8;
	[tilespmem:$0x1FB20] =	vst v63  }
0x5c: {  	_ =	swait.ge [sflag:s1], $0x1000  }
0x5d: {  	[sflag:s1] =	ssyncset.done $0x0  }
0x5e: {  	[sflag:s1] =	ssyncadd.s32 $0xFFFFF000  }
.LBB2_10:
0x5f: {  	v9 =	vld [tilespmem:$0x17E20]  }
0x60: {  	v10 =	vld [tilespmem:$0x17F20]  }
0x61: {  	v11 =	vld [tilespmem:$0x17E30];
	_ =	sdelay $0x1  }
0x62: {  	v12 =	vld [tilespmem:$0x17F30]  }
0x63: {  	v13 =	vld [tilespmem:$0x17E40]  }
0x64: {  	v14 =	vld [tilespmem:$0x17F40];
	v9 =	vand.u32 $0x3FFF, v9;
	[tilespmem:$0x180E0] =	vst v10  }
0x65: {  	v10 =	vand.u32 $0x3FFF, v11;
	[tilespmem:$0x180A0] =	vst v9;
	v9 =	vld [tilespmem:$0x17E50]  }
0x66: {  	[tilespmem:$0x180B0] =	vst v10;
	v10 =	vld [tilespmem:$0x17F50];
	_ =	sdelay $0x1  }
0x67: {  	[tilespmem:$0x180F0] =	vst v12  }
0x68: {  	v11 =	vand.u32 $0x3FFF, v13;
	[tilespmem:$0x18100] =	vst v14  }
0x69: {  	[tilespmem:$0x180C0] =	vst v11  }
0x6a: {  	v9 =	vand.u32 $0x3FFF, v9;
	[tilespmem:$0x18110] =	vst v10  }
0x6b: {  	[tilespmem:$0x180D0] =	vst v9  }
0x6c: {  	[tilespmem:s18], [sflag:$0x3] =	stream.indirect.gather [hbm4b:s6+s4], $0x40, s19, s4, $0xb8;
	[tilespmem:$0x1FB20] =	vst v63  }
.LBB2_13:
0x6d: {  	v9 =	vld [tilespmem:$0x17E60]  }
0x6e: {  	v10 =	vld [tilespmem:$0x17F60]  }
0x6f: {  	v11 =	vld [tilespmem:$0x17E70]  }
0x70: {  	v12 =	vld [tilespmem:$0x17F70]  }
0x71: {  	v13 =	vld [tilespmem:$0x17E80]  }
0x72: {  	[tilespmem:$0x17E20] =	vst v9;
	v9 =	vld [tilespmem:$0x17F80]  }
0x73: {  	[tilespmem:$0x17F20] =	vst v10;
	v10 =	vld [tilespmem:$0x17E90]  }
0x74: {  	[tilespmem:$0x17E30] =	vst v11;
	v11 =	vld [tilespmem:$0x17F90]  }
0x75: {  	[tilespmem:$0x17F30] =	vst v12  }
0x76: {  	[tilespmem:$0x17E40] =	vst v13  }
0x77: {  	[tilespmem:$0x17F40] =	vst v9  }
0x78: {  	[tilespmem:$0x17E50] =	vst v10  }
0x79: {  	[tilespmem:$0x17F50] =	vst v11  }
.LBB2_14:
0x7a: {  	p2 =	slt.s32 s23, $0x1;
	s25 =	smov.u32 s23;
	s28 =	sadd.s32 $0x40, s28  }
0x7b: {  	s25 =	simm.s32 @!p2 $0x1;
	p2 =	sne.s32 s28, $0x8400  }
.Ltmp7:
0x7c: {  	_ = 	snop;
	(pc) =	sbr.rel @!p2 .LBB2_15-.Ltmp7, $4  }
0x7d: {  	p1 =	sgt.s32 s29, $0x3F;
	s17 =	sadd.s32 $0xFFFFFFC0, s29  }
0x7e: {  	s29 =	smov.u32 @p1 s17;
	s17 =	simm.s32 $0x1  }
0x7f: {  	s25 =	sadd.s32 $0x1, s25;
	s17 =	simm.s32 @!p1 $0x0  }
0x80: {  	s26 =	sadd.s32 $0x40, s26;
	s23 =	smov.u32 @p1 s25;
	s25 =	sxor.u32 s17, s9  }
.LBB2_5:
0x81: {  	v9 =	vld [tilespmem:s26+$0xFFFFFFE0];
	_ =	sdelay $0x4  }
0x82: {  	v10 =	vshra.s32 v9, $0xE  }
0x83: {  	s9 =	sadd.s32 s28, s5;
	vm0 =	veq.s32 v10, v8  }
0x84: {  	v10 =	vor.u32 s9, v0;
	[tilespmem:s29+$0x17E20] =	vst.msk vm0, v9;
	v9 =	vmpcnt.ones.xlane vm0  }
0x85: {  	[tilespmem:s29+$0x17F20] =	vst.msk vm0, v10  }
0x86: {  	(v2sf) =	vpush v9, $0x0;
	v9 =	vld [tilespmem:s26+$0xFFFFFFF0];
	_ =	sdelay $0x4  }
0x87: {  	v10 =	vshra.s32 v9, $0xE  }
0x88: {  	vm13 =	veq.s32 v10, v8  }
0x89: {  	v10 =	vmpcnt.ones.xlane vm13;
	_ =	sdelay $0x1  }
0x8a: {  	(v2sf) =	vpush v10, $0x0;
	_ =	sdelay $0x5  }
0x8b: {  	s17 =	spop (v2sf)  }
0x8c: {  	s17 =	sadd.s32 s29, s17;
	s29 =	sadd.s32 $0x10, s9  }
0x8d: {  	v10 =	vor.u32 s29, v0;
	[tilespmem:s17+$0x17E20] =	vst.msk vm13, v9  }
0x8e: {  	[tilespmem:s17+$0x17F20] =	vst.msk vm13, v10  }
0x8f: {  	v9 =	vld [tilespmem:s26+$0x0];
	_ =	sdelay $0x4  }
0x90: {  	s29 =	spop (v2sf);
	v10 =	vshra.s32 v9, $0xE  }
0x91: {  	s17 =	sadd.s32 s17, s29;
	vm14 =	veq.s32 v10, v8;
	s29 =	sadd.s32 $0x20, s9  }
0x92: {  	v10 =	vor.u32 s29, v0;
	[tilespmem:s17+$0x17E20] =	vst.msk vm14, v9  }
0x93: {  	[tilespmem:s17+$0x17F20] =	vst.msk vm14, v10  }
0x94: {  	v9 =	vld [tilespmem:s26+$0x10];
	_ =	sdelay $0x4  }
0x95: {  	v10 =	vshra.s32 v9, $0xE  }
0x96: {  	v11 =	vmpcnt.ones.xlane vm14;
	vm15 =	veq.s32 v10, v8  }
0x97: {  	v10 =	vmpcnt.ones.xlane vm15  }
0x98: {  	(v2sf) =	vpush v11, $0x0  }
0x99: {  	(v2sf) =	vpush v10, $0x0;
	_ =	sdelay $0xd  }
0x9a: {  	s29 =	spop (v2sf)  }
0x9b: {  	s17 =	sadd.s32 s17, s29;
	s29 =	spop (v2sf)  }
0x9c: {  	s29 =	sadd.s32 s17, s29  }
0x9d: {  	p1 =	slt.s32 s29, $0x40  }
.Ltmp8:
0x9e: {  	_ = 	snop;
	(pc) =	sbr.rel @p1 .LBB2_14-.Ltmp8, $4  }
0x9f: {  	_ = 	snop  }
0xa0: {  	s9 =	sadd.s32 $0x30, s9  }
0xa1: {  	v10 =	vor.u32 s9, v0;
	[tilespmem:s17+$0x17E20] =	vst.msk vm15, v9  }
0xa2: {  	s9 =	smov.u32 s25;
	[tilespmem:s17+$0x17F20] =	vst.msk vm15, v10  }
0xa3: {  	p1 =	sne.s32 s23, $0x2  }
0xa4: {  	p2 =	sne.s32 @!p1 s9, $0x0  }
0xa5: {  	p2 =	por p1, p2  }
.Ltmp9:
0xa6: {  	_ = 	snop;
	(pc) =	sbr.rel @p2 .LBB2_8-.Ltmp9, $1  }
0xa7: {  	_ =	sdelay $0x3  }
0xa8: {  	_ =	swait.ge [sflag:s30], $0x1000  }
0xa9: {  	[sflag:s30] =	ssyncset.done $0x0  }
0xaa: {  	[sflag:s30] =	ssyncadd.s32 $0xFFFFF000  }
0xab: {  	[spmem:s3] =	stream.indirect.scatter.add.f32 [tilespmem:s24], [sflag:$0x4], $0x40, s8, s4, $0xb8;
	[tilespmem:$0x1FB20] =	vst v63  }
0xac: {  	_ =	swait.ge [sflag:s1], $0x1000  }
0xad: {  	[sflag:s1] =	ssyncset.done $0x0  }
0xae: {  	[sflag:s1] =	ssyncadd.s32 $0xFFFFF000  }
.LBB2_12:
0xaf: {  	v9 =	vld [tilespmem:$0x17E20]  }
0xb0: {  	v10 =	vld [tilespmem:$0x17F20]  }
0xb1: {  	v11 =	vld [tilespmem:$0x17E30];
	_ =	sdelay $0x1  }
0xb2: {  	v12 =	vld [tilespmem:$0x17F30]  }
0xb3: {  	v13 =	vld [tilespmem:$0x17E40]  }
0xb4: {  	v14 =	vld [tilespmem:$0x17F40];
	v9 =	vand.u32 $0x3FFF, v9;
	[tilespmem:$0x18060] =	vst v10  }
0xb5: {  	v10 =	vand.u32 $0x3FFF, v11;
	[tilespmem:$0x18020] =	vst v9;
	v9 =	vld [tilespmem:$0x17E50]  }
0xb6: {  	[tilespmem:$0x18030] =	vst v10;
	v10 =	vld [tilespmem:$0x17F50];
	_ =	sdelay $0x1  }
0xb7: {  	[tilespmem:$0x18070] =	vst v12  }
.Ltmp10:
0xb8: {  	v11 =	vand.u32 $0x3FFF, v13;
	[tilespmem:$0x18080] =	vst v14;
	(pc) =	sbr.rel .LBB2_13-.Ltmp10, $4  }
0xb9: {  	[tilespmem:$0x18040] =	vst v11  }
0xba: {  	v9 =	vand.u32 $0x3FFF, v9;
	[tilespmem:$0x18090] =	vst v10  }
0xbb: {  	[tilespmem:$0x18050] =	vst v9  }
0xbc: {  	[tilespmem:s24], [sflag:$0x2] =	stream.indirect.gather [hbm4b:s6+s4], $0x40, s31, s4, $0xb8;
	[tilespmem:$0x1FB20] =	vst v63  }
.LBB2_11:
0xbd: {  	p1 =	sne.s32 s9, $0x0  }
.Ltmp11:
0xbe: {  	_ = 	snop;
	(pc) =	sbr.rel @p1 .LBB2_10-.Ltmp11, $4  }
.Ltmp12:
0xbf: {  	_ = 	snop;
	(pc) =	sbr.rel @!p1 .LBB2_12-.Ltmp12, $4  }
0xc0: {  	_ = 	snop  }
0xc1: {  	_ = 	snop  }
0xc2: {  	_ = 	snop  }
0xc3: {  	_ = 	snop  }
.LBB2_15:
0xc4: {  	[tilespmem:s29+$0x17E20] =	vst v3;
	p1 =	sne.s32 s23, $0x2  }
0xc5: {  	[tilespmem:s29+$0x17F20] =	vst v4;
	p2 =	sne.s32 @!p1 s9, s17  }
0xc6: {  	[tilespmem:s29+$0x17E30] =	vst v3;
	p2 =	por p1, p2  }
.Ltmp13:
0xc7: {  	[tilespmem:s29+$0x17F30] =	vst v4;
	(pc) =	sbr.rel @p2 .LBB2_17-.Ltmp13, $4  }
0xc8: {  	[tilespmem:s29+$0x17E40] =	vst v3  }
0xc9: {  	[tilespmem:s29+$0x17F40] =	vst v4  }
0xca: {  	[tilespmem:s29+$0x17E50] =	vst v3  }
0xcb: {  	[tilespmem:s29+$0x17F50] =	vst v4  }
0xcc: {  	_ =	swait.ge [sflag:s30], $0x1000  }
0xcd: {  	[sflag:s30] =	ssyncset.done $0x0  }
0xce: {  	[sflag:s30] =	ssyncadd.s32 $0xFFFFF000  }
0xcf: {  	[spmem:s3] =	stream.indirect.scatter.add.f32 [tilespmem:s24], [sflag:$0x4], $0x40, s8, s4, $0xb8;
	[tilespmem:$0x1FB20] =	vst v63  }
0xd0: {  	_ =	swait.ge [sflag:s1], $0x1000  }
0xd1: {  	[sflag:s1] =	ssyncset.done $0x0  }
0xd2: {  	[sflag:s1] =	ssyncadd.s32 $0xFFFFF000  }
.LBB2_21:
0xd3: {  	v8 =	vld [tilespmem:$0x17E20]  }
0xd4: {  	v9 =	vld [tilespmem:$0x17F20]  }
0xd5: {  	v10 =	vld [tilespmem:$0x17E30]  }
0xd6: {  	v11 =	vld [tilespmem:$0x17F30]  }
0xd7: {  	v13 =	vld [tilespmem:$0x17F40]  }
0xd8: {  	v62 =	vld [tilespmem:$0x17F50]  }
0xd9: {  	v12 =	vld [tilespmem:$0x17E40];
	v8 =	vand.u32 $0x3FFF, v8;
	[tilespmem:$0x18060] =	vst v9  }
0xda: {  	[tilespmem:$0x18020] =	vst v8;
	v8 =	vld [tilespmem:$0x17E50]  }
0xdb: {  	[tilespmem:$0x18070] =	vst v11  }
0xdc: {  	[tilespmem:$0x18080] =	vst v13  }
.Ltmp14:
0xdd: {  	v61 =	vand.u32 $0x3FFF, v10;
	[tilespmem:$0x18090] =	vst v62;
	(pc) =	sbr.rel .LBB2_22-.Ltmp14, $4  }
0xde: {  	v63 =	vand.u32 $0x3FFF, v12;
	[tilespmem:$0x18030] =	vst v61  }
0xdf: {  	[tilespmem:$0x18040] =	vst v63;
	v8 =	vand.u32 $0x3FFF, v8  }
0xe0: {  	p1 =	por $0x0, $0x0;
	[tilespmem:$0x18050] =	vst v8  }
0xe1: {  	[tilespmem:s24], [sflag:$0x2] =	stream.indirect.gather [hbm4b:s6+s4], $0x40, s31, s4, $0xb8;
	[tilespmem:$0x1FB20] =	vst v63  }
.LBB2_17:
0xe2: {  	p2 =	seq.s32 @!p1 s9, s17  }
0xe3: {  	p1 =	por p1, p2  }
.Ltmp15:
0xe4: {  	_ = 	snop;
	(pc) =	sbr.rel @p1 .LBB2_20-.Ltmp15, $1  }
0xe5: {  	_ =	sdelay $0x3  }
0xe6: {  	_ =	swait.ge [sflag:s2], $0x1000  }
0xe7: {  	[sflag:s2] =	ssyncset.done $0x0  }
0xe8: {  	[sflag:s2] =	ssyncadd.s32 $0xFFFFF000  }
0xe9: {  	[spmem:s3] =	stream.indirect.scatter.add.f32 [tilespmem:s18], [sflag:$0x4], $0x40, s7, s4, $0xb8;
	[tilespmem:$0x1FB20] =	vst v63  }
0xea: {  	_ =	swait.ge [sflag:s1], $0x1000  }
0xeb: {  	[sflag:s1] =	ssyncset.done $0x0  }
0xec: {  	[sflag:s1] =	ssyncadd.s32 $0xFFFFF000  }
.LBB2_19:
0xed: {  	v8 =	vld [tilespmem:$0x17E20]  }
0xee: {  	v9 =	vld [tilespmem:$0x17F20]  }
0xef: {  	v10 =	vld [tilespmem:$0x17E30]  }
0xf0: {  	v11 =	vld [tilespmem:$0x17F30]  }
0xf1: {  	v13 =	vld [tilespmem:$0x17F40]  }
0xf2: {  	v62 =	vld [tilespmem:$0x17F50]  }
0xf3: {  	v12 =	vld [tilespmem:$0x17E40];
	v8 =	vand.u32 $0x3FFF, v8;
	[tilespmem:$0x180E0] =	vst v9  }
0xf4: {  	[tilespmem:$0x180A0] =	vst v8;
	v8 =	vld [tilespmem:$0x17E50]  }
0xf5: {  	[tilespmem:$0x180F0] =	vst v11  }
0xf6: {  	[tilespmem:$0x18100] =	vst v13  }
0xf7: {  	v61 =	vand.u32 $0x3FFF, v10;
	[tilespmem:$0x18110] =	vst v62  }
0xf8: {  	v63 =	vand.u32 $0x3FFF, v12;
	[tilespmem:$0x180B0] =	vst v61  }
0xf9: {  	[tilespmem:$0x180C0] =	vst v63;
	v8 =	vand.u32 $0x3FFF, v8  }
0xfa: {  	p1 =	por $0x1, $0x1;
	[tilespmem:$0x180D0] =	vst v8  }
0xfb: {  	[tilespmem:s18], [sflag:$0x3] =	stream.indirect.gather [hbm4b:s6+s4], $0x40, s19, s4, $0xb8;
	[tilespmem:$0x1FB20] =	vst v63  }
.LBB2_22:
0xfc: {  	p2 =	seq.s32 s23, $0x0  }
0xfd: {  	p3 =	sne.s32 @!p2 s9, s17  }
0xfe: {  	p3 =	por p3, p2  }
0xff: {  	s23 =	simm.s32 @!p3 $0x3  }
0x100: {  	_ =	swait.ge @!p3 [sflag:s23], $0x1000  }
0x101: {  	s25 =	simm.s32 @!p3 $0x180A0;
	[sflag:s23] =	ssyncset.done @!p3 $0x0  }
0x102: {  	s26 =	simm.s32 @!p3 $0x19120;
	[sflag:s23] =	ssyncadd.s32 @!p3 $0xFFFFF000;
	s23 =	simm.s32 @!p3 $0x40  }
0x103: {  	[spmem:s3] =	stream.indirect.scatter.add.f32 @!p3 [tilespmem:s26], [sflag:$0x4], $0x40, s25, s23, $0xb8;
	[tilespmem:$0x1FB20] =	vst v63  }
0x104: {  	s23 =	simm.s32 @!p3 $0x4  }
0x105: {  	p4 =	por !p1, !p1;
	_ =	swait.ge @!p3 [sflag:s23], $0x1000  }
0x106: {  	p2 =	por p2, p4;
	[sflag:s23] =	ssyncset.done @!p3 $0x0  }
0x107: {  	[sflag:s23] =	ssyncadd.s32 @!p3 $0xFFFFF000;
	s23 =	simm.s32 @!p2 $0x2  }
0x108: {  	_ =	swait.ge @!p2 [sflag:s23], $0x1000  }
0x109: {  	s25 =	simm.s32 @!p2 $0x18020;
	s26 =	simm.s32 @!p2 $0x18120;
	[sflag:s23] =	ssyncset.done @!p2 $0x0  }
0x10a: {  	p3 =	sne.s32 s9, s17;
	[sflag:s23] =	ssyncadd.s32 @!p2 $0xFFFFF000;
	s23 =	simm.s32 @!p2 $0x40  }
0x10b: {  	[spmem:s3] =	stream.indirect.scatter.add.f32 @!p2 [tilespmem:s26], [sflag:$0x4], $0x40, s25, s23, $0xb8;
	[tilespmem:$0x1FB20] =	vst v63  }
.Ltmp16:
0x10c: {  	_ = 	snop;
	(pc) =	sbr.rel @p3 .LBB2_24-.Ltmp16, $4  }
0x10d: {  	s23 =	simm.s32 @!p2 $0x4  }
0x10e: {  	_ =	swait.ge @!p2 [sflag:s23], $0x1000  }
0x10f: {  	[sflag:s23] =	ssyncset.done @!p2 $0x0  }
0x110: {  	[sflag:s23] =	ssyncadd.s32 @!p2 $0xFFFFF000  }
0x111: {  	_ =	swait.ge [sflag:s30], $0x1000  }
0x112: {  	[sflag:s30] =	ssyncset.done $0x0  }
0x113: {  	[sflag:s30] =	ssyncadd.s32 $0xFFFFF000  }
0x114: {  	[spmem:s3] =	stream.indirect.scatter.add.f32 [tilespmem:s24], [sflag:$0x4], $0x40, s8, s4, $0xb8;
	[tilespmem:$0x1FB20] =	vst v63  }
.Ltmp17:
0x115: {  	_ = 	snop;
	(pc) =	sbr.rel @p1 .LBB2_25-.Ltmp17, $4  }
.Ltmp18:
0x116: {  	_ = 	snop;
	(pc) =	sbr.rel @!p1 .LBB2_26-.Ltmp18, $4  }
0x117: {  	_ =	swait.ge [sflag:s1], $0x1000  }
0x118: {  	[sflag:s1] =	ssyncset.done $0x0  }
0x119: {  	[sflag:s1] =	ssyncadd.s32 $0xFFFFF000  }
0x11a: {  	_ = 	snop  }
.LBB2_24:
.Ltmp19:
0x11b: {  	(pc) =	sbr.rel @!p1 .LBB2_26-.Ltmp19, $1  }
0x11c: {  	_ =	sdelay $0x3  }
.LBB2_25:
0x11d: {  	_ =	swait.ge [sflag:s2], $0x1000  }
0x11e: {  	[sflag:s2] =	ssyncset.done $0x0  }
0x11f: {  	[sflag:s2] =	ssyncadd.s32 $0xFFFFF000  }
0x120: {  	[spmem:s3] =	stream.indirect.scatter.add.f32 [tilespmem:s18], [sflag:$0x4], $0x40, s7, s4, $0xb8;
	[tilespmem:$0x1FB20] =	vst v63  }
0x121: {  	_ =	swait.ge [sflag:s1], $0x1000  }
0x122: {  	[sflag:s1] =	ssyncset.done $0x0  }
0x123: {  	[sflag:s1] =	ssyncadd.s32 $0xFFFFF000  }
.LBB2_26:
.Ltmp20:
0x124: {  	(pc) =	sbr.rel @p0 .LBB2_48-.Ltmp20, $2  }
0x125: {  	_ =	sdelay $0x1  }
0x126: {  	[bflag:$0x0] =	sbarrier.arrive $0xFFFF;
	_ =	sdelay $0x1  }
0x127: {  	s9 =	rddreg [dreg:$0x7]  }
0x128: {  	[tilespmem:s0], [sflag:$0x4] =	stream.linear.gather [spmem:s9], $0x2800, $0x38;
	[tilespmem:$0x1FB20] =	vst v63  }
0x129: {  	_ =	swait.ge [sflag:s1], $0x2800  }
0x12a: {  	[sflag:s1] =	ssyncset.done $0x0  }
0x12b: {  	s23 =	simm.s32 $0x1A220;
	[sflag:s1] =	ssyncadd.s32 $0xFFFFD800  }
0x12c: {  	v8 =	vld [tilespmem:s23+$0xFFFFFF00]  }
0x12d: {  	v9 =	vld [tilespmem:s23+$0xFFFFFF40]  }
0x12e: {  	v10 =	vld [tilespmem:s23+$0xFFFFFF80]  }
0x12f: {  	v11 =	vld [tilespmem:s23+$0xFFFFFFC0]  }
0x130: {  	v12 =	vld [tilespmem:s23+$0x0]  }
0x131: {  	s29 =	simm.s32 $0xC7;
	v13 =	vld [tilespmem:s23+$0x40]  }
0x132: {  	v14 =	vmov s29;
	v8 =	vmax.f32 v8, v9;
	v9 =	vld [tilespmem:s23+$0x80]  }
0x133: {  	v14 =	vand.u32 $0xFF, v14;
	v8 =	vmax.f32 v8, v10;
	v10 =	vld [tilespmem:s23+$0xC0]  }
0x134: {  	v8 =	vmax.f32 v8, v11;
	v11 =	vadd.s32 v1, v14  }
0x135: {  	v8 =	vmax.f32 v8, v12  }
0x136: {  	v8 =	vmax.f32 v8, v13  }
0x137: {  	v8 =	vmax.f32 v8, v9  }
0x138: {  	v8 =	vmax.f32 v8, v10  }
0x139: {  	[tilespmem:v11+s20+$0x0] =	vst.idx.msk $0xffff, v8  }
0x13a: {  	v8 =	vld [tilespmem:s23+$0xFFFFFF10]  }
0x13b: {  	v9 =	vld [tilespmem:s23+$0xFFFFFF50]  }
0x13c: {  	v10 =	vld [tilespmem:s23+$0xFFFFFF90]  }
0x13d: {  	v11 =	vld [tilespmem:s23+$0xFFFFFFD0]  }
0x13e: {  	v12 =	vld [tilespmem:s23+$0x10]  }
0x13f: {  	v13 =	vld [tilespmem:s23+$0x50]  }
0x140: {  	v8 =	vmax.f32 v8, v9;
	v9 =	vld [tilespmem:s23+$0x90]  }
0x141: {  	v8 =	vmax.f32 v8, v10;
	v10 =	vld [tilespmem:s23+$0xD0]  }
0x142: {  	v8 =	vmax.f32 v8, v11;
	v11 =	vadd.s32 v5, v14  }
0x143: {  	v8 =	vmax.f32 v8, v12  }
0x144: {  	v8 =	vmax.f32 v8, v13  }
0x145: {  	v8 =	vmax.f32 v8, v9  }
0x146: {  	v8 =	vmax.f32 v8, v10  }
0x147: {  	[tilespmem:v11+s20+$0x0] =	vst.idx.msk $0xffff, v8  }
0x148: {  	v8 =	vld [tilespmem:s23+$0xFFFFFF20]  }
0x149: {  	v9 =	vld [tilespmem:s23+$0xFFFFFF60]  }
0x14a: {  	v10 =	vld [tilespmem:s23+$0xFFFFFFA0]  }
0x14b: {  	v11 =	vld [tilespmem:s23+$0xFFFFFFE0]  }
0x14c: {  	v12 =	vld [tilespmem:s23+$0x20]  }
0x14d: {  	v13 =	vld [tilespmem:s23+$0x60]  }
0x14e: {  	v8 =	vmax.f32 v8, v9;
	v9 =	vld [tilespmem:s23+$0xA0]  }
0x14f: {  	v8 =	vmax.f32 v8, v10;
	v10 =	vld [tilespmem:s23+$0xE0]  }
0x150: {  	v8 =	vmax.f32 v8, v11;
	v11 =	vadd.s32 v6, v14  }
0x151: {  	v8 =	vmax.f32 v8, v12  }
0x152: {  	v8 =	vmax.f32 v8, v13  }
0x153: {  	v8 =	vmax.f32 v8, v9  }
0x154: {  	v8 =	vmax.f32 v8, v10  }
0x155: {  	[tilespmem:v11+s20+$0x0] =	vst.idx.msk $0xffff, v8  }
0x156: {  	v9 =	vld [tilespmem:s23+$0xFFFFFF30]  }
0x157: {  	v11 =	vld [tilespmem:s23+$0xFFFFFF70]  }
0x158: {  	v12 =	vld [tilespmem:s23+$0xFFFFFFB0]  }
0x159: {  	v13 =	vld [tilespmem:s23+$0xFFFFFFF0];
	_ =	sdelay $0x1  }
0x15a: {  	v10 =	vld [tilespmem:s23+$0x30]  }
0x15b: {  	v8 =	vld [tilespmem:s23+$0x70];
	v11 =	vmax.f32 v9, v11  }
0x15c: {  	v9 =	vld [tilespmem:s23+$0xB0];
	v12 =	vmax.f32 v11, v12  }
0x15d: {  	s25 =	simm.s32 $0xC6;
	v11 =	vld [tilespmem:s23+$0xF0];
	v13 =	vmax.f32 v12, v13;
	v12 =	vadd.s32 v7, v14  }
.LBB2_28:
0x15e: {  	p1 =	sne.s32 s25, $0xB4  }
0x15f: {  	v10 =	vmax.f32 v13, v10;
	s23 =	sadd.s32 $0x200, s23;
	s9 =	smov.u32 s25;
	s25 =	sadd.s32 $0xFFFFFFFF, s25  }
0x160: {  	v8 =	vmax.f32 v10, v8  }
0x161: {  	v8 =	vmax.f32 v8, v9  }
0x162: {  	v8 =	vmax.f32 v8, v11  }
0x163: {  	[tilespmem:v12+s20+$0x0] =	vst.idx.msk $0xffff, v8;
	_ =	sdelay $0x1  }
0x164: {  	v8 =	vld [tilespmem:s23+$0xFFFFFF00]  }
0x165: {  	v9 =	vld [tilespmem:s23+$0xFFFFFF40]  }
0x166: {  	v10 =	vld [tilespmem:s23+$0xFFFFFF80]  }
0x167: {  	v11 =	vld [tilespmem:s23+$0xFFFFFFC0]  }
0x168: {  	v12 =	vld [tilespmem:s23+$0x0]  }
0x169: {  	v13 =	vld [tilespmem:s23+$0x40]  }
0x16a: {  	v14 =	vmov s9;
	v8 =	vmax.f32 v8, v9;
	v9 =	vld [tilespmem:s23+$0x80]  }
0x16b: {  	v14 =	vand.u32 $0xFF, v14;
	v8 =	vmax.f32 v8, v10;
	v10 =	vld [tilespmem:s23+$0xC0]  }
0x16c: {  	v8 =	vmax.f32 v8, v11;
	v11 =	vadd.s32 v1, v14  }
0x16d: {  	v8 =	vmax.f32 v8, v12  }
0x16e: {  	v8 =	vmax.f32 v8, v13  }
0x16f: {  	v8 =	vmax.f32 v8, v9  }
0x170: {  	v8 =	vmax.f32 v8, v10  }
0x171: {  	[tilespmem:v11+s20+$0x0] =	vst.idx.msk $0xffff, v8  }
0x172: {  	v8 =	vld [tilespmem:s23+$0xFFFFFF10]  }
0x173: {  	v9 =	vld [tilespmem:s23+$0xFFFFFF50]  }
0x174: {  	v10 =	vld [tilespmem:s23+$0xFFFFFF90]  }
0x175: {  	v11 =	vld [tilespmem:s23+$0xFFFFFFD0]  }
0x176: {  	v12 =	vld [tilespmem:s23+$0x10]  }
0x177: {  	v13 =	vld [tilespmem:s23+$0x50]  }
0x178: {  	v8 =	vmax.f32 v8, v9;
	v9 =	vld [tilespmem:s23+$0x90]  }
0x179: {  	v8 =	vmax.f32 v8, v10;
	v10 =	vld [tilespmem:s23+$0xD0]  }
0x17a: {  	v8 =	vmax.f32 v8, v11;
	v11 =	vadd.s32 v5, v14  }
0x17b: {  	v8 =	vmax.f32 v8, v12  }
0x17c: {  	v8 =	vmax.f32 v8, v13  }
0x17d: {  	v8 =	vmax.f32 v8, v9  }
0x17e: {  	v8 =	vmax.f32 v8, v10  }
0x17f: {  	[tilespmem:v11+s20+$0x0] =	vst.idx.msk $0xffff, v8  }
0x180: {  	v8 =	vld [tilespmem:s23+$0xFFFFFF20]  }
0x181: {  	v9 =	vld [tilespmem:s23+$0xFFFFFF60]  }
0x182: {  	v10 =	vld [tilespmem:s23+$0xFFFFFFA0]  }
0x183: {  	v11 =	vld [tilespmem:s23+$0xFFFFFFE0]  }
0x184: {  	v12 =	vld [tilespmem:s23+$0x20]  }
0x185: {  	v13 =	vld [tilespmem:s23+$0x60]  }
0x186: {  	v8 =	vmax.f32 v8, v9;
	v9 =	vld [tilespmem:s23+$0xA0]  }
0x187: {  	v8 =	vmax.f32 v8, v10;
	v10 =	vld [tilespmem:s23+$0xE0]  }
0x188: {  	v8 =	vmax.f32 v8, v11;
	v11 =	vadd.s32 v6, v14  }
0x189: {  	v8 =	vmax.f32 v8, v12  }
0x18a: {  	v8 =	vmax.f32 v8, v13  }
0x18b: {  	v8 =	vmax.f32 v8, v9  }
0x18c: {  	v8 =	vmax.f32 v8, v10  }
0x18d: {  	[tilespmem:v11+s20+$0x0] =	vst.idx.msk $0xffff, v8  }
0x18e: {  	v9 =	vld [tilespmem:s23+$0xFFFFFF30]  }
0x18f: {  	v11 =	vld [tilespmem:s23+$0xFFFFFF70]  }
0x190: {  	v12 =	vld [tilespmem:s23+$0xFFFFFFB0]  }
0x191: {  	v13 =	vld [tilespmem:s23+$0xFFFFFFF0]  }
.Ltmp21:
0x192: {  	v10 =	vld [tilespmem:s23+$0x30];
	(pc) =	sbr.rel @p1 .LBB2_28-.Ltmp21, $4  }
0x193: {  	v8 =	vld [tilespmem:s23+$0x70]  }
0x194: {  	v11 =	vmax.f32 v9, v11;
	v9 =	vld [tilespmem:s23+$0xB0]  }
0x195: {  	v12 =	vmax.f32 v11, v12;
	v11 =	vld [tilespmem:s23+$0xF0]  }
0x196: {  	v13 =	vmax.f32 v12, v13;
	v12 =	vadd.s32 v7, v14  }
0x197: {  	v10 =	vmax.f32 v13, v10  }
0x198: {  	v8 =	vmax.f32 v10, v8  }
0x199: {  	v8 =	vmax.f32 v8, v9  }
0x19a: {  	v8 =	vmax.f32 v8, v11  }
0x19b: {  	s9 =	rddreg [dreg:$0x8];
	[tilespmem:v12+s20+$0x0] =	vst.idx.msk $0xffff, v8  }
0x19c: {  	[tilespmem:s0], [sflag:$0x4] =	stream.linear.gather [spmem:s9], $0x2800, $0x38;
	[tilespmem:$0x1FB20] =	vst v63  }
0x19d: {  	_ =	swait.ge [sflag:s1], $0x2800  }
0x19e: {  	[sflag:s1] =	ssyncset.done $0x0  }
0x19f: {  	s23 =	simm.s32 $0x1A220;
	[sflag:s1] =	ssyncadd.s32 $0xFFFFD800  }
0x1a0: {  	v8 =	vld [tilespmem:s23+$0xFFFFFF00]  }
0x1a1: {  	v9 =	vld [tilespmem:s23+$0xFFFFFF40]  }
0x1a2: {  	v10 =	vld [tilespmem:s23+$0xFFFFFF80]  }
0x1a3: {  	v11 =	vld [tilespmem:s23+$0xFFFFFFC0]  }
0x1a4: {  	v12 =	vld [tilespmem:s23+$0x0]  }
0x1a5: {  	s29 =	simm.s32 $0xB3;
	v13 =	vld [tilespmem:s23+$0x40]  }
0x1a6: {  	v14 =	vmov s29;
	v8 =	vmax.f32 v8, v9;
	v9 =	vld [tilespmem:s23+$0x80]  }
0x1a7: {  	v14 =	vand.u32 $0xBF, v14;
	v8 =	vmax.f32 v8, v10;
	v10 =	vld [tilespmem:s23+$0xC0]  }
0x1a8: {  	v8 =	vmax.f32 v8, v11;
	v11 =	vadd.s32 v1, v14  }
0x1a9: {  	v8 =	vmax.f32 v8, v12  }
0x1aa: {  	v8 =	vmax.f32 v8, v13  }
0x1ab: {  	v8 =	vmax.f32 v8, v9  }
0x1ac: {  	v8 =	vmax.f32 v8, v10  }
0x1ad: {  	[tilespmem:v11+s20+$0x0] =	vst.idx.msk $0xffff, v8  }
0x1ae: {  	v8 =	vld [tilespmem:s23+$0xFFFFFF10]  }
0x1af: {  	v9 =	vld [tilespmem:s23+$0xFFFFFF50]  }
0x1b0: {  	v10 =	vld [tilespmem:s23+$0xFFFFFF90]  }
0x1b1: {  	v11 =	vld [tilespmem:s23+$0xFFFFFFD0]  }
0x1b2: {  	v12 =	vld [tilespmem:s23+$0x10]  }
0x1b3: {  	v13 =	vld [tilespmem:s23+$0x50]  }
0x1b4: {  	v8 =	vmax.f32 v8, v9;
	v9 =	vld [tilespmem:s23+$0x90]  }
0x1b5: {  	v8 =	vmax.f32 v8, v10;
	v10 =	vld [tilespmem:s23+$0xD0]  }
0x1b6: {  	v8 =	vmax.f32 v8, v11;
	v11 =	vadd.s32 v5, v14  }
0x1b7: {  	v8 =	vmax.f32 v8, v12  }
0x1b8: {  	v8 =	vmax.f32 v8, v13  }
0x1b9: {  	v8 =	vmax.f32 v8, v9  }
0x1ba: {  	v8 =	vmax.f32 v8, v10  }
0x1bb: {  	[tilespmem:v11+s20+$0x0] =	vst.idx.msk $0xffff, v8  }
0x1bc: {  	v8 =	vld [tilespmem:s23+$0xFFFFFF20]  }
0x1bd: {  	v9 =	vld [tilespmem:s23+$0xFFFFFF60]  }
0x1be: {  	v10 =	vld [tilespmem:s23+$0xFFFFFFA0]  }
0x1bf: {  	v11 =	vld [tilespmem:s23+$0xFFFFFFE0]  }
0x1c0: {  	v12 =	vld [tilespmem:s23+$0x20]  }
0x1c1: {  	v13 =	vld [tilespmem:s23+$0x60]  }
0x1c2: {  	v8 =	vmax.f32 v8, v9;
	v9 =	vld [tilespmem:s23+$0xA0]  }
0x1c3: {  	v8 =	vmax.f32 v8, v10;
	v10 =	vld [tilespmem:s23+$0xE0]  }
0x1c4: {  	v8 =	vmax.f32 v8, v11;
	v11 =	vadd.s32 v6, v14  }
0x1c5: {  	v8 =	vmax.f32 v8, v12  }
0x1c6: {  	v8 =	vmax.f32 v8, v13  }
0x1c7: {  	v8 =	vmax.f32 v8, v9  }
0x1c8: {  	v8 =	vmax.f32 v8, v10  }
0x1c9: {  	[tilespmem:v11+s20+$0x0] =	vst.idx.msk $0xffff, v8  }
0x1ca: {  	v9 =	vld [tilespmem:s23+$0xFFFFFF30]  }
0x1cb: {  	v11 =	vld [tilespmem:s23+$0xFFFFFF70]  }
0x1cc: {  	v12 =	vld [tilespmem:s23+$0xFFFFFFB0]  }
0x1cd: {  	v13 =	vld [tilespmem:s23+$0xFFFFFFF0];
	_ =	sdelay $0x1  }
0x1ce: {  	v10 =	vld [tilespmem:s23+$0x30]  }
0x1cf: {  	v8 =	vld [tilespmem:s23+$0x70];
	v11 =	vmax.f32 v9, v11  }
0x1d0: {  	v9 =	vld [tilespmem:s23+$0xB0];
	v12 =	vmax.f32 v11, v12  }
0x1d1: {  	s25 =	simm.s32 $0xB2;
	v11 =	vld [tilespmem:s23+$0xF0];
	v13 =	vmax.f32 v12, v13;
	v12 =	vadd.s32 v7, v14  }
.LBB2_30:
0x1d2: {  	p1 =	sne.s32 s25, $0xA0  }
0x1d3: {  	v10 =	vmax.f32 v13, v10;
	s23 =	sadd.s32 $0x200, s23;
	s9 =	smov.u32 s25;
	s25 =	sadd.s32 $0xFFFFFFFF, s25  }
0x1d4: {  	v8 =	vmax.f32 v10, v8  }
0x1d5: {  	v8 =	vmax.f32 v8, v9  }
0x1d6: {  	v8 =	vmax.f32 v8, v11  }
0x1d7: {  	[tilespmem:v12+s20+$0x0] =	vst.idx.msk $0xffff, v8;
	_ =	sdelay $0x1  }
0x1d8: {  	v8 =	vld [tilespmem:s23+$0xFFFFFF00]  }
0x1d9: {  	v9 =	vld [tilespmem:s23+$0xFFFFFF40]  }
0x1da: {  	v10 =	vld [tilespmem:s23+$0xFFFFFF80]  }
0x1db: {  	v11 =	vld [tilespmem:s23+$0xFFFFFFC0]  }
0x1dc: {  	v12 =	vld [tilespmem:s23+$0x0]  }
0x1dd: {  	v13 =	vld [tilespmem:s23+$0x40]  }
0x1de: {  	v14 =	vmov s9;
	v8 =	vmax.f32 v8, v9;
	v9 =	vld [tilespmem:s23+$0x80]  }
0x1df: {  	v14 =	vand.u32 $0xBF, v14;
	v8 =	vmax.f32 v8, v10;
	v10 =	vld [tilespmem:s23+$0xC0]  }
0x1e0: {  	v8 =	vmax.f32 v8, v11;
	v11 =	vadd.s32 v1, v14  }
0x1e1: {  	v8 =	vmax.f32 v8, v12  }
0x1e2: {  	v8 =	vmax.f32 v8, v13  }
0x1e3: {  	v8 =	vmax.f32 v8, v9  }
0x1e4: {  	v8 =	vmax.f32 v8, v10  }
0x1e5: {  	[tilespmem:v11+s20+$0x0] =	vst.idx.msk $0xffff, v8  }
0x1e6: {  	v8 =	vld [tilespmem:s23+$0xFFFFFF10]  }
0x1e7: {  	v9 =	vld [tilespmem:s23+$0xFFFFFF50]  }
0x1e8: {  	v10 =	vld [tilespmem:s23+$0xFFFFFF90]  }
0x1e9: {  	v11 =	vld [tilespmem:s23+$0xFFFFFFD0]  }
0x1ea: {  	v12 =	vld [tilespmem:s23+$0x10]  }
0x1eb: {  	v13 =	vld [tilespmem:s23+$0x50]  }
0x1ec: {  	v8 =	vmax.f32 v8, v9;
	v9 =	vld [tilespmem:s23+$0x90]  }
0x1ed: {  	v8 =	vmax.f32 v8, v10;
	v10 =	vld [tilespmem:s23+$0xD0]  }
0x1ee: {  	v8 =	vmax.f32 v8, v11;
	v11 =	vadd.s32 v5, v14  }
0x1ef: {  	v8 =	vmax.f32 v8, v12  }
0x1f0: {  	v8 =	vmax.f32 v8, v13  }
0x1f1: {  	v8 =	vmax.f32 v8, v9  }
0x1f2: {  	v8 =	vmax.f32 v8, v10  }
0x1f3: {  	[tilespmem:v11+s20+$0x0] =	vst.idx.msk $0xffff, v8  }
0x1f4: {  	v8 =	vld [tilespmem:s23+$0xFFFFFF20]  }
0x1f5: {  	v9 =	vld [tilespmem:s23+$0xFFFFFF60]  }
0x1f6: {  	v10 =	vld [tilespmem:s23+$0xFFFFFFA0]  }
0x1f7: {  	v11 =	vld [tilespmem:s23+$0xFFFFFFE0]  }
0x1f8: {  	v12 =	vld [tilespmem:s23+$0x20]  }
0x1f9: {  	v13 =	vld [tilespmem:s23+$0x60]  }
0x1fa: {  	v8 =	vmax.f32 v8, v9;
	v9 =	vld [tilespmem:s23+$0xA0]  }
0x1fb: {  	v8 =	vmax.f32 v8, v10;
	v10 =	vld [tilespmem:s23+$0xE0]  }
0x1fc: {  	v8 =	vmax.f32 v8, v11;
	v11 =	vadd.s32 v6, v14  }
0x1fd: {  	v8 =	vmax.f32 v8, v12  }
0x1fe: {  	v8 =	vmax.f32 v8, v13  }
0x1ff: {  	v8 =	vmax.f32 v8, v9  }
0x200: {  	v8 =	vmax.f32 v8, v10  }
0x201: {  	[tilespmem:v11+s20+$0x0] =	vst.idx.msk $0xffff, v8  }
0x202: {  	v9 =	vld [tilespmem:s23+$0xFFFFFF30]  }
0x203: {  	v11 =	vld [tilespmem:s23+$0xFFFFFF70]  }
0x204: {  	v12 =	vld [tilespmem:s23+$0xFFFFFFB0]  }
0x205: {  	v13 =	vld [tilespmem:s23+$0xFFFFFFF0]  }
.Ltmp22:
0x206: {  	v10 =	vld [tilespmem:s23+$0x30];
	(pc) =	sbr.rel @p1 .LBB2_30-.Ltmp22, $4  }
0x207: {  	v8 =	vld [tilespmem:s23+$0x70]  }
0x208: {  	v11 =	vmax.f32 v9, v11;
	v9 =	vld [tilespmem:s23+$0xB0]  }
0x209: {  	v12 =	vmax.f32 v11, v12;
	v11 =	vld [tilespmem:s23+$0xF0]  }
0x20a: {  	v13 =	vmax.f32 v12, v13;
	v12 =	vadd.s32 v7, v14  }
0x20b: {  	v10 =	vmax.f32 v13, v10  }
0x20c: {  	v8 =	vmax.f32 v10, v8  }
0x20d: {  	v8 =	vmax.f32 v8, v9  }
0x20e: {  	v8 =	vmax.f32 v8, v11  }
0x20f: {  	s9 =	rddreg [dreg:$0x9];
	[tilespmem:v12+s20+$0x0] =	vst.idx.msk $0xffff, v8  }
0x210: {  	[tilespmem:s0], [sflag:$0x4] =	stream.linear.gather [spmem:s9], $0x2800, $0x38;
	[tilespmem:$0x1FB20] =	vst v63  }
0x211: {  	_ =	swait.ge [sflag:s1], $0x2800  }
0x212: {  	[sflag:s1] =	ssyncset.done $0x0  }
0x213: {  	s23 =	simm.s32 $0x1A220;
	[sflag:s1] =	ssyncadd.s32 $0xFFFFD800  }
0x214: {  	v8 =	vld [tilespmem:s23+$0xFFFFFF00]  }
0x215: {  	v9 =	vld [tilespmem:s23+$0xFFFFFF40]  }
0x216: {  	v10 =	vld [tilespmem:s23+$0xFFFFFF80]  }
0x217: {  	v11 =	vld [tilespmem:s23+$0xFFFFFFC0]  }
0x218: {  	v12 =	vld [tilespmem:s23+$0x0]  }
0x219: {  	s29 =	simm.s32 $0x9F;
	v13 =	vld [tilespmem:s23+$0x40]  }
0x21a: {  	v14 =	vmov s29;
	v8 =	vmax.f32 v8, v9;
	v9 =	vld [tilespmem:s23+$0x80]  }
0x21b: {  	v14 =	vand.u32 $0x9F, v14;
	v8 =	vmax.f32 v8, v10;
	v10 =	vld [tilespmem:s23+$0xC0]  }
0x21c: {  	v8 =	vmax.f32 v8, v11;
	v11 =	vadd.s32 v1, v14  }
0x21d: {  	v8 =	vmax.f32 v8, v12  }
0x21e: {  	v8 =	vmax.f32 v8, v13  }
0x21f: {  	v8 =	vmax.f32 v8, v9  }
0x220: {  	v8 =	vmax.f32 v8, v10  }
0x221: {  	[tilespmem:v11+s20+$0x0] =	vst.idx.msk $0xffff, v8  }
0x222: {  	v8 =	vld [tilespmem:s23+$0xFFFFFF10]  }
0x223: {  	v9 =	vld [tilespmem:s23+$0xFFFFFF50]  }
0x224: {  	v10 =	vld [tilespmem:s23+$0xFFFFFF90]  }
0x225: {  	v11 =	vld [tilespmem:s23+$0xFFFFFFD0]  }
0x226: {  	v12 =	vld [tilespmem:s23+$0x10]  }
0x227: {  	v13 =	vld [tilespmem:s23+$0x50]  }
0x228: {  	v8 =	vmax.f32 v8, v9;
	v9 =	vld [tilespmem:s23+$0x90]  }
0x229: {  	v8 =	vmax.f32 v8, v10;
	v10 =	vld [tilespmem:s23+$0xD0]  }
0x22a: {  	v8 =	vmax.f32 v8, v11;
	v11 =	vadd.s32 v5, v14  }
0x22b: {  	v8 =	vmax.f32 v8, v12  }
0x22c: {  	v8 =	vmax.f32 v8, v13  }
0x22d: {  	v8 =	vmax.f32 v8, v9  }
0x22e: {  	v8 =	vmax.f32 v8, v10  }
0x22f: {  	[tilespmem:v11+s20+$0x0] =	vst.idx.msk $0xffff, v8  }
0x230: {  	v8 =	vld [tilespmem:s23+$0xFFFFFF20]  }
0x231: {  	v9 =	vld [tilespmem:s23+$0xFFFFFF60]  }
0x232: {  	v10 =	vld [tilespmem:s23+$0xFFFFFFA0]  }
0x233: {  	v11 =	vld [tilespmem:s23+$0xFFFFFFE0]  }
0x234: {  	v12 =	vld [tilespmem:s23+$0x20]  }
0x235: {  	v13 =	vld [tilespmem:s23+$0x60]  }
0x236: {  	v8 =	vmax.f32 v8, v9;
	v9 =	vld [tilespmem:s23+$0xA0]  }
0x237: {  	v8 =	vmax.f32 v8, v10;
	v10 =	vld [tilespmem:s23+$0xE0]  }
0x238: {  	v8 =	vmax.f32 v8, v11;
	v11 =	vadd.s32 v6, v14  }
0x239: {  	v8 =	vmax.f32 v8, v12  }
0x23a: {  	v8 =	vmax.f32 v8, v13  }
0x23b: {  	v8 =	vmax.f32 v8, v9  }
0x23c: {  	v8 =	vmax.f32 v8, v10  }
0x23d: {  	[tilespmem:v11+s20+$0x0] =	vst.idx.msk $0xffff, v8  }
0x23e: {  	v9 =	vld [tilespmem:s23+$0xFFFFFF30]  }
0x23f: {  	v11 =	vld [tilespmem:s23+$0xFFFFFF70]  }
0x240: {  	v12 =	vld [tilespmem:s23+$0xFFFFFFB0]  }
0x241: {  	v13 =	vld [tilespmem:s23+$0xFFFFFFF0];
	_ =	sdelay $0x1  }
0x242: {  	v10 =	vld [tilespmem:s23+$0x30]  }
0x243: {  	v8 =	vld [tilespmem:s23+$0x70];
	v11 =	vmax.f32 v9, v11  }
0x244: {  	v9 =	vld [tilespmem:s23+$0xB0];
	v12 =	vmax.f32 v11, v12  }
0x245: {  	s25 =	simm.s32 $0x9E;
	v11 =	vld [tilespmem:s23+$0xF0];
	v13 =	vmax.f32 v12, v13;
	v12 =	vadd.s32 v7, v14  }
.LBB2_32:
0x246: {  	p1 =	sne.s32 s25, $0x8C  }
0x247: {  	v10 =	vmax.f32 v13, v10;
	s23 =	sadd.s32 $0x200, s23;
	s9 =	smov.u32 s25;
	s25 =	sadd.s32 $0xFFFFFFFF, s25  }
0x248: {  	v8 =	vmax.f32 v10, v8  }
0x249: {  	v8 =	vmax.f32 v8, v9  }
0x24a: {  	v8 =	vmax.f32 v8, v11  }
0x24b: {  	[tilespmem:v12+s20+$0x0] =	vst.idx.msk $0xffff, v8;
	_ =	sdelay $0x1  }
0x24c: {  	v8 =	vld [tilespmem:s23+$0xFFFFFF00]  }
0x24d: {  	v9 =	vld [tilespmem:s23+$0xFFFFFF40]  }
0x24e: {  	v10 =	vld [tilespmem:s23+$0xFFFFFF80]  }
0x24f: {  	v11 =	vld [tilespmem:s23+$0xFFFFFFC0]  }
0x250: {  	v12 =	vld [tilespmem:s23+$0x0]  }
0x251: {  	v13 =	vld [tilespmem:s23+$0x40]  }
0x252: {  	v14 =	vmov s9;
	v8 =	vmax.f32 v8, v9;
	v9 =	vld [tilespmem:s23+$0x80]  }
0x253: {  	v14 =	vand.u32 $0x9F, v14;
	v8 =	vmax.f32 v8, v10;
	v10 =	vld [tilespmem:s23+$0xC0]  }
0x254: {  	v8 =	vmax.f32 v8, v11;
	v11 =	vadd.s32 v1, v14  }
0x255: {  	v8 =	vmax.f32 v8, v12  }
0x256: {  	v8 =	vmax.f32 v8, v13  }
0x257: {  	v8 =	vmax.f32 v8, v9  }
0x258: {  	v8 =	vmax.f32 v8, v10  }
0x259: {  	[tilespmem:v11+s20+$0x0] =	vst.idx.msk $0xffff, v8  }
0x25a: {  	v8 =	vld [tilespmem:s23+$0xFFFFFF10]  }
0x25b: {  	v9 =	vld [tilespmem:s23+$0xFFFFFF50]  }
0x25c: {  	v10 =	vld [tilespmem:s23+$0xFFFFFF90]  }
0x25d: {  	v11 =	vld [tilespmem:s23+$0xFFFFFFD0]  }
0x25e: {  	v12 =	vld [tilespmem:s23+$0x10]  }
0x25f: {  	v13 =	vld [tilespmem:s23+$0x50]  }
0x260: {  	v8 =	vmax.f32 v8, v9;
	v9 =	vld [tilespmem:s23+$0x90]  }
0x261: {  	v8 =	vmax.f32 v8, v10;
	v10 =	vld [tilespmem:s23+$0xD0]  }
0x262: {  	v8 =	vmax.f32 v8, v11;
	v11 =	vadd.s32 v5, v14  }
0x263: {  	v8 =	vmax.f32 v8, v12  }
0x264: {  	v8 =	vmax.f32 v8, v13  }
0x265: {  	v8 =	vmax.f32 v8, v9  }
0x266: {  	v8 =	vmax.f32 v8, v10  }
0x267: {  	[tilespmem:v11+s20+$0x0] =	vst.idx.msk $0xffff, v8  }
0x268: {  	v8 =	vld [tilespmem:s23+$0xFFFFFF20]  }
0x269: {  	v9 =	vld [tilespmem:s23+$0xFFFFFF60]  }
0x26a: {  	v10 =	vld [tilespmem:s23+$0xFFFFFFA0]  }
0x26b: {  	v11 =	vld [tilespmem:s23+$0xFFFFFFE0]  }
0x26c: {  	v12 =	vld [tilespmem:s23+$0x20]  }
0x26d: {  	v13 =	vld [tilespmem:s23+$0x60]  }
0x26e: {  	v8 =	vmax.f32 v8, v9;
	v9 =	vld [tilespmem:s23+$0xA0]  }
0x26f: {  	v8 =	vmax.f32 v8, v10;
	v10 =	vld [tilespmem:s23+$0xE0]  }
0x270: {  	v8 =	vmax.f32 v8, v11;
	v11 =	vadd.s32 v6, v14  }
0x271: {  	v8 =	vmax.f32 v8, v12  }
0x272: {  	v8 =	vmax.f32 v8, v13  }
0x273: {  	v8 =	vmax.f32 v8, v9  }
0x274: {  	v8 =	vmax.f32 v8, v10  }
0x275: {  	[tilespmem:v11+s20+$0x0] =	vst.idx.msk $0xffff, v8  }
0x276: {  	v9 =	vld [tilespmem:s23+$0xFFFFFF30]  }
0x277: {  	v11 =	vld [tilespmem:s23+$0xFFFFFF70]  }
0x278: {  	v12 =	vld [tilespmem:s23+$0xFFFFFFB0]  }
0x279: {  	v13 =	vld [tilespmem:s23+$0xFFFFFFF0]  }
.Ltmp23:
0x27a: {  	v10 =	vld [tilespmem:s23+$0x30];
	(pc) =	sbr.rel @p1 .LBB2_32-.Ltmp23, $4  }
0x27b: {  	v8 =	vld [tilespmem:s23+$0x70]  }
0x27c: {  	v11 =	vmax.f32 v9, v11;
	v9 =	vld [tilespmem:s23+$0xB0]  }
0x27d: {  	v12 =	vmax.f32 v11, v12;
	v11 =	vld [tilespmem:s23+$0xF0]  }
0x27e: {  	v13 =	vmax.f32 v12, v13;
	v12 =	vadd.s32 v7, v14  }
0x27f: {  	v10 =	vmax.f32 v13, v10  }
0x280: {  	v8 =	vmax.f32 v10, v8  }
0x281: {  	v8 =	vmax.f32 v8, v9  }
0x282: {  	v8 =	vmax.f32 v8, v11  }
0x283: {  	s9 =	rddreg [dreg:$0xa];
	[tilespmem:v12+s20+$0x0] =	vst.idx.msk $0xffff, v8  }
0x284: {  	[tilespmem:s0], [sflag:$0x4] =	stream.linear.gather [spmem:s9], $0x2800, $0x38;
	[tilespmem:$0x1FB20] =	vst v63  }
0x285: {  	_ =	swait.ge [sflag:s1], $0x2800  }
0x286: {  	[sflag:s1] =	ssyncset.done $0x0  }
0x287: {  	s23 =	simm.s32 $0x1A220;
	[sflag:s1] =	ssyncadd.s32 $0xFFFFD800  }
0x288: {  	v8 =	vld [tilespmem:s23+$0xFFFFFF00]  }
0x289: {  	v9 =	vld [tilespmem:s23+$0xFFFFFF40]  }
0x28a: {  	v10 =	vld [tilespmem:s23+$0xFFFFFF80]  }
0x28b: {  	v11 =	vld [tilespmem:s23+$0xFFFFFFC0]  }
0x28c: {  	v12 =	vld [tilespmem:s23+$0x0]  }
0x28d: {  	s29 =	simm.s32 $0x8B;
	v13 =	vld [tilespmem:s23+$0x40]  }
0x28e: {  	v14 =	vmov s29;
	v8 =	vmax.f32 v8, v9;
	v9 =	vld [tilespmem:s23+$0x80]  }
0x28f: {  	v14 =	vand.u32 $0xFF, v14;
	v8 =	vmax.f32 v8, v10;
	v10 =	vld [tilespmem:s23+$0xC0]  }
0x290: {  	v8 =	vmax.f32 v8, v11;
	v11 =	vadd.s32 v1, v14  }
0x291: {  	v8 =	vmax.f32 v8, v12  }
0x292: {  	v8 =	vmax.f32 v8, v13  }
0x293: {  	v8 =	vmax.f32 v8, v9  }
0x294: {  	v8 =	vmax.f32 v8, v10  }
0x295: {  	[tilespmem:v11+s20+$0x0] =	vst.idx.msk $0xffff, v8  }
0x296: {  	v8 =	vld [tilespmem:s23+$0xFFFFFF10]  }
0x297: {  	v9 =	vld [tilespmem:s23+$0xFFFFFF50]  }
0x298: {  	v10 =	vld [tilespmem:s23+$0xFFFFFF90]  }
0x299: {  	v11 =	vld [tilespmem:s23+$0xFFFFFFD0]  }
0x29a: {  	v12 =	vld [tilespmem:s23+$0x10]  }
0x29b: {  	v13 =	vld [tilespmem:s23+$0x50]  }
0x29c: {  	v8 =	vmax.f32 v8, v9;
	v9 =	vld [tilespmem:s23+$0x90]  }
0x29d: {  	v8 =	vmax.f32 v8, v10;
	v10 =	vld [tilespmem:s23+$0xD0]  }
0x29e: {  	v8 =	vmax.f32 v8, v11;
	v11 =	vadd.s32 v5, v14  }
0x29f: {  	v8 =	vmax.f32 v8, v12  }
0x2a0: {  	v8 =	vmax.f32 v8, v13  }
0x2a1: {  	v8 =	vmax.f32 v8, v9  }
0x2a2: {  	v8 =	vmax.f32 v8, v10  }
0x2a3: {  	[tilespmem:v11+s20+$0x0] =	vst.idx.msk $0xffff, v8  }
0x2a4: {  	v8 =	vld [tilespmem:s23+$0xFFFFFF20]  }
0x2a5: {  	v9 =	vld [tilespmem:s23+$0xFFFFFF60]  }
0x2a6: {  	v10 =	vld [tilespmem:s23+$0xFFFFFFA0]  }
0x2a7: {  	v11 =	vld [tilespmem:s23+$0xFFFFFFE0]  }
0x2a8: {  	v12 =	vld [tilespmem:s23+$0x20]  }
0x2a9: {  	v13 =	vld [tilespmem:s23+$0x60]  }
0x2aa: {  	v8 =	vmax.f32 v8, v9;
	v9 =	vld [tilespmem:s23+$0xA0]  }
0x2ab: {  	v8 =	vmax.f32 v8, v10;
	v10 =	vld [tilespmem:s23+$0xE0]  }
0x2ac: {  	v8 =	vmax.f32 v8, v11;
	v11 =	vadd.s32 v6, v14  }
0x2ad: {  	v8 =	vmax.f32 v8, v12  }
0x2ae: {  	v8 =	vmax.f32 v8, v13  }
0x2af: {  	v8 =	vmax.f32 v8, v9  }
0x2b0: {  	v8 =	vmax.f32 v8, v10  }
0x2b1: {  	[tilespmem:v11+s20+$0x0] =	vst.idx.msk $0xffff, v8  }
0x2b2: {  	v9 =	vld [tilespmem:s23+$0xFFFFFF30]  }
0x2b3: {  	v11 =	vld [tilespmem:s23+$0xFFFFFF70]  }
0x2b4: {  	v12 =	vld [tilespmem:s23+$0xFFFFFFB0]  }
0x2b5: {  	v13 =	vld [tilespmem:s23+$0xFFFFFFF0];
	_ =	sdelay $0x1  }
0x2b6: {  	v10 =	vld [tilespmem:s23+$0x30]  }
0x2b7: {  	v8 =	vld [tilespmem:s23+$0x70];
	v11 =	vmax.f32 v9, v11  }
0x2b8: {  	v9 =	vld [tilespmem:s23+$0xB0];
	v12 =	vmax.f32 v11, v12  }
0x2b9: {  	s25 =	simm.s32 $0x8A;
	v11 =	vld [tilespmem:s23+$0xF0];
	v13 =	vmax.f32 v12, v13;
	v12 =	vadd.s32 v7, v14  }
.LBB2_34:
0x2ba: {  	p1 =	sne.s32 s25, $0x78  }
0x2bb: {  	v10 =	vmax.f32 v13, v10;
	s23 =	sadd.s32 $0x200, s23;
	s9 =	smov.u32 s25;
	s25 =	sadd.s32 $0xFFFFFFFF, s25  }
0x2bc: {  	v8 =	vmax.f32 v10, v8  }
0x2bd: {  	v8 =	vmax.f32 v8, v9  }
0x2be: {  	v8 =	vmax.f32 v8, v11  }
0x2bf: {  	[tilespmem:v12+s20+$0x0] =	vst.idx.msk $0xffff, v8;
	_ =	sdelay $0x1  }
0x2c0: {  	v8 =	vld [tilespmem:s23+$0xFFFFFF00]  }
0x2c1: {  	v9 =	vld [tilespmem:s23+$0xFFFFFF40]  }
0x2c2: {  	v10 =	vld [tilespmem:s23+$0xFFFFFF80]  }
0x2c3: {  	v11 =	vld [tilespmem:s23+$0xFFFFFFC0]  }
0x2c4: {  	v12 =	vld [tilespmem:s23+$0x0]  }
0x2c5: {  	v13 =	vld [tilespmem:s23+$0x40]  }
0x2c6: {  	v14 =	vmov s9;
	v8 =	vmax.f32 v8, v9;
	v9 =	vld [tilespmem:s23+$0x80]  }
0x2c7: {  	v14 =	vand.u32 $0xFF, v14;
	v8 =	vmax.f32 v8, v10;
	v10 =	vld [tilespmem:s23+$0xC0]  }
0x2c8: {  	v8 =	vmax.f32 v8, v11;
	v11 =	vadd.s32 v1, v14  }
0x2c9: {  	v8 =	vmax.f32 v8, v12  }
0x2ca: {  	v8 =	vmax.f32 v8, v13  }
0x2cb: {  	v8 =	vmax.f32 v8, v9  }
0x2cc: {  	v8 =	vmax.f32 v8, v10  }
0x2cd: {  	[tilespmem:v11+s20+$0x0] =	vst.idx.msk $0xffff, v8  }
0x2ce: {  	v8 =	vld [tilespmem:s23+$0xFFFFFF10]  }
0x2cf: {  	v9 =	vld [tilespmem:s23+$0xFFFFFF50]  }
0x2d0: {  	v10 =	vld [tilespmem:s23+$0xFFFFFF90]  }
0x2d1: {  	v11 =	vld [tilespmem:s23+$0xFFFFFFD0]  }
0x2d2: {  	v12 =	vld [tilespmem:s23+$0x10]  }
0x2d3: {  	v13 =	vld [tilespmem:s23+$0x50]  }
0x2d4: {  	v8 =	vmax.f32 v8, v9;
	v9 =	vld [tilespmem:s23+$0x90]  }
0x2d5: {  	v8 =	vmax.f32 v8, v10;
	v10 =	vld [tilespmem:s23+$0xD0]  }
0x2d6: {  	v8 =	vmax.f32 v8, v11;
	v11 =	vadd.s32 v5, v14  }
0x2d7: {  	v8 =	vmax.f32 v8, v12  }
0x2d8: {  	v8 =	vmax.f32 v8, v13  }
0x2d9: {  	v8 =	vmax.f32 v8, v9  }
0x2da: {  	v8 =	vmax.f32 v8, v10  }
0x2db: {  	[tilespmem:v11+s20+$0x0] =	vst.idx.msk $0xffff, v8  }
0x2dc: {  	v8 =	vld [tilespmem:s23+$0xFFFFFF20]  }
0x2dd: {  	v9 =	vld [tilespmem:s23+$0xFFFFFF60]  }
0x2de: {  	v10 =	vld [tilespmem:s23+$0xFFFFFFA0]  }
0x2df: {  	v11 =	vld [tilespmem:s23+$0xFFFFFFE0]  }
0x2e0: {  	v12 =	vld [tilespmem:s23+$0x20]  }
0x2e1: {  	v13 =	vld [tilespmem:s23+$0x60]  }
0x2e2: {  	v8 =	vmax.f32 v8, v9;
	v9 =	vld [tilespmem:s23+$0xA0]  }
0x2e3: {  	v8 =	vmax.f32 v8, v10;
	v10 =	vld [tilespmem:s23+$0xE0]  }
0x2e4: {  	v8 =	vmax.f32 v8, v11;
	v11 =	vadd.s32 v6, v14  }
0x2e5: {  	v8 =	vmax.f32 v8, v12  }
0x2e6: {  	v8 =	vmax.f32 v8, v13  }
0x2e7: {  	v8 =	vmax.f32 v8, v9  }
0x2e8: {  	v8 =	vmax.f32 v8, v10  }
0x2e9: {  	[tilespmem:v11+s20+$0x0] =	vst.idx.msk $0xffff, v8  }
0x2ea: {  	v9 =	vld [tilespmem:s23+$0xFFFFFF30]  }
0x2eb: {  	v11 =	vld [tilespmem:s23+$0xFFFFFF70]  }
0x2ec: {  	v12 =	vld [tilespmem:s23+$0xFFFFFFB0]  }
0x2ed: {  	v13 =	vld [tilespmem:s23+$0xFFFFFFF0]  }
.Ltmp24:
0x2ee: {  	v10 =	vld [tilespmem:s23+$0x30];
	(pc) =	sbr.rel @p1 .LBB2_34-.Ltmp24, $4  }
0x2ef: {  	v8 =	vld [tilespmem:s23+$0x70]  }
0x2f0: {  	v11 =	vmax.f32 v9, v11;
	v9 =	vld [tilespmem:s23+$0xB0]  }
0x2f1: {  	v12 =	vmax.f32 v11, v12;
	v11 =	vld [tilespmem:s23+$0xF0]  }
0x2f2: {  	v13 =	vmax.f32 v12, v13;
	v12 =	vadd.s32 v7, v14  }
0x2f3: {  	v10 =	vmax.f32 v13, v10  }
0x2f4: {  	v8 =	vmax.f32 v10, v8  }
0x2f5: {  	v8 =	vmax.f32 v8, v9  }
0x2f6: {  	v8 =	vmax.f32 v8, v11  }
0x2f7: {  	s9 =	rddreg [dreg:$0xb];
	[tilespmem:v12+s20+$0x0] =	vst.idx.msk $0xffff, v8  }
0x2f8: {  	[tilespmem:s0], [sflag:$0x4] =	stream.linear.gather [spmem:s9], $0x2800, $0x38;
	[tilespmem:$0x1FB20] =	vst v63  }
0x2f9: {  	_ =	swait.ge [sflag:s1], $0x2800  }
0x2fa: {  	[sflag:s1] =	ssyncset.done $0x0  }
0x2fb: {  	s23 =	simm.s32 $0x1A220;
	[sflag:s1] =	ssyncadd.s32 $0xFFFFD800  }
0x2fc: {  	v8 =	vld [tilespmem:s23+$0xFFFFFF00]  }
0x2fd: {  	v9 =	vld [tilespmem:s23+$0xFFFFFF40]  }
0x2fe: {  	v10 =	vld [tilespmem:s23+$0xFFFFFF80]  }
0x2ff: {  	v11 =	vld [tilespmem:s23+$0xFFFFFFC0]  }
0x300: {  	v12 =	vld [tilespmem:s23+$0x0]  }
0x301: {  	s29 =	simm.s32 $0x77;
	v13 =	vld [tilespmem:s23+$0x40]  }
0x302: {  	v14 =	vmov s29;
	v8 =	vmax.f32 v8, v9;
	v9 =	vld [tilespmem:s23+$0x80]  }
0x303: {  	v14 =	vand.u32 $0x7F, v14;
	v8 =	vmax.f32 v8, v10;
	v10 =	vld [tilespmem:s23+$0xC0]  }
0x304: {  	v8 =	vmax.f32 v8, v11;
	v11 =	vadd.s32 v1, v14  }
0x305: {  	v8 =	vmax.f32 v8, v12  }
0x306: {  	v8 =	vmax.f32 v8, v13  }
0x307: {  	v8 =	vmax.f32 v8, v9  }
0x308: {  	v8 =	vmax.f32 v8, v10  }
0x309: {  	[tilespmem:v11+s20+$0x0] =	vst.idx.msk $0xffff, v8  }
0x30a: {  	v8 =	vld [tilespmem:s23+$0xFFFFFF10]  }
0x30b: {  	v9 =	vld [tilespmem:s23+$0xFFFFFF50]  }
0x30c: {  	v10 =	vld [tilespmem:s23+$0xFFFFFF90]  }
0x30d: {  	v11 =	vld [tilespmem:s23+$0xFFFFFFD0]  }
0x30e: {  	v12 =	vld [tilespmem:s23+$0x10]  }
0x30f: {  	v13 =	vld [tilespmem:s23+$0x50]  }
0x310: {  	v8 =	vmax.f32 v8, v9;
	v9 =	vld [tilespmem:s23+$0x90]  }
0x311: {  	v8 =	vmax.f32 v8, v10;
	v10 =	vld [tilespmem:s23+$0xD0]  }
0x312: {  	v8 =	vmax.f32 v8, v11;
	v11 =	vadd.s32 v5, v14  }
0x313: {  	v8 =	vmax.f32 v8, v12  }
0x314: {  	v8 =	vmax.f32 v8, v13  }
0x315: {  	v8 =	vmax.f32 v8, v9  }
0x316: {  	v8 =	vmax.f32 v8, v10  }
0x317: {  	[tilespmem:v11+s20+$0x0] =	vst.idx.msk $0xffff, v8  }
0x318: {  	v8 =	vld [tilespmem:s23+$0xFFFFFF20]  }
0x319: {  	v9 =	vld [tilespmem:s23+$0xFFFFFF60]  }
0x31a: {  	v10 =	vld [tilespmem:s23+$0xFFFFFFA0]  }
0x31b: {  	v11 =	vld [tilespmem:s23+$0xFFFFFFE0]  }
0x31c: {  	v12 =	vld [tilespmem:s23+$0x20]  }
0x31d: {  	v13 =	vld [tilespmem:s23+$0x60]  }
0x31e: {  	v8 =	vmax.f32 v8, v9;
	v9 =	vld [tilespmem:s23+$0xA0]  }
0x31f: {  	v8 =	vmax.f32 v8, v10;
	v10 =	vld [tilespmem:s23+$0xE0]  }
0x320: {  	v8 =	vmax.f32 v8, v11;
	v11 =	vadd.s32 v6, v14  }
0x321: {  	v8 =	vmax.f32 v8, v12  }
0x322: {  	v8 =	vmax.f32 v8, v13  }
0x323: {  	v8 =	vmax.f32 v8, v9  }
0x324: {  	v8 =	vmax.f32 v8, v10  }
0x325: {  	[tilespmem:v11+s20+$0x0] =	vst.idx.msk $0xffff, v8  }
0x326: {  	v9 =	vld [tilespmem:s23+$0xFFFFFF30]  }
0x327: {  	v11 =	vld [tilespmem:s23+$0xFFFFFF70]  }
0x328: {  	v12 =	vld [tilespmem:s23+$0xFFFFFFB0]  }
0x329: {  	v13 =	vld [tilespmem:s23+$0xFFFFFFF0];
	_ =	sdelay $0x1  }
0x32a: {  	v10 =	vld [tilespmem:s23+$0x30]  }
0x32b: {  	v8 =	vld [tilespmem:s23+$0x70];
	v11 =	vmax.f32 v9, v11  }
0x32c: {  	v9 =	vld [tilespmem:s23+$0xB0];
	v12 =	vmax.f32 v11, v12  }
0x32d: {  	s25 =	simm.s32 $0x76;
	v11 =	vld [tilespmem:s23+$0xF0];
	v13 =	vmax.f32 v12, v13;
	v12 =	vadd.s32 v7, v14  }
.LBB2_36:
0x32e: {  	p1 =	sne.s32 s25, $0x64  }
0x32f: {  	v10 =	vmax.f32 v13, v10;
	s23 =	sadd.s32 $0x200, s23;
	s9 =	smov.u32 s25;
	s25 =	sadd.s32 $0xFFFFFFFF, s25  }
0x330: {  	v8 =	vmax.f32 v10, v8  }
0x331: {  	v8 =	vmax.f32 v8, v9  }
0x332: {  	v8 =	vmax.f32 v8, v11  }
0x333: {  	[tilespmem:v12+s20+$0x0] =	vst.idx.msk $0xffff, v8;
	_ =	sdelay $0x1  }
0x334: {  	v8 =	vld [tilespmem:s23+$0xFFFFFF00]  }
0x335: {  	v9 =	vld [tilespmem:s23+$0xFFFFFF40]  }
0x336: {  	v10 =	vld [tilespmem:s23+$0xFFFFFF80]  }
0x337: {  	v11 =	vld [tilespmem:s23+$0xFFFFFFC0]  }
0x338: {  	v12 =	vld [tilespmem:s23+$0x0]  }
0x339: {  	v13 =	vld [tilespmem:s23+$0x40]  }
0x33a: {  	v14 =	vmov s9;
	v8 =	vmax.f32 v8, v9;
	v9 =	vld [tilespmem:s23+$0x80]  }
0x33b: {  	v14 =	vand.u32 $0x7F, v14;
	v8 =	vmax.f32 v8, v10;
	v10 =	vld [tilespmem:s23+$0xC0]  }
0x33c: {  	v8 =	vmax.f32 v8, v11;
	v11 =	vadd.s32 v1, v14  }
0x33d: {  	v8 =	vmax.f32 v8, v12  }
0x33e: {  	v8 =	vmax.f32 v8, v13  }
0x33f: {  	v8 =	vmax.f32 v8, v9  }
0x340: {  	v8 =	vmax.f32 v8, v10  }
0x341: {  	[tilespmem:v11+s20+$0x0] =	vst.idx.msk $0xffff, v8  }
0x342: {  	v8 =	vld [tilespmem:s23+$0xFFFFFF10]  }
0x343: {  	v9 =	vld [tilespmem:s23+$0xFFFFFF50]  }
0x344: {  	v10 =	vld [tilespmem:s23+$0xFFFFFF90]  }
0x345: {  	v11 =	vld [tilespmem:s23+$0xFFFFFFD0]  }
0x346: {  	v12 =	vld [tilespmem:s23+$0x10]  }
0x347: {  	v13 =	vld [tilespmem:s23+$0x50]  }
0x348: {  	v8 =	vmax.f32 v8, v9;
	v9 =	vld [tilespmem:s23+$0x90]  }
0x349: {  	v8 =	vmax.f32 v8, v10;
	v10 =	vld [tilespmem:s23+$0xD0]  }
0x34a: {  	v8 =	vmax.f32 v8, v11;
	v11 =	vadd.s32 v5, v14  }
0x34b: {  	v8 =	vmax.f32 v8, v12  }
0x34c: {  	v8 =	vmax.f32 v8, v13  }
0x34d: {  	v8 =	vmax.f32 v8, v9  }
0x34e: {  	v8 =	vmax.f32 v8, v10  }
0x34f: {  	[tilespmem:v11+s20+$0x0] =	vst.idx.msk $0xffff, v8  }
0x350: {  	v8 =	vld [tilespmem:s23+$0xFFFFFF20]  }
0x351: {  	v9 =	vld [tilespmem:s23+$0xFFFFFF60]  }
0x352: {  	v10 =	vld [tilespmem:s23+$0xFFFFFFA0]  }
0x353: {  	v11 =	vld [tilespmem:s23+$0xFFFFFFE0]  }
0x354: {  	v12 =	vld [tilespmem:s23+$0x20]  }
0x355: {  	v13 =	vld [tilespmem:s23+$0x60]  }
0x356: {  	v8 =	vmax.f32 v8, v9;
	v9 =	vld [tilespmem:s23+$0xA0]  }
0x357: {  	v8 =	vmax.f32 v8, v10;
	v10 =	vld [tilespmem:s23+$0xE0]  }
0x358: {  	v8 =	vmax.f32 v8, v11;
	v11 =	vadd.s32 v6, v14  }
0x359: {  	v8 =	vmax.f32 v8, v12  }
0x35a: {  	v8 =	vmax.f32 v8, v13  }
0x35b: {  	v8 =	vmax.f32 v8, v9  }
0x35c: {  	v8 =	vmax.f32 v8, v10  }
0x35d: {  	[tilespmem:v11+s20+$0x0] =	vst.idx.msk $0xffff, v8  }
0x35e: {  	v9 =	vld [tilespmem:s23+$0xFFFFFF30]  }
0x35f: {  	v11 =	vld [tilespmem:s23+$0xFFFFFF70]  }
0x360: {  	v12 =	vld [tilespmem:s23+$0xFFFFFFB0]  }
0x361: {  	v13 =	vld [tilespmem:s23+$0xFFFFFFF0]  }
.Ltmp25:
0x362: {  	v10 =	vld [tilespmem:s23+$0x30];
	(pc) =	sbr.rel @p1 .LBB2_36-.Ltmp25, $4  }
0x363: {  	v8 =	vld [tilespmem:s23+$0x70]  }
0x364: {  	v11 =	vmax.f32 v9, v11;
	v9 =	vld [tilespmem:s23+$0xB0]  }
0x365: {  	v12 =	vmax.f32 v11, v12;
	v11 =	vld [tilespmem:s23+$0xF0]  }
0x366: {  	v13 =	vmax.f32 v12, v13;
	v12 =	vadd.s32 v7, v14  }
0x367: {  	v10 =	vmax.f32 v13, v10  }
0x368: {  	v8 =	vmax.f32 v10, v8  }
0x369: {  	v8 =	vmax.f32 v8, v9  }
0x36a: {  	v8 =	vmax.f32 v8, v11  }
0x36b: {  	s9 =	rddreg [dreg:$0xc];
	[tilespmem:v12+s20+$0x0] =	vst.idx.msk $0xffff, v8  }
0x36c: {  	[tilespmem:s0], [sflag:$0x4] =	stream.linear.gather [spmem:s9], $0x2800, $0x38;
	[tilespmem:$0x1FB20] =	vst v63  }
0x36d: {  	_ =	swait.ge [sflag:s1], $0x2800  }
0x36e: {  	[sflag:s1] =	ssyncset.done $0x0  }
0x36f: {  	s23 =	simm.s32 $0x1A220;
	[sflag:s1] =	ssyncadd.s32 $0xFFFFD800  }
0x370: {  	v8 =	vld [tilespmem:s23+$0xFFFFFF00]  }
0x371: {  	v9 =	vld [tilespmem:s23+$0xFFFFFF40]  }
0x372: {  	v10 =	vld [tilespmem:s23+$0xFFFFFF80]  }
0x373: {  	v11 =	vld [tilespmem:s23+$0xFFFFFFC0]  }
0x374: {  	v12 =	vld [tilespmem:s23+$0x0]  }
0x375: {  	s29 =	simm.s32 $0x63;
	v13 =	vld [tilespmem:s23+$0x40]  }
0x376: {  	v14 =	vmov s29;
	v8 =	vmax.f32 v8, v9;
	v9 =	vld [tilespmem:s23+$0x80]  }
0x377: {  	v14 =	vand.u32 $0x7F, v14;
	v8 =	vmax.f32 v8, v10;
	v10 =	vld [tilespmem:s23+$0xC0]  }
0x378: {  	v8 =	vmax.f32 v8, v11;
	v11 =	vadd.s32 v1, v14  }
0x379: {  	v8 =	vmax.f32 v8, v12  }
0x37a: {  	v8 =	vmax.f32 v8, v13  }
0x37b: {  	v8 =	vmax.f32 v8, v9  }
0x37c: {  	v8 =	vmax.f32 v8, v10  }
0x37d: {  	[tilespmem:v11+s20+$0x0] =	vst.idx.msk $0xffff, v8  }
0x37e: {  	v8 =	vld [tilespmem:s23+$0xFFFFFF10]  }
0x37f: {  	v9 =	vld [tilespmem:s23+$0xFFFFFF50]  }
0x380: {  	v10 =	vld [tilespmem:s23+$0xFFFFFF90]  }
0x381: {  	v11 =	vld [tilespmem:s23+$0xFFFFFFD0]  }
0x382: {  	v12 =	vld [tilespmem:s23+$0x10]  }
0x383: {  	v13 =	vld [tilespmem:s23+$0x50]  }
0x384: {  	v8 =	vmax.f32 v8, v9;
	v9 =	vld [tilespmem:s23+$0x90]  }
0x385: {  	v8 =	vmax.f32 v8, v10;
	v10 =	vld [tilespmem:s23+$0xD0]  }
0x386: {  	v8 =	vmax.f32 v8, v11;
	v11 =	vadd.s32 v5, v14  }
0x387: {  	v8 =	vmax.f32 v8, v12  }
0x388: {  	v8 =	vmax.f32 v8, v13  }
0x389: {  	v8 =	vmax.f32 v8, v9  }
0x38a: {  	v8 =	vmax.f32 v8, v10  }
0x38b: {  	[tilespmem:v11+s20+$0x0] =	vst.idx.msk $0xffff, v8  }
0x38c: {  	v8 =	vld [tilespmem:s23+$0xFFFFFF20]  }
0x38d: {  	v9 =	vld [tilespmem:s23+$0xFFFFFF60]  }
0x38e: {  	v10 =	vld [tilespmem:s23+$0xFFFFFFA0]  }
0x38f: {  	v11 =	vld [tilespmem:s23+$0xFFFFFFE0]  }
0x390: {  	v12 =	vld [tilespmem:s23+$0x20]  }
0x391: {  	v13 =	vld [tilespmem:s23+$0x60]  }
0x392: {  	v8 =	vmax.f32 v8, v9;
	v9 =	vld [tilespmem:s23+$0xA0]  }
0x393: {  	v8 =	vmax.f32 v8, v10;
	v10 =	vld [tilespmem:s23+$0xE0]  }
0x394: {  	v8 =	vmax.f32 v8, v11;
	v11 =	vadd.s32 v6, v14  }
0x395: {  	v8 =	vmax.f32 v8, v12  }
0x396: {  	v8 =	vmax.f32 v8, v13  }
0x397: {  	v8 =	vmax.f32 v8, v9  }
0x398: {  	v8 =	vmax.f32 v8, v10  }
0x399: {  	[tilespmem:v11+s20+$0x0] =	vst.idx.msk $0xffff, v8  }
0x39a: {  	v9 =	vld [tilespmem:s23+$0xFFFFFF30]  }
0x39b: {  	v11 =	vld [tilespmem:s23+$0xFFFFFF70]  }
0x39c: {  	v12 =	vld [tilespmem:s23+$0xFFFFFFB0]  }
0x39d: {  	v13 =	vld [tilespmem:s23+$0xFFFFFFF0];
	_ =	sdelay $0x1  }
0x39e: {  	v10 =	vld [tilespmem:s23+$0x30]  }
0x39f: {  	v8 =	vld [tilespmem:s23+$0x70];
	v11 =	vmax.f32 v9, v11  }
0x3a0: {  	v9 =	vld [tilespmem:s23+$0xB0];
	v12 =	vmax.f32 v11, v12  }
0x3a1: {  	s25 =	simm.s32 $0x62;
	v11 =	vld [tilespmem:s23+$0xF0];
	v13 =	vmax.f32 v12, v13;
	v12 =	vadd.s32 v7, v14  }
.LBB2_38:
0x3a2: {  	p1 =	sne.s32 s25, $0x50  }
0x3a3: {  	v10 =	vmax.f32 v13, v10;
	s23 =	sadd.s32 $0x200, s23;
	s9 =	smov.u32 s25;
	s25 =	sadd.s32 $0xFFFFFFFF, s25  }
0x3a4: {  	v8 =	vmax.f32 v10, v8  }
0x3a5: {  	v8 =	vmax.f32 v8, v9  }
0x3a6: {  	v8 =	vmax.f32 v8, v11  }
0x3a7: {  	[tilespmem:v12+s20+$0x0] =	vst.idx.msk $0xffff, v8;
	_ =	sdelay $0x1  }
0x3a8: {  	v8 =	vld [tilespmem:s23+$0xFFFFFF00]  }
0x3a9: {  	v9 =	vld [tilespmem:s23+$0xFFFFFF40]  }
0x3aa: {  	v10 =	vld [tilespmem:s23+$0xFFFFFF80]  }
0x3ab: {  	v11 =	vld [tilespmem:s23+$0xFFFFFFC0]  }
0x3ac: {  	v12 =	vld [tilespmem:s23+$0x0]  }
0x3ad: {  	v13 =	vld [tilespmem:s23+$0x40]  }
0x3ae: {  	v14 =	vmov s9;
	v8 =	vmax.f32 v8, v9;
	v9 =	vld [tilespmem:s23+$0x80]  }
0x3af: {  	v14 =	vand.u32 $0x7F, v14;
	v8 =	vmax.f32 v8, v10;
	v10 =	vld [tilespmem:s23+$0xC0]  }
0x3b0: {  	v8 =	vmax.f32 v8, v11;
	v11 =	vadd.s32 v1, v14  }
0x3b1: {  	v8 =	vmax.f32 v8, v12  }
0x3b2: {  	v8 =	vmax.f32 v8, v13  }
0x3b3: {  	v8 =	vmax.f32 v8, v9  }
0x3b4: {  	v8 =	vmax.f32 v8, v10  }
0x3b5: {  	[tilespmem:v11+s20+$0x0] =	vst.idx.msk $0xffff, v8  }
0x3b6: {  	v8 =	vld [tilespmem:s23+$0xFFFFFF10]  }
0x3b7: {  	v9 =	vld [tilespmem:s23+$0xFFFFFF50]  }
0x3b8: {  	v10 =	vld [tilespmem:s23+$0xFFFFFF90]  }
0x3b9: {  	v11 =	vld [tilespmem:s23+$0xFFFFFFD0]  }
0x3ba: {  	v12 =	vld [tilespmem:s23+$0x10]  }
0x3bb: {  	v13 =	vld [tilespmem:s23+$0x50]  }
0x3bc: {  	v8 =	vmax.f32 v8, v9;
	v9 =	vld [tilespmem:s23+$0x90]  }
0x3bd: {  	v8 =	vmax.f32 v8, v10;
	v10 =	vld [tilespmem:s23+$0xD0]  }
0x3be: {  	v8 =	vmax.f32 v8, v11;
	v11 =	vadd.s32 v5, v14  }
0x3bf: {  	v8 =	vmax.f32 v8, v12  }
0x3c0: {  	v8 =	vmax.f32 v8, v13  }
0x3c1: {  	v8 =	vmax.f32 v8, v9  }
0x3c2: {  	v8 =	vmax.f32 v8, v10  }
0x3c3: {  	[tilespmem:v11+s20+$0x0] =	vst.idx.msk $0xffff, v8  }
0x3c4: {  	v8 =	vld [tilespmem:s23+$0xFFFFFF20]  }
0x3c5: {  	v9 =	vld [tilespmem:s23+$0xFFFFFF60]  }
0x3c6: {  	v10 =	vld [tilespmem:s23+$0xFFFFFFA0]  }
0x3c7: {  	v11 =	vld [tilespmem:s23+$0xFFFFFFE0]  }
0x3c8: {  	v12 =	vld [tilespmem:s23+$0x20]  }
0x3c9: {  	v13 =	vld [tilespmem:s23+$0x60]  }
0x3ca: {  	v8 =	vmax.f32 v8, v9;
	v9 =	vld [tilespmem:s23+$0xA0]  }
0x3cb: {  	v8 =	vmax.f32 v8, v10;
	v10 =	vld [tilespmem:s23+$0xE0]  }
0x3cc: {  	v8 =	vmax.f32 v8, v11;
	v11 =	vadd.s32 v6, v14  }
0x3cd: {  	v8 =	vmax.f32 v8, v12  }
0x3ce: {  	v8 =	vmax.f32 v8, v13  }
0x3cf: {  	v8 =	vmax.f32 v8, v9  }
0x3d0: {  	v8 =	vmax.f32 v8, v10  }
0x3d1: {  	[tilespmem:v11+s20+$0x0] =	vst.idx.msk $0xffff, v8  }
0x3d2: {  	v9 =	vld [tilespmem:s23+$0xFFFFFF30]  }
0x3d3: {  	v11 =	vld [tilespmem:s23+$0xFFFFFF70]  }
0x3d4: {  	v12 =	vld [tilespmem:s23+$0xFFFFFFB0]  }
0x3d5: {  	v13 =	vld [tilespmem:s23+$0xFFFFFFF0]  }
.Ltmp26:
0x3d6: {  	v10 =	vld [tilespmem:s23+$0x30];
	(pc) =	sbr.rel @p1 .LBB2_38-.Ltmp26, $4  }
0x3d7: {  	v8 =	vld [tilespmem:s23+$0x70]  }
0x3d8: {  	v11 =	vmax.f32 v9, v11;
	v9 =	vld [tilespmem:s23+$0xB0]  }
0x3d9: {  	v12 =	vmax.f32 v11, v12;
	v11 =	vld [tilespmem:s23+$0xF0]  }
0x3da: {  	v13 =	vmax.f32 v12, v13;
	v12 =	vadd.s32 v7, v14  }
0x3db: {  	v10 =	vmax.f32 v13, v10  }
0x3dc: {  	v8 =	vmax.f32 v10, v8  }
0x3dd: {  	v8 =	vmax.f32 v8, v9  }
0x3de: {  	v8 =	vmax.f32 v8, v11  }
0x3df: {  	s9 =	rddreg [dreg:$0xd];
	[tilespmem:v12+s20+$0x0] =	vst.idx.msk $0xffff, v8  }
0x3e0: {  	[tilespmem:s0], [sflag:$0x4] =	stream.linear.gather [spmem:s9], $0x2800, $0x38;
	[tilespmem:$0x1FB20] =	vst v63  }
0x3e1: {  	_ =	swait.ge [sflag:s1], $0x2800  }
0x3e2: {  	[sflag:s1] =	ssyncset.done $0x0  }
0x3e3: {  	s23 =	simm.s32 $0x1A220;
	[sflag:s1] =	ssyncadd.s32 $0xFFFFD800  }
0x3e4: {  	v8 =	vld [tilespmem:s23+$0xFFFFFF00]  }
0x3e5: {  	v9 =	vld [tilespmem:s23+$0xFFFFFF40]  }
0x3e6: {  	v10 =	vld [tilespmem:s23+$0xFFFFFF80]  }
0x3e7: {  	v11 =	vld [tilespmem:s23+$0xFFFFFFC0]  }
0x3e8: {  	v12 =	vld [tilespmem:s23+$0x0]  }
0x3e9: {  	s29 =	simm.s32 $0x4F;
	v13 =	vld [tilespmem:s23+$0x40]  }
0x3ea: {  	v14 =	vmov s29;
	v8 =	vmax.f32 v8, v9;
	v9 =	vld [tilespmem:s23+$0x80]  }
0x3eb: {  	v14 =	vand.u32 $0x7F, v14;
	v8 =	vmax.f32 v8, v10;
	v10 =	vld [tilespmem:s23+$0xC0]  }
0x3ec: {  	v8 =	vmax.f32 v8, v11;
	v11 =	vadd.s32 v1, v14  }
0x3ed: {  	v8 =	vmax.f32 v8, v12  }
0x3ee: {  	v8 =	vmax.f32 v8, v13  }
0x3ef: {  	v8 =	vmax.f32 v8, v9  }
0x3f0: {  	v8 =	vmax.f32 v8, v10  }
0x3f1: {  	[tilespmem:v11+s20+$0x0] =	vst.idx.msk $0xffff, v8  }
0x3f2: {  	v8 =	vld [tilespmem:s23+$0xFFFFFF10]  }
0x3f3: {  	v9 =	vld [tilespmem:s23+$0xFFFFFF50]  }
0x3f4: {  	v10 =	vld [tilespmem:s23+$0xFFFFFF90]  }
0x3f5: {  	v11 =	vld [tilespmem:s23+$0xFFFFFFD0]  }
0x3f6: {  	v12 =	vld [tilespmem:s23+$0x10]  }
0x3f7: {  	v13 =	vld [tilespmem:s23+$0x50]  }
0x3f8: {  	v8 =	vmax.f32 v8, v9;
	v9 =	vld [tilespmem:s23+$0x90]  }
0x3f9: {  	v8 =	vmax.f32 v8, v10;
	v10 =	vld [tilespmem:s23+$0xD0]  }
0x3fa: {  	v8 =	vmax.f32 v8, v11;
	v11 =	vadd.s32 v5, v14  }
0x3fb: {  	v8 =	vmax.f32 v8, v12  }
0x3fc: {  	v8 =	vmax.f32 v8, v13  }
0x3fd: {  	v8 =	vmax.f32 v8, v9  }
0x3fe: {  	v8 =	vmax.f32 v8, v10  }
0x3ff: {  	[tilespmem:v11+s20+$0x0] =	vst.idx.msk $0xffff, v8  }
0x400: {  	v8 =	vld [tilespmem:s23+$0xFFFFFF20]  }
0x401: {  	v9 =	vld [tilespmem:s23+$0xFFFFFF60]  }
0x402: {  	v10 =	vld [tilespmem:s23+$0xFFFFFFA0]  }
0x403: {  	v11 =	vld [tilespmem:s23+$0xFFFFFFE0]  }
0x404: {  	v12 =	vld [tilespmem:s23+$0x20]  }
0x405: {  	v13 =	vld [tilespmem:s23+$0x60]  }
0x406: {  	v8 =	vmax.f32 v8, v9;
	v9 =	vld [tilespmem:s23+$0xA0]  }
0x407: {  	v8 =	vmax.f32 v8, v10;
	v10 =	vld [tilespmem:s23+$0xE0]  }
0x408: {  	v8 =	vmax.f32 v8, v11;
	v11 =	vadd.s32 v6, v14  }
0x409: {  	v8 =	vmax.f32 v8, v12  }
0x40a: {  	v8 =	vmax.f32 v8, v13  }
0x40b: {  	v8 =	vmax.f32 v8, v9  }
0x40c: {  	v8 =	vmax.f32 v8, v10  }
0x40d: {  	[tilespmem:v11+s20+$0x0] =	vst.idx.msk $0xffff, v8  }
0x40e: {  	v9 =	vld [tilespmem:s23+$0xFFFFFF30]  }
0x40f: {  	v11 =	vld [tilespmem:s23+$0xFFFFFF70]  }
0x410: {  	v12 =	vld [tilespmem:s23+$0xFFFFFFB0]  }
0x411: {  	v13 =	vld [tilespmem:s23+$0xFFFFFFF0];
	_ =	sdelay $0x1  }
0x412: {  	v10 =	vld [tilespmem:s23+$0x30]  }
0x413: {  	v8 =	vld [tilespmem:s23+$0x70];
	v11 =	vmax.f32 v9, v11  }
0x414: {  	v9 =	vld [tilespmem:s23+$0xB0];
	v12 =	vmax.f32 v11, v12  }
0x415: {  	s25 =	simm.s32 $0x4E;
	v11 =	vld [tilespmem:s23+$0xF0];
	v13 =	vmax.f32 v12, v13;
	v12 =	vadd.s32 v7, v14  }
.LBB2_40:
0x416: {  	p1 =	sne.s32 s25, $0x3C  }
0x417: {  	v10 =	vmax.f32 v13, v10;
	s23 =	sadd.s32 $0x200, s23;
	s9 =	smov.u32 s25;
	s25 =	sadd.s32 $0xFFFFFFFF, s25  }
0x418: {  	v8 =	vmax.f32 v10, v8  }
0x419: {  	v8 =	vmax.f32 v8, v9  }
0x41a: {  	v8 =	vmax.f32 v8, v11  }
0x41b: {  	[tilespmem:v12+s20+$0x0] =	vst.idx.msk $0xffff, v8;
	_ =	sdelay $0x1  }
0x41c: {  	v8 =	vld [tilespmem:s23+$0xFFFFFF00]  }
0x41d: {  	v9 =	vld [tilespmem:s23+$0xFFFFFF40]  }
0x41e: {  	v10 =	vld [tilespmem:s23+$0xFFFFFF80]  }
0x41f: {  	v11 =	vld [tilespmem:s23+$0xFFFFFFC0]  }
0x420: {  	v12 =	vld [tilespmem:s23+$0x0]  }
0x421: {  	v13 =	vld [tilespmem:s23+$0x40]  }
0x422: {  	v14 =	vmov s9;
	v8 =	vmax.f32 v8, v9;
	v9 =	vld [tilespmem:s23+$0x80]  }
0x423: {  	v14 =	vand.u32 $0x7F, v14;
	v8 =	vmax.f32 v8, v10;
	v10 =	vld [tilespmem:s23+$0xC0]  }
0x424: {  	v8 =	vmax.f32 v8, v11;
	v11 =	vadd.s32 v1, v14  }
0x425: {  	v8 =	vmax.f32 v8, v12  }
0x426: {  	v8 =	vmax.f32 v8, v13  }
0x427: {  	v8 =	vmax.f32 v8, v9  }
0x428: {  	v8 =	vmax.f32 v8, v10  }
0x429: {  	[tilespmem:v11+s20+$0x0] =	vst.idx.msk $0xffff, v8  }
0x42a: {  	v8 =	vld [tilespmem:s23+$0xFFFFFF10]  }
0x42b: {  	v9 =	vld [tilespmem:s23+$0xFFFFFF50]  }
0x42c: {  	v10 =	vld [tilespmem:s23+$0xFFFFFF90]  }
0x42d: {  	v11 =	vld [tilespmem:s23+$0xFFFFFFD0]  }
0x42e: {  	v12 =	vld [tilespmem:s23+$0x10]  }
0x42f: {  	v13 =	vld [tilespmem:s23+$0x50]  }
0x430: {  	v8 =	vmax.f32 v8, v9;
	v9 =	vld [tilespmem:s23+$0x90]  }
0x431: {  	v8 =	vmax.f32 v8, v10;
	v10 =	vld [tilespmem:s23+$0xD0]  }
0x432: {  	v8 =	vmax.f32 v8, v11;
	v11 =	vadd.s32 v5, v14  }
0x433: {  	v8 =	vmax.f32 v8, v12  }
0x434: {  	v8 =	vmax.f32 v8, v13  }
0x435: {  	v8 =	vmax.f32 v8, v9  }
0x436: {  	v8 =	vmax.f32 v8, v10  }
0x437: {  	[tilespmem:v11+s20+$0x0] =	vst.idx.msk $0xffff, v8  }
0x438: {  	v8 =	vld [tilespmem:s23+$0xFFFFFF20]  }
0x439: {  	v9 =	vld [tilespmem:s23+$0xFFFFFF60]  }
0x43a: {  	v10 =	vld [tilespmem:s23+$0xFFFFFFA0]  }
0x43b: {  	v11 =	vld [tilespmem:s23+$0xFFFFFFE0]  }
0x43c: {  	v12 =	vld [tilespmem:s23+$0x20]  }
0x43d: {  	v13 =	vld [tilespmem:s23+$0x60]  }
0x43e: {  	v8 =	vmax.f32 v8, v9;
	v9 =	vld [tilespmem:s23+$0xA0]  }
0x43f: {  	v8 =	vmax.f32 v8, v10;
	v10 =	vld [tilespmem:s23+$0xE0]  }
0x440: {  	v8 =	vmax.f32 v8, v11;
	v11 =	vadd.s32 v6, v14  }
0x441: {  	v8 =	vmax.f32 v8, v12  }
0x442: {  	v8 =	vmax.f32 v8, v13  }
0x443: {  	v8 =	vmax.f32 v8, v9  }
0x444: {  	v8 =	vmax.f32 v8, v10  }
0x445: {  	[tilespmem:v11+s20+$0x0] =	vst.idx.msk $0xffff, v8  }
0x446: {  	v9 =	vld [tilespmem:s23+$0xFFFFFF30]  }
0x447: {  	v11 =	vld [tilespmem:s23+$0xFFFFFF70]  }
0x448: {  	v12 =	vld [tilespmem:s23+$0xFFFFFFB0]  }
0x449: {  	v13 =	vld [tilespmem:s23+$0xFFFFFFF0]  }
.Ltmp27:
0x44a: {  	v10 =	vld [tilespmem:s23+$0x30];
	(pc) =	sbr.rel @p1 .LBB2_40-.Ltmp27, $4  }
0x44b: {  	v8 =	vld [tilespmem:s23+$0x70]  }
0x44c: {  	v11 =	vmax.f32 v9, v11;
	v9 =	vld [tilespmem:s23+$0xB0]  }
0x44d: {  	v12 =	vmax.f32 v11, v12;
	v11 =	vld [tilespmem:s23+$0xF0]  }
0x44e: {  	v13 =	vmax.f32 v12, v13;
	v12 =	vadd.s32 v7, v14  }
0x44f: {  	v10 =	vmax.f32 v13, v10  }
0x450: {  	v8 =	vmax.f32 v10, v8  }
0x451: {  	v8 =	vmax.f32 v8, v9  }
0x452: {  	v8 =	vmax.f32 v8, v11  }
0x453: {  	s9 =	rddreg [dreg:$0x10];
	[tilespmem:v12+s20+$0x0] =	vst.idx.msk $0xffff, v8  }
0x454: {  	[tilespmem:s0], [sflag:$0x4] =	stream.linear.gather [spmem:s9], $0x2800, $0x38;
	[tilespmem:$0x1FB20] =	vst v63  }
0x455: {  	_ =	swait.ge [sflag:s1], $0x2800  }
0x456: {  	[sflag:s1] =	ssyncset.done $0x0  }
0x457: {  	s23 =	simm.s32 $0x1A220;
	[sflag:s1] =	ssyncadd.s32 $0xFFFFD800  }
0x458: {  	v8 =	vld [tilespmem:s23+$0xFFFFFF00]  }
0x459: {  	v9 =	vld [tilespmem:s23+$0xFFFFFF40]  }
0x45a: {  	v10 =	vld [tilespmem:s23+$0xFFFFFF80]  }
0x45b: {  	v11 =	vld [tilespmem:s23+$0xFFFFFFC0]  }
0x45c: {  	v12 =	vld [tilespmem:s23+$0x0]  }
0x45d: {  	s29 =	simm.s32 $0x3B;
	v13 =	vld [tilespmem:s23+$0x40]  }
0x45e: {  	v14 =	vmov s29;
	v8 =	vmax.f32 v8, v9;
	v9 =	vld [tilespmem:s23+$0x80]  }
0x45f: {  	v14 =	vand.u32 $0x3F, v14;
	v8 =	vmax.f32 v8, v10;
	v10 =	vld [tilespmem:s23+$0xC0]  }
0x460: {  	v8 =	vmax.f32 v8, v11;
	v11 =	vadd.s32 v1, v14  }
0x461: {  	v8 =	vmax.f32 v8, v12  }
0x462: {  	v8 =	vmax.f32 v8, v13  }
0x463: {  	v8 =	vmax.f32 v8, v9  }
0x464: {  	v8 =	vmax.f32 v8, v10  }
0x465: {  	[tilespmem:v11+s20+$0x0] =	vst.idx.msk $0xffff, v8  }
0x466: {  	v8 =	vld [tilespmem:s23+$0xFFFFFF10]  }
0x467: {  	v9 =	vld [tilespmem:s23+$0xFFFFFF50]  }
0x468: {  	v10 =	vld [tilespmem:s23+$0xFFFFFF90]  }
0x469: {  	v11 =	vld [tilespmem:s23+$0xFFFFFFD0]  }
0x46a: {  	v12 =	vld [tilespmem:s23+$0x10]  }
0x46b: {  	v13 =	vld [tilespmem:s23+$0x50]  }
0x46c: {  	v8 =	vmax.f32 v8, v9;
	v9 =	vld [tilespmem:s23+$0x90]  }
0x46d: {  	v8 =	vmax.f32 v8, v10;
	v10 =	vld [tilespmem:s23+$0xD0]  }
0x46e: {  	v8 =	vmax.f32 v8, v11;
	v11 =	vadd.s32 v5, v14  }
0x46f: {  	v8 =	vmax.f32 v8, v12  }
0x470: {  	v8 =	vmax.f32 v8, v13  }
0x471: {  	v8 =	vmax.f32 v8, v9  }
0x472: {  	v8 =	vmax.f32 v8, v10  }
0x473: {  	[tilespmem:v11+s20+$0x0] =	vst.idx.msk $0xffff, v8  }
0x474: {  	v8 =	vld [tilespmem:s23+$0xFFFFFF20]  }
0x475: {  	v9 =	vld [tilespmem:s23+$0xFFFFFF60]  }
0x476: {  	v10 =	vld [tilespmem:s23+$0xFFFFFFA0]  }
0x477: {  	v11 =	vld [tilespmem:s23+$0xFFFFFFE0]  }
0x478: {  	v12 =	vld [tilespmem:s23+$0x20]  }
0x479: {  	v13 =	vld [tilespmem:s23+$0x60]  }
0x47a: {  	v8 =	vmax.f32 v8, v9;
	v9 =	vld [tilespmem:s23+$0xA0]  }
0x47b: {  	v8 =	vmax.f32 v8, v10;
	v10 =	vld [tilespmem:s23+$0xE0]  }
0x47c: {  	v8 =	vmax.f32 v8, v11;
	v11 =	vadd.s32 v6, v14  }
0x47d: {  	v8 =	vmax.f32 v8, v12  }
0x47e: {  	v8 =	vmax.f32 v8, v13  }
0x47f: {  	v8 =	vmax.f32 v8, v9  }
0x480: {  	v8 =	vmax.f32 v8, v10  }
0x481: {  	[tilespmem:v11+s20+$0x0] =	vst.idx.msk $0xffff, v8  }
0x482: {  	v9 =	vld [tilespmem:s23+$0xFFFFFF30]  }
0x483: {  	v11 =	vld [tilespmem:s23+$0xFFFFFF70]  }
0x484: {  	v12 =	vld [tilespmem:s23+$0xFFFFFFB0]  }
0x485: {  	v13 =	vld [tilespmem:s23+$0xFFFFFFF0];
	_ =	sdelay $0x1  }
0x486: {  	v10 =	vld [tilespmem:s23+$0x30]  }
0x487: {  	v8 =	vld [tilespmem:s23+$0x70];
	v11 =	vmax.f32 v9, v11  }
0x488: {  	v9 =	vld [tilespmem:s23+$0xB0];
	v12 =	vmax.f32 v11, v12  }
0x489: {  	s25 =	simm.s32 $0x3A;
	v11 =	vld [tilespmem:s23+$0xF0];
	v13 =	vmax.f32 v12, v13;
	v12 =	vadd.s32 v7, v14  }
.LBB2_42:
0x48a: {  	p1 =	sne.s32 s25, $0x28  }
0x48b: {  	v10 =	vmax.f32 v13, v10;
	s23 =	sadd.s32 $0x200, s23;
	s9 =	smov.u32 s25;
	s25 =	sadd.s32 $0xFFFFFFFF, s25  }
0x48c: {  	v8 =	vmax.f32 v10, v8  }
0x48d: {  	v8 =	vmax.f32 v8, v9  }
0x48e: {  	v8 =	vmax.f32 v8, v11  }
0x48f: {  	[tilespmem:v12+s20+$0x0] =	vst.idx.msk $0xffff, v8;
	_ =	sdelay $0x1  }
0x490: {  	v8 =	vld [tilespmem:s23+$0xFFFFFF00]  }
0x491: {  	v9 =	vld [tilespmem:s23+$0xFFFFFF40]  }
0x492: {  	v10 =	vld [tilespmem:s23+$0xFFFFFF80]  }
0x493: {  	v11 =	vld [tilespmem:s23+$0xFFFFFFC0]  }
0x494: {  	v12 =	vld [tilespmem:s23+$0x0]  }
0x495: {  	v13 =	vld [tilespmem:s23+$0x40]  }
0x496: {  	v14 =	vmov s9;
	v8 =	vmax.f32 v8, v9;
	v9 =	vld [tilespmem:s23+$0x80]  }
0x497: {  	v14 =	vand.u32 $0x3F, v14;
	v8 =	vmax.f32 v8, v10;
	v10 =	vld [tilespmem:s23+$0xC0]  }
0x498: {  	v8 =	vmax.f32 v8, v11;
	v11 =	vadd.s32 v1, v14  }
0x499: {  	v8 =	vmax.f32 v8, v12  }
0x49a: {  	v8 =	vmax.f32 v8, v13  }
0x49b: {  	v8 =	vmax.f32 v8, v9  }
0x49c: {  	v8 =	vmax.f32 v8, v10  }
0x49d: {  	[tilespmem:v11+s20+$0x0] =	vst.idx.msk $0xffff, v8  }
0x49e: {  	v8 =	vld [tilespmem:s23+$0xFFFFFF10]  }
0x49f: {  	v9 =	vld [tilespmem:s23+$0xFFFFFF50]  }
0x4a0: {  	v10 =	vld [tilespmem:s23+$0xFFFFFF90]  }
0x4a1: {  	v11 =	vld [tilespmem:s23+$0xFFFFFFD0]  }
0x4a2: {  	v12 =	vld [tilespmem:s23+$0x10]  }
0x4a3: {  	v13 =	vld [tilespmem:s23+$0x50]  }
0x4a4: {  	v8 =	vmax.f32 v8, v9;
	v9 =	vld [tilespmem:s23+$0x90]  }
0x4a5: {  	v8 =	vmax.f32 v8, v10;
	v10 =	vld [tilespmem:s23+$0xD0]  }
0x4a6: {  	v8 =	vmax.f32 v8, v11;
	v11 =	vadd.s32 v5, v14  }
0x4a7: {  	v8 =	vmax.f32 v8, v12  }
0x4a8: {  	v8 =	vmax.f32 v8, v13  }
0x4a9: {  	v8 =	vmax.f32 v8, v9  }
0x4aa: {  	v8 =	vmax.f32 v8, v10  }
0x4ab: {  	[tilespmem:v11+s20+$0x0] =	vst.idx.msk $0xffff, v8  }
0x4ac: {  	v8 =	vld [tilespmem:s23+$0xFFFFFF20]  }
0x4ad: {  	v9 =	vld [tilespmem:s23+$0xFFFFFF60]  }
0x4ae: {  	v10 =	vld [tilespmem:s23+$0xFFFFFFA0]  }
0x4af: {  	v11 =	vld [tilespmem:s23+$0xFFFFFFE0]  }
0x4b0: {  	v12 =	vld [tilespmem:s23+$0x20]  }
0x4b1: {  	v13 =	vld [tilespmem:s23+$0x60]  }
0x4b2: {  	v8 =	vmax.f32 v8, v9;
	v9 =	vld [tilespmem:s23+$0xA0]  }
0x4b3: {  	v8 =	vmax.f32 v8, v10;
	v10 =	vld [tilespmem:s23+$0xE0]  }
0x4b4: {  	v8 =	vmax.f32 v8, v11;
	v11 =	vadd.s32 v6, v14  }
0x4b5: {  	v8 =	vmax.f32 v8, v12  }
0x4b6: {  	v8 =	vmax.f32 v8, v13  }
0x4b7: {  	v8 =	vmax.f32 v8, v9  }
0x4b8: {  	v8 =	vmax.f32 v8, v10  }
0x4b9: {  	[tilespmem:v11+s20+$0x0] =	vst.idx.msk $0xffff, v8  }
0x4ba: {  	v9 =	vld [tilespmem:s23+$0xFFFFFF30]  }
0x4bb: {  	v11 =	vld [tilespmem:s23+$0xFFFFFF70]  }
0x4bc: {  	v12 =	vld [tilespmem:s23+$0xFFFFFFB0]  }
0x4bd: {  	v13 =	vld [tilespmem:s23+$0xFFFFFFF0]  }
.Ltmp28:
0x4be: {  	v10 =	vld [tilespmem:s23+$0x30];
	(pc) =	sbr.rel @p1 .LBB2_42-.Ltmp28, $4  }
0x4bf: {  	v8 =	vld [tilespmem:s23+$0x70]  }
0x4c0: {  	v11 =	vmax.f32 v9, v11;
	v9 =	vld [tilespmem:s23+$0xB0]  }
0x4c1: {  	v12 =	vmax.f32 v11, v12;
	v11 =	vld [tilespmem:s23+$0xF0]  }
0x4c2: {  	v13 =	vmax.f32 v12, v13;
	v12 =	vadd.s32 v7, v14  }
0x4c3: {  	v10 =	vmax.f32 v13, v10  }
0x4c4: {  	v8 =	vmax.f32 v10, v8  }
0x4c5: {  	v8 =	vmax.f32 v8, v9  }
0x4c6: {  	v8 =	vmax.f32 v8, v11  }
0x4c7: {  	s9 =	rddreg [dreg:$0x11];
	[tilespmem:v12+s20+$0x0] =	vst.idx.msk $0xffff, v8  }
0x4c8: {  	[tilespmem:s0], [sflag:$0x4] =	stream.linear.gather [spmem:s9], $0x2800, $0x38;
	[tilespmem:$0x1FB20] =	vst v63  }
0x4c9: {  	_ =	swait.ge [sflag:s1], $0x2800  }
0x4ca: {  	[sflag:s1] =	ssyncset.done $0x0  }
0x4cb: {  	s23 =	simm.s32 $0x1A220;
	[sflag:s1] =	ssyncadd.s32 $0xFFFFD800  }
0x4cc: {  	v8 =	vld [tilespmem:s23+$0xFFFFFF00]  }
0x4cd: {  	v9 =	vld [tilespmem:s23+$0xFFFFFF40]  }
0x4ce: {  	v10 =	vld [tilespmem:s23+$0xFFFFFF80]  }
0x4cf: {  	v11 =	vld [tilespmem:s23+$0xFFFFFFC0]  }
0x4d0: {  	v12 =	vld [tilespmem:s23+$0x0]  }
0x4d1: {  	s29 =	simm.s32 $0x27;
	v13 =	vld [tilespmem:s23+$0x40]  }
0x4d2: {  	v14 =	vmov s29;
	v8 =	vmax.f32 v8, v9;
	v9 =	vld [tilespmem:s23+$0x80]  }
0x4d3: {  	v14 =	vand.u32 $0x3F, v14;
	v8 =	vmax.f32 v8, v10;
	v10 =	vld [tilespmem:s23+$0xC0]  }
0x4d4: {  	v8 =	vmax.f32 v8, v11;
	v11 =	vadd.s32 v1, v14  }
0x4d5: {  	v8 =	vmax.f32 v8, v12  }
0x4d6: {  	v8 =	vmax.f32 v8, v13  }
0x4d7: {  	v8 =	vmax.f32 v8, v9  }
0x4d8: {  	v8 =	vmax.f32 v8, v10  }
0x4d9: {  	[tilespmem:v11+s20+$0x0] =	vst.idx.msk $0xffff, v8  }
0x4da: {  	v8 =	vld [tilespmem:s23+$0xFFFFFF10]  }
0x4db: {  	v9 =	vld [tilespmem:s23+$0xFFFFFF50]  }
0x4dc: {  	v10 =	vld [tilespmem:s23+$0xFFFFFF90]  }
0x4dd: {  	v11 =	vld [tilespmem:s23+$0xFFFFFFD0]  }
0x4de: {  	v12 =	vld [tilespmem:s23+$0x10]  }
0x4df: {  	v13 =	vld [tilespmem:s23+$0x50]  }
0x4e0: {  	v8 =	vmax.f32 v8, v9;
	v9 =	vld [tilespmem:s23+$0x90]  }
0x4e1: {  	v8 =	vmax.f32 v8, v10;
	v10 =	vld [tilespmem:s23+$0xD0]  }
0x4e2: {  	v8 =	vmax.f32 v8, v11;
	v11 =	vadd.s32 v5, v14  }
0x4e3: {  	v8 =	vmax.f32 v8, v12  }
0x4e4: {  	v8 =	vmax.f32 v8, v13  }
0x4e5: {  	v8 =	vmax.f32 v8, v9  }
0x4e6: {  	v8 =	vmax.f32 v8, v10  }
0x4e7: {  	[tilespmem:v11+s20+$0x0] =	vst.idx.msk $0xffff, v8  }
0x4e8: {  	v8 =	vld [tilespmem:s23+$0xFFFFFF20]  }
0x4e9: {  	v9 =	vld [tilespmem:s23+$0xFFFFFF60]  }
0x4ea: {  	v10 =	vld [tilespmem:s23+$0xFFFFFFA0]  }
0x4eb: {  	v11 =	vld [tilespmem:s23+$0xFFFFFFE0]  }
0x4ec: {  	v12 =	vld [tilespmem:s23+$0x20]  }
0x4ed: {  	v13 =	vld [tilespmem:s23+$0x60]  }
0x4ee: {  	v8 =	vmax.f32 v8, v9;
	v9 =	vld [tilespmem:s23+$0xA0]  }
0x4ef: {  	v8 =	vmax.f32 v8, v10;
	v10 =	vld [tilespmem:s23+$0xE0]  }
0x4f0: {  	v8 =	vmax.f32 v8, v11;
	v11 =	vadd.s32 v6, v14  }
0x4f1: {  	v8 =	vmax.f32 v8, v12  }
0x4f2: {  	v8 =	vmax.f32 v8, v13  }
0x4f3: {  	v8 =	vmax.f32 v8, v9  }
0x4f4: {  	v8 =	vmax.f32 v8, v10  }
0x4f5: {  	[tilespmem:v11+s20+$0x0] =	vst.idx.msk $0xffff, v8  }
0x4f6: {  	v9 =	vld [tilespmem:s23+$0xFFFFFF30]  }
0x4f7: {  	v11 =	vld [tilespmem:s23+$0xFFFFFF70]  }
0x4f8: {  	v12 =	vld [tilespmem:s23+$0xFFFFFFB0]  }
0x4f9: {  	v13 =	vld [tilespmem:s23+$0xFFFFFFF0];
	_ =	sdelay $0x1  }
0x4fa: {  	v10 =	vld [tilespmem:s23+$0x30]  }
0x4fb: {  	v8 =	vld [tilespmem:s23+$0x70];
	v11 =	vmax.f32 v9, v11  }
0x4fc: {  	v9 =	vld [tilespmem:s23+$0xB0];
	v12 =	vmax.f32 v11, v12  }
0x4fd: {  	s25 =	simm.s32 $0x26;
	v11 =	vld [tilespmem:s23+$0xF0];
	v13 =	vmax.f32 v12, v13;
	v12 =	vadd.s32 v7, v14  }
.LBB2_44:
0x4fe: {  	p1 =	sne.s32 s25, $0x14  }
0x4ff: {  	v10 =	vmax.f32 v13, v10;
	s23 =	sadd.s32 $0x200, s23;
	s9 =	smov.u32 s25;
	s25 =	sadd.s32 $0xFFFFFFFF, s25  }
0x500: {  	v8 =	vmax.f32 v10, v8  }
0x501: {  	v8 =	vmax.f32 v8, v9  }
0x502: {  	v8 =	vmax.f32 v8, v11  }
0x503: {  	[tilespmem:v12+s20+$0x0] =	vst.idx.msk $0xffff, v8;
	_ =	sdelay $0x1  }
0x504: {  	v8 =	vld [tilespmem:s23+$0xFFFFFF00]  }
0x505: {  	v9 =	vld [tilespmem:s23+$0xFFFFFF40]  }
0x506: {  	v10 =	vld [tilespmem:s23+$0xFFFFFF80]  }
0x507: {  	v11 =	vld [tilespmem:s23+$0xFFFFFFC0]  }
0x508: {  	v12 =	vld [tilespmem:s23+$0x0]  }
0x509: {  	v13 =	vld [tilespmem:s23+$0x40]  }
0x50a: {  	v14 =	vmov s9;
	v8 =	vmax.f32 v8, v9;
	v9 =	vld [tilespmem:s23+$0x80]  }
0x50b: {  	v14 =	vand.u32 $0x3F, v14;
	v8 =	vmax.f32 v8, v10;
	v10 =	vld [tilespmem:s23+$0xC0]  }
0x50c: {  	v8 =	vmax.f32 v8, v11;
	v11 =	vadd.s32 v1, v14  }
0x50d: {  	v8 =	vmax.f32 v8, v12  }
0x50e: {  	v8 =	vmax.f32 v8, v13  }
0x50f: {  	v8 =	vmax.f32 v8, v9  }
0x510: {  	v8 =	vmax.f32 v8, v10  }
0x511: {  	[tilespmem:v11+s20+$0x0] =	vst.idx.msk $0xffff, v8  }
0x512: {  	v8 =	vld [tilespmem:s23+$0xFFFFFF10]  }
0x513: {  	v9 =	vld [tilespmem:s23+$0xFFFFFF50]  }
0x514: {  	v10 =	vld [tilespmem:s23+$0xFFFFFF90]  }
0x515: {  	v11 =	vld [tilespmem:s23+$0xFFFFFFD0]  }
0x516: {  	v12 =	vld [tilespmem:s23+$0x10]  }
0x517: {  	v13 =	vld [tilespmem:s23+$0x50]  }
0x518: {  	v8 =	vmax.f32 v8, v9;
	v9 =	vld [tilespmem:s23+$0x90]  }
0x519: {  	v8 =	vmax.f32 v8, v10;
	v10 =	vld [tilespmem:s23+$0xD0]  }
0x51a: {  	v8 =	vmax.f32 v8, v11;
	v11 =	vadd.s32 v5, v14  }
0x51b: {  	v8 =	vmax.f32 v8, v12  }
0x51c: {  	v8 =	vmax.f32 v8, v13  }
0x51d: {  	v8 =	vmax.f32 v8, v9  }
0x51e: {  	v8 =	vmax.f32 v8, v10  }
0x51f: {  	[tilespmem:v11+s20+$0x0] =	vst.idx.msk $0xffff, v8  }
0x520: {  	v8 =	vld [tilespmem:s23+$0xFFFFFF20]  }
0x521: {  	v9 =	vld [tilespmem:s23+$0xFFFFFF60]  }
0x522: {  	v10 =	vld [tilespmem:s23+$0xFFFFFFA0]  }
0x523: {  	v11 =	vld [tilespmem:s23+$0xFFFFFFE0]  }
0x524: {  	v12 =	vld [tilespmem:s23+$0x20]  }
0x525: {  	v13 =	vld [tilespmem:s23+$0x60]  }
0x526: {  	v8 =	vmax.f32 v8, v9;
	v9 =	vld [tilespmem:s23+$0xA0]  }
0x527: {  	v8 =	vmax.f32 v8, v10;
	v10 =	vld [tilespmem:s23+$0xE0]  }
0x528: {  	v8 =	vmax.f32 v8, v11;
	v11 =	vadd.s32 v6, v14  }
0x529: {  	v8 =	vmax.f32 v8, v12  }
0x52a: {  	v8 =	vmax.f32 v8, v13  }
0x52b: {  	v8 =	vmax.f32 v8, v9  }
0x52c: {  	v8 =	vmax.f32 v8, v10  }
0x52d: {  	[tilespmem:v11+s20+$0x0] =	vst.idx.msk $0xffff, v8  }
0x52e: {  	v9 =	vld [tilespmem:s23+$0xFFFFFF30]  }
0x52f: {  	v11 =	vld [tilespmem:s23+$0xFFFFFF70]  }
0x530: {  	v12 =	vld [tilespmem:s23+$0xFFFFFFB0]  }
0x531: {  	v13 =	vld [tilespmem:s23+$0xFFFFFFF0]  }
.Ltmp29:
0x532: {  	v10 =	vld [tilespmem:s23+$0x30];
	(pc) =	sbr.rel @p1 .LBB2_44-.Ltmp29, $4  }
0x533: {  	v8 =	vld [tilespmem:s23+$0x70]  }
0x534: {  	v11 =	vmax.f32 v9, v11;
	v9 =	vld [tilespmem:s23+$0xB0]  }
0x535: {  	v12 =	vmax.f32 v11, v12;
	v11 =	vld [tilespmem:s23+$0xF0]  }
0x536: {  	v13 =	vmax.f32 v12, v13;
	v12 =	vadd.s32 v7, v14  }
0x537: {  	v10 =	vmax.f32 v13, v10  }
0x538: {  	v8 =	vmax.f32 v10, v8  }
0x539: {  	v8 =	vmax.f32 v8, v9  }
0x53a: {  	v8 =	vmax.f32 v8, v11  }
0x53b: {  	s9 =	rddreg [dreg:$0x12];
	[tilespmem:v12+s20+$0x0] =	vst.idx.msk $0xffff, v8  }
0x53c: {  	[tilespmem:s0], [sflag:$0x4] =	stream.linear.gather [spmem:s9], $0x2800, $0x38;
	[tilespmem:$0x1FB20] =	vst v63  }
0x53d: {  	_ =	swait.ge [sflag:s1], $0x2800  }
0x53e: {  	[sflag:s1] =	ssyncset.done $0x0  }
0x53f: {  	s23 =	simm.s32 $0x1A220;
	[sflag:s1] =	ssyncadd.s32 $0xFFFFD800  }
0x540: {  	v8 =	vld [tilespmem:s23+$0xFFFFFF00]  }
0x541: {  	v9 =	vld [tilespmem:s23+$0xFFFFFF40]  }
0x542: {  	v10 =	vld [tilespmem:s23+$0xFFFFFF80]  }
0x543: {  	v11 =	vld [tilespmem:s23+$0xFFFFFFC0]  }
0x544: {  	v12 =	vld [tilespmem:s23+$0x0]  }
0x545: {  	s29 =	simm.s32 $0x13;
	v13 =	vld [tilespmem:s23+$0x40]  }
0x546: {  	v14 =	vmov s29;
	v8 =	vmax.f32 v8, v9;
	v9 =	vld [tilespmem:s23+$0x80]  }
0x547: {  	v14 =	vand.u32 $0x1F, v14;
	v8 =	vmax.f32 v8, v10;
	v10 =	vld [tilespmem:s23+$0xC0]  }
0x548: {  	v8 =	vmax.f32 v8, v11;
	v11 =	vadd.s32 v1, v14  }
0x549: {  	v8 =	vmax.f32 v8, v12  }
0x54a: {  	v8 =	vmax.f32 v8, v13  }
0x54b: {  	v8 =	vmax.f32 v8, v9  }
0x54c: {  	v8 =	vmax.f32 v8, v10  }
0x54d: {  	[tilespmem:v11+s20+$0x0] =	vst.idx.msk $0xffff, v8  }
0x54e: {  	v8 =	vld [tilespmem:s23+$0xFFFFFF10]  }
0x54f: {  	v9 =	vld [tilespmem:s23+$0xFFFFFF50]  }
0x550: {  	v10 =	vld [tilespmem:s23+$0xFFFFFF90]  }
0x551: {  	v11 =	vld [tilespmem:s23+$0xFFFFFFD0]  }
0x552: {  	v12 =	vld [tilespmem:s23+$0x10]  }
0x553: {  	v13 =	vld [tilespmem:s23+$0x50]  }
0x554: {  	v8 =	vmax.f32 v8, v9;
	v9 =	vld [tilespmem:s23+$0x90]  }
0x555: {  	v8 =	vmax.f32 v8, v10;
	v10 =	vld [tilespmem:s23+$0xD0]  }
0x556: {  	v8 =	vmax.f32 v8, v11;
	v11 =	vadd.s32 v5, v14  }
0x557: {  	v8 =	vmax.f32 v8, v12  }
0x558: {  	v8 =	vmax.f32 v8, v13  }
0x559: {  	v8 =	vmax.f32 v8, v9  }
0x55a: {  	v8 =	vmax.f32 v8, v10  }
0x55b: {  	[tilespmem:v11+s20+$0x0] =	vst.idx.msk $0xffff, v8  }
0x55c: {  	v8 =	vld [tilespmem:s23+$0xFFFFFF20]  }
0x55d: {  	v9 =	vld [tilespmem:s23+$0xFFFFFF60]  }
0x55e: {  	v10 =	vld [tilespmem:s23+$0xFFFFFFA0]  }
0x55f: {  	v11 =	vld [tilespmem:s23+$0xFFFFFFE0]  }
0x560: {  	v12 =	vld [tilespmem:s23+$0x20]  }
0x561: {  	v13 =	vld [tilespmem:s23+$0x60]  }
0x562: {  	v8 =	vmax.f32 v8, v9;
	v9 =	vld [tilespmem:s23+$0xA0]  }
0x563: {  	v8 =	vmax.f32 v8, v10;
	v10 =	vld [tilespmem:s23+$0xE0]  }
0x564: {  	v8 =	vmax.f32 v8, v11;
	v11 =	vadd.s32 v6, v14  }
0x565: {  	v8 =	vmax.f32 v8, v12  }
0x566: {  	v8 =	vmax.f32 v8, v13  }
0x567: {  	v8 =	vmax.f32 v8, v9  }
0x568: {  	v8 =	vmax.f32 v8, v10  }
0x569: {  	[tilespmem:v11+s20+$0x0] =	vst.idx.msk $0xffff, v8  }
0x56a: {  	v9 =	vld [tilespmem:s23+$0xFFFFFF30]  }
0x56b: {  	v11 =	vld [tilespmem:s23+$0xFFFFFF70]  }
0x56c: {  	v12 =	vld [tilespmem:s23+$0xFFFFFFB0]  }
0x56d: {  	v13 =	vld [tilespmem:s23+$0xFFFFFFF0];
	_ =	sdelay $0x1  }
0x56e: {  	v10 =	vld [tilespmem:s23+$0x30]  }
0x56f: {  	v8 =	vld [tilespmem:s23+$0x70];
	v11 =	vmax.f32 v9, v11  }
0x570: {  	v9 =	vld [tilespmem:s23+$0xB0];
	v12 =	vmax.f32 v11, v12  }
0x571: {  	s25 =	simm.s32 $0x12;
	v11 =	vld [tilespmem:s23+$0xF0];
	v13 =	vmax.f32 v12, v13;
	v12 =	vadd.s32 v7, v14  }
.LBB2_46:
0x572: {  	p1 =	sne.s32 s25, $0x0  }
0x573: {  	v10 =	vmax.f32 v13, v10;
	s23 =	sadd.s32 $0x200, s23;
	s9 =	smov.u32 s25;
	s25 =	sadd.s32 $0xFFFFFFFF, s25  }
0x574: {  	v8 =	vmax.f32 v10, v8  }
0x575: {  	v8 =	vmax.f32 v8, v9  }
0x576: {  	v8 =	vmax.f32 v8, v11  }
0x577: {  	[tilespmem:v12+s20+$0x0] =	vst.idx.msk $0xffff, v8;
	_ =	sdelay $0x1  }
0x578: {  	v8 =	vld [tilespmem:s23+$0xFFFFFF00]  }
0x579: {  	v9 =	vld [tilespmem:s23+$0xFFFFFF40]  }
0x57a: {  	v10 =	vld [tilespmem:s23+$0xFFFFFF80]  }
0x57b: {  	v11 =	vld [tilespmem:s23+$0xFFFFFFC0]  }
0x57c: {  	v12 =	vld [tilespmem:s23+$0x0]  }
0x57d: {  	v13 =	vld [tilespmem:s23+$0x40]  }
0x57e: {  	v14 =	vmov s9;
	v8 =	vmax.f32 v8, v9;
	v9 =	vld [tilespmem:s23+$0x80]  }
0x57f: {  	v14 =	vand.u32 $0x1F, v14;
	v8 =	vmax.f32 v8, v10;
	v10 =	vld [tilespmem:s23+$0xC0]  }
0x580: {  	v8 =	vmax.f32 v8, v11;
	v11 =	vadd.s32 v1, v14  }
0x581: {  	v8 =	vmax.f32 v8, v12  }
0x582: {  	v8 =	vmax.f32 v8, v13  }
0x583: {  	v8 =	vmax.f32 v8, v9  }
0x584: {  	v8 =	vmax.f32 v8, v10  }
0x585: {  	[tilespmem:v11+s20+$0x0] =	vst.idx.msk $0xffff, v8  }
0x586: {  	v8 =	vld [tilespmem:s23+$0xFFFFFF10]  }
0x587: {  	v9 =	vld [tilespmem:s23+$0xFFFFFF50]  }
0x588: {  	v10 =	vld [tilespmem:s23+$0xFFFFFF90]  }
0x589: {  	v11 =	vld [tilespmem:s23+$0xFFFFFFD0]  }
0x58a: {  	v12 =	vld [tilespmem:s23+$0x10]  }
0x58b: {  	v13 =	vld [tilespmem:s23+$0x50]  }
0x58c: {  	v8 =	vmax.f32 v8, v9;
	v9 =	vld [tilespmem:s23+$0x90]  }
0x58d: {  	v8 =	vmax.f32 v8, v10;
	v10 =	vld [tilespmem:s23+$0xD0]  }
0x58e: {  	v8 =	vmax.f32 v8, v11;
	v11 =	vadd.s32 v5, v14  }
0x58f: {  	v8 =	vmax.f32 v8, v12  }
0x590: {  	v8 =	vmax.f32 v8, v13  }
0x591: {  	v8 =	vmax.f32 v8, v9  }
0x592: {  	v8 =	vmax.f32 v8, v10  }
0x593: {  	[tilespmem:v11+s20+$0x0] =	vst.idx.msk $0xffff, v8  }
0x594: {  	v8 =	vld [tilespmem:s23+$0xFFFFFF20]  }
0x595: {  	v9 =	vld [tilespmem:s23+$0xFFFFFF60]  }
0x596: {  	v10 =	vld [tilespmem:s23+$0xFFFFFFA0]  }
0x597: {  	v11 =	vld [tilespmem:s23+$0xFFFFFFE0]  }
0x598: {  	v12 =	vld [tilespmem:s23+$0x20]  }
0x599: {  	v13 =	vld [tilespmem:s23+$0x60]  }
0x59a: {  	v8 =	vmax.f32 v8, v9;
	v9 =	vld [tilespmem:s23+$0xA0]  }
0x59b: {  	v8 =	vmax.f32 v8, v10;
	v10 =	vld [tilespmem:s23+$0xE0]  }
0x59c: {  	v8 =	vmax.f32 v8, v11;
	v11 =	vadd.s32 v6, v14  }
0x59d: {  	v8 =	vmax.f32 v8, v12  }
0x59e: {  	v8 =	vmax.f32 v8, v13  }
0x59f: {  	v8 =	vmax.f32 v8, v9  }
0x5a0: {  	v8 =	vmax.f32 v8, v10  }
0x5a1: {  	[tilespmem:v11+s20+$0x0] =	vst.idx.msk $0xffff, v8  }
0x5a2: {  	v9 =	vld [tilespmem:s23+$0xFFFFFF30]  }
0x5a3: {  	v11 =	vld [tilespmem:s23+$0xFFFFFF70]  }
0x5a4: {  	v12 =	vld [tilespmem:s23+$0xFFFFFFB0]  }
0x5a5: {  	v13 =	vld [tilespmem:s23+$0xFFFFFFF0]  }
.Ltmp30:
0x5a6: {  	v10 =	vld [tilespmem:s23+$0x30];
	(pc) =	sbr.rel @p1 .LBB2_46-.Ltmp30, $4  }
0x5a7: {  	v8 =	vld [tilespmem:s23+$0x70]  }
0x5a8: {  	v11 =	vmax.f32 v9, v11;
	v9 =	vld [tilespmem:s23+$0xB0]  }
0x5a9: {  	v12 =	vmax.f32 v11, v12;
	v11 =	vld [tilespmem:s23+$0xF0]  }
0x5aa: {  	v13 =	vmax.f32 v12, v13;
	v12 =	vadd.s32 v7, v14  }
0x5ab: {  	s9 =	smul.u32 $0xFFFFFFFB, s22  }
0x5ac: {  	s17 =	rddreg [dreg:$0x4]  }
0x5ad: {  	s9 =	ssub.s32 s9, s17  }
0x5ae: {  	v10 =	vmax.f32 v13, v10;
	s9 =	smul.u32 $0xC8, s9  }
0x5af: {  	s25 =	rddreg [dreg:$0xf];
	v8 =	vmax.f32 v10, v8  }
0x5b0: {  	v8 =	vmax.f32 v8, v9;
	s9 =	sadd.s32 s25, s9  }
0x5b1: {  	s26 =	rddreg [dreg:$0x1];
	s28 =	simm.s32 $0xC8;
	v8 =	vmax.f32 v8, v11;
	s9 =	sshrl.u32 s9, $0x3  }
.Ltmp31:
0x5b2: {  	s29 =	simm.s32 $0x9C40;
	[tilespmem:v12+s20+$0x0] =	vst.idx.msk $0xffff, v8;
	s9 =	sadd.s32 s26, s9;
	(pc) =	sbr.rel .LBB2_48-.Ltmp31, $4  }
0x5b3: {  	[hbm4b:s9+s28] =	stream.strided.scatter [tilespmem:s20], [sflag:$0x4], $0x3200, s29, s28, $0x38;
	[tilespmem:$0x1FB20] =	vst v63  }
0x5b4: {  	_ =	swait.ge [sflag:s1], $0x3200  }
0x5b5: {  	[sflag:s1] =	ssyncset.done $0x0  }
0x5b6: {  	[sflag:s1] =	ssyncadd.s32 $0xFFFFCE00  }
.LBB2_20:
0x5b7: {  	p1 =	sne.s32 s9, s17  }
.Ltmp32:
0x5b8: {  	_ = 	snop;
	(pc) =	sbr.rel @p1 .LBB2_19-.Ltmp32, $4  }
.Ltmp33:
0x5b9: {  	_ = 	snop;
	(pc) =	sbr.rel @!p1 .LBB2_21-.Ltmp33, $4  }
0x5ba: {  	_ = 	snop  }
0x5bb: {  	_ = 	snop  }
0x5bc: {  	_ = 	snop  }
0x5bd: {  	_ = 	snop  }
.LBB2_50:
0x5be: {  	_ =	sfence.sel $0x180000  }
0x5bf: {  	[bflag:$0x0] =	sbarrier.arrive $0xFFFF  }
0x5c0: {  	_ =	strace $0x90000047  }
0x5c1: {  	s0 =	stileid.u32;
	[bflag:$0x2] =	sbarrier.arrive $0xFFFF  }
0x5c2: {  	p0 =	sne.s32 s0, $0x0;
	s0 =	rddreg [dreg:$0x3]  }
0x5c3: {  	s0 =	sadd.s32 @!p0 $0x100000, s0  }
0x5c4: {  	[sflag:s0] =	ssyncadd.tile.s32 @!p0 $0x1;
	_ =	shalt  }
.Lfunc_end2:
_tile_overlayer_lowered:
.L_overlay_start_2:
0x5c5: {  	(tag) =	ssettag $0x2  }
0x5c6: {  	s0 =	rddreg [dreg:$0x0];
	s2 =	stileid.u32  }
0x5c7: {  	s1 =	rddreg [dreg:$0x1];
	p0 =	sne.s32 s2, $0x0  }
0x5c8: {  	s3 =	rddreg [dreg:$0x2];
	[bflag:$0x3] =	sbarrier.arrive $0xFFFF;
	s2 =	simm.s32 @!p0 $0x1C04  }
0x5c9: {  	[timem:s3], [sflag:s2] =	dma.local @!p0 [hbm:s0], s1  }
0x5ca: {  	s0 =	simm.s32 @!p0 $0x4  }
0x5cb: {  	_ =	swait.ge @!p0 [sflag:s0], s1  }
0x5cc: {  	s1 =	ssub.s32 @!p0 $0x0, s1;
	[sflag:s0] =	ssyncset.done @!p0 $0x0  }
0x5cd: {  	[sflag:s0] =	ssyncadd.s32 @!p0 s1  }
0x5ce: {  	[bflag:$0x3] =	sbarrier.arrive $0xFFFF  }
0x5cf: {  	_ =	shalt  }

</sc_bundles>
